<compile_context>
chip_gen: v7x
topology: tpu7x:2x2x1
jax: 0.10.2.dev20260603
libtpu: 0.0.44.dev20260713+nightly
codegen_flags: <defaults>
</compile_context>

<pallas_src>
import functools

import jax
import jax.numpy as jnp
from jax import lax
from jax.experimental import pallas as pl
from jax.experimental.pallas import tpu as pltpu
from jax.experimental.pallas import tpu_sc as plsc

VOCAB = 1000000
MAXLEN = 200
EMBED_DIM = 64
BATCH = 4096

NUM_CORES = 2
NUM_SUBCORES = 16
LANES = 16
NW = NUM_CORES * NUM_SUBCORES
BCH = BATCH // NW
DQ = EMBED_DIM // LANES
PITCH = BCH + 1
NBUF = 4
TBUF = 2
NCHUNK = MAXLEN // 2
NGROUPS = NCHUNK // NBUF
LH = MAXLEN // 8


def _make_kernel():
    mesh = plsc.VectorSubcoreMesh(core_axis_name="c", subcore_axis_name="s")

    @functools.partial(
        pl.kernel,
        out_type=jax.ShapeDtypeStruct((MAXLEN, 8, NW, 8, BCH), jnp.float32),
        name="tok_pos_embed",
        mesh=mesh,
        scratch_types=[
            pltpu.VMEM((EMBED_DIM, MAXLEN), jnp.float32),
            pltpu.VMEM((LH, 8 * BCH), jnp.int32),
            pltpu.VMEM((NBUF, 2 * BCH, EMBED_DIM), jnp.float32),
            pltpu.VMEM((TBUF, 8, 8, PITCH), jnp.float32),
            pltpu.SemaphoreType.DMA,
            pltpu.SemaphoreType.DMA,
            pltpu.SemaphoreType.DMA,
            pltpu.SemaphoreType.DMA,
            pltpu.SemaphoreType.DMA,
            pltpu.SemaphoreType.DMA,
        ],
        compiler_params=pltpu.CompilerParams(use_tc_tiling_on_sc=False,
                                             needs_layout_passes=False),
    )
    def tok_pos_embed(x_hbm, tok_hbm, pos_hbm, out_hbm,
                      pos_v, idx_v, gbuf, tbuf,
                      g0, g1, g2, g3, o0, o1):
        wid = lax.axis_index("s") * NUM_CORES + lax.axis_index("c")
        gsem = (g0, g1, g2, g3)
        osem = (o0, o1)
        pltpu.sync_copy(pos_hbm, pos_v)
        pltpu.sync_copy(x_hbm.at[:, wid, :], idx_v)

        def chunk_idx(c):
            return idx_v.at[c >> 2, pl.ds((c & 3) * 2 * BCH, 2 * BCH)]

        def start_gather(c, bb):
            pltpu.async_copy(tok_hbm.at[chunk_idx(c)], gbuf.at[bb], gsem[bb])

        def wait_gather(c, bb):
            pltpu.make_async_copy(tok_hbm.at[chunk_idx(c)],
                                  gbuf.at[bb], gsem[bb]).wait()

        for bb in range(NBUF):
            start_gather(bb, bb)

        rows_hi = [(lax.iota(jnp.int32, LANES) + dq * LANES) >> 3
                   for dq in range(DQ)]
        rows_lo = [(lax.iota(jnp.int32, LANES) + dq * LANES) & 7
                   for dq in range(DQ)]
        rows_dq = [lax.iota(jnp.int32, LANES) + dq * LANES for dq in range(DQ)]

        def wait_out(tb):
            pltpu.make_async_copy(
                tbuf.at[tb, :, :, pl.ds(0, BCH)],
                out_hbm.at[0, :, 0, :, :], osem[tb]).wait()

        def group_body(g, carry):
            for bb in range(NBUF):
                c = g * NBUF + bb
                wait_gather(c, bb)

                for half in range(2):
                    tb = half
                    l = 2 * c + half

                    if bb == 0:
                        pl.when(g >= 1)(functools.partial(wait_out, tb))
                    else:
                        wait_out(tb)

                    l_splat = jnp.full((LANES,), l, jnp.int32)
                    posc = [plsc.load_gather(pos_v, [rows_dq[dq], l_splat])
                            for dq in range(DQ)]

                    def per_token(r, cr):
                        cols = jnp.full((LANES,), r, jnp.int32)
                        for dq in range(DQ):
                            v = (gbuf[bb, half * BCH + r, pl.ds(dq * LANES, LANES)]
                                 + posc[dq])
                            plsc.store_scatter(
                                tbuf.at[tb],
                                [rows_hi[dq], rows_lo[dq], cols], v)
                        return cr

                    lax.fori_loop(0, BCH, per_token, 0, unroll=4)

                    pltpu.async_copy(
                        tbuf.at[tb, :, :, pl.ds(0, BCH)],
                        out_hbm.at[l, :, wid, :, :], osem[tb])

                @pl.when(g * NBUF + bb + NBUF < NCHUNK)
                def _next_gather():
                    start_gather(c + NBUF, bb)
            return carry

        lax.fori_loop(0, NGROUPS, group_body, 0)
        for tb in range(TBUF):
            wait_out(tb)

    return tok_pos_embed


_kernel_call = _make_kernel()


def kernel(x, token_table, pos_table):
    x4 = (x.astype(jnp.int32)
          .transpose(1, 0)
          .reshape(LH, 8, NW, BCH)
          .transpose(0, 2, 1, 3)
          .reshape(LH, NW, 8 * BCH))
    pos_t = jnp.transpose(pos_table, (1, 0))
    out5 = _kernel_call(x4, token_table, pos_t)
    return (out5.transpose(2, 4, 0, 1, 3)
            .reshape(BATCH, MAXLEN, EMBED_DIM))

# --- scband reference (transcript-rebuilt; emitter-appended) ---
"""Pipeline reference for scband-token-and-position-embedding-16810501996677 (READ-ONLY COPY).

The authoritative reference and input builder live on the scoring server;
editing this copy changes nothing except your own understanding.
"""

import jax, jax.numpy as jnp
import numpy as np

VOCAB = 1000000
MAXLEN = 200
EMBED_DIM = 64
BATCH = 4096


def setup_inputs(seed: int = 0) -> dict:
    key = jax.random.key(seed)
    k1, k2, k3 = jax.random.split(key, 3)
    x = jax.random.randint(k1, (BATCH, MAXLEN), 0, VOCAB, dtype=jnp.int64 if jax.config.jax_enable_x64 else jnp.int32)
    token_table = jax.random.normal(k2, (VOCAB, EMBED_DIM), dtype=jnp.float32) * 0.02
    pos_table = jax.random.normal(k3, (MAXLEN, EMBED_DIM), dtype=jnp.float32) * 0.02
    return {"x": x, "token_table": token_table, "pos_table": pos_table}


def reference(x, token_table, pos_table):
    # maxlen = x.shape[-1]; positions = range(maxlen)
    maxlen = x.shape[-1]
    positions = jnp.arange(maxlen)
    pos_emb = jnp.take(pos_table, positions, axis=0)  # [L, D]
    tok_emb = jnp.take(token_table, x, axis=0)        # [B, L, D]
    return tok_emb + pos_emb[None, :, :]

if __name__ == "__main__":
    import jax
    _d = setup_inputs()
    print(jax.jit(kernel)(*tuple(_d.values())))

</pallas_src>

<mosaic_0001>
#map = affine_map<(d0, d1) -> (0, 0, 0)>
#map1 = affine_map<(d0, d1) -> (0, 0)>
#map2 = affine_map<(d0, d1) -> (0, 0, 0, 0, 0)>
module attributes {stable_mosaic.version = 14 : i64} {
  func.func @tok_pos_embed(%arg0: i32, %arg1: i32, %arg2: memref<25x32x1024xi32, #tpu.memory_space<hbm>>, %arg3: memref<1000000x64xf32, #tpu.memory_space<hbm>>, %arg4: memref<64x200xf32, #tpu.memory_space<hbm>>, %arg5: memref<200x8x32x8x128xf32, #tpu.memory_space<hbm>>, %arg6: memref<64x200xf32, #tpu.memory_space<vmem>>, %arg7: memref<25x1024xi32, #tpu.memory_space<vmem>>, %arg8: memref<4x256x64xf32, #tpu.memory_space<vmem>>, %arg9: memref<2x8x8x129xf32, #tpu.memory_space<vmem>>, %arg10: memref<!tpu.dma_semaphore, #tpu.memory_space<semaphore_mem>>, %arg11: memref<!tpu.dma_semaphore, #tpu.memory_space<semaphore_mem>>, %arg12: memref<!tpu.dma_semaphore, #tpu.memory_space<semaphore_mem>>, %arg13: memref<!tpu.dma_semaphore, #tpu.memory_space<semaphore_mem>>, %arg14: memref<!tpu.dma_semaphore, #tpu.memory_space<semaphore_mem>>, %arg15: memref<!tpu.dma_semaphore, #tpu.memory_space<semaphore_mem>>) attributes {dimension_semantics = [#tpu.dimension_semantics<core_parallel>, #tpu.dimension_semantics<subcore_parallel>], iteration_bounds = array<i64: 2, 16>, scalar_prefetch = 0 : i64, scratch_operands = 10 : i64, tpu.core_type = #tpu.core_type<sc_vector_subcore>, window_params = [{transform_indices = #map}, {transform_indices = #map1}, {transform_indices = #map1}, {transform_indices = #map2}]} {
    %mul3A = arith.constant 2 : i32
    %mul3A_0 = arith.muli %arg1, %mul3A : i32
    %add3A = arith.addi %mul3A_0, %arg0 : i32
    "tpu.region"() ({
      %run_scoped3A = tpu.sem_alloc : memref<!tpu.dma_semaphore, #tpu.memory_space<semaphore_mem>>
      tpu.enqueue_dma source(%arg4 : memref<64x200xf32, #tpu.memory_space<hbm>>) target(%arg6 : memref<64x200xf32, #tpu.memory_space<vmem>>) target_semaphore(%run_scoped3A : memref<!tpu.dma_semaphore, #tpu.memory_space<semaphore_mem>>)
      tpu.wait_dma2 semaphore(%run_scoped3A : memref<!tpu.dma_semaphore, #tpu.memory_space<semaphore_mem>>) src(%arg4 : memref<64x200xf32, #tpu.memory_space<hbm>>) dst(%arg6 : memref<64x200xf32, #tpu.memory_space<vmem>>)
      tpu.yield
    }) : () -> ()
    "tpu.region"() ({
      %run_scoped3A = tpu.sem_alloc : memref<!tpu.dma_semaphore, #tpu.memory_space<semaphore_mem>>
      %dma_start3A_167 = arith.constant 0 : i32
      %dma_start3A_168 = arith.constant 0 : i32
      %dma_start3A_169 = tpu.memref_slice %arg2[%dma_start3A_167, %add3A, %dma_start3A_168] : memref<25x32x1024xi32, #tpu.memory_space<hbm>> -> memref<25x1x1024xi32, #tpu.memory_space<hbm>>
      %dma_start3A_170 = tpu.memref_squeeze %dma_start3A_169 : memref<25x1x1024xi32, #tpu.memory_space<hbm>> -> memref<25x1024xi32, #tpu.memory_space<hbm>>
      %dma_start3A_171 = arith.constant 0 : i32
      %dma_start3A_172 = arith.constant 0 : i32
      %dma_start3A_173 = tpu.memref_slice %arg2[%dma_start3A_171, %add3A, %dma_start3A_172] : memref<25x32x1024xi32, #tpu.memory_space<hbm>> -> memref<25x1x1024xi32, #tpu.memory_space<hbm>>
      %dma_start3A_174 = tpu.memref_squeeze %dma_start3A_173 : memref<25x1x1024xi32, #tpu.memory_space<hbm>> -> memref<25x1024xi32, #tpu.memory_space<hbm>>
      tpu.enqueue_dma source(%dma_start3A_174 : memref<25x1024xi32, #tpu.memory_space<hbm>>) target(%arg7 : memref<25x1024xi32, #tpu.memory_space<vmem>>) target_semaphore(%run_scoped3A : memref<!tpu.dma_semaphore, #tpu.memory_space<semaphore_mem>>)
      %dma_wait3A_175 = arith.constant 0 : i32
      %dma_wait3A_176 = arith.constant 0 : i32
      %dma_wait3A_177 = tpu.memref_slice %arg2[%dma_wait3A_175, %add3A, %dma_wait3A_176] : memref<25x32x1024xi32, #tpu.memory_space<hbm>> -> memref<25x1x1024xi32, #tpu.memory_space<hbm>>
      %dma_wait3A_178 = tpu.memref_squeeze %dma_wait3A_177 : memref<25x1x1024xi32, #tpu.memory_space<hbm>> -> memref<25x1024xi32, #tpu.memory_space<hbm>>
      %dma_wait3A_179 = arith.constant 0 : i32
      %dma_wait3A_180 = arith.constant 0 : i32
      %dma_wait3A_181 = tpu.memref_slice %arg2[%dma_wait3A_179, %add3A, %dma_wait3A_180] : memref<25x32x1024xi32, #tpu.memory_space<hbm>> -> memref<25x1x1024xi32, #tpu.memory_space<hbm>>
      %dma_wait3A_182 = tpu.memref_squeeze %dma_wait3A_181 : memref<25x1x1024xi32, #tpu.memory_space<hbm>> -> memref<25x1024xi32, #tpu.memory_space<hbm>>
      tpu.wait_dma2 semaphore(%run_scoped3A : memref<!tpu.dma_semaphore, #tpu.memory_space<semaphore_mem>>) src(%dma_wait3A_182 : memref<25x1024xi32, #tpu.memory_space<hbm>>) dst(%arg7 : memref<25x1024xi32, #tpu.memory_space<vmem>>)
      tpu.yield
    }) : () -> ()
    %dma_start3A = arith.constant 0 : i32
    %dma_start3A_1 = arith.constant 0 : i32
    %dma_start3A_2 = arith.constant 0 : i32
    %dma_start3A_3 = arith.constant 0 : i32
    %dma_start3A_4 = tpu.memref_slice %arg8[%dma_start3A_1, %dma_start3A_2, %dma_start3A_3] : memref<4x256x64xf32, #tpu.memory_space<vmem>> -> memref<1x256x64xf32, #tpu.memory_space<vmem>>
    %dma_start3A_5 = tpu.memref_squeeze %dma_start3A_4 : memref<1x256x64xf32, #tpu.memory_space<vmem>> -> memref<256x64xf32, #tpu.memory_space<vmem>>
    %dma_start3A_6 = arith.constant 0 : i32
    %dma_start3A_7 = tpu.memref_slice %arg7[%dma_start3A, %dma_start3A_6] : memref<25x1024xi32, #tpu.memory_space<vmem>> -> memref<1x256xi32, #tpu.memory_space<vmem>>
    %dma_start3A_8 = tpu.memref_squeeze %dma_start3A_7 : memref<1x256xi32, #tpu.memory_space<vmem>> -> memref<256xi32, #tpu.memory_space<vmem>>
    %dma_start3A_9 = arith.constant 0 : i32
    %dma_start3A_10 = arith.constant 0 : i32
    %dma_start3A_11 = tpu.memref_slice %arg3[%dma_start3A_9, %dma_start3A_10] : memref<1000000x64xf32, #tpu.memory_space<hbm>> -> memref<1000000x64xf32, #tpu.memory_space<hbm>>
    tpu.enqueue_indirect_dma source(%dma_start3A_11 : memref<1000000x64xf32, #tpu.memory_space<hbm>>) target(%dma_start3A_5 : memref<256x64xf32, #tpu.memory_space<vmem>>) offsets(%dma_start3A_8 : memref<256xi32, #tpu.memory_space<vmem>>) semaphore(%arg10 : memref<!tpu.dma_semaphore, #tpu.memory_space<semaphore_mem>>)
    %dma_start3A_12 = arith.constant 0 : i32
    %dma_start3A_13 = arith.constant 1 : i32
    %dma_start3A_14 = arith.constant 0 : i32
    %dma_start3A_15 = arith.constant 0 : i32
    %dma_start3A_16 = tpu.memref_slice %arg8[%dma_start3A_13, %dma_start3A_14, %dma_start3A_15] : memref<4x256x64xf32, #tpu.memory_space<vmem>> -> memref<1x256x64xf32, #tpu.memory_space<vmem>>
    %dma_start3A_17 = tpu.memref_squeeze %dma_start3A_16 : memref<1x256x64xf32, #tpu.memory_space<vmem>> -> memref<256x64xf32, #tpu.memory_space<vmem>>
    %dma_start3A_18 = arith.constant 256 : i32
    %dma_start3A_19 = tpu.memref_slice %arg7[%dma_start3A_12, %dma_start3A_18] : memref<25x1024xi32, #tpu.memory_space<vmem>> -> memref<1x256xi32, #tpu.memory_space<vmem>>
    %dma_start3A_20 = tpu.memref_squeeze %dma_start3A_19 : memref<1x256xi32, #tpu.memory_space<vmem>> -> memref<256xi32, #tpu.memory_space<vmem>>
    %dma_start3A_21 = arith.constant 0 : i32
    %dma_start3A_22 = arith.constant 0 : i32
    %dma_start3A_23 = tpu.memref_slice %arg3[%dma_start3A_21, %dma_start3A_22] : memref<1000000x64xf32, #tpu.memory_space<hbm>> -> memref<1000000x64xf32, #tpu.memory_space<hbm>>
    tpu.enqueue_indirect_dma source(%dma_start3A_23 : memref<1000000x64xf32, #tpu.memory_space<hbm>>) target(%dma_start3A_17 : memref<256x64xf32, #tpu.memory_space<vmem>>) offsets(%dma_start3A_20 : memref<256xi32, #tpu.memory_space<vmem>>) semaphore(%arg11 : memref<!tpu.dma_semaphore, #tpu.memory_space<semaphore_mem>>)
    %dma_start3A_24 = arith.constant 0 : i32
    %dma_start3A_25 = arith.constant 2 : i32
    %dma_start3A_26 = arith.constant 0 : i32
    %dma_start3A_27 = arith.constant 0 : i32
    %dma_start3A_28 = tpu.memref_slice %arg8[%dma_start3A_25, %dma_start3A_26, %dma_start3A_27] : memref<4x256x64xf32, #tpu.memory_space<vmem>> -> memref<1x256x64xf32, #tpu.memory_space<vmem>>
    %dma_start3A_29 = tpu.memref_squeeze %dma_start3A_28 : memref<1x256x64xf32, #tpu.memory_space<vmem>> -> memref<256x64xf32, #tpu.memory_space<vmem>>
    %dma_start3A_30 = arith.constant 512 : i32
    %dma_start3A_31 = tpu.memref_slice %arg7[%dma_start3A_24, %dma_start3A_30] : memref<25x1024xi32, #tpu.memory_space<vmem>> -> memref<1x256xi32, #tpu.memory_space<vmem>>
    %dma_start3A_32 = tpu.memref_squeeze %dma_start3A_31 : memref<1x256xi32, #tpu.memory_space<vmem>> -> memref<256xi32, #tpu.memory_space<vmem>>
    %dma_start3A_33 = arith.constant 0 : i32
    %dma_start3A_34 = arith.constant 0 : i32
    %dma_start3A_35 = tpu.memref_slice %arg3[%dma_start3A_33, %dma_start3A_34] : memref<1000000x64xf32, #tpu.memory_space<hbm>> -> memref<1000000x64xf32, #tpu.memory_space<hbm>>
    tpu.enqueue_indirect_dma source(%dma_start3A_35 : memref<1000000x64xf32, #tpu.memory_space<hbm>>) target(%dma_start3A_29 : memref<256x64xf32, #tpu.memory_space<vmem>>) offsets(%dma_start3A_32 : memref<256xi32, #tpu.memory_space<vmem>>) semaphore(%arg12 : memref<!tpu.dma_semaphore, #tpu.memory_space<semaphore_mem>>)
    %dma_start3A_36 = arith.constant 0 : i32
    %dma_start3A_37 = arith.constant 3 : i32
    %dma_start3A_38 = arith.constant 0 : i32
    %dma_start3A_39 = arith.constant 0 : i32
    %dma_start3A_40 = tpu.memref_slice %arg8[%dma_start3A_37, %dma_start3A_38, %dma_start3A_39] : memref<4x256x64xf32, #tpu.memory_space<vmem>> -> memref<1x256x64xf32, #tpu.memory_space<vmem>>
    %dma_start3A_41 = tpu.memref_squeeze %dma_start3A_40 : memref<1x256x64xf32, #tpu.memory_space<vmem>> -> memref<256x64xf32, #tpu.memory_space<vmem>>
    %dma_start3A_42 = arith.constant 768 : i32
    %dma_start3A_43 = tpu.memref_slice %arg7[%dma_start3A_36, %dma_start3A_42] : memref<25x1024xi32, #tpu.memory_space<vmem>> -> memref<1x256xi32, #tpu.memory_space<vmem>>
    %dma_start3A_44 = tpu.memref_squeeze %dma_start3A_43 : memref<1x256xi32, #tpu.memory_space<vmem>> -> memref<256xi32, #tpu.memory_space<vmem>>
    %dma_start3A_45 = arith.constant 0 : i32
    %dma_start3A_46 = arith.constant 0 : i32
    %dma_start3A_47 = tpu.memref_slice %arg3[%dma_start3A_45, %dma_start3A_46] : memref<1000000x64xf32, #tpu.memory_space<hbm>> -> memref<1000000x64xf32, #tpu.memory_space<hbm>>
    tpu.enqueue_indirect_dma source(%dma_start3A_47 : memref<1000000x64xf32, #tpu.memory_space<hbm>>) target(%dma_start3A_41 : memref<256x64xf32, #tpu.memory_space<vmem>>) offsets(%dma_start3A_44 : memref<256xi32, #tpu.memory_space<vmem>>) semaphore(%arg13 : memref<!tpu.dma_semaphore, #tpu.memory_space<semaphore_mem>>)
    %iota3A = tpu.iota {dimensions = array<i32: 0>} : vector<16xi32>
    %add3A_48 = arith.constant 0 : i32
    %add3A_49 = vector.broadcast %add3A_48 : i32 to vector<16xi32>
    %add3A_50 = arith.addi %iota3A, %add3A_49 : vector<16xi32>
    %shift_right_arithmetic3A = arith.constant 3 : i32
    %shift_right_arithmetic3A_51 = vector.broadcast %shift_right_arithmetic3A : i32 to vector<16xi32>
    %shift_right_arithmetic3A_52 = arith.shrsi %add3A_50, %shift_right_arithmetic3A_51 : vector<16xi32>
    %iota3A_53 = tpu.iota {dimensions = array<i32: 0>} : vector<16xi32>
    %add3A_54 = arith.constant 16 : i32
    %add3A_55 = vector.broadcast %add3A_54 : i32 to vector<16xi32>
    %add3A_56 = arith.addi %iota3A_53, %add3A_55 : vector<16xi32>
    %shift_right_arithmetic3A_57 = arith.constant 3 : i32
    %shift_right_arithmetic3A_58 = vector.broadcast %shift_right_arithmetic3A_57 : i32 to vector<16xi32>
    %shift_right_arithmetic3A_59 = arith.shrsi %add3A_56, %shift_right_arithmetic3A_58 : vector<16xi32>
    %iota3A_60 = tpu.iota {dimensions = array<i32: 0>} : vector<16xi32>
    %add3A_61 = arith.constant 32 : i32
    %add3A_62 = vector.broadcast %add3A_61 : i32 to vector<16xi32>
    %add3A_63 = arith.addi %iota3A_60, %add3A_62 : vector<16xi32>
    %shift_right_arithmetic3A_64 = arith.constant 3 : i32
    %shift_right_arithmetic3A_65 = vector.broadcast %shift_right_arithmetic3A_64 : i32 to vector<16xi32>
    %shift_right_arithmetic3A_66 = arith.shrsi %add3A_63, %shift_right_arithmetic3A_65 : vector<16xi32>
    %iota3A_67 = tpu.iota {dimensions = array<i32: 0>} : vector<16xi32>
    %add3A_68 = arith.constant 48 : i32
    %add3A_69 = vector.broadcast %add3A_68 : i32 to vector<16xi32>
    %add3A_70 = arith.addi %iota3A_67, %add3A_69 : vector<16xi32>
    %shift_right_arithmetic3A_71 = arith.constant 3 : i32
    %shift_right_arithmetic3A_72 = vector.broadcast %shift_right_arithmetic3A_71 : i32 to vector<16xi32>
    %shift_right_arithmetic3A_73 = arith.shrsi %add3A_70, %shift_right_arithmetic3A_72 : vector<16xi32>
    %iota3A_74 = tpu.iota {dimensions = array<i32: 0>} : vector<16xi32>
    %add3A_75 = arith.constant 0 : i32
    %add3A_76 = vector.broadcast %add3A_75 : i32 to vector<16xi32>
    %add3A_77 = arith.addi %iota3A_74, %add3A_76 : vector<16xi32>
    %and3A = arith.constant 7 : i32
    %and3A_78 = vector.broadcast %and3A : i32 to vector<16xi32>
    %and3A_79 = arith.andi %add3A_77, %and3A_78 : vector<16xi32>
    %iota3A_80 = tpu.iota {dimensions = array<i32: 0>} : vector<16xi32>
    %add3A_81 = arith.constant 16 : i32
    %add3A_82 = vector.broadcast %add3A_81 : i32 to vector<16xi32>
    %add3A_83 = arith.addi %iota3A_80, %add3A_82 : vector<16xi32>
    %and3A_84 = arith.constant 7 : i32
    %and3A_85 = vector.broadcast %and3A_84 : i32 to vector<16xi32>
    %and3A_86 = arith.andi %add3A_83, %and3A_85 : vector<16xi32>
    %iota3A_87 = tpu.iota {dimensions = array<i32: 0>} : vector<16xi32>
    %add3A_88 = arith.constant 32 : i32
    %add3A_89 = vector.broadcast %add3A_88 : i32 to vector<16xi32>
    %add3A_90 = arith.addi %iota3A_87, %add3A_89 : vector<16xi32>
    %and3A_91 = arith.constant 7 : i32
    %and3A_92 = vector.broadcast %and3A_91 : i32 to vector<16xi32>
    %and3A_93 = arith.andi %add3A_90, %and3A_92 : vector<16xi32>
    %iota3A_94 = tpu.iota {dimensions = array<i32: 0>} : vector<16xi32>
    %add3A_95 = arith.constant 48 : i32
    %add3A_96 = vector.broadcast %add3A_95 : i32 to vector<16xi32>
    %add3A_97 = arith.addi %iota3A_94, %add3A_96 : vector<16xi32>
    %and3A_98 = arith.constant 7 : i32
    %and3A_99 = vector.broadcast %and3A_98 : i32 to vector<16xi32>
    %and3A_100 = arith.andi %add3A_97, %and3A_99 : vector<16xi32>
    %iota3A_101 = tpu.iota {dimensions = array<i32: 0>} : vector<16xi32>
    %add3A_102 = arith.constant 0 : i32
    %add3A_103 = vector.broadcast %add3A_102 : i32 to vector<16xi32>
    %add3A_104 = arith.addi %iota3A_101, %add3A_103 : vector<16xi32>
    %iota3A_105 = tpu.iota {dimensions = array<i32: 0>} : vector<16xi32>
    %add3A_106 = arith.constant 16 : i32
    %add3A_107 = vector.broadcast %add3A_106 : i32 to vector<16xi32>
    %add3A_108 = arith.addi %iota3A_105, %add3A_107 : vector<16xi32>
    %iota3A_109 = tpu.iota {dimensions = array<i32: 0>} : vector<16xi32>
    %add3A_110 = arith.constant 32 : i32
    %add3A_111 = vector.broadcast %add3A_110 : i32 to vector<16xi32>
    %add3A_112 = arith.addi %iota3A_109, %add3A_111 : vector<16xi32>
    %iota3A_113 = tpu.iota {dimensions = array<i32: 0>} : vector<16xi32>
    %add3A_114 = arith.constant 48 : i32
    %add3A_115 = vector.broadcast %add3A_114 : i32 to vector<16xi32>
    %add3A_116 = arith.addi %iota3A_113, %add3A_115 : vector<16xi32>
    %scan3A = arith.constant 0 : i32
    %scan3A_117 = arith.constant 0 : i32
    %scan3A_118 = arith.constant 25 : i32
    %scan3A_119 = arith.addi %scan3A_117, %scan3A_118 : i32
    %scan3A_120 = arith.constant 1 : i32
    scf.for %scan3A_167 = %scan3A_117 to %scan3A_119 step %scan3A_120  : i32 {
      %mul3A_168 = arith.constant 4 : i32
      %mul3A_169 = arith.muli %scan3A_167, %mul3A_168 : i32
      %add3A_170 = arith.constant 0 : i32
      %add3A_171 = arith.addi %mul3A_169, %add3A_170 : i32
      %shift_right_arithmetic3A_172 = arith.constant 2 : i32
      %shift_right_arithmetic3A_173 = arith.shrsi %add3A_171, %shift_right_arithmetic3A_172 : i32
      %and3A_174 = arith.constant 3 : i32
      %and3A_175 = arith.andi %add3A_171, %and3A_174 : i32
      %mul3A_176 = arith.constant 2 : i32
      %mul3A_177 = arith.muli %and3A_175, %mul3A_176 : i32
      %mul3A_178 = arith.constant 128 : i32
      %mul3A_179 = arith.muli %mul3A_177, %mul3A_178 : i32
      %dma_wait3A_180 = arith.constant 0 : i32
      %dma_wait3A_181 = arith.constant 0 : i32
      %dma_wait3A_182 = arith.constant 0 : i32
      %dma_wait3A_183 = tpu.memref_slice %arg8[%dma_wait3A_180, %dma_wait3A_181, %dma_wait3A_182] : memref<4x256x64xf32, #tpu.memory_space<vmem>> -> memref<1x256x64xf32, #tpu.memory_space<vmem>>
      %dma_wait3A_184 = tpu.memref_squeeze %dma_wait3A_183 : memref<1x256x64xf32, #tpu.memory_space<vmem>> -> memref<256x64xf32, #tpu.memory_space<vmem>>
      %dma_wait3A_185 = tpu.memref_slice %arg7[%shift_right_arithmetic3A_173, %mul3A_179] : memref<25x1024xi32, #tpu.memory_space<vmem>> -> memref<1x256xi32, #tpu.memory_space<vmem>>
      %dma_wait3A_186 = tpu.memref_squeeze %dma_wait3A_185 : memref<1x256xi32, #tpu.memory_space<vmem>> -> memref<256xi32, #tpu.memory_space<vmem>>
      %dma_wait3A_187 = arith.constant 0 : i32
      %dma_wait3A_188 = arith.constant 0 : i32
      %dma_wait3A_189 = tpu.memref_slice %arg3[%dma_wait3A_187, %dma_wait3A_188] : memref<1000000x64xf32, #tpu.memory_space<hbm>> -> memref<1000000x64xf32, #tpu.memory_space<hbm>>
      tpu.wait_indirect_dma semaphore(%arg10 : memref<!tpu.dma_semaphore, #tpu.memory_space<semaphore_mem>>) src(%dma_wait3A_189 : memref<1000000x64xf32, #tpu.memory_space<hbm>>) dst(%dma_wait3A_184 : memref<256x64xf32, #tpu.memory_space<vmem>>)
      %mul3A_190 = arith.constant 2 : i32
      %mul3A_191 = arith.muli %mul3A_190, %add3A_171 : i32
      %add3A_192 = arith.constant 0 : i32
      %add3A_193 = arith.addi %mul3A_191, %add3A_192 : i32
      %ge3A = arith.constant 1 : i32
      %ge3A_194 = arith.cmpi sge, %scan3A_167, %ge3A : i32
      %convert_element_type3A = arith.extui %ge3A_194 : i1 to i32
      %cond3A = arith.constant 0 : i32
      %cond3A_195 = arith.cmpi ne, %convert_element_type3A, %cond3A : i32
      scf.if %cond3A_195 {
        %dma_wait3A_730 = arith.constant 0 : i32
        %dma_wait3A_731 = arith.constant 0 : i32
        %dma_wait3A_732 = arith.constant 0 : i32
        %dma_wait3A_733 = arith.constant 0 : i32
        %dma_wait3A_734 = arith.constant 0 : i32
        %dma_wait3A_735 = arith.constant 0 : i32
        %dma_wait3A_736 = tpu.memref_slice %arg9[%dma_wait3A_730, %dma_wait3A_733, %dma_wait3A_734, %dma_wait3A_735] : memref<2x8x8x129xf32, #tpu.memory_space<vmem>> -> memref<1x8x8x128xf32, #tpu.memory_space<vmem>>
        %dma_wait3A_737 = tpu.memref_squeeze %dma_wait3A_736 : memref<1x8x8x128xf32, #tpu.memory_space<vmem>> -> memref<8x8x128xf32, #tpu.memory_space<vmem>>
        %dma_wait3A_738 = arith.constant 0 : i32
        %dma_wait3A_739 = arith.constant 0 : i32
        %dma_wait3A_740 = arith.constant 0 : i32
        %dma_wait3A_741 = tpu.memref_slice %arg5[%dma_wait3A_731, %dma_wait3A_738, %dma_wait3A_732, %dma_wait3A_739, %dma_wait3A_740] : memref<200x8x32x8x128xf32, #tpu.memory_space<hbm>> -> memref<1x8x1x8x128xf32, #tpu.memory_space<hbm>>
        %dma_wait3A_742 = tpu.memref_squeeze %dma_wait3A_741 : memref<1x8x1x8x128xf32, #tpu.memory_space<hbm>> -> memref<8x8x128xf32, #tpu.memory_space<hbm>>
        %dma_wait3A_743 = arith.constant 0 : i32
        %dma_wait3A_744 = arith.constant 0 : i32
        %dma_wait3A_745 = arith.constant 0 : i32
        %dma_wait3A_746 = tpu.memref_slice %arg5[%dma_wait3A_731, %dma_wait3A_743, %dma_wait3A_732, %dma_wait3A_744, %dma_wait3A_745] : memref<200x8x32x8x128xf32, #tpu.memory_space<hbm>> -> memref<1x8x1x8x128xf32, #tpu.memory_space<hbm>>
        %dma_wait3A_747 = tpu.memref_squeeze %dma_wait3A_746 : memref<1x8x1x8x128xf32, #tpu.memory_space<hbm>> -> memref<8x8x128xf32, #tpu.memory_space<hbm>>
        %dma_wait3A_748 = arith.constant 0 : i32
        %dma_wait3A_749 = arith.constant 0 : i32
        %dma_wait3A_750 = arith.constant 0 : i32
        %dma_wait3A_751 = tpu.memref_slice %arg9[%dma_wait3A_730, %dma_wait3A_748, %dma_wait3A_749, %dma_wait3A_750] : memref<2x8x8x129xf32, #tpu.memory_space<vmem>> -> memref<1x8x8x128xf32, #tpu.memory_space<vmem>>
        %dma_wait3A_752 = tpu.memref_squeeze %dma_wait3A_751 : memref<1x8x8x128xf32, #tpu.memory_space<vmem>> -> memref<8x8x128xf32, #tpu.memory_space<vmem>>
        tpu.wait_dma2 semaphore(%arg14 : memref<!tpu.dma_semaphore, #tpu.memory_space<semaphore_mem>>) src(%dma_wait3A_752 : memref<8x8x128xf32, #tpu.memory_space<vmem>>) dst(%dma_wait3A_747 : memref<8x8x128xf32, #tpu.memory_space<hbm>>)
      } else {
      }
      %broadcast_in_dim3A = vector.broadcast %add3A_193 : i32 to vector<16xi32>
      %gather3A = tpu.vector_load_idx %arg6[%add3A_104, %broadcast_in_dim3A] : memref<64x200xf32, #tpu.memory_space<vmem>>[vector<16xi32>, vector<16xi32>], vector<16xf32>,
      %gather3A_196 = tpu.vector_load_idx %arg6[%add3A_108, %broadcast_in_dim3A] : memref<64x200xf32, #tpu.memory_space<vmem>>[vector<16xi32>, vector<16xi32>], vector<16xf32>,
      %gather3A_197 = tpu.vector_load_idx %arg6[%add3A_112, %broadcast_in_dim3A] : memref<64x200xf32, #tpu.memory_space<vmem>>[vector<16xi32>, vector<16xi32>], vector<16xf32>,
      %gather3A_198 = tpu.vector_load_idx %arg6[%add3A_116, %broadcast_in_dim3A] : memref<64x200xf32, #tpu.memory_space<vmem>>[vector<16xi32>, vector<16xi32>], vector<16xf32>,
      %scan3A_199 = arith.constant 0 : i32
      %scan3A_200 = arith.constant 0 : i32
      %scan3A_201 = arith.constant 128 : i32
      %scan3A_202 = arith.addi %scan3A_200, %scan3A_201 : i32
      %scan3A_203 = arith.constant 4 : i32
      scf.for %scan3A_730 = %scan3A_200 to %scan3A_202 step %scan3A_203  : i32 {
        %broadcast_in_dim3A_731 = vector.broadcast %scan3A_730 : i32 to vector<16xi32>
        %add3A_732 = arith.constant 0 : i32
        %add3A_733 = arith.addi %add3A_732, %scan3A_730 : i32
        %get3A = arith.constant 0 : i32
        %get3A_734 = arith.index_cast %get3A : i32 to index
        %get3A_735 = arith.index_cast %add3A_733 : i32 to index
        %get3A_736 = arith.constant 0 : index
        %get3A_737 = tpu.vector_load %arg8[%get3A_734, %get3A_735, %get3A_736] {strides = array<i32>} : memref<4x256x64xf32, #tpu.memory_space<vmem>>, vector<16xf32>,
        %add3A_738 = arith.addf %get3A_737, %gather3A : vector<16xf32>
        %scatter3A = arith.constant 0 : i32
        %scatter3A_739 = arith.constant 0 : i32
        %scatter3A_740 = arith.constant 0 : i32
        %scatter3A_741 = arith.constant 0 : i32
        %scatter3A_742 = tpu.memref_slice %arg9[%scatter3A, %scatter3A_739, %scatter3A_740, %scatter3A_741] : memref<2x8x8x129xf32, #tpu.memory_space<vmem>> -> memref<1x8x8x129xf32, #tpu.memory_space<vmem>>
        %scatter3A_743 = tpu.memref_squeeze %scatter3A_742 : memref<1x8x8x129xf32, #tpu.memory_space<vmem>> -> memref<8x8x129xf32, #tpu.memory_space<vmem>>
        tpu.vector_store_idx %scatter3A_743[%shift_right_arithmetic3A_52, %and3A_79, %broadcast_in_dim3A_731], %add3A_738 : memref<8x8x129xf32, #tpu.memory_space<vmem>>[vector<16xi32>, vector<16xi32>, vector<16xi32>], vector<16xf32>,
        %add3A_744 = arith.constant 0 : i32
        %add3A_745 = arith.addi %add3A_744, %scan3A_730 : i32
        %get3A_746 = arith.constant 0 : i32
        %get3A_747 = arith.index_cast %get3A_746 : i32 to index
        %get3A_748 = arith.index_cast %add3A_745 : i32 to index
        %get3A_749 = arith.constant 16 : index
        %get3A_750 = tpu.vector_load %arg8[%get3A_747, %get3A_748, %get3A_749] {strides = array<i32>} : memref<4x256x64xf32, #tpu.memory_space<vmem>>, vector<16xf32>,
        %add3A_751 = arith.addf %get3A_750, %gather3A_196 : vector<16xf32>
        %scatter3A_752 = arith.constant 0 : i32
        %scatter3A_753 = arith.constant 0 : i32
        %scatter3A_754 = arith.constant 0 : i32
        %scatter3A_755 = arith.constant 0 : i32
        %scatter3A_756 = tpu.memref_slice %arg9[%scatter3A_752, %scatter3A_753, %scatter3A_754, %scatter3A_755] : memref<2x8x8x129xf32, #tpu.memory_space<vmem>> -> memref<1x8x8x129xf32, #tpu.memory_space<vmem>>
        %scatter3A_757 = tpu.memref_squeeze %scatter3A_756 : memref<1x8x8x129xf32, #tpu.memory_space<vmem>> -> memref<8x8x129xf32, #tpu.memory_space<vmem>>
        tpu.vector_store_idx %scatter3A_757[%shift_right_arithmetic3A_59, %and3A_86, %broadcast_in_dim3A_731], %add3A_751 : memref<8x8x129xf32, #tpu.memory_space<vmem>>[vector<16xi32>, vector<16xi32>, vector<16xi32>], vector<16xf32>,
        %add3A_758 = arith.constant 0 : i32
        %add3A_759 = arith.addi %add3A_758, %scan3A_730 : i32
        %get3A_760 = arith.constant 0 : i32
        %get3A_761 = arith.index_cast %get3A_760 : i32 to index
        %get3A_762 = arith.index_cast %add3A_759 : i32 to index
        %get3A_763 = arith.constant 32 : index
        %get3A_764 = tpu.vector_load %arg8[%get3A_761, %get3A_762, %get3A_763] {strides = array<i32>} : memref<4x256x64xf32, #tpu.memory_space<vmem>>, vector<16xf32>,
        %add3A_765 = arith.addf %get3A_764, %gather3A_197 : vector<16xf32>
        %scatter3A_766 = arith.constant 0 : i32
        %scatter3A_767 = arith.constant 0 : i32
        %scatter3A_768 = arith.constant 0 : i32
        %scatter3A_769 = arith.constant 0 : i32
        %scatter3A_770 = tpu.memref_slice %arg9[%scatter3A_766, %scatter3A_767, %scatter3A_768, %scatter3A_769] : memref<2x8x8x129xf32, #tpu.memory_space<vmem>> -> memref<1x8x8x129xf32, #tpu.memory_space<vmem>>
        %scatter3A_771 = tpu.memref_squeeze %scatter3A_770 : memref<1x8x8x129xf32, #tpu.memory_space<vmem>> -> memref<8x8x129xf32, #tpu.memory_space<vmem>>
        tpu.vector_store_idx %scatter3A_771[%shift_right_arithmetic3A_66, %and3A_93, %broadcast_in_dim3A_731], %add3A_765 : memref<8x8x129xf32, #tpu.memory_space<vmem>>[vector<16xi32>, vector<16xi32>, vector<16xi32>], vector<16xf32>,
        %add3A_772 = arith.constant 0 : i32
        %add3A_773 = arith.addi %add3A_772, %scan3A_730 : i32
        %get3A_774 = arith.constant 0 : i32
        %get3A_775 = arith.index_cast %get3A_774 : i32 to index
        %get3A_776 = arith.index_cast %add3A_773 : i32 to index
        %get3A_777 = arith.constant 48 : index
        %get3A_778 = tpu.vector_load %arg8[%get3A_775, %get3A_776, %get3A_777] {strides = array<i32>} : memref<4x256x64xf32, #tpu.memory_space<vmem>>, vector<16xf32>,
        %add3A_779 = arith.addf %get3A_778, %gather3A_198 : vector<16xf32>
        %scatter3A_780 = arith.constant 0 : i32
        %scatter3A_781 = arith.constant 0 : i32
        %scatter3A_782 = arith.constant 0 : i32
        %scatter3A_783 = arith.constant 0 : i32
        %scatter3A_784 = tpu.memref_slice %arg9[%scatter3A_780, %scatter3A_781, %scatter3A_782, %scatter3A_783] : memref<2x8x8x129xf32, #tpu.memory_space<vmem>> -> memref<1x8x8x129xf32, #tpu.memory_space<vmem>>
        %scatter3A_785 = tpu.memref_squeeze %scatter3A_784 : memref<1x8x8x129xf32, #tpu.memory_space<vmem>> -> memref<8x8x129xf32, #tpu.memory_space<vmem>>
        tpu.vector_store_idx %scatter3A_785[%shift_right_arithmetic3A_73, %and3A_100, %broadcast_in_dim3A_731], %add3A_779 : memref<8x8x129xf32, #tpu.memory_space<vmem>>[vector<16xi32>, vector<16xi32>, vector<16xi32>], vector<16xf32>,
        %scan3A_786 = arith.constant 1 : i32
        %scan3A_787 = arith.addi %scan3A_730, %scan3A_786 : i32
        %broadcast_in_dim3A_788 = vector.broadcast %scan3A_787 : i32 to vector<16xi32>
        %add3A_789 = arith.constant 0 : i32
        %add3A_790 = arith.addi %add3A_789, %scan3A_787 : i32
        %get3A_791 = arith.constant 0 : i32
        %get3A_792 = arith.index_cast %get3A_791 : i32 to index
        %get3A_793 = arith.index_cast %add3A_790 : i32 to index
        %get3A_794 = arith.constant 0 : index
        %get3A_795 = tpu.vector_load %arg8[%get3A_792, %get3A_793, %get3A_794] {strides = array<i32>} : memref<4x256x64xf32, #tpu.memory_space<vmem>>, vector<16xf32>,
        %add3A_796 = arith.addf %get3A_795, %gather3A : vector<16xf32>
        %scatter3A_797 = arith.constant 0 : i32
        %scatter3A_798 = arith.constant 0 : i32
        %scatter3A_799 = arith.constant 0 : i32
        %scatter3A_800 = arith.constant 0 : i32
        %scatter3A_801 = tpu.memref_slice %arg9[%scatter3A_797, %scatter3A_798, %scatter3A_799, %scatter3A_800] : memref<2x8x8x129xf32, #tpu.memory_space<vmem>> -> memref<1x8x8x129xf32, #tpu.memory_space<vmem>>
        %scatter3A_802 = tpu.memref_squeeze %scatter3A_801 : memref<1x8x8x129xf32, #tpu.memory_space<vmem>> -> memref<8x8x129xf32, #tpu.memory_space<vmem>>
        tpu.vector_store_idx %scatter3A_802[%shift_right_arithmetic3A_52, %and3A_79, %broadcast_in_dim3A_788], %add3A_796 : memref<8x8x129xf32, #tpu.memory_space<vmem>>[vector<16xi32>, vector<16xi32>, vector<16xi32>], vector<16xf32>,
        %add3A_803 = arith.constant 0 : i32
        %add3A_804 = arith.addi %add3A_803, %scan3A_787 : i32
        %get3A_805 = arith.constant 0 : i32
        %get3A_806 = arith.index_cast %get3A_805 : i32 to index
        %get3A_807 = arith.index_cast %add3A_804 : i32 to index
        %get3A_808 = arith.constant 16 : index
        %get3A_809 = tpu.vector_load %arg8[%get3A_806, %get3A_807, %get3A_808] {strides = array<i32>} : memref<4x256x64xf32, #tpu.memory_space<vmem>>, vector<16xf32>,
        %add3A_810 = arith.addf %get3A_809, %gather3A_196 : vector<16xf32>
        %scatter3A_811 = arith.constant 0 : i32
        %scatter3A_812 = arith.constant 0 : i32
        %scatter3A_813 = arith.constant 0 : i32
        %scatter3A_814 = arith.constant 0 : i32
        %scatter3A_815 = tpu.memref_slice %arg9[%scatter3A_811, %scatter3A_812, %scatter3A_813, %scatter3A_814] : memref<2x8x8x129xf32, #tpu.memory_space<vmem>> -> memref<1x8x8x129xf32, #tpu.memory_space<vmem>>
        %scatter3A_816 = tpu.memref_squeeze %scatter3A_815 : memref<1x8x8x129xf32, #tpu.memory_space<vmem>> -> memref<8x8x129xf32, #tpu.memory_space<vmem>>
        tpu.vector_store_idx %scatter3A_816[%shift_right_arithmetic3A_59, %and3A_86, %broadcast_in_dim3A_788], %add3A_810 : memref<8x8x129xf32, #tpu.memory_space<vmem>>[vector<16xi32>, vector<16xi32>, vector<16xi32>], vector<16xf32>,
        %add3A_817 = arith.constant 0 : i32
        %add3A_818 = arith.addi %add3A_817, %scan3A_787 : i32
        %get3A_819 = arith.constant 0 : i32
        %get3A_820 = arith.index_cast %get3A_819 : i32 to index
        %get3A_821 = arith.index_cast %add3A_818 : i32 to index
        %get3A_822 = arith.constant 32 : index
        %get3A_823 = tpu.vector_load %arg8[%get3A_820, %get3A_821, %get3A_822] {strides = array<i32>} : memref<4x256x64xf32, #tpu.memory_space<vmem>>, vector<16xf32>,
        %add3A_824 = arith.addf %get3A_823, %gather3A_197 : vector<16xf32>
        %scatter3A_825 = arith.constant 0 : i32
        %scatter3A_826 = arith.constant 0 : i32
        %scatter3A_827 = arith.constant 0 : i32
        %scatter3A_828 = arith.constant 0 : i32
        %scatter3A_829 = tpu.memref_slice %arg9[%scatter3A_825, %scatter3A_826, %scatter3A_827, %scatter3A_828] : memref<2x8x8x129xf32, #tpu.memory_space<vmem>> -> memref<1x8x8x129xf32, #tpu.memory_space<vmem>>
        %scatter3A_830 = tpu.memref_squeeze %scatter3A_829 : memref<1x8x8x129xf32, #tpu.memory_space<vmem>> -> memref<8x8x129xf32, #tpu.memory_space<vmem>>
        tpu.vector_store_idx %scatter3A_830[%shift_right_arithmetic3A_66, %and3A_93, %broadcast_in_dim3A_788], %add3A_824 : memref<8x8x129xf32, #tpu.memory_space<vmem>>[vector<16xi32>, vector<16xi32>, vector<16xi32>], vector<16xf32>,
        %add3A_831 = arith.constant 0 : i32
        %add3A_832 = arith.addi %add3A_831, %scan3A_787 : i32
        %get3A_833 = arith.constant 0 : i32
        %get3A_834 = arith.index_cast %get3A_833 : i32 to index
        %get3A_835 = arith.index_cast %add3A_832 : i32 to index
        %get3A_836 = arith.constant 48 : index
        %get3A_837 = tpu.vector_load %arg8[%get3A_834, %get3A_835, %get3A_836] {strides = array<i32>} : memref<4x256x64xf32, #tpu.memory_space<vmem>>, vector<16xf32>,
        %add3A_838 = arith.addf %get3A_837, %gather3A_198 : vector<16xf32>
        %scatter3A_839 = arith.constant 0 : i32
        %scatter3A_840 = arith.constant 0 : i32
        %scatter3A_841 = arith.constant 0 : i32
        %scatter3A_842 = arith.constant 0 : i32
        %scatter3A_843 = tpu.memref_slice %arg9[%scatter3A_839, %scatter3A_840, %scatter3A_841, %scatter3A_842] : memref<2x8x8x129xf32, #tpu.memory_space<vmem>> -> memref<1x8x8x129xf32, #tpu.memory_space<vmem>>
        %scatter3A_844 = tpu.memref_squeeze %scatter3A_843 : memref<1x8x8x129xf32, #tpu.memory_space<vmem>> -> memref<8x8x129xf32, #tpu.memory_space<vmem>>
        tpu.vector_store_idx %scatter3A_844[%shift_right_arithmetic3A_73, %and3A_100, %broadcast_in_dim3A_788], %add3A_838 : memref<8x8x129xf32, #tpu.memory_space<vmem>>[vector<16xi32>, vector<16xi32>, vector<16xi32>], vector<16xf32>,
        %scan3A_845 = arith.constant 2 : i32
        %scan3A_846 = arith.addi %scan3A_730, %scan3A_845 : i32
        %broadcast_in_dim3A_847 = vector.broadcast %scan3A_846 : i32 to vector<16xi32>
        %add3A_848 = arith.constant 0 : i32
        %add3A_849 = arith.addi %add3A_848, %scan3A_846 : i32
        %get3A_850 = arith.constant 0 : i32
        %get3A_851 = arith.index_cast %get3A_850 : i32 to index
        %get3A_852 = arith.index_cast %add3A_849 : i32 to index
        %get3A_853 = arith.constant 0 : index
        %get3A_854 = tpu.vector_load %arg8[%get3A_851, %get3A_852, %get3A_853] {strides = array<i32>} : memref<4x256x64xf32, #tpu.memory_space<vmem>>, vector<16xf32>,
        %add3A_855 = arith.addf %get3A_854, %gather3A : vector<16xf32>
        %scatter3A_856 = arith.constant 0 : i32
        %scatter3A_857 = arith.constant 0 : i32
        %scatter3A_858 = arith.constant 0 : i32
        %scatter3A_859 = arith.constant 0 : i32
        %scatter3A_860 = tpu.memref_slice %arg9[%scatter3A_856, %scatter3A_857, %scatter3A_858, %scatter3A_859] : memref<2x8x8x129xf32, #tpu.memory_space<vmem>> -> memref<1x8x8x129xf32, #tpu.memory_space<vmem>>
        %scatter3A_861 = tpu.memref_squeeze %scatter3A_860 : memref<1x8x8x129xf32, #tpu.memory_space<vmem>> -> memref<8x8x129xf32, #tpu.memory_space<vmem>>
        tpu.vector_store_idx %scatter3A_861[%shift_right_arithmetic3A_52, %and3A_79, %broadcast_in_dim3A_847], %add3A_855 : memref<8x8x129xf32, #tpu.memory_space<vmem>>[vector<16xi32>, vector<16xi32>, vector<16xi32>], vector<16xf32>,
        %add3A_862 = arith.constant 0 : i32
        %add3A_863 = arith.addi %add3A_862, %scan3A_846 : i32
        %get3A_864 = arith.constant 0 : i32
        %get3A_865 = arith.index_cast %get3A_864 : i32 to index
        %get3A_866 = arith.index_cast %add3A_863 : i32 to index
        %get3A_867 = arith.constant 16 : index
        %get3A_868 = tpu.vector_load %arg8[%get3A_865, %get3A_866, %get3A_867] {strides = array<i32>} : memref<4x256x64xf32, #tpu.memory_space<vmem>>, vector<16xf32>,
        %add3A_869 = arith.addf %get3A_868, %gather3A_196 : vector<16xf32>
        %scatter3A_870 = arith.constant 0 : i32
        %scatter3A_871 = arith.constant 0 : i32
        %scatter3A_872 = arith.constant 0 : i32
        %scatter3A_873 = arith.constant 0 : i32
        %scatter3A_874 = tpu.memref_slice %arg9[%scatter3A_870, %scatter3A_871, %scatter3A_872, %scatter3A_873] : memref<2x8x8x129xf32, #tpu.memory_space<vmem>> -> memref<1x8x8x129xf32, #tpu.memory_space<vmem>>
        %scatter3A_875 = tpu.memref_squeeze %scatter3A_874 : memref<1x8x8x129xf32, #tpu.memory_space<vmem>> -> memref<8x8x129xf32, #tpu.memory_space<vmem>>
        tpu.vector_store_idx %scatter3A_875[%shift_right_arithmetic3A_59, %and3A_86, %broadcast_in_dim3A_847], %add3A_869 : memref<8x8x129xf32, #tpu.memory_space<vmem>>[vector<16xi32>, vector<16xi32>, vector<16xi32>], vector<16xf32>,
        %add3A_876 = arith.constant 0 : i32
        %add3A_877 = arith.addi %add3A_876, %scan3A_846 : i32
        %get3A_878 = arith.constant 0 : i32
        %get3A_879 = arith.index_cast %get3A_878 : i32 to index
        %get3A_880 = arith.index_cast %add3A_877 : i32 to index
        %get3A_881 = arith.constant 32 : index
        %get3A_882 = tpu.vector_load %arg8[%get3A_879, %get3A_880, %get3A_881] {strides = array<i32>} : memref<4x256x64xf32, #tpu.memory_space<vmem>>, vector<16xf32>,
        %add3A_883 = arith.addf %get3A_882, %gather3A_197 : vector<16xf32>
        %scatter3A_884 = arith.constant 0 : i32
        %scatter3A_885 = arith.constant 0 : i32
        %scatter3A_886 = arith.constant 0 : i32
        %scatter3A_887 = arith.constant 0 : i32
        %scatter3A_888 = tpu.memref_slice %arg9[%scatter3A_884, %scatter3A_885, %scatter3A_886, %scatter3A_887] : memref<2x8x8x129xf32, #tpu.memory_space<vmem>> -> memref<1x8x8x129xf32, #tpu.memory_space<vmem>>
        %scatter3A_889 = tpu.memref_squeeze %scatter3A_888 : memref<1x8x8x129xf32, #tpu.memory_space<vmem>> -> memref<8x8x129xf32, #tpu.memory_space<vmem>>
        tpu.vector_store_idx %scatter3A_889[%shift_right_arithmetic3A_66, %and3A_93, %broadcast_in_dim3A_847], %add3A_883 : memref<8x8x129xf32, #tpu.memory_space<vmem>>[vector<16xi32>, vector<16xi32>, vector<16xi32>], vector<16xf32>,
        %add3A_890 = arith.constant 0 : i32
        %add3A_891 = arith.addi %add3A_890, %scan3A_846 : i32
        %get3A_892 = arith.constant 0 : i32
        %get3A_893 = arith.index_cast %get3A_892 : i32 to index
        %get3A_894 = arith.index_cast %add3A_891 : i32 to index
        %get3A_895 = arith.constant 48 : index
        %get3A_896 = tpu.vector_load %arg8[%get3A_893, %get3A_894, %get3A_895] {strides = array<i32>} : memref<4x256x64xf32, #tpu.memory_space<vmem>>, vector<16xf32>,
        %add3A_897 = arith.addf %get3A_896, %gather3A_198 : vector<16xf32>
        %scatter3A_898 = arith.constant 0 : i32
        %scatter3A_899 = arith.constant 0 : i32
        %scatter3A_900 = arith.constant 0 : i32
        %scatter3A_901 = arith.constant 0 : i32
        %scatter3A_902 = tpu.memref_slice %arg9[%scatter3A_898, %scatter3A_899, %scatter3A_900, %scatter3A_901] : memref<2x8x8x129xf32, #tpu.memory_space<vmem>> -> memref<1x8x8x129xf32, #tpu.memory_space<vmem>>
        %scatter3A_903 = tpu.memref_squeeze %scatter3A_902 : memref<1x8x8x129xf32, #tpu.memory_space<vmem>> -> memref<8x8x129xf32, #tpu.memory_space<vmem>>
        tpu.vector_store_idx %scatter3A_903[%shift_right_arithmetic3A_73, %and3A_100, %broadcast_in_dim3A_847], %add3A_897 : memref<8x8x129xf32, #tpu.memory_space<vmem>>[vector<16xi32>, vector<16xi32>, vector<16xi32>], vector<16xf32>,
        %scan3A_904 = arith.constant 3 : i32
        %scan3A_905 = arith.addi %scan3A_730, %scan3A_904 : i32
        %broadcast_in_dim3A_906 = vector.broadcast %scan3A_905 : i32 to vector<16xi32>
        %add3A_907 = arith.constant 0 : i32
        %add3A_908 = arith.addi %add3A_907, %scan3A_905 : i32
        %get3A_909 = arith.constant 0 : i32
        %get3A_910 = arith.index_cast %get3A_909 : i32 to index
        %get3A_911 = arith.index_cast %add3A_908 : i32 to index
        %get3A_912 = arith.constant 0 : index
        %get3A_913 = tpu.vector_load %arg8[%get3A_910, %get3A_911, %get3A_912] {strides = array<i32>} : memref<4x256x64xf32, #tpu.memory_space<vmem>>, vector<16xf32>,
        %add3A_914 = arith.addf %get3A_913, %gather3A : vector<16xf32>
        %scatter3A_915 = arith.constant 0 : i32
        %scatter3A_916 = arith.constant 0 : i32
        %scatter3A_917 = arith.constant 0 : i32
        %scatter3A_918 = arith.constant 0 : i32
        %scatter3A_919 = tpu.memref_slice %arg9[%scatter3A_915, %scatter3A_916, %scatter3A_917, %scatter3A_918] : memref<2x8x8x129xf32, #tpu.memory_space<vmem>> -> memref<1x8x8x129xf32, #tpu.memory_space<vmem>>
        %scatter3A_920 = tpu.memref_squeeze %scatter3A_919 : memref<1x8x8x129xf32, #tpu.memory_space<vmem>> -> memref<8x8x129xf32, #tpu.memory_space<vmem>>
        tpu.vector_store_idx %scatter3A_920[%shift_right_arithmetic3A_52, %and3A_79, %broadcast_in_dim3A_906], %add3A_914 : memref<8x8x129xf32, #tpu.memory_space<vmem>>[vector<16xi32>, vector<16xi32>, vector<16xi32>], vector<16xf32>,
        %add3A_921 = arith.constant 0 : i32
        %add3A_922 = arith.addi %add3A_921, %scan3A_905 : i32
        %get3A_923 = arith.constant 0 : i32
        %get3A_924 = arith.index_cast %get3A_923 : i32 to index
        %get3A_925 = arith.index_cast %add3A_922 : i32 to index
        %get3A_926 = arith.constant 16 : index
        %get3A_927 = tpu.vector_load %arg8[%get3A_924, %get3A_925, %get3A_926] {strides = array<i32>} : memref<4x256x64xf32, #tpu.memory_space<vmem>>, vector<16xf32>,
        %add3A_928 = arith.addf %get3A_927, %gather3A_196 : vector<16xf32>
        %scatter3A_929 = arith.constant 0 : i32
        %scatter3A_930 = arith.constant 0 : i32
        %scatter3A_931 = arith.constant 0 : i32
        %scatter3A_932 = arith.constant 0 : i32
        %scatter3A_933 = tpu.memref_slice %arg9[%scatter3A_929, %scatter3A_930, %scatter3A_931, %scatter3A_932] : memref<2x8x8x129xf32, #tpu.memory_space<vmem>> -> memref<1x8x8x129xf32, #tpu.memory_space<vmem>>
        %scatter3A_934 = tpu.memref_squeeze %scatter3A_933 : memref<1x8x8x129xf32, #tpu.memory_space<vmem>> -> memref<8x8x129xf32, #tpu.memory_space<vmem>>
        tpu.vector_store_idx %scatter3A_934[%shift_right_arithmetic3A_59, %and3A_86, %broadcast_in_dim3A_906], %add3A_928 : memref<8x8x129xf32, #tpu.memory_space<vmem>>[vector<16xi32>, vector<16xi32>, vector<16xi32>], vector<16xf32>,
        %add3A_935 = arith.constant 0 : i32
        %add3A_936 = arith.addi %add3A_935, %scan3A_905 : i32
        %get3A_937 = arith.constant 0 : i32
        %get3A_938 = arith.index_cast %get3A_937 : i32 to index
        %get3A_939 = arith.index_cast %add3A_936 : i32 to index
        %get3A_940 = arith.constant 32 : index
        %get3A_941 = tpu.vector_load %arg8[%get3A_938, %get3A_939, %get3A_940] {strides = array<i32>} : memref<4x256x64xf32, #tpu.memory_space<vmem>>, vector<16xf32>,
        %add3A_942 = arith.addf %get3A_941, %gather3A_197 : vector<16xf32>
        %scatter3A_943 = arith.constant 0 : i32
        %scatter3A_944 = arith.constant 0 : i32
        %scatter3A_945 = arith.constant 0 : i32
        %scatter3A_946 = arith.constant 0 : i32
        %scatter3A_947 = tpu.memref_slice %arg9[%scatter3A_943, %scatter3A_944, %scatter3A_945, %scatter3A_946] : memref<2x8x8x129xf32, #tpu.memory_space<vmem>> -> memref<1x8x8x129xf32, #tpu.memory_space<vmem>>
        %scatter3A_948 = tpu.memref_squeeze %scatter3A_947 : memref<1x8x8x129xf32, #tpu.memory_space<vmem>> -> memref<8x8x129xf32, #tpu.memory_space<vmem>>
        tpu.vector_store_idx %scatter3A_948[%shift_right_arithmetic3A_66, %and3A_93, %broadcast_in_dim3A_906], %add3A_942 : memref<8x8x129xf32, #tpu.memory_space<vmem>>[vector<16xi32>, vector<16xi32>, vector<16xi32>], vector<16xf32>,
        %add3A_949 = arith.constant 0 : i32
        %add3A_950 = arith.addi %add3A_949, %scan3A_905 : i32
        %get3A_951 = arith.constant 0 : i32
        %get3A_952 = arith.index_cast %get3A_951 : i32 to index
        %get3A_953 = arith.index_cast %add3A_950 : i32 to index
        %get3A_954 = arith.constant 48 : index
        %get3A_955 = tpu.vector_load %arg8[%get3A_952, %get3A_953, %get3A_954] {strides = array<i32>} : memref<4x256x64xf32, #tpu.memory_space<vmem>>, vector<16xf32>,
        %add3A_956 = arith.addf %get3A_955, %gather3A_198 : vector<16xf32>
        %scatter3A_957 = arith.constant 0 : i32
        %scatter3A_958 = arith.constant 0 : i32
        %scatter3A_959 = arith.constant 0 : i32
        %scatter3A_960 = arith.constant 0 : i32
        %scatter3A_961 = tpu.memref_slice %arg9[%scatter3A_957, %scatter3A_958, %scatter3A_959, %scatter3A_960] : memref<2x8x8x129xf32, #tpu.memory_space<vmem>> -> memref<1x8x8x129xf32, #tpu.memory_space<vmem>>
        %scatter3A_962 = tpu.memref_squeeze %scatter3A_961 : memref<1x8x8x129xf32, #tpu.memory_space<vmem>> -> memref<8x8x129xf32, #tpu.memory_space<vmem>>
        tpu.vector_store_idx %scatter3A_962[%shift_right_arithmetic3A_73, %and3A_100, %broadcast_in_dim3A_906], %add3A_956 : memref<8x8x129xf32, #tpu.memory_space<vmem>>[vector<16xi32>, vector<16xi32>, vector<16xi32>], vector<16xf32>,
      }
      %scan3A_204 = arith.constant 128 : i32
      %dma_start3A_205 = arith.constant 0 : i32
      %dma_start3A_206 = arith.constant 0 : i32
      %dma_start3A_207 = arith.constant 0 : i32
      %dma_start3A_208 = arith.constant 0 : i32
      %dma_start3A_209 = tpu.memref_slice %arg9[%dma_start3A_205, %dma_start3A_206, %dma_start3A_207, %dma_start3A_208] : memref<2x8x8x129xf32, #tpu.memory_space<vmem>> -> memref<1x8x8x128xf32, #tpu.memory_space<vmem>>
      %dma_start3A_210 = tpu.memref_squeeze %dma_start3A_209 : memref<1x8x8x128xf32, #tpu.memory_space<vmem>> -> memref<8x8x128xf32, #tpu.memory_space<vmem>>
      %dma_start3A_211 = arith.constant 0 : i32
      %dma_start3A_212 = arith.constant 0 : i32
      %dma_start3A_213 = arith.constant 0 : i32
      %dma_start3A_214 = tpu.memref_slice %arg5[%add3A_193, %dma_start3A_211, %add3A, %dma_start3A_212, %dma_start3A_213] : memref<200x8x32x8x128xf32, #tpu.memory_space<hbm>> -> memref<1x8x1x8x128xf32, #tpu.memory_space<hbm>>
      %dma_start3A_215 = tpu.memref_squeeze %dma_start3A_214 : memref<1x8x1x8x128xf32, #tpu.memory_space<hbm>> -> memref<8x8x128xf32, #tpu.memory_space<hbm>>
      %dma_start3A_216 = arith.constant 0 : i32
      %dma_start3A_217 = arith.constant 0 : i32
      %dma_start3A_218 = arith.constant 0 : i32
      %dma_start3A_219 = tpu.memref_slice %arg5[%add3A_193, %dma_start3A_216, %add3A, %dma_start3A_217, %dma_start3A_218] : memref<200x8x32x8x128xf32, #tpu.memory_space<hbm>> -> memref<1x8x1x8x128xf32, #tpu.memory_space<hbm>>
      %dma_start3A_220 = tpu.memref_squeeze %dma_start3A_219 : memref<1x8x1x8x128xf32, #tpu.memory_space<hbm>> -> memref<8x8x128xf32, #tpu.memory_space<hbm>>
      %dma_start3A_221 = arith.constant 0 : i32
      %dma_start3A_222 = arith.constant 0 : i32
      %dma_start3A_223 = arith.constant 0 : i32
      %dma_start3A_224 = tpu.memref_slice %arg9[%dma_start3A_205, %dma_start3A_221, %dma_start3A_222, %dma_start3A_223] : memref<2x8x8x129xf32, #tpu.memory_space<vmem>> -> memref<1x8x8x128xf32, #tpu.memory_space<vmem>>
      %dma_start3A_225 = tpu.memref_squeeze %dma_start3A_224 : memref<1x8x8x128xf32, #tpu.memory_space<vmem>> -> memref<8x8x128xf32, #tpu.memory_space<vmem>>
      tpu.enqueue_dma source(%dma_start3A_225 : memref<8x8x128xf32, #tpu.memory_space<vmem>>) target(%dma_start3A_220 : memref<8x8x128xf32, #tpu.memory_space<hbm>>) target_semaphore(%arg14 : memref<!tpu.dma_semaphore, #tpu.memory_space<semaphore_mem>>)
      %mul3A_226 = arith.constant 2 : i32
      %mul3A_227 = arith.muli %mul3A_226, %add3A_171 : i32
      %add3A_228 = arith.constant 1 : i32
      %add3A_229 = arith.addi %mul3A_227, %add3A_228 : i32
      %ge3A_230 = arith.constant 1 : i32
      %ge3A_231 = arith.cmpi sge, %scan3A_167, %ge3A_230 : i32
      %convert_element_type3A_232 = arith.extui %ge3A_231 : i1 to i32
      %cond3A_233 = arith.constant 0 : i32
      %cond3A_234 = arith.cmpi ne, %convert_element_type3A_232, %cond3A_233 : i32
      scf.if %cond3A_234 {
        %dma_wait3A_730 = arith.constant 1 : i32
        %dma_wait3A_731 = arith.constant 0 : i32
        %dma_wait3A_732 = arith.constant 0 : i32
        %dma_wait3A_733 = arith.constant 0 : i32
        %dma_wait3A_734 = arith.constant 0 : i32
        %dma_wait3A_735 = arith.constant 0 : i32
        %dma_wait3A_736 = tpu.memref_slice %arg9[%dma_wait3A_730, %dma_wait3A_733, %dma_wait3A_734, %dma_wait3A_735] : memref<2x8x8x129xf32, #tpu.memory_space<vmem>> -> memref<1x8x8x128xf32, #tpu.memory_space<vmem>>
        %dma_wait3A_737 = tpu.memref_squeeze %dma_wait3A_736 : memref<1x8x8x128xf32, #tpu.memory_space<vmem>> -> memref<8x8x128xf32, #tpu.memory_space<vmem>>
        %dma_wait3A_738 = arith.constant 0 : i32
        %dma_wait3A_739 = arith.constant 0 : i32
        %dma_wait3A_740 = arith.constant 0 : i32
        %dma_wait3A_741 = tpu.memref_slice %arg5[%dma_wait3A_731, %dma_wait3A_738, %dma_wait3A_732, %dma_wait3A_739, %dma_wait3A_740] : memref<200x8x32x8x128xf32, #tpu.memory_space<hbm>> -> memref<1x8x1x8x128xf32, #tpu.memory_space<hbm>>
        %dma_wait3A_742 = tpu.memref_squeeze %dma_wait3A_741 : memref<1x8x1x8x128xf32, #tpu.memory_space<hbm>> -> memref<8x8x128xf32, #tpu.memory_space<hbm>>
        %dma_wait3A_743 = arith.constant 0 : i32
        %dma_wait3A_744 = arith.constant 0 : i32
        %dma_wait3A_745 = arith.constant 0 : i32
        %dma_wait3A_746 = tpu.memref_slice %arg5[%dma_wait3A_731, %dma_wait3A_743, %dma_wait3A_732, %dma_wait3A_744, %dma_wait3A_745] : memref<200x8x32x8x128xf32, #tpu.memory_space<hbm>> -> memref<1x8x1x8x128xf32, #tpu.memory_space<hbm>>
        %dma_wait3A_747 = tpu.memref_squeeze %dma_wait3A_746 : memref<1x8x1x8x128xf32, #tpu.memory_space<hbm>> -> memref<8x8x128xf32, #tpu.memory_space<hbm>>
        %dma_wait3A_748 = arith.constant 0 : i32
        %dma_wait3A_749 = arith.constant 0 : i32
        %dma_wait3A_750 = arith.constant 0 : i32
        %dma_wait3A_751 = tpu.memref_slice %arg9[%dma_wait3A_730, %dma_wait3A_748, %dma_wait3A_749, %dma_wait3A_750] : memref<2x8x8x129xf32, #tpu.memory_space<vmem>> -> memref<1x8x8x128xf32, #tpu.memory_space<vmem>>
        %dma_wait3A_752 = tpu.memref_squeeze %dma_wait3A_751 : memref<1x8x8x128xf32, #tpu.memory_space<vmem>> -> memref<8x8x128xf32, #tpu.memory_space<vmem>>
        tpu.wait_dma2 semaphore(%arg15 : memref<!tpu.dma_semaphore, #tpu.memory_space<semaphore_mem>>) src(%dma_wait3A_752 : memref<8x8x128xf32, #tpu.memory_space<vmem>>) dst(%dma_wait3A_747 : memref<8x8x128xf32, #tpu.memory_space<hbm>>)
      } else {
      }
      %broadcast_in_dim3A_235 = vector.broadcast %add3A_229 : i32 to vector<16xi32>
      %gather3A_236 = tpu.vector_load_idx %arg6[%add3A_104, %broadcast_in_dim3A_235] : memref<64x200xf32, #tpu.memory_space<vmem>>[vector<16xi32>, vector<16xi32>], vector<16xf32>,
      %gather3A_237 = tpu.vector_load_idx %arg6[%add3A_108, %broadcast_in_dim3A_235] : memref<64x200xf32, #tpu.memory_space<vmem>>[vector<16xi32>, vector<16xi32>], vector<16xf32>,
      %gather3A_238 = tpu.vector_load_idx %arg6[%add3A_112, %broadcast_in_dim3A_235] : memref<64x200xf32, #tpu.memory_space<vmem>>[vector<16xi32>, vector<16xi32>], vector<16xf32>,
      %gather3A_239 = tpu.vector_load_idx %arg6[%add3A_116, %broadcast_in_dim3A_235] : memref<64x200xf32, #tpu.memory_space<vmem>>[vector<16xi32>, vector<16xi32>], vector<16xf32>,
      %scan3A_240 = arith.constant 0 : i32
      %scan3A_241 = arith.constant 0 : i32
      %scan3A_242 = arith.constant 128 : i32
      %scan3A_243 = arith.addi %scan3A_241, %scan3A_242 : i32
      %scan3A_244 = arith.constant 4 : i32
      scf.for %scan3A_730 = %scan3A_241 to %scan3A_243 step %scan3A_244  : i32 {
        %broadcast_in_dim3A_731 = vector.broadcast %scan3A_730 : i32 to vector<16xi32>
        %add3A_732 = arith.constant 128 : i32
        %add3A_733 = arith.addi %add3A_732, %scan3A_730 : i32
        %get3A = arith.constant 0 : i32
        %get3A_734 = arith.index_cast %get3A : i32 to index
        %get3A_735 = arith.index_cast %add3A_733 : i32 to index
        %get3A_736 = arith.constant 0 : index
        %get3A_737 = tpu.vector_load %arg8[%get3A_734, %get3A_735, %get3A_736] {strides = array<i32>} : memref<4x256x64xf32, #tpu.memory_space<vmem>>, vector<16xf32>,
        %add3A_738 = arith.addf %get3A_737, %gather3A_236 : vector<16xf32>
        %scatter3A = arith.constant 1 : i32
        %scatter3A_739 = arith.constant 0 : i32
        %scatter3A_740 = arith.constant 0 : i32
        %scatter3A_741 = arith.constant 0 : i32
        %scatter3A_742 = tpu.memref_slice %arg9[%scatter3A, %scatter3A_739, %scatter3A_740, %scatter3A_741] : memref<2x8x8x129xf32, #tpu.memory_space<vmem>> -> memref<1x8x8x129xf32, #tpu.memory_space<vmem>>
        %scatter3A_743 = tpu.memref_squeeze %scatter3A_742 : memref<1x8x8x129xf32, #tpu.memory_space<vmem>> -> memref<8x8x129xf32, #tpu.memory_space<vmem>>
        tpu.vector_store_idx %scatter3A_743[%shift_right_arithmetic3A_52, %and3A_79, %broadcast_in_dim3A_731], %add3A_738 : memref<8x8x129xf32, #tpu.memory_space<vmem>>[vector<16xi32>, vector<16xi32>, vector<16xi32>], vector<16xf32>,
        %add3A_744 = arith.constant 128 : i32
        %add3A_745 = arith.addi %add3A_744, %scan3A_730 : i32
        %get3A_746 = arith.constant 0 : i32
        %get3A_747 = arith.index_cast %get3A_746 : i32 to index
        %get3A_748 = arith.index_cast %add3A_745 : i32 to index
        %get3A_749 = arith.constant 16 : index
        %get3A_750 = tpu.vector_load %arg8[%get3A_747, %get3A_748, %get3A_749] {strides = array<i32>} : memref<4x256x64xf32, #tpu.memory_space<vmem>>, vector<16xf32>,
        %add3A_751 = arith.addf %get3A_750, %gather3A_237 : vector<16xf32>
        %scatter3A_752 = arith.constant 1 : i32
        %scatter3A_753 = arith.constant 0 : i32
        %scatter3A_754 = arith.constant 0 : i32
        %scatter3A_755 = arith.constant 0 : i32
        %scatter3A_756 = tpu.memref_slice %arg9[%scatter3A_752, %scatter3A_753, %scatter3A_754, %scatter3A_755] : memref<2x8x8x129xf32, #tpu.memory_space<vmem>> -> memref<1x8x8x129xf32, #tpu.memory_space<vmem>>
        %scatter3A_757 = tpu.memref_squeeze %scatter3A_756 : memref<1x8x8x129xf32, #tpu.memory_space<vmem>> -> memref<8x8x129xf32, #tpu.memory_space<vmem>>
        tpu.vector_store_idx %scatter3A_757[%shift_right_arithmetic3A_59, %and3A_86, %broadcast_in_dim3A_731], %add3A_751 : memref<8x8x129xf32, #tpu.memory_space<vmem>>[vector<16xi32>, vector<16xi32>, vector<16xi32>], vector<16xf32>,
        %add3A_758 = arith.constant 128 : i32
        %add3A_759 = arith.addi %add3A_758, %scan3A_730 : i32
        %get3A_760 = arith.constant 0 : i32
        %get3A_761 = arith.index_cast %get3A_760 : i32 to index
        %get3A_762 = arith.index_cast %add3A_759 : i32 to index
        %get3A_763 = arith.constant 32 : index
        %get3A_764 = tpu.vector_load %arg8[%get3A_761, %get3A_762, %get3A_763] {strides = array<i32>} : memref<4x256x64xf32, #tpu.memory_space<vmem>>, vector<16xf32>,
        %add3A_765 = arith.addf %get3A_764, %gather3A_238 : vector<16xf32>
        %scatter3A_766 = arith.constant 1 : i32
        %scatter3A_767 = arith.constant 0 : i32
        %scatter3A_768 = arith.constant 0 : i32
        %scatter3A_769 = arith.constant 0 : i32
        %scatter3A_770 = tpu.memref_slice %arg9[%scatter3A_766, %scatter3A_767, %scatter3A_768, %scatter3A_769] : memref<2x8x8x129xf32, #tpu.memory_space<vmem>> -> memref<1x8x8x129xf32, #tpu.memory_space<vmem>>
        %scatter3A_771 = tpu.memref_squeeze %scatter3A_770 : memref<1x8x8x129xf32, #tpu.memory_space<vmem>> -> memref<8x8x129xf32, #tpu.memory_space<vmem>>
        tpu.vector_store_idx %scatter3A_771[%shift_right_arithmetic3A_66, %and3A_93, %broadcast_in_dim3A_731], %add3A_765 : memref<8x8x129xf32, #tpu.memory_space<vmem>>[vector<16xi32>, vector<16xi32>, vector<16xi32>], vector<16xf32>,
        %add3A_772 = arith.constant 128 : i32
        %add3A_773 = arith.addi %add3A_772, %scan3A_730 : i32
        %get3A_774 = arith.constant 0 : i32
        %get3A_775 = arith.index_cast %get3A_774 : i32 to index
        %get3A_776 = arith.index_cast %add3A_773 : i32 to index
        %get3A_777 = arith.constant 48 : index
        %get3A_778 = tpu.vector_load %arg8[%get3A_775, %get3A_776, %get3A_777] {strides = array<i32>} : memref<4x256x64xf32, #tpu.memory_space<vmem>>, vector<16xf32>,
        %add3A_779 = arith.addf %get3A_778, %gather3A_239 : vector<16xf32>
        %scatter3A_780 = arith.constant 1 : i32
        %scatter3A_781 = arith.constant 0 : i32
        %scatter3A_782 = arith.constant 0 : i32
        %scatter3A_783 = arith.constant 0 : i32
        %scatter3A_784 = tpu.memref_slice %arg9[%scatter3A_780, %scatter3A_781, %scatter3A_782, %scatter3A_783] : memref<2x8x8x129xf32, #tpu.memory_space<vmem>> -> memref<1x8x8x129xf32, #tpu.memory_space<vmem>>
        %scatter3A_785 = tpu.memref_squeeze %scatter3A_784 : memref<1x8x8x129xf32, #tpu.memory_space<vmem>> -> memref<8x8x129xf32, #tpu.memory_space<vmem>>
        tpu.vector_store_idx %scatter3A_785[%shift_right_arithmetic3A_73, %and3A_100, %broadcast_in_dim3A_731], %add3A_779 : memref<8x8x129xf32, #tpu.memory_space<vmem>>[vector<16xi32>, vector<16xi32>, vector<16xi32>], vector<16xf32>,
        %scan3A_786 = arith.constant 1 : i32
        %scan3A_787 = arith.addi %scan3A_730, %scan3A_786 : i32
        %broadcast_in_dim3A_788 = vector.broadcast %scan3A_787 : i32 to vector<16xi32>
        %add3A_789 = arith.constant 128 : i32
        %add3A_790 = arith.addi %add3A_789, %scan3A_787 : i32
        %get3A_791 = arith.constant 0 : i32
        %get3A_792 = arith.index_cast %get3A_791 : i32 to index
        %get3A_793 = arith.index_cast %add3A_790 : i32 to index
        %get3A_794 = arith.constant 0 : index
        %get3A_795 = tpu.vector_load %arg8[%get3A_792, %get3A_793, %get3A_794] {strides = array<i32>} : memref<4x256x64xf32, #tpu.memory_space<vmem>>, vector<16xf32>,
        %add3A_796 = arith.addf %get3A_795, %gather3A_236 : vector<16xf32>
        %scatter3A_797 = arith.constant 1 : i32
        %scatter3A_798 = arith.constant 0 : i32
        %scatter3A_799 = arith.constant 0 : i32
        %scatter3A_800 = arith.constant 0 : i32
        %scatter3A_801 = tpu.memref_slice %arg9[%scatter3A_797, %scatter3A_798, %scatter3A_799, %scatter3A_800] : memref<2x8x8x129xf32, #tpu.memory_space<vmem>> -> memref<1x8x8x129xf32, #tpu.memory_space<vmem>>
        %scatter3A_802 = tpu.memref_squeeze %scatter3A_801 : memref<1x8x8x129xf32, #tpu.memory_space<vmem>> -> memref<8x8x129xf32, #tpu.memory_space<vmem>>
        tpu.vector_store_idx %scatter3A_802[%shift_right_arithmetic3A_52, %and3A_79, %broadcast_in_dim3A_788], %add3A_796 : memref<8x8x129xf32, #tpu.memory_space<vmem>>[vector<16xi32>, vector<16xi32>, vector<16xi32>], vector<16xf32>,
        %add3A_803 = arith.constant 128 : i32
        %add3A_804 = arith.addi %add3A_803, %scan3A_787 : i32
        %get3A_805 = arith.constant 0 : i32
        %get3A_806 = arith.index_cast %get3A_805 : i32 to index
        %get3A_807 = arith.index_cast %add3A_804 : i32 to index
        %get3A_808 = arith.constant 16 : index
        %get3A_809 = tpu.vector_load %arg8[%get3A_806, %get3A_807, %get3A_808] {strides = array<i32>} : memref<4x256x64xf32, #tpu.memory_space<vmem>>, vector<16xf32>,
        %add3A_810 = arith.addf %get3A_809, %gather3A_237 : vector<16xf32>
        %scatter3A_811 = arith.constant 1 : i32
        %scatter3A_812 = arith.constant 0 : i32
        %scatter3A_813 = arith.constant 0 : i32
        %scatter3A_814 = arith.constant 0 : i32
        %scatter3A_815 = tpu.memref_slice %arg9[%scatter3A_811, %scatter3A_812, %scatter3A_813, %scatter3A_814] : memref<2x8x8x129xf32, #tpu.memory_space<vmem>> -> memref<1x8x8x129xf32, #tpu.memory_space<vmem>>
        %scatter3A_816 = tpu.memref_squeeze %scatter3A_815 : memref<1x8x8x129xf32, #tpu.memory_space<vmem>> -> memref<8x8x129xf32, #tpu.memory_space<vmem>>
        tpu.vector_store_idx %scatter3A_816[%shift_right_arithmetic3A_59, %and3A_86, %broadcast_in_dim3A_788], %add3A_810 : memref<8x8x129xf32, #tpu.memory_space<vmem>>[vector<16xi32>, vector<16xi32>, vector<16xi32>], vector<16xf32>,
        %add3A_817 = arith.constant 128 : i32
        %add3A_818 = arith.addi %add3A_817, %scan3A_787 : i32
        %get3A_819 = arith.constant 0 : i32
        %get3A_820 = arith.index_cast %get3A_819 : i32 to index
        %get3A_821 = arith.index_cast %add3A_818 : i32 to index
        %get3A_822 = arith.constant 32 : index
        %get3A_823 = tpu.vector_load %arg8[%get3A_820, %get3A_821, %get3A_822] {strides = array<i32>} : memref<4x256x64xf32, #tpu.memory_space<vmem>>, vector<16xf32>,
        %add3A_824 = arith.addf %get3A_823, %gather3A_238 : vector<16xf32>
        %scatter3A_825 = arith.constant 1 : i32
        %scatter3A_826 = arith.constant 0 : i32
        %scatter3A_827 = arith.constant 0 : i32
        %scatter3A_828 = arith.constant 0 : i32
        %scatter3A_829 = tpu.memref_slice %arg9[%scatter3A_825, %scatter3A_826, %scatter3A_827, %scatter3A_828] : memref<2x8x8x129xf32, #tpu.memory_space<vmem>> -> memref<1x8x8x129xf32, #tpu.memory_space<vmem>>
        %scatter3A_830 = tpu.memref_squeeze %scatter3A_829 : memref<1x8x8x129xf32, #tpu.memory_space<vmem>> -> memref<8x8x129xf32, #tpu.memory_space<vmem>>
        tpu.vector_store_idx %scatter3A_830[%shift_right_arithmetic3A_66, %and3A_93, %broadcast_in_dim3A_788], %add3A_824 : memref<8x8x129xf32, #tpu.memory_space<vmem>>[vector<16xi32>, vector<16xi32>, vector<16xi32>], vector<16xf32>,
        %add3A_831 = arith.constant 128 : i32
        %add3A_832 = arith.addi %add3A_831, %scan3A_787 : i32
        %get3A_833 = arith.constant 0 : i32
        %get3A_834 = arith.index_cast %get3A_833 : i32 to index
        %get3A_835 = arith.index_cast %add3A_832 : i32 to index
        %get3A_836 = arith.constant 48 : index
        %get3A_837 = tpu.vector_load %arg8[%get3A_834, %get3A_835, %get3A_836] {strides = array<i32>} : memref<4x256x64xf32, #tpu.memory_space<vmem>>, vector<16xf32>,
        %add3A_838 = arith.addf %get3A_837, %gather3A_239 : vector<16xf32>
        %scatter3A_839 = arith.constant 1 : i32
        %scatter3A_840 = arith.constant 0 : i32
        %scatter3A_841 = arith.constant 0 : i32
        %scatter3A_842 = arith.constant 0 : i32
        %scatter3A_843 = tpu.memref_slice %arg9[%scatter3A_839, %scatter3A_840, %scatter3A_841, %scatter3A_842] : memref<2x8x8x129xf32, #tpu.memory_space<vmem>> -> memref<1x8x8x129xf32, #tpu.memory_space<vmem>>
        %scatter3A_844 = tpu.memref_squeeze %scatter3A_843 : memref<1x8x8x129xf32, #tpu.memory_space<vmem>> -> memref<8x8x129xf32, #tpu.memory_space<vmem>>
        tpu.vector_store_idx %scatter3A_844[%shift_right_arithmetic3A_73, %and3A_100, %broadcast_in_dim3A_788], %add3A_838 : memref<8x8x129xf32, #tpu.memory_space<vmem>>[vector<16xi32>, vector<16xi32>, vector<16xi32>], vector<16xf32>,
        %scan3A_845 = arith.constant 2 : i32
        %scan3A_846 = arith.addi %scan3A_730, %scan3A_845 : i32
        %broadcast_in_dim3A_847 = vector.broadcast %scan3A_846 : i32 to vector<16xi32>
        %add3A_848 = arith.constant 128 : i32
        %add3A_849 = arith.addi %add3A_848, %scan3A_846 : i32
        %get3A_850 = arith.constant 0 : i32
        %get3A_851 = arith.index_cast %get3A_850 : i32 to index
        %get3A_852 = arith.index_cast %add3A_849 : i32 to index
        %get3A_853 = arith.constant 0 : index
        %get3A_854 = tpu.vector_load %arg8[%get3A_851, %get3A_852, %get3A_853] {strides = array<i32>} : memref<4x256x64xf32, #tpu.memory_space<vmem>>, vector<16xf32>,
        %add3A_855 = arith.addf %get3A_854, %gather3A_236 : vector<16xf32>
        %scatter3A_856 = arith.constant 1 : i32
        %scatter3A_857 = arith.constant 0 : i32
        %scatter3A_858 = arith.constant 0 : i32
        %scatter3A_859 = arith.constant 0 : i32
        %scatter3A_860 = tpu.memref_slice %arg9[%scatter3A_856, %scatter3A_857, %scatter3A_858, %scatter3A_859] : memref<2x8x8x129xf32, #tpu.memory_space<vmem>> -> memref<1x8x8x129xf32, #tpu.memory_space<vmem>>
        %scatter3A_861 = tpu.memref_squeeze %scatter3A_860 : memref<1x8x8x129xf32, #tpu.memory_space<vmem>> -> memref<8x8x129xf32, #tpu.memory_space<vmem>>
        tpu.vector_store_idx %scatter3A_861[%shift_right_arithmetic3A_52, %and3A_79, %broadcast_in_dim3A_847], %add3A_855 : memref<8x8x129xf32, #tpu.memory_space<vmem>>[vector<16xi32>, vector<16xi32>, vector<16xi32>], vector<16xf32>,
        %add3A_862 = arith.constant 128 : i32
        %add3A_863 = arith.addi %add3A_862, %scan3A_846 : i32
        %get3A_864 = arith.constant 0 : i32
        %get3A_865 = arith.index_cast %get3A_864 : i32 to index
        %get3A_866 = arith.index_cast %add3A_863 : i32 to index
        %get3A_867 = arith.constant 16 : index
        %get3A_868 = tpu.vector_load %arg8[%get3A_865, %get3A_866, %get3A_867] {strides = array<i32>} : memref<4x256x64xf32, #tpu.memory_space<vmem>>, vector<16xf32>,
        %add3A_869 = arith.addf %get3A_868, %gather3A_237 : vector<16xf32>
        %scatter3A_870 = arith.constant 1 : i32
        %scatter3A_871 = arith.constant 0 : i32
        %scatter3A_872 = arith.constant 0 : i32
        %scatter3A_873 = arith.constant 0 : i32
        %scatter3A_874 = tpu.memref_slice %arg9[%scatter3A_870, %scatter3A_871, %scatter3A_872, %scatter3A_873] : memref<2x8x8x129xf32, #tpu.memory_space<vmem>> -> memref<1x8x8x129xf32, #tpu.memory_space<vmem>>
        %scatter3A_875 = tpu.memref_squeeze %scatter3A_874 : memref<1x8x8x129xf32, #tpu.memory_space<vmem>> -> memref<8x8x129xf32, #tpu.memory_space<vmem>>
        tpu.vector_store_idx %scatter3A_875[%shift_right_arithmetic3A_59, %and3A_86, %broadcast_in_dim3A_847], %add3A_869 : memref<8x8x129xf32, #tpu.memory_space<vmem>>[vector<16xi32>, vector<16xi32>, vector<16xi32>], vector<16xf32>,
        %add3A_876 = arith.constant 128 : i32
        %add3A_877 = arith.addi %add3A_876, %scan3A_846 : i32
        %get3A_878 = arith.constant 0 : i32
        %get3A_879 = arith.index_cast %get3A_878 : i32 to index
        %get3A_880 = arith.index_cast %add3A_877 : i32 to index
        %get3A_881 = arith.constant 32 : index
        %get3A_882 = tpu.vector_load %arg8[%get3A_879, %get3A_880, %get3A_881] {strides = array<i32>} : memref<4x256x64xf32, #tpu.memory_space<vmem>>, vector<16xf32>,
        %add3A_883 = arith.addf %get3A_882, %gather3A_238 : vector<16xf32>
        %scatter3A_884 = arith.constant 1 : i32
        %scatter3A_885 = arith.constant 0 : i32
        %scatter3A_886 = arith.constant 0 : i32
        %scatter3A_887 = arith.constant 0 : i32
        %scatter3A_888 = tpu.memref_slice %arg9[%scatter3A_884, %scatter3A_885, %scatter3A_886, %scatter3A_887] : memref<2x8x8x129xf32, #tpu.memory_space<vmem>> -> memref<1x8x8x129xf32, #tpu.memory_space<vmem>>
        %scatter3A_889 = tpu.memref_squeeze %scatter3A_888 : memref<1x8x8x129xf32, #tpu.memory_space<vmem>> -> memref<8x8x129xf32, #tpu.memory_space<vmem>>
        tpu.vector_store_idx %scatter3A_889[%shift_right_arithmetic3A_66, %and3A_93, %broadcast_in_dim3A_847], %add3A_883 : memref<8x8x129xf32, #tpu.memory_space<vmem>>[vector<16xi32>, vector<16xi32>, vector<16xi32>], vector<16xf32>,
        %add3A_890 = arith.constant 128 : i32
        %add3A_891 = arith.addi %add3A_890, %scan3A_846 : i32
        %get3A_892 = arith.constant 0 : i32
        %get3A_893 = arith.index_cast %get3A_892 : i32 to index
        %get3A_894 = arith.index_cast %add3A_891 : i32 to index
        %get3A_895 = arith.constant 48 : index
        %get3A_896 = tpu.vector_load %arg8[%get3A_893, %get3A_894, %get3A_895] {strides = array<i32>} : memref<4x256x64xf32, #tpu.memory_space<vmem>>, vector<16xf32>,
        %add3A_897 = arith.addf %get3A_896, %gather3A_239 : vector<16xf32>
        %scatter3A_898 = arith.constant 1 : i32
        %scatter3A_899 = arith.constant 0 : i32
        %scatter3A_900 = arith.constant 0 : i32
        %scatter3A_901 = arith.constant 0 : i32
        %scatter3A_902 = tpu.memref_slice %arg9[%scatter3A_898, %scatter3A_899, %scatter3A_900, %scatter3A_901] : memref<2x8x8x129xf32, #tpu.memory_space<vmem>> -> memref<1x8x8x129xf32, #tpu.memory_space<vmem>>
        %scatter3A_903 = tpu.memref_squeeze %scatter3A_902 : memref<1x8x8x129xf32, #tpu.memory_space<vmem>> -> memref<8x8x129xf32, #tpu.memory_space<vmem>>
        tpu.vector_store_idx %scatter3A_903[%shift_right_arithmetic3A_73, %and3A_100, %broadcast_in_dim3A_847], %add3A_897 : memref<8x8x129xf32, #tpu.memory_space<vmem>>[vector<16xi32>, vector<16xi32>, vector<16xi32>], vector<16xf32>,
        %scan3A_904 = arith.constant 3 : i32
        %scan3A_905 = arith.addi %scan3A_730, %scan3A_904 : i32
        %broadcast_in_dim3A_906 = vector.broadcast %scan3A_905 : i32 to vector<16xi32>
        %add3A_907 = arith.constant 128 : i32
        %add3A_908 = arith.addi %add3A_907, %scan3A_905 : i32
        %get3A_909 = arith.constant 0 : i32
        %get3A_910 = arith.index_cast %get3A_909 : i32 to index
        %get3A_911 = arith.index_cast %add3A_908 : i32 to index
        %get3A_912 = arith.constant 0 : index
        %get3A_913 = tpu.vector_load %arg8[%get3A_910, %get3A_911, %get3A_912] {strides = array<i32>} : memref<4x256x64xf32, #tpu.memory_space<vmem>>, vector<16xf32>,
        %add3A_914 = arith.addf %get3A_913, %gather3A_236 : vector<16xf32>
        %scatter3A_915 = arith.constant 1 : i32
        %scatter3A_916 = arith.constant 0 : i32
        %scatter3A_917 = arith.constant 0 : i32
        %scatter3A_918 = arith.constant 0 : i32
        %scatter3A_919 = tpu.memref_slice %arg9[%scatter3A_915, %scatter3A_916, %scatter3A_917, %scatter3A_918] : memref<2x8x8x129xf32, #tpu.memory_space<vmem>> -> memref<1x8x8x129xf32, #tpu.memory_space<vmem>>
        %scatter3A_920 = tpu.memref_squeeze %scatter3A_919 : memref<1x8x8x129xf32, #tpu.memory_space<vmem>> -> memref<8x8x129xf32, #tpu.memory_space<vmem>>
        tpu.vector_store_idx %scatter3A_920[%shift_right_arithmetic3A_52, %and3A_79, %broadcast_in_dim3A_906], %add3A_914 : memref<8x8x129xf32, #tpu.memory_space<vmem>>[vector<16xi32>, vector<16xi32>, vector<16xi32>], vector<16xf32>,
        %add3A_921 = arith.constant 128 : i32
        %add3A_922 = arith.addi %add3A_921, %scan3A_905 : i32
        %get3A_923 = arith.constant 0 : i32
        %get3A_924 = arith.index_cast %get3A_923 : i32 to index
        %get3A_925 = arith.index_cast %add3A_922 : i32 to index
        %get3A_926 = arith.constant 16 : index
        %get3A_927 = tpu.vector_load %arg8[%get3A_924, %get3A_925, %get3A_926] {strides = array<i32>} : memref<4x256x64xf32, #tpu.memory_space<vmem>>, vector<16xf32>,
        %add3A_928 = arith.addf %get3A_927, %gather3A_237 : vector<16xf32>
        %scatter3A_929 = arith.constant 1 : i32
        %scatter3A_930 = arith.constant 0 : i32
        %scatter3A_931 = arith.constant 0 : i32
        %scatter3A_932 = arith.constant 0 : i32
        %scatter3A_933 = tpu.memref_slice %arg9[%scatter3A_929, %scatter3A_930, %scatter3A_931, %scatter3A_932] : memref<2x8x8x129xf32, #tpu.memory_space<vmem>> -> memref<1x8x8x129xf32, #tpu.memory_space<vmem>>
        %scatter3A_934 = tpu.memref_squeeze %scatter3A_933 : memref<1x8x8x129xf32, #tpu.memory_space<vmem>> -> memref<8x8x129xf32, #tpu.memory_space<vmem>>
        tpu.vector_store_idx %scatter3A_934[%shift_right_arithmetic3A_59, %and3A_86, %broadcast_in_dim3A_906], %add3A_928 : memref<8x8x129xf32, #tpu.memory_space<vmem>>[vector<16xi32>, vector<16xi32>, vector<16xi32>], vector<16xf32>,
        %add3A_935 = arith.constant 128 : i32
        %add3A_936 = arith.addi %add3A_935, %scan3A_905 : i32
        %get3A_937 = arith.constant 0 : i32
        %get3A_938 = arith.index_cast %get3A_937 : i32 to index
        %get3A_939 = arith.index_cast %add3A_936 : i32 to index
        %get3A_940 = arith.constant 32 : index
        %get3A_941 = tpu.vector_load %arg8[%get3A_938, %get3A_939, %get3A_940] {strides = array<i32>} : memref<4x256x64xf32, #tpu.memory_space<vmem>>, vector<16xf32>,
        %add3A_942 = arith.addf %get3A_941, %gather3A_238 : vector<16xf32>
        %scatter3A_943 = arith.constant 1 : i32
        %scatter3A_944 = arith.constant 0 : i32
        %scatter3A_945 = arith.constant 0 : i32
        %scatter3A_946 = arith.constant 0 : i32
        %scatter3A_947 = tpu.memref_slice %arg9[%scatter3A_943, %scatter3A_944, %scatter3A_945, %scatter3A_946] : memref<2x8x8x129xf32, #tpu.memory_space<vmem>> -> memref<1x8x8x129xf32, #tpu.memory_space<vmem>>
        %scatter3A_948 = tpu.memref_squeeze %scatter3A_947 : memref<1x8x8x129xf32, #tpu.memory_space<vmem>> -> memref<8x8x129xf32, #tpu.memory_space<vmem>>
        tpu.vector_store_idx %scatter3A_948[%shift_right_arithmetic3A_66, %and3A_93, %broadcast_in_dim3A_906], %add3A_942 : memref<8x8x129xf32, #tpu.memory_space<vmem>>[vector<16xi32>, vector<16xi32>, vector<16xi32>], vector<16xf32>,
        %add3A_949 = arith.constant 128 : i32
        %add3A_950 = arith.addi %add3A_949, %scan3A_905 : i32
        %get3A_951 = arith.constant 0 : i32
        %get3A_952 = arith.index_cast %get3A_951 : i32 to index
        %get3A_953 = arith.index_cast %add3A_950 : i32 to index
        %get3A_954 = arith.constant 48 : index
        %get3A_955 = tpu.vector_load %arg8[%get3A_952, %get3A_953, %get3A_954] {strides = array<i32>} : memref<4x256x64xf32, #tpu.memory_space<vmem>>, vector<16xf32>,
        %add3A_956 = arith.addf %get3A_955, %gather3A_239 : vector<16xf32>
        %scatter3A_957 = arith.constant 1 : i32
        %scatter3A_958 = arith.constant 0 : i32
        %scatter3A_959 = arith.constant 0 : i32
        %scatter3A_960 = arith.constant 0 : i32
        %scatter3A_961 = tpu.memref_slice %arg9[%scatter3A_957, %scatter3A_958, %scatter3A_959, %scatter3A_960] : memref<2x8x8x129xf32, #tpu.memory_space<vmem>> -> memref<1x8x8x129xf32, #tpu.memory_space<vmem>>
        %scatter3A_962 = tpu.memref_squeeze %scatter3A_961 : memref<1x8x8x129xf32, #tpu.memory_space<vmem>> -> memref<8x8x129xf32, #tpu.memory_space<vmem>>
        tpu.vector_store_idx %scatter3A_962[%shift_right_arithmetic3A_73, %and3A_100, %broadcast_in_dim3A_906], %add3A_956 : memref<8x8x129xf32, #tpu.memory_space<vmem>>[vector<16xi32>, vector<16xi32>, vector<16xi32>], vector<16xf32>,
      }
      %scan3A_245 = arith.constant 128 : i32
      %dma_start3A_246 = arith.constant 1 : i32
      %dma_start3A_247 = arith.constant 0 : i32
      %dma_start3A_248 = arith.constant 0 : i32
      %dma_start3A_249 = arith.constant 0 : i32
      %dma_start3A_250 = tpu.memref_slice %arg9[%dma_start3A_246, %dma_start3A_247, %dma_start3A_248, %dma_start3A_249] : memref<2x8x8x129xf32, #tpu.memory_space<vmem>> -> memref<1x8x8x128xf32, #tpu.memory_space<vmem>>
      %dma_start3A_251 = tpu.memref_squeeze %dma_start3A_250 : memref<1x8x8x128xf32, #tpu.memory_space<vmem>> -> memref<8x8x128xf32, #tpu.memory_space<vmem>>
      %dma_start3A_252 = arith.constant 0 : i32
      %dma_start3A_253 = arith.constant 0 : i32
      %dma_start3A_254 = arith.constant 0 : i32
      %dma_start3A_255 = tpu.memref_slice %arg5[%add3A_229, %dma_start3A_252, %add3A, %dma_start3A_253, %dma_start3A_254] : memref<200x8x32x8x128xf32, #tpu.memory_space<hbm>> -> memref<1x8x1x8x128xf32, #tpu.memory_space<hbm>>
      %dma_start3A_256 = tpu.memref_squeeze %dma_start3A_255 : memref<1x8x1x8x128xf32, #tpu.memory_space<hbm>> -> memref<8x8x128xf32, #tpu.memory_space<hbm>>
      %dma_start3A_257 = arith.constant 0 : i32
      %dma_start3A_258 = arith.constant 0 : i32
      %dma_start3A_259 = arith.constant 0 : i32
      %dma_start3A_260 = tpu.memref_slice %arg5[%add3A_229, %dma_start3A_257, %add3A, %dma_start3A_258, %dma_start3A_259] : memref<200x8x32x8x128xf32, #tpu.memory_space<hbm>> -> memref<1x8x1x8x128xf32, #tpu.memory_space<hbm>>
      %dma_start3A_261 = tpu.memref_squeeze %dma_start3A_260 : memref<1x8x1x8x128xf32, #tpu.memory_space<hbm>> -> memref<8x8x128xf32, #tpu.memory_space<hbm>>
      %dma_start3A_262 = arith.constant 0 : i32
      %dma_start3A_263 = arith.constant 0 : i32
      %dma_start3A_264 = arith.constant 0 : i32
      %dma_start3A_265 = tpu.memref_slice %arg9[%dma_start3A_246, %dma_start3A_262, %dma_start3A_263, %dma_start3A_264] : memref<2x8x8x129xf32, #tpu.memory_space<vmem>> -> memref<1x8x8x128xf32, #tpu.memory_space<vmem>>
      %dma_start3A_266 = tpu.memref_squeeze %dma_start3A_265 : memref<1x8x8x128xf32, #tpu.memory_space<vmem>> -> memref<8x8x128xf32, #tpu.memory_space<vmem>>
      tpu.enqueue_dma source(%dma_start3A_266 : memref<8x8x128xf32, #tpu.memory_space<vmem>>) target(%dma_start3A_261 : memref<8x8x128xf32, #tpu.memory_space<hbm>>) target_semaphore(%arg15 : memref<!tpu.dma_semaphore, #tpu.memory_space<semaphore_mem>>)
      %mul3A_267 = arith.constant 4 : i32
      %mul3A_268 = arith.muli %scan3A_167, %mul3A_267 : i32
      %add3A_269 = arith.constant 0 : i32
      %add3A_270 = arith.addi %mul3A_268, %add3A_269 : i32
      %add3A_271 = arith.constant 4 : i32
      %add3A_272 = arith.addi %add3A_270, %add3A_271 : i32
      %lt3A = arith.constant 100 : i32
      %lt3A_273 = arith.cmpi slt, %add3A_272, %lt3A : i32
      %convert_element_type3A_274 = arith.extui %lt3A_273 : i1 to i32
      %cond3A_275 = arith.constant 0 : i32
      %cond3A_276 = arith.cmpi ne, %convert_element_type3A_274, %cond3A_275 : i32
      scf.if %cond3A_276 {
        %add3A_730 = arith.constant 4 : i32
        %add3A_731 = arith.addi %add3A_171, %add3A_730 : i32
        %shift_right_arithmetic3A_732 = arith.constant 2 : i32
        %shift_right_arithmetic3A_733 = arith.shrsi %add3A_731, %shift_right_arithmetic3A_732 : i32
        %and3A_734 = arith.constant 3 : i32
        %and3A_735 = arith.andi %add3A_731, %and3A_734 : i32
        %mul3A_736 = arith.constant 2 : i32
        %mul3A_737 = arith.muli %and3A_735, %mul3A_736 : i32
        %mul3A_738 = arith.constant 128 : i32
        %mul3A_739 = arith.muli %mul3A_737, %mul3A_738 : i32
        %dma_start3A_740 = arith.constant 0 : i32
        %dma_start3A_741 = arith.constant 0 : i32
        %dma_start3A_742 = arith.constant 0 : i32
        %dma_start3A_743 = tpu.memref_slice %arg8[%dma_start3A_740, %dma_start3A_741, %dma_start3A_742] : memref<4x256x64xf32, #tpu.memory_space<vmem>> -> memref<1x256x64xf32, #tpu.memory_space<vmem>>
        %dma_start3A_744 = tpu.memref_squeeze %dma_start3A_743 : memref<1x256x64xf32, #tpu.memory_space<vmem>> -> memref<256x64xf32, #tpu.memory_space<vmem>>
        %dma_start3A_745 = tpu.memref_slice %arg7[%shift_right_arithmetic3A_733, %mul3A_739] : memref<25x1024xi32, #tpu.memory_space<vmem>> -> memref<1x256xi32, #tpu.memory_space<vmem>>
        %dma_start3A_746 = tpu.memref_squeeze %dma_start3A_745 : memref<1x256xi32, #tpu.memory_space<vmem>> -> memref<256xi32, #tpu.memory_space<vmem>>
        %dma_start3A_747 = arith.constant 0 : i32
        %dma_start3A_748 = arith.constant 0 : i32
        %dma_start3A_749 = tpu.memref_slice %arg3[%dma_start3A_747, %dma_start3A_748] : memref<1000000x64xf32, #tpu.memory_space<hbm>> -> memref<1000000x64xf32, #tpu.memory_space<hbm>>
        tpu.enqueue_indirect_dma source(%dma_start3A_749 : memref<1000000x64xf32, #tpu.memory_space<hbm>>) target(%dma_start3A_744 : memref<256x64xf32, #tpu.memory_space<vmem>>) offsets(%dma_start3A_746 : memref<256xi32, #tpu.memory_space<vmem>>) semaphore(%arg10 : memref<!tpu.dma_semaphore, #tpu.memory_space<semaphore_mem>>)
      } else {
      }
      %mul3A_277 = arith.constant 4 : i32
      %mul3A_278 = arith.muli %scan3A_167, %mul3A_277 : i32
      %add3A_279 = arith.constant 1 : i32
      %add3A_280 = arith.addi %mul3A_278, %add3A_279 : i32
      %shift_right_arithmetic3A_281 = arith.constant 2 : i32
      %shift_right_arithmetic3A_282 = arith.shrsi %add3A_280, %shift_right_arithmetic3A_281 : i32
      %and3A_283 = arith.constant 3 : i32
      %and3A_284 = arith.andi %add3A_280, %and3A_283 : i32
      %mul3A_285 = arith.constant 2 : i32
      %mul3A_286 = arith.muli %and3A_284, %mul3A_285 : i32
      %mul3A_287 = arith.constant 128 : i32
      %mul3A_288 = arith.muli %mul3A_286, %mul3A_287 : i32
      %dma_wait3A_289 = arith.constant 1 : i32
      %dma_wait3A_290 = arith.constant 0 : i32
      %dma_wait3A_291 = arith.constant 0 : i32
      %dma_wait3A_292 = tpu.memref_slice %arg8[%dma_wait3A_289, %dma_wait3A_290, %dma_wait3A_291] : memref<4x256x64xf32, #tpu.memory_space<vmem>> -> memref<1x256x64xf32, #tpu.memory_space<vmem>>
      %dma_wait3A_293 = tpu.memref_squeeze %dma_wait3A_292 : memref<1x256x64xf32, #tpu.memory_space<vmem>> -> memref<256x64xf32, #tpu.memory_space<vmem>>
      %dma_wait3A_294 = tpu.memref_slice %arg7[%shift_right_arithmetic3A_282, %mul3A_288] : memref<25x1024xi32, #tpu.memory_space<vmem>> -> memref<1x256xi32, #tpu.memory_space<vmem>>
      %dma_wait3A_295 = tpu.memref_squeeze %dma_wait3A_294 : memref<1x256xi32, #tpu.memory_space<vmem>> -> memref<256xi32, #tpu.memory_space<vmem>>
      %dma_wait3A_296 = arith.constant 0 : i32
      %dma_wait3A_297 = arith.constant 0 : i32
      %dma_wait3A_298 = tpu.memref_slice %arg3[%dma_wait3A_296, %dma_wait3A_297] : memref<1000000x64xf32, #tpu.memory_space<hbm>> -> memref<1000000x64xf32, #tpu.memory_space<hbm>>
      tpu.wait_indirect_dma semaphore(%arg11 : memref<!tpu.dma_semaphore, #tpu.memory_space<semaphore_mem>>) src(%dma_wait3A_298 : memref<1000000x64xf32, #tpu.memory_space<hbm>>) dst(%dma_wait3A_293 : memref<256x64xf32, #tpu.memory_space<vmem>>)
      %mul3A_299 = arith.constant 2 : i32
      %mul3A_300 = arith.muli %mul3A_299, %add3A_280 : i32
      %add3A_301 = arith.constant 0 : i32
      %add3A_302 = arith.addi %mul3A_300, %add3A_301 : i32
      %dma_wait3A_303 = arith.constant 0 : i32
      %dma_wait3A_304 = arith.constant 0 : i32
      %dma_wait3A_305 = arith.constant 0 : i32
      %dma_wait3A_306 = arith.constant 0 : i32
      %dma_wait3A_307 = arith.constant 0 : i32
      %dma_wait3A_308 = arith.constant 0 : i32
      %dma_wait3A_309 = tpu.memref_slice %arg9[%dma_wait3A_303, %dma_wait3A_306, %dma_wait3A_307, %dma_wait3A_308] : memref<2x8x8x129xf32, #tpu.memory_space<vmem>> -> memref<1x8x8x128xf32, #tpu.memory_space<vmem>>
      %dma_wait3A_310 = tpu.memref_squeeze %dma_wait3A_309 : memref<1x8x8x128xf32, #tpu.memory_space<vmem>> -> memref<8x8x128xf32, #tpu.memory_space<vmem>>
      %dma_wait3A_311 = arith.constant 0 : i32
      %dma_wait3A_312 = arith.constant 0 : i32
      %dma_wait3A_313 = arith.constant 0 : i32
      %dma_wait3A_314 = tpu.memref_slice %arg5[%dma_wait3A_304, %dma_wait3A_311, %dma_wait3A_305, %dma_wait3A_312, %dma_wait3A_313] : memref<200x8x32x8x128xf32, #tpu.memory_space<hbm>> -> memref<1x8x1x8x128xf32, #tpu.memory_space<hbm>>
      %dma_wait3A_315 = tpu.memref_squeeze %dma_wait3A_314 : memref<1x8x1x8x128xf32, #tpu.memory_space<hbm>> -> memref<8x8x128xf32, #tpu.memory_space<hbm>>
      %dma_wait3A_316 = arith.constant 0 : i32
      %dma_wait3A_317 = arith.constant 0 : i32
      %dma_wait3A_318 = arith.constant 0 : i32
      %dma_wait3A_319 = tpu.memref_slice %arg5[%dma_wait3A_304, %dma_wait3A_316, %dma_wait3A_305, %dma_wait3A_317, %dma_wait3A_318] : memref<200x8x32x8x128xf32, #tpu.memory_space<hbm>> -> memref<1x8x1x8x128xf32, #tpu.memory_space<hbm>>
      %dma_wait3A_320 = tpu.memref_squeeze %dma_wait3A_319 : memref<1x8x1x8x128xf32, #tpu.memory_space<hbm>> -> memref<8x8x128xf32, #tpu.memory_space<hbm>>
      %dma_wait3A_321 = arith.constant 0 : i32
      %dma_wait3A_322 = arith.constant 0 : i32
      %dma_wait3A_323 = arith.constant 0 : i32
      %dma_wait3A_324 = tpu.memref_slice %arg9[%dma_wait3A_303, %dma_wait3A_321, %dma_wait3A_322, %dma_wait3A_323] : memref<2x8x8x129xf32, #tpu.memory_space<vmem>> -> memref<1x8x8x128xf32, #tpu.memory_space<vmem>>
      %dma_wait3A_325 = tpu.memref_squeeze %dma_wait3A_324 : memref<1x8x8x128xf32, #tpu.memory_space<vmem>> -> memref<8x8x128xf32, #tpu.memory_space<vmem>>
      tpu.wait_dma2 semaphore(%arg14 : memref<!tpu.dma_semaphore, #tpu.memory_space<semaphore_mem>>) src(%dma_wait3A_325 : memref<8x8x128xf32, #tpu.memory_space<vmem>>) dst(%dma_wait3A_320 : memref<8x8x128xf32, #tpu.memory_space<hbm>>)
      %broadcast_in_dim3A_326 = vector.broadcast %add3A_302 : i32 to vector<16xi32>
      %gather3A_327 = tpu.vector_load_idx %arg6[%add3A_104, %broadcast_in_dim3A_326] : memref<64x200xf32, #tpu.memory_space<vmem>>[vector<16xi32>, vector<16xi32>], vector<16xf32>,
      %gather3A_328 = tpu.vector_load_idx %arg6[%add3A_108, %broadcast_in_dim3A_326] : memref<64x200xf32, #tpu.memory_space<vmem>>[vector<16xi32>, vector<16xi32>], vector<16xf32>,
      %gather3A_329 = tpu.vector_load_idx %arg6[%add3A_112, %broadcast_in_dim3A_326] : memref<64x200xf32, #tpu.memory_space<vmem>>[vector<16xi32>, vector<16xi32>], vector<16xf32>,
      %gather3A_330 = tpu.vector_load_idx %arg6[%add3A_116, %broadcast_in_dim3A_326] : memref<64x200xf32, #tpu.memory_space<vmem>>[vector<16xi32>, vector<16xi32>], vector<16xf32>,
      %scan3A_331 = arith.constant 0 : i32
      %scan3A_332 = arith.constant 0 : i32
      %scan3A_333 = arith.constant 128 : i32
      %scan3A_334 = arith.addi %scan3A_332, %scan3A_333 : i32
      %scan3A_335 = arith.constant 4 : i32
      scf.for %scan3A_730 = %scan3A_332 to %scan3A_334 step %scan3A_335  : i32 {
        %broadcast_in_dim3A_731 = vector.broadcast %scan3A_730 : i32 to vector<16xi32>
        %add3A_732 = arith.constant 0 : i32
        %add3A_733 = arith.addi %add3A_732, %scan3A_730 : i32
        %get3A = arith.constant 1 : i32
        %get3A_734 = arith.index_cast %get3A : i32 to index
        %get3A_735 = arith.index_cast %add3A_733 : i32 to index
        %get3A_736 = arith.constant 0 : index
        %get3A_737 = tpu.vector_load %arg8[%get3A_734, %get3A_735, %get3A_736] {strides = array<i32>} : memref<4x256x64xf32, #tpu.memory_space<vmem>>, vector<16xf32>,
        %add3A_738 = arith.addf %get3A_737, %gather3A_327 : vector<16xf32>
        %scatter3A = arith.constant 0 : i32
        %scatter3A_739 = arith.constant 0 : i32
        %scatter3A_740 = arith.constant 0 : i32
        %scatter3A_741 = arith.constant 0 : i32
        %scatter3A_742 = tpu.memref_slice %arg9[%scatter3A, %scatter3A_739, %scatter3A_740, %scatter3A_741] : memref<2x8x8x129xf32, #tpu.memory_space<vmem>> -> memref<1x8x8x129xf32, #tpu.memory_space<vmem>>
        %scatter3A_743 = tpu.memref_squeeze %scatter3A_742 : memref<1x8x8x129xf32, #tpu.memory_space<vmem>> -> memref<8x8x129xf32, #tpu.memory_space<vmem>>
        tpu.vector_store_idx %scatter3A_743[%shift_right_arithmetic3A_52, %and3A_79, %broadcast_in_dim3A_731], %add3A_738 : memref<8x8x129xf32, #tpu.memory_space<vmem>>[vector<16xi32>, vector<16xi32>, vector<16xi32>], vector<16xf32>,
        %add3A_744 = arith.constant 0 : i32
        %add3A_745 = arith.addi %add3A_744, %scan3A_730 : i32
        %get3A_746 = arith.constant 1 : i32
        %get3A_747 = arith.index_cast %get3A_746 : i32 to index
        %get3A_748 = arith.index_cast %add3A_745 : i32 to index
        %get3A_749 = arith.constant 16 : index
        %get3A_750 = tpu.vector_load %arg8[%get3A_747, %get3A_748, %get3A_749] {strides = array<i32>} : memref<4x256x64xf32, #tpu.memory_space<vmem>>, vector<16xf32>,
        %add3A_751 = arith.addf %get3A_750, %gather3A_328 : vector<16xf32>
        %scatter3A_752 = arith.constant 0 : i32
        %scatter3A_753 = arith.constant 0 : i32
        %scatter3A_754 = arith.constant 0 : i32
        %scatter3A_755 = arith.constant 0 : i32
        %scatter3A_756 = tpu.memref_slice %arg9[%scatter3A_752, %scatter3A_753, %scatter3A_754, %scatter3A_755] : memref<2x8x8x129xf32, #tpu.memory_space<vmem>> -> memref<1x8x8x129xf32, #tpu.memory_space<vmem>>
        %scatter3A_757 = tpu.memref_squeeze %scatter3A_756 : memref<1x8x8x129xf32, #tpu.memory_space<vmem>> -> memref<8x8x129xf32, #tpu.memory_space<vmem>>
        tpu.vector_store_idx %scatter3A_757[%shift_right_arithmetic3A_59, %and3A_86, %broadcast_in_dim3A_731], %add3A_751 : memref<8x8x129xf32, #tpu.memory_space<vmem>>[vector<16xi32>, vector<16xi32>, vector<16xi32>], vector<16xf32>,
        %add3A_758 = arith.constant 0 : i32
        %add3A_759 = arith.addi %add3A_758, %scan3A_730 : i32
        %get3A_760 = arith.constant 1 : i32
        %get3A_761 = arith.index_cast %get3A_760 : i32 to index
        %get3A_762 = arith.index_cast %add3A_759 : i32 to index
        %get3A_763 = arith.constant 32 : index
        %get3A_764 = tpu.vector_load %arg8[%get3A_761, %get3A_762, %get3A_763] {strides = array<i32>} : memref<4x256x64xf32, #tpu.memory_space<vmem>>, vector<16xf32>,
        %add3A_765 = arith.addf %get3A_764, %gather3A_329 : vector<16xf32>
        %scatter3A_766 = arith.constant 0 : i32
        %scatter3A_767 = arith.constant 0 : i32
        %scatter3A_768 = arith.constant 0 : i32
        %scatter3A_769 = arith.constant 0 : i32
        %scatter3A_770 = tpu.memref_slice %arg9[%scatter3A_766, %scatter3A_767, %scatter3A_768, %scatter3A_769] : memref<2x8x8x129xf32, #tpu.memory_space<vmem>> -> memref<1x8x8x129xf32, #tpu.memory_space<vmem>>
        %scatter3A_771 = tpu.memref_squeeze %scatter3A_770 : memref<1x8x8x129xf32, #tpu.memory_space<vmem>> -> memref<8x8x129xf32, #tpu.memory_space<vmem>>
        tpu.vector_store_idx %scatter3A_771[%shift_right_arithmetic3A_66, %and3A_93, %broadcast_in_dim3A_731], %add3A_765 : memref<8x8x129xf32, #tpu.memory_space<vmem>>[vector<16xi32>, vector<16xi32>, vector<16xi32>], vector<16xf32>,
        %add3A_772 = arith.constant 0 : i32
        %add3A_773 = arith.addi %add3A_772, %scan3A_730 : i32
        %get3A_774 = arith.constant 1 : i32
        %get3A_775 = arith.index_cast %get3A_774 : i32 to index
        %get3A_776 = arith.index_cast %add3A_773 : i32 to index
        %get3A_777 = arith.constant 48 : index
        %get3A_778 = tpu.vector_load %arg8[%get3A_775, %get3A_776, %get3A_777] {strides = array<i32>} : memref<4x256x64xf32, #tpu.memory_space<vmem>>, vector<16xf32>,
        %add3A_779 = arith.addf %get3A_778, %gather3A_330 : vector<16xf32>
        %scatter3A_780 = arith.constant 0 : i32
        %scatter3A_781 = arith.constant 0 : i32
        %scatter3A_782 = arith.constant 0 : i32
        %scatter3A_783 = arith.constant 0 : i32
        %scatter3A_784 = tpu.memref_slice %arg9[%scatter3A_780, %scatter3A_781, %scatter3A_782, %scatter3A_783] : memref<2x8x8x129xf32, #tpu.memory_space<vmem>> -> memref<1x8x8x129xf32, #tpu.memory_space<vmem>>
        %scatter3A_785 = tpu.memref_squeeze %scatter3A_784 : memref<1x8x8x129xf32, #tpu.memory_space<vmem>> -> memref<8x8x129xf32, #tpu.memory_space<vmem>>
        tpu.vector_store_idx %scatter3A_785[%shift_right_arithmetic3A_73, %and3A_100, %broadcast_in_dim3A_731], %add3A_779 : memref<8x8x129xf32, #tpu.memory_space<vmem>>[vector<16xi32>, vector<16xi32>, vector<16xi32>], vector<16xf32>,
        %scan3A_786 = arith.constant 1 : i32
        %scan3A_787 = arith.addi %scan3A_730, %scan3A_786 : i32
        %broadcast_in_dim3A_788 = vector.broadcast %scan3A_787 : i32 to vector<16xi32>
        %add3A_789 = arith.constant 0 : i32
        %add3A_790 = arith.addi %add3A_789, %scan3A_787 : i32
        %get3A_791 = arith.constant 1 : i32
        %get3A_792 = arith.index_cast %get3A_791 : i32 to index
        %get3A_793 = arith.index_cast %add3A_790 : i32 to index
        %get3A_794 = arith.constant 0 : index
        %get3A_795 = tpu.vector_load %arg8[%get3A_792, %get3A_793, %get3A_794] {strides = array<i32>} : memref<4x256x64xf32, #tpu.memory_space<vmem>>, vector<16xf32>,
        %add3A_796 = arith.addf %get3A_795, %gather3A_327 : vector<16xf32>
        %scatter3A_797 = arith.constant 0 : i32
        %scatter3A_798 = arith.constant 0 : i32
        %scatter3A_799 = arith.constant 0 : i32
        %scatter3A_800 = arith.constant 0 : i32
        %scatter3A_801 = tpu.memref_slice %arg9[%scatter3A_797, %scatter3A_798, %scatter3A_799, %scatter3A_800] : memref<2x8x8x129xf32, #tpu.memory_space<vmem>> -> memref<1x8x8x129xf32, #tpu.memory_space<vmem>>
        %scatter3A_802 = tpu.memref_squeeze %scatter3A_801 : memref<1x8x8x129xf32, #tpu.memory_space<vmem>> -> memref<8x8x129xf32, #tpu.memory_space<vmem>>
        tpu.vector_store_idx %scatter3A_802[%shift_right_arithmetic3A_52, %and3A_79, %broadcast_in_dim3A_788], %add3A_796 : memref<8x8x129xf32, #tpu.memory_space<vmem>>[vector<16xi32>, vector<16xi32>, vector<16xi32>], vector<16xf32>,
        %add3A_803 = arith.constant 0 : i32
        %add3A_804 = arith.addi %add3A_803, %scan3A_787 : i32
        %get3A_805 = arith.constant 1 : i32
        %get3A_806 = arith.index_cast %get3A_805 : i32 to index
        %get3A_807 = arith.index_cast %add3A_804 : i32 to index
        %get3A_808 = arith.constant 16 : index
        %get3A_809 = tpu.vector_load %arg8[%get3A_806, %get3A_807, %get3A_808] {strides = array<i32>} : memref<4x256x64xf32, #tpu.memory_space<vmem>>, vector<16xf32>,
        %add3A_810 = arith.addf %get3A_809, %gather3A_328 : vector<16xf32>
        %scatter3A_811 = arith.constant 0 : i32
        %scatter3A_812 = arith.constant 0 : i32
        %scatter3A_813 = arith.constant 0 : i32
        %scatter3A_814 = arith.constant 0 : i32
        %scatter3A_815 = tpu.memref_slice %arg9[%scatter3A_811, %scatter3A_812, %scatter3A_813, %scatter3A_814] : memref<2x8x8x129xf32, #tpu.memory_space<vmem>> -> memref<1x8x8x129xf32, #tpu.memory_space<vmem>>
        %scatter3A_816 = tpu.memref_squeeze %scatter3A_815 : memref<1x8x8x129xf32, #tpu.memory_space<vmem>> -> memref<8x8x129xf32, #tpu.memory_space<vmem>>
        tpu.vector_store_idx %scatter3A_816[%shift_right_arithmetic3A_59, %and3A_86, %broadcast_in_dim3A_788], %add3A_810 : memref<8x8x129xf32, #tpu.memory_space<vmem>>[vector<16xi32>, vector<16xi32>, vector<16xi32>], vector<16xf32>,
        %add3A_817 = arith.constant 0 : i32
        %add3A_818 = arith.addi %add3A_817, %scan3A_787 : i32
        %get3A_819 = arith.constant 1 : i32
        %get3A_820 = arith.index_cast %get3A_819 : i32 to index
        %get3A_821 = arith.index_cast %add3A_818 : i32 to index
        %get3A_822 = arith.constant 32 : index
        %get3A_823 = tpu.vector_load %arg8[%get3A_820, %get3A_821, %get3A_822] {strides = array<i32>} : memref<4x256x64xf32, #tpu.memory_space<vmem>>, vector<16xf32>,
        %add3A_824 = arith.addf %get3A_823, %gather3A_329 : vector<16xf32>
        %scatter3A_825 = arith.constant 0 : i32
        %scatter3A_826 = arith.constant 0 : i32
        %scatter3A_827 = arith.constant 0 : i32
        %scatter3A_828 = arith.constant 0 : i32
        %scatter3A_829 = tpu.memref_slice %arg9[%scatter3A_825, %scatter3A_826, %scatter3A_827, %scatter3A_828] : memref<2x8x8x129xf32, #tpu.memory_space<vmem>> -> memref<1x8x8x129xf32, #tpu.memory_space<vmem>>
        %scatter3A_830 = tpu.memref_squeeze %scatter3A_829 : memref<1x8x8x129xf32, #tpu.memory_space<vmem>> -> memref<8x8x129xf32, #tpu.memory_space<vmem>>
        tpu.vector_store_idx %scatter3A_830[%shift_right_arithmetic3A_66, %and3A_93, %broadcast_in_dim3A_788], %add3A_824 : memref<8x8x129xf32, #tpu.memory_space<vmem>>[vector<16xi32>, vector<16xi32>, vector<16xi32>], vector<16xf32>,
        %add3A_831 = arith.constant 0 : i32
        %add3A_832 = arith.addi %add3A_831, %scan3A_787 : i32
        %get3A_833 = arith.constant 1 : i32
        %get3A_834 = arith.index_cast %get3A_833 : i32 to index
        %get3A_835 = arith.index_cast %add3A_832 : i32 to index
        %get3A_836 = arith.constant 48 : index
        %get3A_837 = tpu.vector_load %arg8[%get3A_834, %get3A_835, %get3A_836] {strides = array<i32>} : memref<4x256x64xf32, #tpu.memory_space<vmem>>, vector<16xf32>,
        %add3A_838 = arith.addf %get3A_837, %gather3A_330 : vector<16xf32>
        %scatter3A_839 = arith.constant 0 : i32
        %scatter3A_840 = arith.constant 0 : i32
        %scatter3A_841 = arith.constant 0 : i32
        %scatter3A_842 = arith.constant 0 : i32
        %scatter3A_843 = tpu.memref_slice %arg9[%scatter3A_839, %scatter3A_840, %scatter3A_841, %scatter3A_842] : memref<2x8x8x129xf32, #tpu.memory_space<vmem>> -> memref<1x8x8x129xf32, #tpu.memory_space<vmem>>
        %scatter3A_844 = tpu.memref_squeeze %scatter3A_843 : memref<1x8x8x129xf32, #tpu.memory_space<vmem>> -> memref<8x8x129xf32, #tpu.memory_space<vmem>>
        tpu.vector_store_idx %scatter3A_844[%shift_right_arithmetic3A_73, %and3A_100, %broadcast_in_dim3A_788], %add3A_838 : memref<8x8x129xf32, #tpu.memory_space<vmem>>[vector<16xi32>, vector<16xi32>, vector<16xi32>], vector<16xf32>,
        %scan3A_845 = arith.constant 2 : i32
        %scan3A_846 = arith.addi %scan3A_730, %scan3A_845 : i32
        %broadcast_in_dim3A_847 = vector.broadcast %scan3A_846 : i32 to vector<16xi32>
        %add3A_848 = arith.constant 0 : i32
        %add3A_849 = arith.addi %add3A_848, %scan3A_846 : i32
        %get3A_850 = arith.constant 1 : i32
        %get3A_851 = arith.index_cast %get3A_850 : i32 to index
        %get3A_852 = arith.index_cast %add3A_849 : i32 to index
        %get3A_853 = arith.constant 0 : index
        %get3A_854 = tpu.vector_load %arg8[%get3A_851, %get3A_852, %get3A_853] {strides = array<i32>} : memref<4x256x64xf32, #tpu.memory_space<vmem>>, vector<16xf32>,
        %add3A_855 = arith.addf %get3A_854, %gather3A_327 : vector<16xf32>
        %scatter3A_856 = arith.constant 0 : i32
        %scatter3A_857 = arith.constant 0 : i32
        %scatter3A_858 = arith.constant 0 : i32
        %scatter3A_859 = arith.constant 0 : i32
        %scatter3A_860 = tpu.memref_slice %arg9[%scatter3A_856, %scatter3A_857, %scatter3A_858, %scatter3A_859] : memref<2x8x8x129xf32, #tpu.memory_space<vmem>> -> memref<1x8x8x129xf32, #tpu.memory_space<vmem>>
        %scatter3A_861 = tpu.memref_squeeze %scatter3A_860 : memref<1x8x8x129xf32, #tpu.memory_space<vmem>> -> memref<8x8x129xf32, #tpu.memory_space<vmem>>
        tpu.vector_store_idx %scatter3A_861[%shift_right_arithmetic3A_52, %and3A_79, %broadcast_in_dim3A_847], %add3A_855 : memref<8x8x129xf32, #tpu.memory_space<vmem>>[vector<16xi32>, vector<16xi32>, vector<16xi32>], vector<16xf32>,
        %add3A_862 = arith.constant 0 : i32
        %add3A_863 = arith.addi %add3A_862, %scan3A_846 : i32
        %get3A_864 = arith.constant 1 : i32
        %get3A_865 = arith.index_cast %get3A_864 : i32 to index
        %get3A_866 = arith.index_cast %add3A_863 : i32 to index
        %get3A_867 = arith.constant 16 : index
        %get3A_868 = tpu.vector_load %arg8[%get3A_865, %get3A_866, %get3A_867] {strides = array<i32>} : memref<4x256x64xf32, #tpu.memory_space<vmem>>, vector<16xf32>,
        %add3A_869 = arith.addf %get3A_868, %gather3A_328 : vector<16xf32>
        %scatter3A_870 = arith.constant 0 : i32
        %scatter3A_871 = arith.constant 0 : i32
        %scatter3A_872 = arith.constant 0 : i32
        %scatter3A_873 = arith.constant 0 : i32
        %scatter3A_874 = tpu.memref_slice %arg9[%scatter3A_870, %scatter3A_871, %scatter3A_872, %scatter3A_873] : memref<2x8x8x129xf32, #tpu.memory_space<vmem>> -> memref<1x8x8x129xf32, #tpu.memory_space<vmem>>
        %scatter3A_875 = tpu.memref_squeeze %scatter3A_874 : memref<1x8x8x129xf32, #tpu.memory_space<vmem>> -> memref<8x8x129xf32, #tpu.memory_space<vmem>>
        tpu.vector_store_idx %scatter3A_875[%shift_right_arithmetic3A_59, %and3A_86, %broadcast_in_dim3A_847], %add3A_869 : memref<8x8x129xf32, #tpu.memory_space<vmem>>[vector<16xi32>, vector<16xi32>, vector<16xi32>], vector<16xf32>,
        %add3A_876 = arith.constant 0 : i32
        %add3A_877 = arith.addi %add3A_876, %scan3A_846 : i32
        %get3A_878 = arith.constant 1 : i32
        %get3A_879 = arith.index_cast %get3A_878 : i32 to index
        %get3A_880 = arith.index_cast %add3A_877 : i32 to index
        %get3A_881 = arith.constant 32 : index
        %get3A_882 = tpu.vector_load %arg8[%get3A_879, %get3A_880, %get3A_881] {strides = array<i32>} : memref<4x256x64xf32, #tpu.memory_space<vmem>>, vector<16xf32>,
        %add3A_883 = arith.addf %get3A_882, %gather3A_329 : vector<16xf32>
        %scatter3A_884 = arith.constant 0 : i32
        %scatter3A_885 = arith.constant 0 : i32
        %scatter3A_886 = arith.constant 0 : i32
        %scatter3A_887 = arith.constant 0 : i32
        %scatter3A_888 = tpu.memref_slice %arg9[%scatter3A_884, %scatter3A_885, %scatter3A_886, %scatter3A_887] : memref<2x8x8x129xf32, #tpu.memory_space<vmem>> -> memref<1x8x8x129xf32, #tpu.memory_space<vmem>>
        %scatter3A_889 = tpu.memref_squeeze %scatter3A_888 : memref<1x8x8x129xf32, #tpu.memory_space<vmem>> -> memref<8x8x129xf32, #tpu.memory_space<vmem>>
        tpu.vector_store_idx %scatter3A_889[%shift_right_arithmetic3A_66, %and3A_93, %broadcast_in_dim3A_847], %add3A_883 : memref<8x8x129xf32, #tpu.memory_space<vmem>>[vector<16xi32>, vector<16xi32>, vector<16xi32>], vector<16xf32>,
        %add3A_890 = arith.constant 0 : i32
        %add3A_891 = arith.addi %add3A_890, %scan3A_846 : i32
        %get3A_892 = arith.constant 1 : i32
        %get3A_893 = arith.index_cast %get3A_892 : i32 to index
        %get3A_894 = arith.index_cast %add3A_891 : i32 to index
        %get3A_895 = arith.constant 48 : index
        %get3A_896 = tpu.vector_load %arg8[%get3A_893, %get3A_894, %get3A_895] {strides = array<i32>} : memref<4x256x64xf32, #tpu.memory_space<vmem>>, vector<16xf32>,
        %add3A_897 = arith.addf %get3A_896, %gather3A_330 : vector<16xf32>
        %scatter3A_898 = arith.constant 0 : i32
        %scatter3A_899 = arith.constant 0 : i32
        %scatter3A_900 = arith.constant 0 : i32
        %scatter3A_901 = arith.constant 0 : i32
        %scatter3A_902 = tpu.memref_slice %arg9[%scatter3A_898, %scatter3A_899, %scatter3A_900, %scatter3A_901] : memref<2x8x8x129xf32, #tpu.memory_space<vmem>> -> memref<1x8x8x129xf32, #tpu.memory_space<vmem>>
        %scatter3A_903 = tpu.memref_squeeze %scatter3A_902 : memref<1x8x8x129xf32, #tpu.memory_space<vmem>> -> memref<8x8x129xf32, #tpu.memory_space<vmem>>
        tpu.vector_store_idx %scatter3A_903[%shift_right_arithmetic3A_73, %and3A_100, %broadcast_in_dim3A_847], %add3A_897 : memref<8x8x129xf32, #tpu.memory_space<vmem>>[vector<16xi32>, vector<16xi32>, vector<16xi32>], vector<16xf32>,
        %scan3A_904 = arith.constant 3 : i32
        %scan3A_905 = arith.addi %scan3A_730, %scan3A_904 : i32
        %broadcast_in_dim3A_906 = vector.broadcast %scan3A_905 : i32 to vector<16xi32>
        %add3A_907 = arith.constant 0 : i32
        %add3A_908 = arith.addi %add3A_907, %scan3A_905 : i32
        %get3A_909 = arith.constant 1 : i32
        %get3A_910 = arith.index_cast %get3A_909 : i32 to index
        %get3A_911 = arith.index_cast %add3A_908 : i32 to index
        %get3A_912 = arith.constant 0 : index
        %get3A_913 = tpu.vector_load %arg8[%get3A_910, %get3A_911, %get3A_912] {strides = array<i32>} : memref<4x256x64xf32, #tpu.memory_space<vmem>>, vector<16xf32>,
        %add3A_914 = arith.addf %get3A_913, %gather3A_327 : vector<16xf32>
        %scatter3A_915 = arith.constant 0 : i32
        %scatter3A_916 = arith.constant 0 : i32
        %scatter3A_917 = arith.constant 0 : i32
        %scatter3A_918 = arith.constant 0 : i32
        %scatter3A_919 = tpu.memref_slice %arg9[%scatter3A_915, %scatter3A_916, %scatter3A_917, %scatter3A_918] : memref<2x8x8x129xf32, #tpu.memory_space<vmem>> -> memref<1x8x8x129xf32, #tpu.memory_space<vmem>>
        %scatter3A_920 = tpu.memref_squeeze %scatter3A_919 : memref<1x8x8x129xf32, #tpu.memory_space<vmem>> -> memref<8x8x129xf32, #tpu.memory_space<vmem>>
        tpu.vector_store_idx %scatter3A_920[%shift_right_arithmetic3A_52, %and3A_79, %broadcast_in_dim3A_906], %add3A_914 : memref<8x8x129xf32, #tpu.memory_space<vmem>>[vector<16xi32>, vector<16xi32>, vector<16xi32>], vector<16xf32>,
        %add3A_921 = arith.constant 0 : i32
        %add3A_922 = arith.addi %add3A_921, %scan3A_905 : i32
        %get3A_923 = arith.constant 1 : i32
        %get3A_924 = arith.index_cast %get3A_923 : i32 to index
        %get3A_925 = arith.index_cast %add3A_922 : i32 to index
        %get3A_926 = arith.constant 16 : index
        %get3A_927 = tpu.vector_load %arg8[%get3A_924, %get3A_925, %get3A_926] {strides = array<i32>} : memref<4x256x64xf32, #tpu.memory_space<vmem>>, vector<16xf32>,
        %add3A_928 = arith.addf %get3A_927, %gather3A_328 : vector<16xf32>
        %scatter3A_929 = arith.constant 0 : i32
        %scatter3A_930 = arith.constant 0 : i32
        %scatter3A_931 = arith.constant 0 : i32
        %scatter3A_932 = arith.constant 0 : i32
        %scatter3A_933 = tpu.memref_slice %arg9[%scatter3A_929, %scatter3A_930, %scatter3A_931, %scatter3A_932] : memref<2x8x8x129xf32, #tpu.memory_space<vmem>> -> memref<1x8x8x129xf32, #tpu.memory_space<vmem>>
        %scatter3A_934 = tpu.memref_squeeze %scatter3A_933 : memref<1x8x8x129xf32, #tpu.memory_space<vmem>> -> memref<8x8x129xf32, #tpu.memory_space<vmem>>
        tpu.vector_store_idx %scatter3A_934[%shift_right_arithmetic3A_59, %and3A_86, %broadcast_in_dim3A_906], %add3A_928 : memref<8x8x129xf32, #tpu.memory_space<vmem>>[vector<16xi32>, vector<16xi32>, vector<16xi32>], vector<16xf32>,
        %add3A_935 = arith.constant 0 : i32
        %add3A_936 = arith.addi %add3A_935, %scan3A_905 : i32
        %get3A_937 = arith.constant 1 : i32
        %get3A_938 = arith.index_cast %get3A_937 : i32 to index
        %get3A_939 = arith.index_cast %add3A_936 : i32 to index
        %get3A_940 = arith.constant 32 : index
        %get3A_941 = tpu.vector_load %arg8[%get3A_938, %get3A_939, %get3A_940] {strides = array<i32>} : memref<4x256x64xf32, #tpu.memory_space<vmem>>, vector<16xf32>,
        %add3A_942 = arith.addf %get3A_941, %gather3A_329 : vector<16xf32>
        %scatter3A_943 = arith.constant 0 : i32
        %scatter3A_944 = arith.constant 0 : i32
        %scatter3A_945 = arith.constant 0 : i32
        %scatter3A_946 = arith.constant 0 : i32
        %scatter3A_947 = tpu.memref_slice %arg9[%scatter3A_943, %scatter3A_944, %scatter3A_945, %scatter3A_946] : memref<2x8x8x129xf32, #tpu.memory_space<vmem>> -> memref<1x8x8x129xf32, #tpu.memory_space<vmem>>
        %scatter3A_948 = tpu.memref_squeeze %scatter3A_947 : memref<1x8x8x129xf32, #tpu.memory_space<vmem>> -> memref<8x8x129xf32, #tpu.memory_space<vmem>>
        tpu.vector_store_idx %scatter3A_948[%shift_right_arithmetic3A_66, %and3A_93, %broadcast_in_dim3A_906], %add3A_942 : memref<8x8x129xf32, #tpu.memory_space<vmem>>[vector<16xi32>, vector<16xi32>, vector<16xi32>], vector<16xf32>,
        %add3A_949 = arith.constant 0 : i32
        %add3A_950 = arith.addi %add3A_949, %scan3A_905 : i32
        %get3A_951 = arith.constant 1 : i32
        %get3A_952 = arith.index_cast %get3A_951 : i32 to index
        %get3A_953 = arith.index_cast %add3A_950 : i32 to index
        %get3A_954 = arith.constant 48 : index
        %get3A_955 = tpu.vector_load %arg8[%get3A_952, %get3A_953, %get3A_954] {strides = array<i32>} : memref<4x256x64xf32, #tpu.memory_space<vmem>>, vector<16xf32>,
        %add3A_956 = arith.addf %get3A_955, %gather3A_330 : vector<16xf32>
        %scatter3A_957 = arith.constant 0 : i32
        %scatter3A_958 = arith.constant 0 : i32
        %scatter3A_959 = arith.constant 0 : i32
        %scatter3A_960 = arith.constant 0 : i32
        %scatter3A_961 = tpu.memref_slice %arg9[%scatter3A_957, %scatter3A_958, %scatter3A_959, %scatter3A_960] : memref<2x8x8x129xf32, #tpu.memory_space<vmem>> -> memref<1x8x8x129xf32, #tpu.memory_space<vmem>>
        %scatter3A_962 = tpu.memref_squeeze %scatter3A_961 : memref<1x8x8x129xf32, #tpu.memory_space<vmem>> -> memref<8x8x129xf32, #tpu.memory_space<vmem>>
        tpu.vector_store_idx %scatter3A_962[%shift_right_arithmetic3A_73, %and3A_100, %broadcast_in_dim3A_906], %add3A_956 : memref<8x8x129xf32, #tpu.memory_space<vmem>>[vector<16xi32>, vector<16xi32>, vector<16xi32>], vector<16xf32>,
      }
      %scan3A_336 = arith.constant 128 : i32
      %dma_start3A_337 = arith.constant 0 : i32
      %dma_start3A_338 = arith.constant 0 : i32
      %dma_start3A_339 = arith.constant 0 : i32
      %dma_start3A_340 = arith.constant 0 : i32
      %dma_start3A_341 = tpu.memref_slice %arg9[%dma_start3A_337, %dma_start3A_338, %dma_start3A_339, %dma_start3A_340] : memref<2x8x8x129xf32, #tpu.memory_space<vmem>> -> memref<1x8x8x128xf32, #tpu.memory_space<vmem>>
      %dma_start3A_342 = tpu.memref_squeeze %dma_start3A_341 : memref<1x8x8x128xf32, #tpu.memory_space<vmem>> -> memref<8x8x128xf32, #tpu.memory_space<vmem>>
      %dma_start3A_343 = arith.constant 0 : i32
      %dma_start3A_344 = arith.constant 0 : i32
      %dma_start3A_345 = arith.constant 0 : i32
      %dma_start3A_346 = tpu.memref_slice %arg5[%add3A_302, %dma_start3A_343, %add3A, %dma_start3A_344, %dma_start3A_345] : memref<200x8x32x8x128xf32, #tpu.memory_space<hbm>> -> memref<1x8x1x8x128xf32, #tpu.memory_space<hbm>>
      %dma_start3A_347 = tpu.memref_squeeze %dma_start3A_346 : memref<1x8x1x8x128xf32, #tpu.memory_space<hbm>> -> memref<8x8x128xf32, #tpu.memory_space<hbm>>
      %dma_start3A_348 = arith.constant 0 : i32
      %dma_start3A_349 = arith.constant 0 : i32
      %dma_start3A_350 = arith.constant 0 : i32
      %dma_start3A_351 = tpu.memref_slice %arg5[%add3A_302, %dma_start3A_348, %add3A, %dma_start3A_349, %dma_start3A_350] : memref<200x8x32x8x128xf32, #tpu.memory_space<hbm>> -> memref<1x8x1x8x128xf32, #tpu.memory_space<hbm>>
      %dma_start3A_352 = tpu.memref_squeeze %dma_start3A_351 : memref<1x8x1x8x128xf32, #tpu.memory_space<hbm>> -> memref<8x8x128xf32, #tpu.memory_space<hbm>>
      %dma_start3A_353 = arith.constant 0 : i32
      %dma_start3A_354 = arith.constant 0 : i32
      %dma_start3A_355 = arith.constant 0 : i32
      %dma_start3A_356 = tpu.memref_slice %arg9[%dma_start3A_337, %dma_start3A_353, %dma_start3A_354, %dma_start3A_355] : memref<2x8x8x129xf32, #tpu.memory_space<vmem>> -> memref<1x8x8x128xf32, #tpu.memory_space<vmem>>
      %dma_start3A_357 = tpu.memref_squeeze %dma_start3A_356 : memref<1x8x8x128xf32, #tpu.memory_space<vmem>> -> memref<8x8x128xf32, #tpu.memory_space<vmem>>
      tpu.enqueue_dma source(%dma_start3A_357 : memref<8x8x128xf32, #tpu.memory_space<vmem>>) target(%dma_start3A_352 : memref<8x8x128xf32, #tpu.memory_space<hbm>>) target_semaphore(%arg14 : memref<!tpu.dma_semaphore, #tpu.memory_space<semaphore_mem>>)
      %mul3A_358 = arith.constant 2 : i32
      %mul3A_359 = arith.muli %mul3A_358, %add3A_280 : i32
      %add3A_360 = arith.constant 1 : i32
      %add3A_361 = arith.addi %mul3A_359, %add3A_360 : i32
      %dma_wait3A_362 = arith.constant 1 : i32
      %dma_wait3A_363 = arith.constant 0 : i32
      %dma_wait3A_364 = arith.constant 0 : i32
      %dma_wait3A_365 = arith.constant 0 : i32
      %dma_wait3A_366 = arith.constant 0 : i32
      %dma_wait3A_367 = arith.constant 0 : i32
      %dma_wait3A_368 = tpu.memref_slice %arg9[%dma_wait3A_362, %dma_wait3A_365, %dma_wait3A_366, %dma_wait3A_367] : memref<2x8x8x129xf32, #tpu.memory_space<vmem>> -> memref<1x8x8x128xf32, #tpu.memory_space<vmem>>
      %dma_wait3A_369 = tpu.memref_squeeze %dma_wait3A_368 : memref<1x8x8x128xf32, #tpu.memory_space<vmem>> -> memref<8x8x128xf32, #tpu.memory_space<vmem>>
      %dma_wait3A_370 = arith.constant 0 : i32
      %dma_wait3A_371 = arith.constant 0 : i32
      %dma_wait3A_372 = arith.constant 0 : i32
      %dma_wait3A_373 = tpu.memref_slice %arg5[%dma_wait3A_363, %dma_wait3A_370, %dma_wait3A_364, %dma_wait3A_371, %dma_wait3A_372] : memref<200x8x32x8x128xf32, #tpu.memory_space<hbm>> -> memref<1x8x1x8x128xf32, #tpu.memory_space<hbm>>
      %dma_wait3A_374 = tpu.memref_squeeze %dma_wait3A_373 : memref<1x8x1x8x128xf32, #tpu.memory_space<hbm>> -> memref<8x8x128xf32, #tpu.memory_space<hbm>>
      %dma_wait3A_375 = arith.constant 0 : i32
      %dma_wait3A_376 = arith.constant 0 : i32
      %dma_wait3A_377 = arith.constant 0 : i32
      %dma_wait3A_378 = tpu.memref_slice %arg5[%dma_wait3A_363, %dma_wait3A_375, %dma_wait3A_364, %dma_wait3A_376, %dma_wait3A_377] : memref<200x8x32x8x128xf32, #tpu.memory_space<hbm>> -> memref<1x8x1x8x128xf32, #tpu.memory_space<hbm>>
      %dma_wait3A_379 = tpu.memref_squeeze %dma_wait3A_378 : memref<1x8x1x8x128xf32, #tpu.memory_space<hbm>> -> memref<8x8x128xf32, #tpu.memory_space<hbm>>
      %dma_wait3A_380 = arith.constant 0 : i32
      %dma_wait3A_381 = arith.constant 0 : i32
      %dma_wait3A_382 = arith.constant 0 : i32
      %dma_wait3A_383 = tpu.memref_slice %arg9[%dma_wait3A_362, %dma_wait3A_380, %dma_wait3A_381, %dma_wait3A_382] : memref<2x8x8x129xf32, #tpu.memory_space<vmem>> -> memref<1x8x8x128xf32, #tpu.memory_space<vmem>>
      %dma_wait3A_384 = tpu.memref_squeeze %dma_wait3A_383 : memref<1x8x8x128xf32, #tpu.memory_space<vmem>> -> memref<8x8x128xf32, #tpu.memory_space<vmem>>
      tpu.wait_dma2 semaphore(%arg15 : memref<!tpu.dma_semaphore, #tpu.memory_space<semaphore_mem>>) src(%dma_wait3A_384 : memref<8x8x128xf32, #tpu.memory_space<vmem>>) dst(%dma_wait3A_379 : memref<8x8x128xf32, #tpu.memory_space<hbm>>)
      %broadcast_in_dim3A_385 = vector.broadcast %add3A_361 : i32 to vector<16xi32>
      %gather3A_386 = tpu.vector_load_idx %arg6[%add3A_104, %broadcast_in_dim3A_385] : memref<64x200xf32, #tpu.memory_space<vmem>>[vector<16xi32>, vector<16xi32>], vector<16xf32>,
      %gather3A_387 = tpu.vector_load_idx %arg6[%add3A_108, %broadcast_in_dim3A_385] : memref<64x200xf32, #tpu.memory_space<vmem>>[vector<16xi32>, vector<16xi32>], vector<16xf32>,
      %gather3A_388 = tpu.vector_load_idx %arg6[%add3A_112, %broadcast_in_dim3A_385] : memref<64x200xf32, #tpu.memory_space<vmem>>[vector<16xi32>, vector<16xi32>], vector<16xf32>,
      %gather3A_389 = tpu.vector_load_idx %arg6[%add3A_116, %broadcast_in_dim3A_385] : memref<64x200xf32, #tpu.memory_space<vmem>>[vector<16xi32>, vector<16xi32>], vector<16xf32>,
      %scan3A_390 = arith.constant 0 : i32
      %scan3A_391 = arith.constant 0 : i32
      %scan3A_392 = arith.constant 128 : i32
      %scan3A_393 = arith.addi %scan3A_391, %scan3A_392 : i32
      %scan3A_394 = arith.constant 4 : i32
      scf.for %scan3A_730 = %scan3A_391 to %scan3A_393 step %scan3A_394  : i32 {
        %broadcast_in_dim3A_731 = vector.broadcast %scan3A_730 : i32 to vector<16xi32>
        %add3A_732 = arith.constant 128 : i32
        %add3A_733 = arith.addi %add3A_732, %scan3A_730 : i32
        %get3A = arith.constant 1 : i32
        %get3A_734 = arith.index_cast %get3A : i32 to index
        %get3A_735 = arith.index_cast %add3A_733 : i32 to index
        %get3A_736 = arith.constant 0 : index
        %get3A_737 = tpu.vector_load %arg8[%get3A_734, %get3A_735, %get3A_736] {strides = array<i32>} : memref<4x256x64xf32, #tpu.memory_space<vmem>>, vector<16xf32>,
        %add3A_738 = arith.addf %get3A_737, %gather3A_386 : vector<16xf32>
        %scatter3A = arith.constant 1 : i32
        %scatter3A_739 = arith.constant 0 : i32
        %scatter3A_740 = arith.constant 0 : i32
        %scatter3A_741 = arith.constant 0 : i32
        %scatter3A_742 = tpu.memref_slice %arg9[%scatter3A, %scatter3A_739, %scatter3A_740, %scatter3A_741] : memref<2x8x8x129xf32, #tpu.memory_space<vmem>> -> memref<1x8x8x129xf32, #tpu.memory_space<vmem>>
        %scatter3A_743 = tpu.memref_squeeze %scatter3A_742 : memref<1x8x8x129xf32, #tpu.memory_space<vmem>> -> memref<8x8x129xf32, #tpu.memory_space<vmem>>
        tpu.vector_store_idx %scatter3A_743[%shift_right_arithmetic3A_52, %and3A_79, %broadcast_in_dim3A_731], %add3A_738 : memref<8x8x129xf32, #tpu.memory_space<vmem>>[vector<16xi32>, vector<16xi32>, vector<16xi32>], vector<16xf32>,
        %add3A_744 = arith.constant 128 : i32
        %add3A_745 = arith.addi %add3A_744, %scan3A_730 : i32
        %get3A_746 = arith.constant 1 : i32
        %get3A_747 = arith.index_cast %get3A_746 : i32 to index
        %get3A_748 = arith.index_cast %add3A_745 : i32 to index
        %get3A_749 = arith.constant 16 : index
        %get3A_750 = tpu.vector_load %arg8[%get3A_747, %get3A_748, %get3A_749] {strides = array<i32>} : memref<4x256x64xf32, #tpu.memory_space<vmem>>, vector<16xf32>,
        %add3A_751 = arith.addf %get3A_750, %gather3A_387 : vector<16xf32>
        %scatter3A_752 = arith.constant 1 : i32
        %scatter3A_753 = arith.constant 0 : i32
        %scatter3A_754 = arith.constant 0 : i32
        %scatter3A_755 = arith.constant 0 : i32
        %scatter3A_756 = tpu.memref_slice %arg9[%scatter3A_752, %scatter3A_753, %scatter3A_754, %scatter3A_755] : memref<2x8x8x129xf32, #tpu.memory_space<vmem>> -> memref<1x8x8x129xf32, #tpu.memory_space<vmem>>
        %scatter3A_757 = tpu.memref_squeeze %scatter3A_756 : memref<1x8x8x129xf32, #tpu.memory_space<vmem>> -> memref<8x8x129xf32, #tpu.memory_space<vmem>>
        tpu.vector_store_idx %scatter3A_757[%shift_right_arithmetic3A_59, %and3A_86, %broadcast_in_dim3A_731], %add3A_751 : memref<8x8x129xf32, #tpu.memory_space<vmem>>[vector<16xi32>, vector<16xi32>, vector<16xi32>], vector<16xf32>,
        %add3A_758 = arith.constant 128 : i32
        %add3A_759 = arith.addi %add3A_758, %scan3A_730 : i32
        %get3A_760 = arith.constant 1 : i32
        %get3A_761 = arith.index_cast %get3A_760 : i32 to index
        %get3A_762 = arith.index_cast %add3A_759 : i32 to index
        %get3A_763 = arith.constant 32 : index
        %get3A_764 = tpu.vector_load %arg8[%get3A_761, %get3A_762, %get3A_763] {strides = array<i32>} : memref<4x256x64xf32, #tpu.memory_space<vmem>>, vector<16xf32>,
        %add3A_765 = arith.addf %get3A_764, %gather3A_388 : vector<16xf32>
        %scatter3A_766 = arith.constant 1 : i32
        %scatter3A_767 = arith.constant 0 : i32
        %scatter3A_768 = arith.constant 0 : i32
        %scatter3A_769 = arith.constant 0 : i32
        %scatter3A_770 = tpu.memref_slice %arg9[%scatter3A_766, %scatter3A_767, %scatter3A_768, %scatter3A_769] : memref<2x8x8x129xf32, #tpu.memory_space<vmem>> -> memref<1x8x8x129xf32, #tpu.memory_space<vmem>>
        %scatter3A_771 = tpu.memref_squeeze %scatter3A_770 : memref<1x8x8x129xf32, #tpu.memory_space<vmem>> -> memref<8x8x129xf32, #tpu.memory_space<vmem>>
        tpu.vector_store_idx %scatter3A_771[%shift_right_arithmetic3A_66, %and3A_93, %broadcast_in_dim3A_731], %add3A_765 : memref<8x8x129xf32, #tpu.memory_space<vmem>>[vector<16xi32>, vector<16xi32>, vector<16xi32>], vector<16xf32>,
        %add3A_772 = arith.constant 128 : i32
        %add3A_773 = arith.addi %add3A_772, %scan3A_730 : i32
        %get3A_774 = arith.constant 1 : i32
        %get3A_775 = arith.index_cast %get3A_774 : i32 to index
        %get3A_776 = arith.index_cast %add3A_773 : i32 to index
        %get3A_777 = arith.constant 48 : index
        %get3A_778 = tpu.vector_load %arg8[%get3A_775, %get3A_776, %get3A_777] {strides = array<i32>} : memref<4x256x64xf32, #tpu.memory_space<vmem>>, vector<16xf32>,
        %add3A_779 = arith.addf %get3A_778, %gather3A_389 : vector<16xf32>
        %scatter3A_780 = arith.constant 1 : i32
        %scatter3A_781 = arith.constant 0 : i32
        %scatter3A_782 = arith.constant 0 : i32
        %scatter3A_783 = arith.constant 0 : i32
        %scatter3A_784 = tpu.memref_slice %arg9[%scatter3A_780, %scatter3A_781, %scatter3A_782, %scatter3A_783] : memref<2x8x8x129xf32, #tpu.memory_space<vmem>> -> memref<1x8x8x129xf32, #tpu.memory_space<vmem>>
        %scatter3A_785 = tpu.memref_squeeze %scatter3A_784 : memref<1x8x8x129xf32, #tpu.memory_space<vmem>> -> memref<8x8x129xf32, #tpu.memory_space<vmem>>
        tpu.vector_store_idx %scatter3A_785[%shift_right_arithmetic3A_73, %and3A_100, %broadcast_in_dim3A_731], %add3A_779 : memref<8x8x129xf32, #tpu.memory_space<vmem>>[vector<16xi32>, vector<16xi32>, vector<16xi32>], vector<16xf32>,
        %scan3A_786 = arith.constant 1 : i32
        %scan3A_787 = arith.addi %scan3A_730, %scan3A_786 : i32
        %broadcast_in_dim3A_788 = vector.broadcast %scan3A_787 : i32 to vector<16xi32>
        %add3A_789 = arith.constant 128 : i32
        %add3A_790 = arith.addi %add3A_789, %scan3A_787 : i32
        %get3A_791 = arith.constant 1 : i32
        %get3A_792 = arith.index_cast %get3A_791 : i32 to index
        %get3A_793 = arith.index_cast %add3A_790 : i32 to index
        %get3A_794 = arith.constant 0 : index
        %get3A_795 = tpu.vector_load %arg8[%get3A_792, %get3A_793, %get3A_794] {strides = array<i32>} : memref<4x256x64xf32, #tpu.memory_space<vmem>>, vector<16xf32>,
        %add3A_796 = arith.addf %get3A_795, %gather3A_386 : vector<16xf32>
        %scatter3A_797 = arith.constant 1 : i32
        %scatter3A_798 = arith.constant 0 : i32
        %scatter3A_799 = arith.constant 0 : i32
        %scatter3A_800 = arith.constant 0 : i32
        %scatter3A_801 = tpu.memref_slice %arg9[%scatter3A_797, %scatter3A_798, %scatter3A_799, %scatter3A_800] : memref<2x8x8x129xf32, #tpu.memory_space<vmem>> -> memref<1x8x8x129xf32, #tpu.memory_space<vmem>>
        %scatter3A_802 = tpu.memref_squeeze %scatter3A_801 : memref<1x8x8x129xf32, #tpu.memory_space<vmem>> -> memref<8x8x129xf32, #tpu.memory_space<vmem>>
        tpu.vector_store_idx %scatter3A_802[%shift_right_arithmetic3A_52, %and3A_79, %broadcast_in_dim3A_788], %add3A_796 : memref<8x8x129xf32, #tpu.memory_space<vmem>>[vector<16xi32>, vector<16xi32>, vector<16xi32>], vector<16xf32>,
        %add3A_803 = arith.constant 128 : i32
        %add3A_804 = arith.addi %add3A_803, %scan3A_787 : i32
        %get3A_805 = arith.constant 1 : i32
        %get3A_806 = arith.index_cast %get3A_805 : i32 to index
        %get3A_807 = arith.index_cast %add3A_804 : i32 to index
        %get3A_808 = arith.constant 16 : index
        %get3A_809 = tpu.vector_load %arg8[%get3A_806, %get3A_807, %get3A_808] {strides = array<i32>} : memref<4x256x64xf32, #tpu.memory_space<vmem>>, vector<16xf32>,
        %add3A_810 = arith.addf %get3A_809, %gather3A_387 : vector<16xf32>
        %scatter3A_811 = arith.constant 1 : i32
        %scatter3A_812 = arith.constant 0 : i32
        %scatter3A_813 = arith.constant 0 : i32
        %scatter3A_814 = arith.constant 0 : i32
        %scatter3A_815 = tpu.memref_slice %arg9[%scatter3A_811, %scatter3A_812, %scatter3A_813, %scatter3A_814] : memref<2x8x8x129xf32, #tpu.memory_space<vmem>> -> memref<1x8x8x129xf32, #tpu.memory_space<vmem>>
        %scatter3A_816 = tpu.memref_squeeze %scatter3A_815 : memref<1x8x8x129xf32, #tpu.memory_space<vmem>> -> memref<8x8x129xf32, #tpu.memory_space<vmem>>
        tpu.vector_store_idx %scatter3A_816[%shift_right_arithmetic3A_59, %and3A_86, %broadcast_in_dim3A_788], %add3A_810 : memref<8x8x129xf32, #tpu.memory_space<vmem>>[vector<16xi32>, vector<16xi32>, vector<16xi32>], vector<16xf32>,
        %add3A_817 = arith.constant 128 : i32
        %add3A_818 = arith.addi %add3A_817, %scan3A_787 : i32
        %get3A_819 = arith.constant 1 : i32
        %get3A_820 = arith.index_cast %get3A_819 : i32 to index
        %get3A_821 = arith.index_cast %add3A_818 : i32 to index
        %get3A_822 = arith.constant 32 : index
        %get3A_823 = tpu.vector_load %arg8[%get3A_820, %get3A_821, %get3A_822] {strides = array<i32>} : memref<4x256x64xf32, #tpu.memory_space<vmem>>, vector<16xf32>,
        %add3A_824 = arith.addf %get3A_823, %gather3A_388 : vector<16xf32>
        %scatter3A_825 = arith.constant 1 : i32
        %scatter3A_826 = arith.constant 0 : i32
        %scatter3A_827 = arith.constant 0 : i32
        %scatter3A_828 = arith.constant 0 : i32
        %scatter3A_829 = tpu.memref_slice %arg9[%scatter3A_825, %scatter3A_826, %scatter3A_827, %scatter3A_828] : memref<2x8x8x129xf32, #tpu.memory_space<vmem>> -> memref<1x8x8x129xf32, #tpu.memory_space<vmem>>
        %scatter3A_830 = tpu.memref_squeeze %scatter3A_829 : memref<1x8x8x129xf32, #tpu.memory_space<vmem>> -> memref<8x8x129xf32, #tpu.memory_space<vmem>>
        tpu.vector_store_idx %scatter3A_830[%shift_right_arithmetic3A_66, %and3A_93, %broadcast_in_dim3A_788], %add3A_824 : memref<8x8x129xf32, #tpu.memory_space<vmem>>[vector<16xi32>, vector<16xi32>, vector<16xi32>], vector<16xf32>,
        %add3A_831 = arith.constant 128 : i32
        %add3A_832 = arith.addi %add3A_831, %scan3A_787 : i32
        %get3A_833 = arith.constant 1 : i32
        %get3A_834 = arith.index_cast %get3A_833 : i32 to index
        %get3A_835 = arith.index_cast %add3A_832 : i32 to index
        %get3A_836 = arith.constant 48 : index
        %get3A_837 = tpu.vector_load %arg8[%get3A_834, %get3A_835, %get3A_836] {strides = array<i32>} : memref<4x256x64xf32, #tpu.memory_space<vmem>>, vector<16xf32>,
        %add3A_838 = arith.addf %get3A_837, %gather3A_389 : vector<16xf32>
        %scatter3A_839 = arith.constant 1 : i32
        %scatter3A_840 = arith.constant 0 : i32
        %scatter3A_841 = arith.constant 0 : i32
        %scatter3A_842 = arith.constant 0 : i32
        %scatter3A_843 = tpu.memref_slice %arg9[%scatter3A_839, %scatter3A_840, %scatter3A_841, %scatter3A_842] : memref<2x8x8x129xf32, #tpu.memory_space<vmem>> -> memref<1x8x8x129xf32, #tpu.memory_space<vmem>>
        %scatter3A_844 = tpu.memref_squeeze %scatter3A_843 : memref<1x8x8x129xf32, #tpu.memory_space<vmem>> -> memref<8x8x129xf32, #tpu.memory_space<vmem>>
        tpu.vector_store_idx %scatter3A_844[%shift_right_arithmetic3A_73, %and3A_100, %broadcast_in_dim3A_788], %add3A_838 : memref<8x8x129xf32, #tpu.memory_space<vmem>>[vector<16xi32>, vector<16xi32>, vector<16xi32>], vector<16xf32>,
        %scan3A_845 = arith.constant 2 : i32
        %scan3A_846 = arith.addi %scan3A_730, %scan3A_845 : i32
        %broadcast_in_dim3A_847 = vector.broadcast %scan3A_846 : i32 to vector<16xi32>
        %add3A_848 = arith.constant 128 : i32
        %add3A_849 = arith.addi %add3A_848, %scan3A_846 : i32
        %get3A_850 = arith.constant 1 : i32
        %get3A_851 = arith.index_cast %get3A_850 : i32 to index
        %get3A_852 = arith.index_cast %add3A_849 : i32 to index
        %get3A_853 = arith.constant 0 : index
        %get3A_854 = tpu.vector_load %arg8[%get3A_851, %get3A_852, %get3A_853] {strides = array<i32>} : memref<4x256x64xf32, #tpu.memory_space<vmem>>, vector<16xf32>,
        %add3A_855 = arith.addf %get3A_854, %gather3A_386 : vector<16xf32>
        %scatter3A_856 = arith.constant 1 : i32
        %scatter3A_857 = arith.constant 0 : i32
        %scatter3A_858 = arith.constant 0 : i32
        %scatter3A_859 = arith.constant 0 : i32
        %scatter3A_860 = tpu.memref_slice %arg9[%scatter3A_856, %scatter3A_857, %scatter3A_858, %scatter3A_859] : memref<2x8x8x129xf32, #tpu.memory_space<vmem>> -> memref<1x8x8x129xf32, #tpu.memory_space<vmem>>
        %scatter3A_861 = tpu.memref_squeeze %scatter3A_860 : memref<1x8x8x129xf32, #tpu.memory_space<vmem>> -> memref<8x8x129xf32, #tpu.memory_space<vmem>>
        tpu.vector_store_idx %scatter3A_861[%shift_right_arithmetic3A_52, %and3A_79, %broadcast_in_dim3A_847], %add3A_855 : memref<8x8x129xf32, #tpu.memory_space<vmem>>[vector<16xi32>, vector<16xi32>, vector<16xi32>], vector<16xf32>,
        %add3A_862 = arith.constant 128 : i32
        %add3A_863 = arith.addi %add3A_862, %scan3A_846 : i32
        %get3A_864 = arith.constant 1 : i32
        %get3A_865 = arith.index_cast %get3A_864 : i32 to index
        %get3A_866 = arith.index_cast %add3A_863 : i32 to index
        %get3A_867 = arith.constant 16 : index
        %get3A_868 = tpu.vector_load %arg8[%get3A_865, %get3A_866, %get3A_867] {strides = array<i32>} : memref<4x256x64xf32, #tpu.memory_space<vmem>>, vector<16xf32>,
        %add3A_869 = arith.addf %get3A_868, %gather3A_387 : vector<16xf32>
        %scatter3A_870 = arith.constant 1 : i32
        %scatter3A_871 = arith.constant 0 : i32
        %scatter3A_872 = arith.constant 0 : i32
        %scatter3A_873 = arith.constant 0 : i32
        %scatter3A_874 = tpu.memref_slice %arg9[%scatter3A_870, %scatter3A_871, %scatter3A_872, %scatter3A_873] : memref<2x8x8x129xf32, #tpu.memory_space<vmem>> -> memref<1x8x8x129xf32, #tpu.memory_space<vmem>>
        %scatter3A_875 = tpu.memref_squeeze %scatter3A_874 : memref<1x8x8x129xf32, #tpu.memory_space<vmem>> -> memref<8x8x129xf32, #tpu.memory_space<vmem>>
        tpu.vector_store_idx %scatter3A_875[%shift_right_arithmetic3A_59, %and3A_86, %broadcast_in_dim3A_847], %add3A_869 : memref<8x8x129xf32, #tpu.memory_space<vmem>>[vector<16xi32>, vector<16xi32>, vector<16xi32>], vector<16xf32>,
        %add3A_876 = arith.constant 128 : i32
        %add3A_877 = arith.addi %add3A_876, %scan3A_846 : i32
        %get3A_878 = arith.constant 1 : i32
        %get3A_879 = arith.index_cast %get3A_878 : i32 to index
        %get3A_880 = arith.index_cast %add3A_877 : i32 to index
        %get3A_881 = arith.constant 32 : index
        %get3A_882 = tpu.vector_load %arg8[%get3A_879, %get3A_880, %get3A_881] {strides = array<i32>} : memref<4x256x64xf32, #tpu.memory_space<vmem>>, vector<16xf32>,
        %add3A_883 = arith.addf %get3A_882, %gather3A_388 : vector<16xf32>
        %scatter3A_884 = arith.constant 1 : i32
        %scatter3A_885 = arith.constant 0 : i32
        %scatter3A_886 = arith.constant 0 : i32
        %scatter3A_887 = arith.constant 0 : i32
        %scatter3A_888 = tpu.memref_slice %arg9[%scatter3A_884, %scatter3A_885, %scatter3A_886, %scatter3A_887] : memref<2x8x8x129xf32, #tpu.memory_space<vmem>> -> memref<1x8x8x129xf32, #tpu.memory_space<vmem>>
        %scatter3A_889 = tpu.memref_squeeze %scatter3A_888 : memref<1x8x8x129xf32, #tpu.memory_space<vmem>> -> memref<8x8x129xf32, #tpu.memory_space<vmem>>
        tpu.vector_store_idx %scatter3A_889[%shift_right_arithmetic3A_66, %and3A_93, %broadcast_in_dim3A_847], %add3A_883 : memref<8x8x129xf32, #tpu.memory_space<vmem>>[vector<16xi32>, vector<16xi32>, vector<16xi32>], vector<16xf32>,
        %add3A_890 = arith.constant 128 : i32
        %add3A_891 = arith.addi %add3A_890, %scan3A_846 : i32
        %get3A_892 = arith.constant 1 : i32
        %get3A_893 = arith.index_cast %get3A_892 : i32 to index
        %get3A_894 = arith.index_cast %add3A_891 : i32 to index
        %get3A_895 = arith.constant 48 : index
        %get3A_896 = tpu.vector_load %arg8[%get3A_893, %get3A_894, %get3A_895] {strides = array<i32>} : memref<4x256x64xf32, #tpu.memory_space<vmem>>, vector<16xf32>,
        %add3A_897 = arith.addf %get3A_896, %gather3A_389 : vector<16xf32>
        %scatter3A_898 = arith.constant 1 : i32
        %scatter3A_899 = arith.constant 0 : i32
        %scatter3A_900 = arith.constant 0 : i32
        %scatter3A_901 = arith.constant 0 : i32
        %scatter3A_902 = tpu.memref_slice %arg9[%scatter3A_898, %scatter3A_899, %scatter3A_900, %scatter3A_901] : memref<2x8x8x129xf32, #tpu.memory_space<vmem>> -> memref<1x8x8x129xf32, #tpu.memory_space<vmem>>
        %scatter3A_903 = tpu.memref_squeeze %scatter3A_902 : memref<1x8x8x129xf32, #tpu.memory_space<vmem>> -> memref<8x8x129xf32, #tpu.memory_space<vmem>>
        tpu.vector_store_idx %scatter3A_903[%shift_right_arithmetic3A_73, %and3A_100, %broadcast_in_dim3A_847], %add3A_897 : memref<8x8x129xf32, #tpu.memory_space<vmem>>[vector<16xi32>, vector<16xi32>, vector<16xi32>], vector<16xf32>,
        %scan3A_904 = arith.constant 3 : i32
        %scan3A_905 = arith.addi %scan3A_730, %scan3A_904 : i32
        %broadcast_in_dim3A_906 = vector.broadcast %scan3A_905 : i32 to vector<16xi32>
        %add3A_907 = arith.constant 128 : i32
        %add3A_908 = arith.addi %add3A_907, %scan3A_905 : i32
        %get3A_909 = arith.constant 1 : i32
        %get3A_910 = arith.index_cast %get3A_909 : i32 to index
        %get3A_911 = arith.index_cast %add3A_908 : i32 to index
        %get3A_912 = arith.constant 0 : index
        %get3A_913 = tpu.vector_load %arg8[%get3A_910, %get3A_911, %get3A_912] {strides = array<i32>} : memref<4x256x64xf32, #tpu.memory_space<vmem>>, vector<16xf32>,
        %add3A_914 = arith.addf %get3A_913, %gather3A_386 : vector<16xf32>
        %scatter3A_915 = arith.constant 1 : i32
        %scatter3A_916 = arith.constant 0 : i32
        %scatter3A_917 = arith.constant 0 : i32
        %scatter3A_918 = arith.constant 0 : i32
        %scatter3A_919 = tpu.memref_slice %arg9[%scatter3A_915, %scatter3A_916, %scatter3A_917, %scatter3A_918] : memref<2x8x8x129xf32, #tpu.memory_space<vmem>> -> memref<1x8x8x129xf32, #tpu.memory_space<vmem>>
        %scatter3A_920 = tpu.memref_squeeze %scatter3A_919 : memref<1x8x8x129xf32, #tpu.memory_space<vmem>> -> memref<8x8x129xf32, #tpu.memory_space<vmem>>
        tpu.vector_store_idx %scatter3A_920[%shift_right_arithmetic3A_52, %and3A_79, %broadcast_in_dim3A_906], %add3A_914 : memref<8x8x129xf32, #tpu.memory_space<vmem>>[vector<16xi32>, vector<16xi32>, vector<16xi32>], vector<16xf32>,
        %add3A_921 = arith.constant 128 : i32
        %add3A_922 = arith.addi %add3A_921, %scan3A_905 : i32
        %get3A_923 = arith.constant 1 : i32
        %get3A_924 = arith.index_cast %get3A_923 : i32 to index
        %get3A_925 = arith.index_cast %add3A_922 : i32 to index
        %get3A_926 = arith.constant 16 : index
        %get3A_927 = tpu.vector_load %arg8[%get3A_924, %get3A_925, %get3A_926] {strides = array<i32>} : memref<4x256x64xf32, #tpu.memory_space<vmem>>, vector<16xf32>,
        %add3A_928 = arith.addf %get3A_927, %gather3A_387 : vector<16xf32>
        %scatter3A_929 = arith.constant 1 : i32
        %scatter3A_930 = arith.constant 0 : i32
        %scatter3A_931 = arith.constant 0 : i32
        %scatter3A_932 = arith.constant 0 : i32
        %scatter3A_933 = tpu.memref_slice %arg9[%scatter3A_929, %scatter3A_930, %scatter3A_931, %scatter3A_932] : memref<2x8x8x129xf32, #tpu.memory_space<vmem>> -> memref<1x8x8x129xf32, #tpu.memory_space<vmem>>
        %scatter3A_934 = tpu.memref_squeeze %scatter3A_933 : memref<1x8x8x129xf32, #tpu.memory_space<vmem>> -> memref<8x8x129xf32, #tpu.memory_space<vmem>>
        tpu.vector_store_idx %scatter3A_934[%shift_right_arithmetic3A_59, %and3A_86, %broadcast_in_dim3A_906], %add3A_928 : memref<8x8x129xf32, #tpu.memory_space<vmem>>[vector<16xi32>, vector<16xi32>, vector<16xi32>], vector<16xf32>,
        %add3A_935 = arith.constant 128 : i32
        %add3A_936 = arith.addi %add3A_935, %scan3A_905 : i32
        %get3A_937 = arith.constant 1 : i32
        %get3A_938 = arith.index_cast %get3A_937 : i32 to index
        %get3A_939 = arith.index_cast %add3A_936 : i32 to index
        %get3A_940 = arith.constant 32 : index
        %get3A_941 = tpu.vector_load %arg8[%get3A_938, %get3A_939, %get3A_940] {strides = array<i32>} : memref<4x256x64xf32, #tpu.memory_space<vmem>>, vector<16xf32>,
        %add3A_942 = arith.addf %get3A_941, %gather3A_388 : vector<16xf32>
        %scatter3A_943 = arith.constant 1 : i32
        %scatter3A_944 = arith.constant 0 : i32
        %scatter3A_945 = arith.constant 0 : i32
        %scatter3A_946 = arith.constant 0 : i32
        %scatter3A_947 = tpu.memref_slice %arg9[%scatter3A_943, %scatter3A_944, %scatter3A_945, %scatter3A_946] : memref<2x8x8x129xf32, #tpu.memory_space<vmem>> -> memref<1x8x8x129xf32, #tpu.memory_space<vmem>>
        %scatter3A_948 = tpu.memref_squeeze %scatter3A_947 : memref<1x8x8x129xf32, #tpu.memory_space<vmem>> -> memref<8x8x129xf32, #tpu.memory_space<vmem>>
        tpu.vector_store_idx %scatter3A_948[%shift_right_arithmetic3A_66, %and3A_93, %broadcast_in_dim3A_906], %add3A_942 : memref<8x8x129xf32, #tpu.memory_space<vmem>>[vector<16xi32>, vector<16xi32>, vector<16xi32>], vector<16xf32>,
        %add3A_949 = arith.constant 128 : i32
        %add3A_950 = arith.addi %add3A_949, %scan3A_905 : i32
        %get3A_951 = arith.constant 1 : i32
        %get3A_952 = arith.index_cast %get3A_951 : i32 to index
        %get3A_953 = arith.index_cast %add3A_950 : i32 to index
        %get3A_954 = arith.constant 48 : index
        %get3A_955 = tpu.vector_load %arg8[%get3A_952, %get3A_953, %get3A_954] {strides = array<i32>} : memref<4x256x64xf32, #tpu.memory_space<vmem>>, vector<16xf32>,
        %add3A_956 = arith.addf %get3A_955, %gather3A_389 : vector<16xf32>
        %scatter3A_957 = arith.constant 1 : i32
        %scatter3A_958 = arith.constant 0 : i32
        %scatter3A_959 = arith.constant 0 : i32
        %scatter3A_960 = arith.constant 0 : i32
        %scatter3A_961 = tpu.memref_slice %arg9[%scatter3A_957, %scatter3A_958, %scatter3A_959, %scatter3A_960] : memref<2x8x8x129xf32, #tpu.memory_space<vmem>> -> memref<1x8x8x129xf32, #tpu.memory_space<vmem>>
        %scatter3A_962 = tpu.memref_squeeze %scatter3A_961 : memref<1x8x8x129xf32, #tpu.memory_space<vmem>> -> memref<8x8x129xf32, #tpu.memory_space<vmem>>
        tpu.vector_store_idx %scatter3A_962[%shift_right_arithmetic3A_73, %and3A_100, %broadcast_in_dim3A_906], %add3A_956 : memref<8x8x129xf32, #tpu.memory_space<vmem>>[vector<16xi32>, vector<16xi32>, vector<16xi32>], vector<16xf32>,
      }
      %scan3A_395 = arith.constant 128 : i32
      %dma_start3A_396 = arith.constant 1 : i32
      %dma_start3A_397 = arith.constant 0 : i32
      %dma_start3A_398 = arith.constant 0 : i32
      %dma_start3A_399 = arith.constant 0 : i32
      %dma_start3A_400 = tpu.memref_slice %arg9[%dma_start3A_396, %dma_start3A_397, %dma_start3A_398, %dma_start3A_399] : memref<2x8x8x129xf32, #tpu.memory_space<vmem>> -> memref<1x8x8x128xf32, #tpu.memory_space<vmem>>
      %dma_start3A_401 = tpu.memref_squeeze %dma_start3A_400 : memref<1x8x8x128xf32, #tpu.memory_space<vmem>> -> memref<8x8x128xf32, #tpu.memory_space<vmem>>
      %dma_start3A_402 = arith.constant 0 : i32
      %dma_start3A_403 = arith.constant 0 : i32
      %dma_start3A_404 = arith.constant 0 : i32
      %dma_start3A_405 = tpu.memref_slice %arg5[%add3A_361, %dma_start3A_402, %add3A, %dma_start3A_403, %dma_start3A_404] : memref<200x8x32x8x128xf32, #tpu.memory_space<hbm>> -> memref<1x8x1x8x128xf32, #tpu.memory_space<hbm>>
      %dma_start3A_406 = tpu.memref_squeeze %dma_start3A_405 : memref<1x8x1x8x128xf32, #tpu.memory_space<hbm>> -> memref<8x8x128xf32, #tpu.memory_space<hbm>>
      %dma_start3A_407 = arith.constant 0 : i32
      %dma_start3A_408 = arith.constant 0 : i32
      %dma_start3A_409 = arith.constant 0 : i32
      %dma_start3A_410 = tpu.memref_slice %arg5[%add3A_361, %dma_start3A_407, %add3A, %dma_start3A_408, %dma_start3A_409] : memref<200x8x32x8x128xf32, #tpu.memory_space<hbm>> -> memref<1x8x1x8x128xf32, #tpu.memory_space<hbm>>
      %dma_start3A_411 = tpu.memref_squeeze %dma_start3A_410 : memref<1x8x1x8x128xf32, #tpu.memory_space<hbm>> -> memref<8x8x128xf32, #tpu.memory_space<hbm>>
      %dma_start3A_412 = arith.constant 0 : i32
      %dma_start3A_413 = arith.constant 0 : i32
      %dma_start3A_414 = arith.constant 0 : i32
      %dma_start3A_415 = tpu.memref_slice %arg9[%dma_start3A_396, %dma_start3A_412, %dma_start3A_413, %dma_start3A_414] : memref<2x8x8x129xf32, #tpu.memory_space<vmem>> -> memref<1x8x8x128xf32, #tpu.memory_space<vmem>>
      %dma_start3A_416 = tpu.memref_squeeze %dma_start3A_415 : memref<1x8x8x128xf32, #tpu.memory_space<vmem>> -> memref<8x8x128xf32, #tpu.memory_space<vmem>>
      tpu.enqueue_dma source(%dma_start3A_416 : memref<8x8x128xf32, #tpu.memory_space<vmem>>) target(%dma_start3A_411 : memref<8x8x128xf32, #tpu.memory_space<hbm>>) target_semaphore(%arg15 : memref<!tpu.dma_semaphore, #tpu.memory_space<semaphore_mem>>)
      %mul3A_417 = arith.constant 4 : i32
      %mul3A_418 = arith.muli %scan3A_167, %mul3A_417 : i32
      %add3A_419 = arith.constant 1 : i32
      %add3A_420 = arith.addi %mul3A_418, %add3A_419 : i32
      %add3A_421 = arith.constant 4 : i32
      %add3A_422 = arith.addi %add3A_420, %add3A_421 : i32
      %lt3A_423 = arith.constant 100 : i32
      %lt3A_424 = arith.cmpi slt, %add3A_422, %lt3A_423 : i32
      %convert_element_type3A_425 = arith.extui %lt3A_424 : i1 to i32
      %cond3A_426 = arith.constant 0 : i32
      %cond3A_427 = arith.cmpi ne, %convert_element_type3A_425, %cond3A_426 : i32
      scf.if %cond3A_427 {
        %add3A_730 = arith.constant 4 : i32
        %add3A_731 = arith.addi %add3A_280, %add3A_730 : i32
        %shift_right_arithmetic3A_732 = arith.constant 2 : i32
        %shift_right_arithmetic3A_733 = arith.shrsi %add3A_731, %shift_right_arithmetic3A_732 : i32
        %and3A_734 = arith.constant 3 : i32
        %and3A_735 = arith.andi %add3A_731, %and3A_734 : i32
        %mul3A_736 = arith.constant 2 : i32
        %mul3A_737 = arith.muli %and3A_735, %mul3A_736 : i32
        %mul3A_738 = arith.constant 128 : i32
        %mul3A_739 = arith.muli %mul3A_737, %mul3A_738 : i32
        %dma_start3A_740 = arith.constant 1 : i32
        %dma_start3A_741 = arith.constant 0 : i32
        %dma_start3A_742 = arith.constant 0 : i32
        %dma_start3A_743 = tpu.memref_slice %arg8[%dma_start3A_740, %dma_start3A_741, %dma_start3A_742] : memref<4x256x64xf32, #tpu.memory_space<vmem>> -> memref<1x256x64xf32, #tpu.memory_space<vmem>>
        %dma_start3A_744 = tpu.memref_squeeze %dma_start3A_743 : memref<1x256x64xf32, #tpu.memory_space<vmem>> -> memref<256x64xf32, #tpu.memory_space<vmem>>
        %dma_start3A_745 = tpu.memref_slice %arg7[%shift_right_arithmetic3A_733, %mul3A_739] : memref<25x1024xi32, #tpu.memory_space<vmem>> -> memref<1x256xi32, #tpu.memory_space<vmem>>
        %dma_start3A_746 = tpu.memref_squeeze %dma_start3A_745 : memref<1x256xi32, #tpu.memory_space<vmem>> -> memref<256xi32, #tpu.memory_space<vmem>>
        %dma_start3A_747 = arith.constant 0 : i32
        %dma_start3A_748 = arith.constant 0 : i32
        %dma_start3A_749 = tpu.memref_slice %arg3[%dma_start3A_747, %dma_start3A_748] : memref<1000000x64xf32, #tpu.memory_space<hbm>> -> memref<1000000x64xf32, #tpu.memory_space<hbm>>
        tpu.enqueue_indirect_dma source(%dma_start3A_749 : memref<1000000x64xf32, #tpu.memory_space<hbm>>) target(%dma_start3A_744 : memref<256x64xf32, #tpu.memory_space<vmem>>) offsets(%dma_start3A_746 : memref<256xi32, #tpu.memory_space<vmem>>) semaphore(%arg11 : memref<!tpu.dma_semaphore, #tpu.memory_space<semaphore_mem>>)
      } else {
      }
      %mul3A_428 = arith.constant 4 : i32
      %mul3A_429 = arith.muli %scan3A_167, %mul3A_428 : i32
      %add3A_430 = arith.constant 2 : i32
      %add3A_431 = arith.addi %mul3A_429, %add3A_430 : i32
      %shift_right_arithmetic3A_432 = arith.constant 2 : i32
      %shift_right_arithmetic3A_433 = arith.shrsi %add3A_431, %shift_right_arithmetic3A_432 : i32
      %and3A_434 = arith.constant 3 : i32
      %and3A_435 = arith.andi %add3A_431, %and3A_434 : i32
      %mul3A_436 = arith.constant 2 : i32
      %mul3A_437 = arith.muli %and3A_435, %mul3A_436 : i32
      %mul3A_438 = arith.constant 128 : i32
      %mul3A_439 = arith.muli %mul3A_437, %mul3A_438 : i32
      %dma_wait3A_440 = arith.constant 2 : i32
      %dma_wait3A_441 = arith.constant 0 : i32
      %dma_wait3A_442 = arith.constant 0 : i32
      %dma_wait3A_443 = tpu.memref_slice %arg8[%dma_wait3A_440, %dma_wait3A_441, %dma_wait3A_442] : memref<4x256x64xf32, #tpu.memory_space<vmem>> -> memref<1x256x64xf32, #tpu.memory_space<vmem>>
      %dma_wait3A_444 = tpu.memref_squeeze %dma_wait3A_443 : memref<1x256x64xf32, #tpu.memory_space<vmem>> -> memref<256x64xf32, #tpu.memory_space<vmem>>
      %dma_wait3A_445 = tpu.memref_slice %arg7[%shift_right_arithmetic3A_433, %mul3A_439] : memref<25x1024xi32, #tpu.memory_space<vmem>> -> memref<1x256xi32, #tpu.memory_space<vmem>>
      %dma_wait3A_446 = tpu.memref_squeeze %dma_wait3A_445 : memref<1x256xi32, #tpu.memory_space<vmem>> -> memref<256xi32, #tpu.memory_space<vmem>>
      %dma_wait3A_447 = arith.constant 0 : i32
      %dma_wait3A_448 = arith.constant 0 : i32
      %dma_wait3A_449 = tpu.memref_slice %arg3[%dma_wait3A_447, %dma_wait3A_448] : memref<1000000x64xf32, #tpu.memory_space<hbm>> -> memref<1000000x64xf32, #tpu.memory_space<hbm>>
      tpu.wait_indirect_dma semaphore(%arg12 : memref<!tpu.dma_semaphore, #tpu.memory_space<semaphore_mem>>) src(%dma_wait3A_449 : memref<1000000x64xf32, #tpu.memory_space<hbm>>) dst(%dma_wait3A_444 : memref<256x64xf32, #tpu.memory_space<vmem>>)
      %mul3A_450 = arith.constant 2 : i32
      %mul3A_451 = arith.muli %mul3A_450, %add3A_431 : i32
      %add3A_452 = arith.constant 0 : i32
      %add3A_453 = arith.addi %mul3A_451, %add3A_452 : i32
      %dma_wait3A_454 = arith.constant 0 : i32
      %dma_wait3A_455 = arith.constant 0 : i32
      %dma_wait3A_456 = arith.constant 0 : i32
      %dma_wait3A_457 = arith.constant 0 : i32
      %dma_wait3A_458 = arith.constant 0 : i32
      %dma_wait3A_459 = arith.constant 0 : i32
      %dma_wait3A_460 = tpu.memref_slice %arg9[%dma_wait3A_454, %dma_wait3A_457, %dma_wait3A_458, %dma_wait3A_459] : memref<2x8x8x129xf32, #tpu.memory_space<vmem>> -> memref<1x8x8x128xf32, #tpu.memory_space<vmem>>
      %dma_wait3A_461 = tpu.memref_squeeze %dma_wait3A_460 : memref<1x8x8x128xf32, #tpu.memory_space<vmem>> -> memref<8x8x128xf32, #tpu.memory_space<vmem>>
      %dma_wait3A_462 = arith.constant 0 : i32
      %dma_wait3A_463 = arith.constant 0 : i32
      %dma_wait3A_464 = arith.constant 0 : i32
      %dma_wait3A_465 = tpu.memref_slice %arg5[%dma_wait3A_455, %dma_wait3A_462, %dma_wait3A_456, %dma_wait3A_463, %dma_wait3A_464] : memref<200x8x32x8x128xf32, #tpu.memory_space<hbm>> -> memref<1x8x1x8x128xf32, #tpu.memory_space<hbm>>
      %dma_wait3A_466 = tpu.memref_squeeze %dma_wait3A_465 : memref<1x8x1x8x128xf32, #tpu.memory_space<hbm>> -> memref<8x8x128xf32, #tpu.memory_space<hbm>>
      %dma_wait3A_467 = arith.constant 0 : i32
      %dma_wait3A_468 = arith.constant 0 : i32
      %dma_wait3A_469 = arith.constant 0 : i32
      %dma_wait3A_470 = tpu.memref_slice %arg5[%dma_wait3A_455, %dma_wait3A_467, %dma_wait3A_456, %dma_wait3A_468, %dma_wait3A_469] : memref<200x8x32x8x128xf32, #tpu.memory_space<hbm>> -> memref<1x8x1x8x128xf32, #tpu.memory_space<hbm>>
      %dma_wait3A_471 = tpu.memref_squeeze %dma_wait3A_470 : memref<1x8x1x8x128xf32, #tpu.memory_space<hbm>> -> memref<8x8x128xf32, #tpu.memory_space<hbm>>
      %dma_wait3A_472 = arith.constant 0 : i32
      %dma_wait3A_473 = arith.constant 0 : i32
      %dma_wait3A_474 = arith.constant 0 : i32
      %dma_wait3A_475 = tpu.memref_slice %arg9[%dma_wait3A_454, %dma_wait3A_472, %dma_wait3A_473, %dma_wait3A_474] : memref<2x8x8x129xf32, #tpu.memory_space<vmem>> -> memref<1x8x8x128xf32, #tpu.memory_space<vmem>>
      %dma_wait3A_476 = tpu.memref_squeeze %dma_wait3A_475 : memref<1x8x8x128xf32, #tpu.memory_space<vmem>> -> memref<8x8x128xf32, #tpu.memory_space<vmem>>
      tpu.wait_dma2 semaphore(%arg14 : memref<!tpu.dma_semaphore, #tpu.memory_space<semaphore_mem>>) src(%dma_wait3A_476 : memref<8x8x128xf32, #tpu.memory_space<vmem>>) dst(%dma_wait3A_471 : memref<8x8x128xf32, #tpu.memory_space<hbm>>)
      %broadcast_in_dim3A_477 = vector.broadcast %add3A_453 : i32 to vector<16xi32>
      %gather3A_478 = tpu.vector_load_idx %arg6[%add3A_104, %broadcast_in_dim3A_477] : memref<64x200xf32, #tpu.memory_space<vmem>>[vector<16xi32>, vector<16xi32>], vector<16xf32>,
      %gather3A_479 = tpu.vector_load_idx %arg6[%add3A_108, %broadcast_in_dim3A_477] : memref<64x200xf32, #tpu.memory_space<vmem>>[vector<16xi32>, vector<16xi32>], vector<16xf32>,
      %gather3A_480 = tpu.vector_load_idx %arg6[%add3A_112, %broadcast_in_dim3A_477] : memref<64x200xf32, #tpu.memory_space<vmem>>[vector<16xi32>, vector<16xi32>], vector<16xf32>,
      %gather3A_481 = tpu.vector_load_idx %arg6[%add3A_116, %broadcast_in_dim3A_477] : memref<64x200xf32, #tpu.memory_space<vmem>>[vector<16xi32>, vector<16xi32>], vector<16xf32>,
      %scan3A_482 = arith.constant 0 : i32
      %scan3A_483 = arith.constant 0 : i32
      %scan3A_484 = arith.constant 128 : i32
      %scan3A_485 = arith.addi %scan3A_483, %scan3A_484 : i32
      %scan3A_486 = arith.constant 4 : i32
      scf.for %scan3A_730 = %scan3A_483 to %scan3A_485 step %scan3A_486  : i32 {
        %broadcast_in_dim3A_731 = vector.broadcast %scan3A_730 : i32 to vector<16xi32>
        %add3A_732 = arith.constant 0 : i32
        %add3A_733 = arith.addi %add3A_732, %scan3A_730 : i32
        %get3A = arith.constant 2 : i32
        %get3A_734 = arith.index_cast %get3A : i32 to index
        %get3A_735 = arith.index_cast %add3A_733 : i32 to index
        %get3A_736 = arith.constant 0 : index
        %get3A_737 = tpu.vector_load %arg8[%get3A_734, %get3A_735, %get3A_736] {strides = array<i32>} : memref<4x256x64xf32, #tpu.memory_space<vmem>>, vector<16xf32>,
        %add3A_738 = arith.addf %get3A_737, %gather3A_478 : vector<16xf32>
        %scatter3A = arith.constant 0 : i32
        %scatter3A_739 = arith.constant 0 : i32
        %scatter3A_740 = arith.constant 0 : i32
        %scatter3A_741 = arith.constant 0 : i32
        %scatter3A_742 = tpu.memref_slice %arg9[%scatter3A, %scatter3A_739, %scatter3A_740, %scatter3A_741] : memref<2x8x8x129xf32, #tpu.memory_space<vmem>> -> memref<1x8x8x129xf32, #tpu.memory_space<vmem>>
        %scatter3A_743 = tpu.memref_squeeze %scatter3A_742 : memref<1x8x8x129xf32, #tpu.memory_space<vmem>> -> memref<8x8x129xf32, #tpu.memory_space<vmem>>
        tpu.vector_store_idx %scatter3A_743[%shift_right_arithmetic3A_52, %and3A_79, %broadcast_in_dim3A_731], %add3A_738 : memref<8x8x129xf32, #tpu.memory_space<vmem>>[vector<16xi32>, vector<16xi32>, vector<16xi32>], vector<16xf32>,
        %add3A_744 = arith.constant 0 : i32
        %add3A_745 = arith.addi %add3A_744, %scan3A_730 : i32
        %get3A_746 = arith.constant 2 : i32
        %get3A_747 = arith.index_cast %get3A_746 : i32 to index
        %get3A_748 = arith.index_cast %add3A_745 : i32 to index
        %get3A_749 = arith.constant 16 : index
        %get3A_750 = tpu.vector_load %arg8[%get3A_747, %get3A_748, %get3A_749] {strides = array<i32>} : memref<4x256x64xf32, #tpu.memory_space<vmem>>, vector<16xf32>,
        %add3A_751 = arith.addf %get3A_750, %gather3A_479 : vector<16xf32>
        %scatter3A_752 = arith.constant 0 : i32
        %scatter3A_753 = arith.constant 0 : i32
        %scatter3A_754 = arith.constant 0 : i32
        %scatter3A_755 = arith.constant 0 : i32
        %scatter3A_756 = tpu.memref_slice %arg9[%scatter3A_752, %scatter3A_753, %scatter3A_754, %scatter3A_755] : memref<2x8x8x129xf32, #tpu.memory_space<vmem>> -> memref<1x8x8x129xf32, #tpu.memory_space<vmem>>
        %scatter3A_757 = tpu.memref_squeeze %scatter3A_756 : memref<1x8x8x129xf32, #tpu.memory_space<vmem>> -> memref<8x8x129xf32, #tpu.memory_space<vmem>>
        tpu.vector_store_idx %scatter3A_757[%shift_right_arithmetic3A_59, %and3A_86, %broadcast_in_dim3A_731], %add3A_751 : memref<8x8x129xf32, #tpu.memory_space<vmem>>[vector<16xi32>, vector<16xi32>, vector<16xi32>], vector<16xf32>,
        %add3A_758 = arith.constant 0 : i32
        %add3A_759 = arith.addi %add3A_758, %scan3A_730 : i32
        %get3A_760 = arith.constant 2 : i32
        %get3A_761 = arith.index_cast %get3A_760 : i32 to index
        %get3A_762 = arith.index_cast %add3A_759 : i32 to index
        %get3A_763 = arith.constant 32 : index
        %get3A_764 = tpu.vector_load %arg8[%get3A_761, %get3A_762, %get3A_763] {strides = array<i32>} : memref<4x256x64xf32, #tpu.memory_space<vmem>>, vector<16xf32>,
        %add3A_765 = arith.addf %get3A_764, %gather3A_480 : vector<16xf32>
        %scatter3A_766 = arith.constant 0 : i32
        %scatter3A_767 = arith.constant 0 : i32
        %scatter3A_768 = arith.constant 0 : i32
        %scatter3A_769 = arith.constant 0 : i32
        %scatter3A_770 = tpu.memref_slice %arg9[%scatter3A_766, %scatter3A_767, %scatter3A_768, %scatter3A_769] : memref<2x8x8x129xf32, #tpu.memory_space<vmem>> -> memref<1x8x8x129xf32, #tpu.memory_space<vmem>>
        %scatter3A_771 = tpu.memref_squeeze %scatter3A_770 : memref<1x8x8x129xf32, #tpu.memory_space<vmem>> -> memref<8x8x129xf32, #tpu.memory_space<vmem>>
        tpu.vector_store_idx %scatter3A_771[%shift_right_arithmetic3A_66, %and3A_93, %broadcast_in_dim3A_731], %add3A_765 : memref<8x8x129xf32, #tpu.memory_space<vmem>>[vector<16xi32>, vector<16xi32>, vector<16xi32>], vector<16xf32>,
        %add3A_772 = arith.constant 0 : i32
        %add3A_773 = arith.addi %add3A_772, %scan3A_730 : i32
        %get3A_774 = arith.constant 2 : i32
        %get3A_775 = arith.index_cast %get3A_774 : i32 to index
        %get3A_776 = arith.index_cast %add3A_773 : i32 to index
        %get3A_777 = arith.constant 48 : index
        %get3A_778 = tpu.vector_load %arg8[%get3A_775, %get3A_776, %get3A_777] {strides = array<i32>} : memref<4x256x64xf32, #tpu.memory_space<vmem>>, vector<16xf32>,
        %add3A_779 = arith.addf %get3A_778, %gather3A_481 : vector<16xf32>
        %scatter3A_780 = arith.constant 0 : i32
        %scatter3A_781 = arith.constant 0 : i32
        %scatter3A_782 = arith.constant 0 : i32
        %scatter3A_783 = arith.constant 0 : i32
        %scatter3A_784 = tpu.memref_slice %arg9[%scatter3A_780, %scatter3A_781, %scatter3A_782, %scatter3A_783] : memref<2x8x8x129xf32, #tpu.memory_space<vmem>> -> memref<1x8x8x129xf32, #tpu.memory_space<vmem>>
        %scatter3A_785 = tpu.memref_squeeze %scatter3A_784 : memref<1x8x8x129xf32, #tpu.memory_space<vmem>> -> memref<8x8x129xf32, #tpu.memory_space<vmem>>
        tpu.vector_store_idx %scatter3A_785[%shift_right_arithmetic3A_73, %and3A_100, %broadcast_in_dim3A_731], %add3A_779 : memref<8x8x129xf32, #tpu.memory_space<vmem>>[vector<16xi32>, vector<16xi32>, vector<16xi32>], vector<16xf32>,
        %scan3A_786 = arith.constant 1 : i32
        %scan3A_787 = arith.addi %scan3A_730, %scan3A_786 : i32
        %broadcast_in_dim3A_788 = vector.broadcast %scan3A_787 : i32 to vector<16xi32>
        %add3A_789 = arith.constant 0 : i32
        %add3A_790 = arith.addi %add3A_789, %scan3A_787 : i32
        %get3A_791 = arith.constant 2 : i32
        %get3A_792 = arith.index_cast %get3A_791 : i32 to index
        %get3A_793 = arith.index_cast %add3A_790 : i32 to index
        %get3A_794 = arith.constant 0 : index
        %get3A_795 = tpu.vector_load %arg8[%get3A_792, %get3A_793, %get3A_794] {strides = array<i32>} : memref<4x256x64xf32, #tpu.memory_space<vmem>>, vector<16xf32>,
        %add3A_796 = arith.addf %get3A_795, %gather3A_478 : vector<16xf32>
        %scatter3A_797 = arith.constant 0 : i32
        %scatter3A_798 = arith.constant 0 : i32
        %scatter3A_799 = arith.constant 0 : i32
        %scatter3A_800 = arith.constant 0 : i32
        %scatter3A_801 = tpu.memref_slice %arg9[%scatter3A_797, %scatter3A_798, %scatter3A_799, %scatter3A_800] : memref<2x8x8x129xf32, #tpu.memory_space<vmem>> -> memref<1x8x8x129xf32, #tpu.memory_space<vmem>>
        %scatter3A_802 = tpu.memref_squeeze %scatter3A_801 : memref<1x8x8x129xf32, #tpu.memory_space<vmem>> -> memref<8x8x129xf32, #tpu.memory_space<vmem>>
        tpu.vector_store_idx %scatter3A_802[%shift_right_arithmetic3A_52, %and3A_79, %broadcast_in_dim3A_788], %add3A_796 : memref<8x8x129xf32, #tpu.memory_space<vmem>>[vector<16xi32>, vector<16xi32>, vector<16xi32>], vector<16xf32>,
        %add3A_803 = arith.constant 0 : i32
        %add3A_804 = arith.addi %add3A_803, %scan3A_787 : i32
        %get3A_805 = arith.constant 2 : i32
        %get3A_806 = arith.index_cast %get3A_805 : i32 to index
        %get3A_807 = arith.index_cast %add3A_804 : i32 to index
        %get3A_808 = arith.constant 16 : index
        %get3A_809 = tpu.vector_load %arg8[%get3A_806, %get3A_807, %get3A_808] {strides = array<i32>} : memref<4x256x64xf32, #tpu.memory_space<vmem>>, vector<16xf32>,
        %add3A_810 = arith.addf %get3A_809, %gather3A_479 : vector<16xf32>
        %scatter3A_811 = arith.constant 0 : i32
        %scatter3A_812 = arith.constant 0 : i32
        %scatter3A_813 = arith.constant 0 : i32
        %scatter3A_814 = arith.constant 0 : i32
        %scatter3A_815 = tpu.memref_slice %arg9[%scatter3A_811, %scatter3A_812, %scatter3A_813, %scatter3A_814] : memref<2x8x8x129xf32, #tpu.memory_space<vmem>> -> memref<1x8x8x129xf32, #tpu.memory_space<vmem>>
        %scatter3A_816 = tpu.memref_squeeze %scatter3A_815 : memref<1x8x8x129xf32, #tpu.memory_space<vmem>> -> memref<8x8x129xf32, #tpu.memory_space<vmem>>
        tpu.vector_store_idx %scatter3A_816[%shift_right_arithmetic3A_59, %and3A_86, %broadcast_in_dim3A_788], %add3A_810 : memref<8x8x129xf32, #tpu.memory_space<vmem>>[vector<16xi32>, vector<16xi32>, vector<16xi32>], vector<16xf32>,
        %add3A_817 = arith.constant 0 : i32
        %add3A_818 = arith.addi %add3A_817, %scan3A_787 : i32
        %get3A_819 = arith.constant 2 : i32
        %get3A_820 = arith.index_cast %get3A_819 : i32 to index
        %get3A_821 = arith.index_cast %add3A_818 : i32 to index
        %get3A_822 = arith.constant 32 : index
        %get3A_823 = tpu.vector_load %arg8[%get3A_820, %get3A_821, %get3A_822] {strides = array<i32>} : memref<4x256x64xf32, #tpu.memory_space<vmem>>, vector<16xf32>,
        %add3A_824 = arith.addf %get3A_823, %gather3A_480 : vector<16xf32>
        %scatter3A_825 = arith.constant 0 : i32
        %scatter3A_826 = arith.constant 0 : i32
        %scatter3A_827 = arith.constant 0 : i32
        %scatter3A_828 = arith.constant 0 : i32
        %scatter3A_829 = tpu.memref_slice %arg9[%scatter3A_825, %scatter3A_826, %scatter3A_827, %scatter3A_828] : memref<2x8x8x129xf32, #tpu.memory_space<vmem>> -> memref<1x8x8x129xf32, #tpu.memory_space<vmem>>
        %scatter3A_830 = tpu.memref_squeeze %scatter3A_829 : memref<1x8x8x129xf32, #tpu.memory_space<vmem>> -> memref<8x8x129xf32, #tpu.memory_space<vmem>>
        tpu.vector_store_idx %scatter3A_830[%shift_right_arithmetic3A_66, %and3A_93, %broadcast_in_dim3A_788], %add3A_824 : memref<8x8x129xf32, #tpu.memory_space<vmem>>[vector<16xi32>, vector<16xi32>, vector<16xi32>], vector<16xf32>,
        %add3A_831 = arith.constant 0 : i32
        %add3A_832 = arith.addi %add3A_831, %scan3A_787 : i32
        %get3A_833 = arith.constant 2 : i32
        %get3A_834 = arith.index_cast %get3A_833 : i32 to index
        %get3A_835 = arith.index_cast %add3A_832 : i32 to index
        %get3A_836 = arith.constant 48 : index
        %get3A_837 = tpu.vector_load %arg8[%get3A_834, %get3A_835, %get3A_836] {strides = array<i32>} : memref<4x256x64xf32, #tpu.memory_space<vmem>>, vector<16xf32>,
        %add3A_838 = arith.addf %get3A_837, %gather3A_481 : vector<16xf32>
        %scatter3A_839 = arith.constant 0 : i32
        %scatter3A_840 = arith.constant 0 : i32
        %scatter3A_841 = arith.constant 0 : i32
        %scatter3A_842 = arith.constant 0 : i32
        %scatter3A_843 = tpu.memref_slice %arg9[%scatter3A_839, %scatter3A_840, %scatter3A_841, %scatter3A_842] : memref<2x8x8x129xf32, #tpu.memory_space<vmem>> -> memref<1x8x8x129xf32, #tpu.memory_space<vmem>>
        %scatter3A_844 = tpu.memref_squeeze %scatter3A_843 : memref<1x8x8x129xf32, #tpu.memory_space<vmem>> -> memref<8x8x129xf32, #tpu.memory_space<vmem>>
        tpu.vector_store_idx %scatter3A_844[%shift_right_arithmetic3A_73, %and3A_100, %broadcast_in_dim3A_788], %add3A_838 : memref<8x8x129xf32, #tpu.memory_space<vmem>>[vector<16xi32>, vector<16xi32>, vector<16xi32>], vector<16xf32>,
        %scan3A_845 = arith.constant 2 : i32
        %scan3A_846 = arith.addi %scan3A_730, %scan3A_845 : i32
        %broadcast_in_dim3A_847 = vector.broadcast %scan3A_846 : i32 to vector<16xi32>
        %add3A_848 = arith.constant 0 : i32
        %add3A_849 = arith.addi %add3A_848, %scan3A_846 : i32
        %get3A_850 = arith.constant 2 : i32
        %get3A_851 = arith.index_cast %get3A_850 : i32 to index
        %get3A_852 = arith.index_cast %add3A_849 : i32 to index
        %get3A_853 = arith.constant 0 : index
        %get3A_854 = tpu.vector_load %arg8[%get3A_851, %get3A_852, %get3A_853] {strides = array<i32>} : memref<4x256x64xf32, #tpu.memory_space<vmem>>, vector<16xf32>,
        %add3A_855 = arith.addf %get3A_854, %gather3A_478 : vector<16xf32>
        %scatter3A_856 = arith.constant 0 : i32
        %scatter3A_857 = arith.constant 0 : i32
        %scatter3A_858 = arith.constant 0 : i32
        %scatter3A_859 = arith.constant 0 : i32
        %scatter3A_860 = tpu.memref_slice %arg9[%scatter3A_856, %scatter3A_857, %scatter3A_858, %scatter3A_859] : memref<2x8x8x129xf32, #tpu.memory_space<vmem>> -> memref<1x8x8x129xf32, #tpu.memory_space<vmem>>
        %scatter3A_861 = tpu.memref_squeeze %scatter3A_860 : memref<1x8x8x129xf32, #tpu.memory_space<vmem>> -> memref<8x8x129xf32, #tpu.memory_space<vmem>>
        tpu.vector_store_idx %scatter3A_861[%shift_right_arithmetic3A_52, %and3A_79, %broadcast_in_dim3A_847], %add3A_855 : memref<8x8x129xf32, #tpu.memory_space<vmem>>[vector<16xi32>, vector<16xi32>, vector<16xi32>], vector<16xf32>,
        %add3A_862 = arith.constant 0 : i32
        %add3A_863 = arith.addi %add3A_862, %scan3A_846 : i32
        %get3A_864 = arith.constant 2 : i32
        %get3A_865 = arith.index_cast %get3A_864 : i32 to index
        %get3A_866 = arith.index_cast %add3A_863 : i32 to index
        %get3A_867 = arith.constant 16 : index
        %get3A_868 = tpu.vector_load %arg8[%get3A_865, %get3A_866, %get3A_867] {strides = array<i32>} : memref<4x256x64xf32, #tpu.memory_space<vmem>>, vector<16xf32>,
        %add3A_869 = arith.addf %get3A_868, %gather3A_479 : vector<16xf32>
        %scatter3A_870 = arith.constant 0 : i32
        %scatter3A_871 = arith.constant 0 : i32
        %scatter3A_872 = arith.constant 0 : i32
        %scatter3A_873 = arith.constant 0 : i32
        %scatter3A_874 = tpu.memref_slice %arg9[%scatter3A_870, %scatter3A_871, %scatter3A_872, %scatter3A_873] : memref<2x8x8x129xf32, #tpu.memory_space<vmem>> -> memref<1x8x8x129xf32, #tpu.memory_space<vmem>>
        %scatter3A_875 = tpu.memref_squeeze %scatter3A_874 : memref<1x8x8x129xf32, #tpu.memory_space<vmem>> -> memref<8x8x129xf32, #tpu.memory_space<vmem>>
        tpu.vector_store_idx %scatter3A_875[%shift_right_arithmetic3A_59, %and3A_86, %broadcast_in_dim3A_847], %add3A_869 : memref<8x8x129xf32, #tpu.memory_space<vmem>>[vector<16xi32>, vector<16xi32>, vector<16xi32>], vector<16xf32>,
        %add3A_876 = arith.constant 0 : i32
        %add3A_877 = arith.addi %add3A_876, %scan3A_846 : i32
        %get3A_878 = arith.constant 2 : i32
        %get3A_879 = arith.index_cast %get3A_878 : i32 to index
        %get3A_880 = arith.index_cast %add3A_877 : i32 to index
        %get3A_881 = arith.constant 32 : index
        %get3A_882 = tpu.vector_load %arg8[%get3A_879, %get3A_880, %get3A_881] {strides = array<i32>} : memref<4x256x64xf32, #tpu.memory_space<vmem>>, vector<16xf32>,
        %add3A_883 = arith.addf %get3A_882, %gather3A_480 : vector<16xf32>
        %scatter3A_884 = arith.constant 0 : i32
        %scatter3A_885 = arith.constant 0 : i32
        %scatter3A_886 = arith.constant 0 : i32
        %scatter3A_887 = arith.constant 0 : i32
        %scatter3A_888 = tpu.memref_slice %arg9[%scatter3A_884, %scatter3A_885, %scatter3A_886, %scatter3A_887] : memref<2x8x8x129xf32, #tpu.memory_space<vmem>> -> memref<1x8x8x129xf32, #tpu.memory_space<vmem>>
        %scatter3A_889 = tpu.memref_squeeze %scatter3A_888 : memref<1x8x8x129xf32, #tpu.memory_space<vmem>> -> memref<8x8x129xf32, #tpu.memory_space<vmem>>
        tpu.vector_store_idx %scatter3A_889[%shift_right_arithmetic3A_66, %and3A_93, %broadcast_in_dim3A_847], %add3A_883 : memref<8x8x129xf32, #tpu.memory_space<vmem>>[vector<16xi32>, vector<16xi32>, vector<16xi32>], vector<16xf32>,
        %add3A_890 = arith.constant 0 : i32
        %add3A_891 = arith.addi %add3A_890, %scan3A_846 : i32
        %get3A_892 = arith.constant 2 : i32
        %get3A_893 = arith.index_cast %get3A_892 : i32 to index
        %get3A_894 = arith.index_cast %add3A_891 : i32 to index
        %get3A_895 = arith.constant 48 : index
        %get3A_896 = tpu.vector_load %arg8[%get3A_893, %get3A_894, %get3A_895] {strides = array<i32>} : memref<4x256x64xf32, #tpu.memory_space<vmem>>, vector<16xf32>,
        %add3A_897 = arith.addf %get3A_896, %gather3A_481 : vector<16xf32>
        %scatter3A_898 = arith.constant 0 : i32
        %scatter3A_899 = arith.constant 0 : i32
        %scatter3A_900 = arith.constant 0 : i32
        %scatter3A_901 = arith.constant 0 : i32
        %scatter3A_902 = tpu.memref_slice %arg9[%scatter3A_898, %scatter3A_899, %scatter3A_900, %scatter3A_901] : memref<2x8x8x129xf32, #tpu.memory_space<vmem>> -> memref<1x8x8x129xf32, #tpu.memory_space<vmem>>
        %scatter3A_903 = tpu.memref_squeeze %scatter3A_902 : memref<1x8x8x129xf32, #tpu.memory_space<vmem>> -> memref<8x8x129xf32, #tpu.memory_space<vmem>>
        tpu.vector_store_idx %scatter3A_903[%shift_right_arithmetic3A_73, %and3A_100, %broadcast_in_dim3A_847], %add3A_897 : memref<8x8x129xf32, #tpu.memory_space<vmem>>[vector<16xi32>, vector<16xi32>, vector<16xi32>], vector<16xf32>,
        %scan3A_904 = arith.constant 3 : i32
        %scan3A_905 = arith.addi %scan3A_730, %scan3A_904 : i32
        %broadcast_in_dim3A_906 = vector.broadcast %scan3A_905 : i32 to vector<16xi32>
        %add3A_907 = arith.constant 0 : i32
        %add3A_908 = arith.addi %add3A_907, %scan3A_905 : i32
        %get3A_909 = arith.constant 2 : i32
        %get3A_910 = arith.index_cast %get3A_909 : i32 to index
        %get3A_911 = arith.index_cast %add3A_908 : i32 to index
        %get3A_912 = arith.constant 0 : index
        %get3A_913 = tpu.vector_load %arg8[%get3A_910, %get3A_911, %get3A_912] {strides = array<i32>} : memref<4x256x64xf32, #tpu.memory_space<vmem>>, vector<16xf32>,
        %add3A_914 = arith.addf %get3A_913, %gather3A_478 : vector<16xf32>
        %scatter3A_915 = arith.constant 0 : i32
        %scatter3A_916 = arith.constant 0 : i32
        %scatter3A_917 = arith.constant 0 : i32
        %scatter3A_918 = arith.constant 0 : i32
        %scatter3A_919 = tpu.memref_slice %arg9[%scatter3A_915, %scatter3A_916, %scatter3A_917, %scatter3A_918] : memref<2x8x8x129xf32, #tpu.memory_space<vmem>> -> memref<1x8x8x129xf32, #tpu.memory_space<vmem>>
        %scatter3A_920 = tpu.memref_squeeze %scatter3A_919 : memref<1x8x8x129xf32, #tpu.memory_space<vmem>> -> memref<8x8x129xf32, #tpu.memory_space<vmem>>
        tpu.vector_store_idx %scatter3A_920[%shift_right_arithmetic3A_52, %and3A_79, %broadcast_in_dim3A_906], %add3A_914 : memref<8x8x129xf32, #tpu.memory_space<vmem>>[vector<16xi32>, vector<16xi32>, vector<16xi32>], vector<16xf32>,
        %add3A_921 = arith.constant 0 : i32
        %add3A_922 = arith.addi %add3A_921, %scan3A_905 : i32
        %get3A_923 = arith.constant 2 : i32
        %get3A_924 = arith.index_cast %get3A_923 : i32 to index
        %get3A_925 = arith.index_cast %add3A_922 : i32 to index
        %get3A_926 = arith.constant 16 : index
        %get3A_927 = tpu.vector_load %arg8[%get3A_924, %get3A_925, %get3A_926] {strides = array<i32>} : memref<4x256x64xf32, #tpu.memory_space<vmem>>, vector<16xf32>,
        %add3A_928 = arith.addf %get3A_927, %gather3A_479 : vector<16xf32>
        %scatter3A_929 = arith.constant 0 : i32
        %scatter3A_930 = arith.constant 0 : i32
        %scatter3A_931 = arith.constant 0 : i32
        %scatter3A_932 = arith.constant 0 : i32
        %scatter3A_933 = tpu.memref_slice %arg9[%scatter3A_929, %scatter3A_930, %scatter3A_931, %scatter3A_932] : memref<2x8x8x129xf32, #tpu.memory_space<vmem>> -> memref<1x8x8x129xf32, #tpu.memory_space<vmem>>
        %scatter3A_934 = tpu.memref_squeeze %scatter3A_933 : memref<1x8x8x129xf32, #tpu.memory_space<vmem>> -> memref<8x8x129xf32, #tpu.memory_space<vmem>>
        tpu.vector_store_idx %scatter3A_934[%shift_right_arithmetic3A_59, %and3A_86, %broadcast_in_dim3A_906], %add3A_928 : memref<8x8x129xf32, #tpu.memory_space<vmem>>[vector<16xi32>, vector<16xi32>, vector<16xi32>], vector<16xf32>,
        %add3A_935 = arith.constant 0 : i32
        %add3A_936 = arith.addi %add3A_935, %scan3A_905 : i32
        %get3A_937 = arith.constant 2 : i32
        %get3A_938 = arith.index_cast %get3A_937 : i32 to index
        %get3A_939 = arith.index_cast %add3A_936 : i32 to index
        %get3A_940 = arith.constant 32 : index
        %get3A_941 = tpu.vector_load %arg8[%get3A_938, %get3A_939, %get3A_940] {strides = array<i32>} : memref<4x256x64xf32, #tpu.memory_space<vmem>>, vector<16xf32>,
        %add3A_942 = arith.addf %get3A_941, %gather3A_480 : vector<16xf32>
        %scatter3A_943 = arith.constant 0 : i32
        %scatter3A_944 = arith.constant 0 : i32
        %scatter3A_945 = arith.constant 0 : i32
        %scatter3A_946 = arith.constant 0 : i32
        %scatter3A_947 = tpu.memref_slice %arg9[%scatter3A_943, %scatter3A_944, %scatter3A_945, %scatter3A_946] : memref<2x8x8x129xf32, #tpu.memory_space<vmem>> -> memref<1x8x8x129xf32, #tpu.memory_space<vmem>>
        %scatter3A_948 = tpu.memref_squeeze %scatter3A_947 : memref<1x8x8x129xf32, #tpu.memory_space<vmem>> -> memref<8x8x129xf32, #tpu.memory_space<vmem>>
        tpu.vector_store_idx %scatter3A_948[%shift_right_arithmetic3A_66, %and3A_93, %broadcast_in_dim3A_906], %add3A_942 : memref<8x8x129xf32, #tpu.memory_space<vmem>>[vector<16xi32>, vector<16xi32>, vector<16xi32>], vector<16xf32>,
        %add3A_949 = arith.constant 0 : i32
        %add3A_950 = arith.addi %add3A_949, %scan3A_905 : i32
        %get3A_951 = arith.constant 2 : i32
        %get3A_952 = arith.index_cast %get3A_951 : i32 to index
        %get3A_953 = arith.index_cast %add3A_950 : i32 to index
        %get3A_954 = arith.constant 48 : index
        %get3A_955 = tpu.vector_load %arg8[%get3A_952, %get3A_953, %get3A_954] {strides = array<i32>} : memref<4x256x64xf32, #tpu.memory_space<vmem>>, vector<16xf32>,
        %add3A_956 = arith.addf %get3A_955, %gather3A_481 : vector<16xf32>
        %scatter3A_957 = arith.constant 0 : i32
        %scatter3A_958 = arith.constant 0 : i32
        %scatter3A_959 = arith.constant 0 : i32
        %scatter3A_960 = arith.constant 0 : i32
        %scatter3A_961 = tpu.memref_slice %arg9[%scatter3A_957, %scatter3A_958, %scatter3A_959, %scatter3A_960] : memref<2x8x8x129xf32, #tpu.memory_space<vmem>> -> memref<1x8x8x129xf32, #tpu.memory_space<vmem>>
        %scatter3A_962 = tpu.memref_squeeze %scatter3A_961 : memref<1x8x8x129xf32, #tpu.memory_space<vmem>> -> memref<8x8x129xf32, #tpu.memory_space<vmem>>
        tpu.vector_store_idx %scatter3A_962[%shift_right_arithmetic3A_73, %and3A_100, %broadcast_in_dim3A_906], %add3A_956 : memref<8x8x129xf32, #tpu.memory_space<vmem>>[vector<16xi32>, vector<16xi32>, vector<16xi32>], vector<16xf32>,
      }
      %scan3A_487 = arith.constant 128 : i32
      %dma_start3A_488 = arith.constant 0 : i32
      %dma_start3A_489 = arith.constant 0 : i32
      %dma_start3A_490 = arith.constant 0 : i32
      %dma_start3A_491 = arith.constant 0 : i32
      %dma_start3A_492 = tpu.memref_slice %arg9[%dma_start3A_488, %dma_start3A_489, %dma_start3A_490, %dma_start3A_491] : memref<2x8x8x129xf32, #tpu.memory_space<vmem>> -> memref<1x8x8x128xf32, #tpu.memory_space<vmem>>
      %dma_start3A_493 = tpu.memref_squeeze %dma_start3A_492 : memref<1x8x8x128xf32, #tpu.memory_space<vmem>> -> memref<8x8x128xf32, #tpu.memory_space<vmem>>
      %dma_start3A_494 = arith.constant 0 : i32
      %dma_start3A_495 = arith.constant 0 : i32
      %dma_start3A_496 = arith.constant 0 : i32
      %dma_start3A_497 = tpu.memref_slice %arg5[%add3A_453, %dma_start3A_494, %add3A, %dma_start3A_495, %dma_start3A_496] : memref<200x8x32x8x128xf32, #tpu.memory_space<hbm>> -> memref<1x8x1x8x128xf32, #tpu.memory_space<hbm>>
      %dma_start3A_498 = tpu.memref_squeeze %dma_start3A_497 : memref<1x8x1x8x128xf32, #tpu.memory_space<hbm>> -> memref<8x8x128xf32, #tpu.memory_space<hbm>>
      %dma_start3A_499 = arith.constant 0 : i32
      %dma_start3A_500 = arith.constant 0 : i32
      %dma_start3A_501 = arith.constant 0 : i32
      %dma_start3A_502 = tpu.memref_slice %arg5[%add3A_453, %dma_start3A_499, %add3A, %dma_start3A_500, %dma_start3A_501] : memref<200x8x32x8x128xf32, #tpu.memory_space<hbm>> -> memref<1x8x1x8x128xf32, #tpu.memory_space<hbm>>
      %dma_start3A_503 = tpu.memref_squeeze %dma_start3A_502 : memref<1x8x1x8x128xf32, #tpu.memory_space<hbm>> -> memref<8x8x128xf32, #tpu.memory_space<hbm>>
      %dma_start3A_504 = arith.constant 0 : i32
      %dma_start3A_505 = arith.constant 0 : i32
      %dma_start3A_506 = arith.constant 0 : i32
      %dma_start3A_507 = tpu.memref_slice %arg9[%dma_start3A_488, %dma_start3A_504, %dma_start3A_505, %dma_start3A_506] : memref<2x8x8x129xf32, #tpu.memory_space<vmem>> -> memref<1x8x8x128xf32, #tpu.memory_space<vmem>>
      %dma_start3A_508 = tpu.memref_squeeze %dma_start3A_507 : memref<1x8x8x128xf32, #tpu.memory_space<vmem>> -> memref<8x8x128xf32, #tpu.memory_space<vmem>>
      tpu.enqueue_dma source(%dma_start3A_508 : memref<8x8x128xf32, #tpu.memory_space<vmem>>) target(%dma_start3A_503 : memref<8x8x128xf32, #tpu.memory_space<hbm>>) target_semaphore(%arg14 : memref<!tpu.dma_semaphore, #tpu.memory_space<semaphore_mem>>)
      %mul3A_509 = arith.constant 2 : i32
      %mul3A_510 = arith.muli %mul3A_509, %add3A_431 : i32
      %add3A_511 = arith.constant 1 : i32
      %add3A_512 = arith.addi %mul3A_510, %add3A_511 : i32
      %dma_wait3A_513 = arith.constant 1 : i32
      %dma_wait3A_514 = arith.constant 0 : i32
      %dma_wait3A_515 = arith.constant 0 : i32
      %dma_wait3A_516 = arith.constant 0 : i32
      %dma_wait3A_517 = arith.constant 0 : i32
      %dma_wait3A_518 = arith.constant 0 : i32
      %dma_wait3A_519 = tpu.memref_slice %arg9[%dma_wait3A_513, %dma_wait3A_516, %dma_wait3A_517, %dma_wait3A_518] : memref<2x8x8x129xf32, #tpu.memory_space<vmem>> -> memref<1x8x8x128xf32, #tpu.memory_space<vmem>>
      %dma_wait3A_520 = tpu.memref_squeeze %dma_wait3A_519 : memref<1x8x8x128xf32, #tpu.memory_space<vmem>> -> memref<8x8x128xf32, #tpu.memory_space<vmem>>
      %dma_wait3A_521 = arith.constant 0 : i32
      %dma_wait3A_522 = arith.constant 0 : i32
      %dma_wait3A_523 = arith.constant 0 : i32
      %dma_wait3A_524 = tpu.memref_slice %arg5[%dma_wait3A_514, %dma_wait3A_521, %dma_wait3A_515, %dma_wait3A_522, %dma_wait3A_523] : memref<200x8x32x8x128xf32, #tpu.memory_space<hbm>> -> memref<1x8x1x8x128xf32, #tpu.memory_space<hbm>>
      %dma_wait3A_525 = tpu.memref_squeeze %dma_wait3A_524 : memref<1x8x1x8x128xf32, #tpu.memory_space<hbm>> -> memref<8x8x128xf32, #tpu.memory_space<hbm>>
      %dma_wait3A_526 = arith.constant 0 : i32
      %dma_wait3A_527 = arith.constant 0 : i32
      %dma_wait3A_528 = arith.constant 0 : i32
      %dma_wait3A_529 = tpu.memref_slice %arg5[%dma_wait3A_514, %dma_wait3A_526, %dma_wait3A_515, %dma_wait3A_527, %dma_wait3A_528] : memref<200x8x32x8x128xf32, #tpu.memory_space<hbm>> -> memref<1x8x1x8x128xf32, #tpu.memory_space<hbm>>
      %dma_wait3A_530 = tpu.memref_squeeze %dma_wait3A_529 : memref<1x8x1x8x128xf32, #tpu.memory_space<hbm>> -> memref<8x8x128xf32, #tpu.memory_space<hbm>>
      %dma_wait3A_531 = arith.constant 0 : i32
      %dma_wait3A_532 = arith.constant 0 : i32
      %dma_wait3A_533 = arith.constant 0 : i32
      %dma_wait3A_534 = tpu.memref_slice %arg9[%dma_wait3A_513, %dma_wait3A_531, %dma_wait3A_532, %dma_wait3A_533] : memref<2x8x8x129xf32, #tpu.memory_space<vmem>> -> memref<1x8x8x128xf32, #tpu.memory_space<vmem>>
      %dma_wait3A_535 = tpu.memref_squeeze %dma_wait3A_534 : memref<1x8x8x128xf32, #tpu.memory_space<vmem>> -> memref<8x8x128xf32, #tpu.memory_space<vmem>>
      tpu.wait_dma2 semaphore(%arg15 : memref<!tpu.dma_semaphore, #tpu.memory_space<semaphore_mem>>) src(%dma_wait3A_535 : memref<8x8x128xf32, #tpu.memory_space<vmem>>) dst(%dma_wait3A_530 : memref<8x8x128xf32, #tpu.memory_space<hbm>>)
      %broadcast_in_dim3A_536 = vector.broadcast %add3A_512 : i32 to vector<16xi32>
      %gather3A_537 = tpu.vector_load_idx %arg6[%add3A_104, %broadcast_in_dim3A_536] : memref<64x200xf32, #tpu.memory_space<vmem>>[vector<16xi32>, vector<16xi32>], vector<16xf32>,
      %gather3A_538 = tpu.vector_load_idx %arg6[%add3A_108, %broadcast_in_dim3A_536] : memref<64x200xf32, #tpu.memory_space<vmem>>[vector<16xi32>, vector<16xi32>], vector<16xf32>,
      %gather3A_539 = tpu.vector_load_idx %arg6[%add3A_112, %broadcast_in_dim3A_536] : memref<64x200xf32, #tpu.memory_space<vmem>>[vector<16xi32>, vector<16xi32>], vector<16xf32>,
      %gather3A_540 = tpu.vector_load_idx %arg6[%add3A_116, %broadcast_in_dim3A_536] : memref<64x200xf32, #tpu.memory_space<vmem>>[vector<16xi32>, vector<16xi32>], vector<16xf32>,
      %scan3A_541 = arith.constant 0 : i32
      %scan3A_542 = arith.constant 0 : i32
      %scan3A_543 = arith.constant 128 : i32
      %scan3A_544 = arith.addi %scan3A_542, %scan3A_543 : i32
      %scan3A_545 = arith.constant 4 : i32
      scf.for %scan3A_730 = %scan3A_542 to %scan3A_544 step %scan3A_545  : i32 {
        %broadcast_in_dim3A_731 = vector.broadcast %scan3A_730 : i32 to vector<16xi32>
        %add3A_732 = arith.constant 128 : i32
        %add3A_733 = arith.addi %add3A_732, %scan3A_730 : i32
        %get3A = arith.constant 2 : i32
        %get3A_734 = arith.index_cast %get3A : i32 to index
        %get3A_735 = arith.index_cast %add3A_733 : i32 to index
        %get3A_736 = arith.constant 0 : index
        %get3A_737 = tpu.vector_load %arg8[%get3A_734, %get3A_735, %get3A_736] {strides = array<i32>} : memref<4x256x64xf32, #tpu.memory_space<vmem>>, vector<16xf32>,
        %add3A_738 = arith.addf %get3A_737, %gather3A_537 : vector<16xf32>
        %scatter3A = arith.constant 1 : i32
        %scatter3A_739 = arith.constant 0 : i32
        %scatter3A_740 = arith.constant 0 : i32
        %scatter3A_741 = arith.constant 0 : i32
        %scatter3A_742 = tpu.memref_slice %arg9[%scatter3A, %scatter3A_739, %scatter3A_740, %scatter3A_741] : memref<2x8x8x129xf32, #tpu.memory_space<vmem>> -> memref<1x8x8x129xf32, #tpu.memory_space<vmem>>
        %scatter3A_743 = tpu.memref_squeeze %scatter3A_742 : memref<1x8x8x129xf32, #tpu.memory_space<vmem>> -> memref<8x8x129xf32, #tpu.memory_space<vmem>>
        tpu.vector_store_idx %scatter3A_743[%shift_right_arithmetic3A_52, %and3A_79, %broadcast_in_dim3A_731], %add3A_738 : memref<8x8x129xf32, #tpu.memory_space<vmem>>[vector<16xi32>, vector<16xi32>, vector<16xi32>], vector<16xf32>,
        %add3A_744 = arith.constant 128 : i32
        %add3A_745 = arith.addi %add3A_744, %scan3A_730 : i32
        %get3A_746 = arith.constant 2 : i32
        %get3A_747 = arith.index_cast %get3A_746 : i32 to index
        %get3A_748 = arith.index_cast %add3A_745 : i32 to index
        %get3A_749 = arith.constant 16 : index
        %get3A_750 = tpu.vector_load %arg8[%get3A_747, %get3A_748, %get3A_749] {strides = array<i32>} : memref<4x256x64xf32, #tpu.memory_space<vmem>>, vector<16xf32>,
        %add3A_751 = arith.addf %get3A_750, %gather3A_538 : vector<16xf32>
        %scatter3A_752 = arith.constant 1 : i32
        %scatter3A_753 = arith.constant 0 : i32
        %scatter3A_754 = arith.constant 0 : i32
        %scatter3A_755 = arith.constant 0 : i32
        %scatter3A_756 = tpu.memref_slice %arg9[%scatter3A_752, %scatter3A_753, %scatter3A_754, %scatter3A_755] : memref<2x8x8x129xf32, #tpu.memory_space<vmem>> -> memref<1x8x8x129xf32, #tpu.memory_space<vmem>>
        %scatter3A_757 = tpu.memref_squeeze %scatter3A_756 : memref<1x8x8x129xf32, #tpu.memory_space<vmem>> -> memref<8x8x129xf32, #tpu.memory_space<vmem>>
        tpu.vector_store_idx %scatter3A_757[%shift_right_arithmetic3A_59, %and3A_86, %broadcast_in_dim3A_731], %add3A_751 : memref<8x8x129xf32, #tpu.memory_space<vmem>>[vector<16xi32>, vector<16xi32>, vector<16xi32>], vector<16xf32>,
        %add3A_758 = arith.constant 128 : i32
        %add3A_759 = arith.addi %add3A_758, %scan3A_730 : i32
        %get3A_760 = arith.constant 2 : i32
        %get3A_761 = arith.index_cast %get3A_760 : i32 to index
        %get3A_762 = arith.index_cast %add3A_759 : i32 to index
        %get3A_763 = arith.constant 32 : index
        %get3A_764 = tpu.vector_load %arg8[%get3A_761, %get3A_762, %get3A_763] {strides = array<i32>} : memref<4x256x64xf32, #tpu.memory_space<vmem>>, vector<16xf32>,
        %add3A_765 = arith.addf %get3A_764, %gather3A_539 : vector<16xf32>
        %scatter3A_766 = arith.constant 1 : i32
        %scatter3A_767 = arith.constant 0 : i32
        %scatter3A_768 = arith.constant 0 : i32
        %scatter3A_769 = arith.constant 0 : i32
        %scatter3A_770 = tpu.memref_slice %arg9[%scatter3A_766, %scatter3A_767, %scatter3A_768, %scatter3A_769] : memref<2x8x8x129xf32, #tpu.memory_space<vmem>> -> memref<1x8x8x129xf32, #tpu.memory_space<vmem>>
        %scatter3A_771 = tpu.memref_squeeze %scatter3A_770 : memref<1x8x8x129xf32, #tpu.memory_space<vmem>> -> memref<8x8x129xf32, #tpu.memory_space<vmem>>
        tpu.vector_store_idx %scatter3A_771[%shift_right_arithmetic3A_66, %and3A_93, %broadcast_in_dim3A_731], %add3A_765 : memref<8x8x129xf32, #tpu.memory_space<vmem>>[vector<16xi32>, vector<16xi32>, vector<16xi32>], vector<16xf32>,
        %add3A_772 = arith.constant 128 : i32
        %add3A_773 = arith.addi %add3A_772, %scan3A_730 : i32
        %get3A_774 = arith.constant 2 : i32
        %get3A_775 = arith.index_cast %get3A_774 : i32 to index
        %get3A_776 = arith.index_cast %add3A_773 : i32 to index
        %get3A_777 = arith.constant 48 : index
        %get3A_778 = tpu.vector_load %arg8[%get3A_775, %get3A_776, %get3A_777] {strides = array<i32>} : memref<4x256x64xf32, #tpu.memory_space<vmem>>, vector<16xf32>,
        %add3A_779 = arith.addf %get3A_778, %gather3A_540 : vector<16xf32>
        %scatter3A_780 = arith.constant 1 : i32
        %scatter3A_781 = arith.constant 0 : i32
        %scatter3A_782 = arith.constant 0 : i32
        %scatter3A_783 = arith.constant 0 : i32
        %scatter3A_784 = tpu.memref_slice %arg9[%scatter3A_780, %scatter3A_781, %scatter3A_782, %scatter3A_783] : memref<2x8x8x129xf32, #tpu.memory_space<vmem>> -> memref<1x8x8x129xf32, #tpu.memory_space<vmem>>
        %scatter3A_785 = tpu.memref_squeeze %scatter3A_784 : memref<1x8x8x129xf32, #tpu.memory_space<vmem>> -> memref<8x8x129xf32, #tpu.memory_space<vmem>>
        tpu.vector_store_idx %scatter3A_785[%shift_right_arithmetic3A_73, %and3A_100, %broadcast_in_dim3A_731], %add3A_779 : memref<8x8x129xf32, #tpu.memory_space<vmem>>[vector<16xi32>, vector<16xi32>, vector<16xi32>], vector<16xf32>,
        %scan3A_786 = arith.constant 1 : i32
        %scan3A_787 = arith.addi %scan3A_730, %scan3A_786 : i32
        %broadcast_in_dim3A_788 = vector.broadcast %scan3A_787 : i32 to vector<16xi32>
        %add3A_789 = arith.constant 128 : i32
        %add3A_790 = arith.addi %add3A_789, %scan3A_787 : i32
        %get3A_791 = arith.constant 2 : i32
        %get3A_792 = arith.index_cast %get3A_791 : i32 to index
        %get3A_793 = arith.index_cast %add3A_790 : i32 to index
        %get3A_794 = arith.constant 0 : index
        %get3A_795 = tpu.vector_load %arg8[%get3A_792, %get3A_793, %get3A_794] {strides = array<i32>} : memref<4x256x64xf32, #tpu.memory_space<vmem>>, vector<16xf32>,
        %add3A_796 = arith.addf %get3A_795, %gather3A_537 : vector<16xf32>
        %scatter3A_797 = arith.constant 1 : i32
        %scatter3A_798 = arith.constant 0 : i32
        %scatter3A_799 = arith.constant 0 : i32
        %scatter3A_800 = arith.constant 0 : i32
        %scatter3A_801 = tpu.memref_slice %arg9[%scatter3A_797, %scatter3A_798, %scatter3A_799, %scatter3A_800] : memref<2x8x8x129xf32, #tpu.memory_space<vmem>> -> memref<1x8x8x129xf32, #tpu.memory_space<vmem>>
        %scatter3A_802 = tpu.memref_squeeze %scatter3A_801 : memref<1x8x8x129xf32, #tpu.memory_space<vmem>> -> memref<8x8x129xf32, #tpu.memory_space<vmem>>
        tpu.vector_store_idx %scatter3A_802[%shift_right_arithmetic3A_52, %and3A_79, %broadcast_in_dim3A_788], %add3A_796 : memref<8x8x129xf32, #tpu.memory_space<vmem>>[vector<16xi32>, vector<16xi32>, vector<16xi32>], vector<16xf32>,
        %add3A_803 = arith.constant 128 : i32
        %add3A_804 = arith.addi %add3A_803, %scan3A_787 : i32
        %get3A_805 = arith.constant 2 : i32
        %get3A_806 = arith.index_cast %get3A_805 : i32 to index
        %get3A_807 = arith.index_cast %add3A_804 : i32 to index
        %get3A_808 = arith.constant 16 : index
        %get3A_809 = tpu.vector_load %arg8[%get3A_806, %get3A_807, %get3A_808] {strides = array<i32>} : memref<4x256x64xf32, #tpu.memory_space<vmem>>, vector<16xf32>,
        %add3A_810 = arith.addf %get3A_809, %gather3A_538 : vector<16xf32>
        %scatter3A_811 = arith.constant 1 : i32
        %scatter3A_812 = arith.constant 0 : i32
        %scatter3A_813 = arith.constant 0 : i32
        %scatter3A_814 = arith.constant 0 : i32
        %scatter3A_815 = tpu.memref_slice %arg9[%scatter3A_811, %scatter3A_812, %scatter3A_813, %scatter3A_814] : memref<2x8x8x129xf32, #tpu.memory_space<vmem>> -> memref<1x8x8x129xf32, #tpu.memory_space<vmem>>
        %scatter3A_816 = tpu.memref_squeeze %scatter3A_815 : memref<1x8x8x129xf32, #tpu.memory_space<vmem>> -> memref<8x8x129xf32, #tpu.memory_space<vmem>>
        tpu.vector_store_idx %scatter3A_816[%shift_right_arithmetic3A_59, %and3A_86, %broadcast_in_dim3A_788], %add3A_810 : memref<8x8x129xf32, #tpu.memory_space<vmem>>[vector<16xi32>, vector<16xi32>, vector<16xi32>], vector<16xf32>,
        %add3A_817 = arith.constant 128 : i32
        %add3A_818 = arith.addi %add3A_817, %scan3A_787 : i32
        %get3A_819 = arith.constant 2 : i32
        %get3A_820 = arith.index_cast %get3A_819 : i32 to index
        %get3A_821 = arith.index_cast %add3A_818 : i32 to index
        %get3A_822 = arith.constant 32 : index
        %get3A_823 = tpu.vector_load %arg8[%get3A_820, %get3A_821, %get3A_822] {strides = array<i32>} : memref<4x256x64xf32, #tpu.memory_space<vmem>>, vector<16xf32>,
        %add3A_824 = arith.addf %get3A_823, %gather3A_539 : vector<16xf32>
        %scatter3A_825 = arith.constant 1 : i32
        %scatter3A_826 = arith.constant 0 : i32
        %scatter3A_827 = arith.constant 0 : i32
        %scatter3A_828 = arith.constant 0 : i32
        %scatter3A_829 = tpu.memref_slice %arg9[%scatter3A_825, %scatter3A_826, %scatter3A_827, %scatter3A_828] : memref<2x8x8x129xf32, #tpu.memory_space<vmem>> -> memref<1x8x8x129xf32, #tpu.memory_space<vmem>>
        %scatter3A_830 = tpu.memref_squeeze %scatter3A_829 : memref<1x8x8x129xf32, #tpu.memory_space<vmem>> -> memref<8x8x129xf32, #tpu.memory_space<vmem>>
        tpu.vector_store_idx %scatter3A_830[%shift_right_arithmetic3A_66, %and3A_93, %broadcast_in_dim3A_788], %add3A_824 : memref<8x8x129xf32, #tpu.memory_space<vmem>>[vector<16xi32>, vector<16xi32>, vector<16xi32>], vector<16xf32>,
        %add3A_831 = arith.constant 128 : i32
        %add3A_832 = arith.addi %add3A_831, %scan3A_787 : i32
        %get3A_833 = arith.constant 2 : i32
        %get3A_834 = arith.index_cast %get3A_833 : i32 to index
        %get3A_835 = arith.index_cast %add3A_832 : i32 to index
        %get3A_836 = arith.constant 48 : index
        %get3A_837 = tpu.vector_load %arg8[%get3A_834, %get3A_835, %get3A_836] {strides = array<i32>} : memref<4x256x64xf32, #tpu.memory_space<vmem>>, vector<16xf32>,
        %add3A_838 = arith.addf %get3A_837, %gather3A_540 : vector<16xf32>
        %scatter3A_839 = arith.constant 1 : i32
        %scatter3A_840 = arith.constant 0 : i32
        %scatter3A_841 = arith.constant 0 : i32
        %scatter3A_842 = arith.constant 0 : i32
        %scatter3A_843 = tpu.memref_slice %arg9[%scatter3A_839, %scatter3A_840, %scatter3A_841, %scatter3A_842] : memref<2x8x8x129xf32, #tpu.memory_space<vmem>> -> memref<1x8x8x129xf32, #tpu.memory_space<vmem>>
        %scatter3A_844 = tpu.memref_squeeze %scatter3A_843 : memref<1x8x8x129xf32, #tpu.memory_space<vmem>> -> memref<8x8x129xf32, #tpu.memory_space<vmem>>
        tpu.vector_store_idx %scatter3A_844[%shift_right_arithmetic3A_73, %and3A_100, %broadcast_in_dim3A_788], %add3A_838 : memref<8x8x129xf32, #tpu.memory_space<vmem>>[vector<16xi32>, vector<16xi32>, vector<16xi32>], vector<16xf32>,
        %scan3A_845 = arith.constant 2 : i32
        %scan3A_846 = arith.addi %scan3A_730, %scan3A_845 : i32
        %broadcast_in_dim3A_847 = vector.broadcast %scan3A_846 : i32 to vector<16xi32>
        %add3A_848 = arith.constant 128 : i32
        %add3A_849 = arith.addi %add3A_848, %scan3A_846 : i32
        %get3A_850 = arith.constant 2 : i32
        %get3A_851 = arith.index_cast %get3A_850 : i32 to index
        %get3A_852 = arith.index_cast %add3A_849 : i32 to index
        %get3A_853 = arith.constant 0 : index
        %get3A_854 = tpu.vector_load %arg8[%get3A_851, %get3A_852, %get3A_853] {strides = array<i32>} : memref<4x256x64xf32, #tpu.memory_space<vmem>>, vector<16xf32>,
        %add3A_855 = arith.addf %get3A_854, %gather3A_537 : vector<16xf32>
        %scatter3A_856 = arith.constant 1 : i32
        %scatter3A_857 = arith.constant 0 : i32
        %scatter3A_858 = arith.constant 0 : i32
        %scatter3A_859 = arith.constant 0 : i32
        %scatter3A_860 = tpu.memref_slice %arg9[%scatter3A_856, %scatter3A_857, %scatter3A_858, %scatter3A_859] : memref<2x8x8x129xf32, #tpu.memory_space<vmem>> -> memref<1x8x8x129xf32, #tpu.memory_space<vmem>>
        %scatter3A_861 = tpu.memref_squeeze %scatter3A_860 : memref<1x8x8x129xf32, #tpu.memory_space<vmem>> -> memref<8x8x129xf32, #tpu.memory_space<vmem>>
        tpu.vector_store_idx %scatter3A_861[%shift_right_arithmetic3A_52, %and3A_79, %broadcast_in_dim3A_847], %add3A_855 : memref<8x8x129xf32, #tpu.memory_space<vmem>>[vector<16xi32>, vector<16xi32>, vector<16xi32>], vector<16xf32>,
        %add3A_862 = arith.constant 128 : i32
        %add3A_863 = arith.addi %add3A_862, %scan3A_846 : i32
        %get3A_864 = arith.constant 2 : i32
        %get3A_865 = arith.index_cast %get3A_864 : i32 to index
        %get3A_866 = arith.index_cast %add3A_863 : i32 to index
        %get3A_867 = arith.constant 16 : index
        %get3A_868 = tpu.vector_load %arg8[%get3A_865, %get3A_866, %get3A_867] {strides = array<i32>} : memref<4x256x64xf32, #tpu.memory_space<vmem>>, vector<16xf32>,
        %add3A_869 = arith.addf %get3A_868, %gather3A_538 : vector<16xf32>
        %scatter3A_870 = arith.constant 1 : i32
        %scatter3A_871 = arith.constant 0 : i32
        %scatter3A_872 = arith.constant 0 : i32
        %scatter3A_873 = arith.constant 0 : i32
        %scatter3A_874 = tpu.memref_slice %arg9[%scatter3A_870, %scatter3A_871, %scatter3A_872, %scatter3A_873] : memref<2x8x8x129xf32, #tpu.memory_space<vmem>> -> memref<1x8x8x129xf32, #tpu.memory_space<vmem>>
        %scatter3A_875 = tpu.memref_squeeze %scatter3A_874 : memref<1x8x8x129xf32, #tpu.memory_space<vmem>> -> memref<8x8x129xf32, #tpu.memory_space<vmem>>
        tpu.vector_store_idx %scatter3A_875[%shift_right_arithmetic3A_59, %and3A_86, %broadcast_in_dim3A_847], %add3A_869 : memref<8x8x129xf32, #tpu.memory_space<vmem>>[vector<16xi32>, vector<16xi32>, vector<16xi32>], vector<16xf32>,
        %add3A_876 = arith.constant 128 : i32
        %add3A_877 = arith.addi %add3A_876, %scan3A_846 : i32
        %get3A_878 = arith.constant 2 : i32
        %get3A_879 = arith.index_cast %get3A_878 : i32 to index
        %get3A_880 = arith.index_cast %add3A_877 : i32 to index
        %get3A_881 = arith.constant 32 : index
        %get3A_882 = tpu.vector_load %arg8[%get3A_879, %get3A_880, %get3A_881] {strides = array<i32>} : memref<4x256x64xf32, #tpu.memory_space<vmem>>, vector<16xf32>,
        %add3A_883 = arith.addf %get3A_882, %gather3A_539 : vector<16xf32>
        %scatter3A_884 = arith.constant 1 : i32
        %scatter3A_885 = arith.constant 0 : i32
        %scatter3A_886 = arith.constant 0 : i32
        %scatter3A_887 = arith.constant 0 : i32
        %scatter3A_888 = tpu.memref_slice %arg9[%scatter3A_884, %scatter3A_885, %scatter3A_886, %scatter3A_887] : memref<2x8x8x129xf32, #tpu.memory_space<vmem>> -> memref<1x8x8x129xf32, #tpu.memory_space<vmem>>
        %scatter3A_889 = tpu.memref_squeeze %scatter3A_888 : memref<1x8x8x129xf32, #tpu.memory_space<vmem>> -> memref<8x8x129xf32, #tpu.memory_space<vmem>>
        tpu.vector_store_idx %scatter3A_889[%shift_right_arithmetic3A_66, %and3A_93, %broadcast_in_dim3A_847], %add3A_883 : memref<8x8x129xf32, #tpu.memory_space<vmem>>[vector<16xi32>, vector<16xi32>, vector<16xi32>], vector<16xf32>,
        %add3A_890 = arith.constant 128 : i32
        %add3A_891 = arith.addi %add3A_890, %scan3A_846 : i32
        %get3A_892 = arith.constant 2 : i32
        %get3A_893 = arith.index_cast %get3A_892 : i32 to index
        %get3A_894 = arith.index_cast %add3A_891 : i32 to index
        %get3A_895 = arith.constant 48 : index
        %get3A_896 = tpu.vector_load %arg8[%get3A_893, %get3A_894, %get3A_895] {strides = array<i32>} : memref<4x256x64xf32, #tpu.memory_space<vmem>>, vector<16xf32>,
        %add3A_897 = arith.addf %get3A_896, %gather3A_540 : vector<16xf32>
        %scatter3A_898 = arith.constant 1 : i32
        %scatter3A_899 = arith.constant 0 : i32
        %scatter3A_900 = arith.constant 0 : i32
        %scatter3A_901 = arith.constant 0 : i32
        %scatter3A_902 = tpu.memref_slice %arg9[%scatter3A_898, %scatter3A_899, %scatter3A_900, %scatter3A_901] : memref<2x8x8x129xf32, #tpu.memory_space<vmem>> -> memref<1x8x8x129xf32, #tpu.memory_space<vmem>>
        %scatter3A_903 = tpu.memref_squeeze %scatter3A_902 : memref<1x8x8x129xf32, #tpu.memory_space<vmem>> -> memref<8x8x129xf32, #tpu.memory_space<vmem>>
        tpu.vector_store_idx %scatter3A_903[%shift_right_arithmetic3A_73, %and3A_100, %broadcast_in_dim3A_847], %add3A_897 : memref<8x8x129xf32, #tpu.memory_space<vmem>>[vector<16xi32>, vector<16xi32>, vector<16xi32>], vector<16xf32>,
        %scan3A_904 = arith.constant 3 : i32
        %scan3A_905 = arith.addi %scan3A_730, %scan3A_904 : i32
        %broadcast_in_dim3A_906 = vector.broadcast %scan3A_905 : i32 to vector<16xi32>
        %add3A_907 = arith.constant 128 : i32
        %add3A_908 = arith.addi %add3A_907, %scan3A_905 : i32
        %get3A_909 = arith.constant 2 : i32
        %get3A_910 = arith.index_cast %get3A_909 : i32 to index
        %get3A_911 = arith.index_cast %add3A_908 : i32 to index
        %get3A_912 = arith.constant 0 : index
        %get3A_913 = tpu.vector_load %arg8[%get3A_910, %get3A_911, %get3A_912] {strides = array<i32>} : memref<4x256x64xf32, #tpu.memory_space<vmem>>, vector<16xf32>,
        %add3A_914 = arith.addf %get3A_913, %gather3A_537 : vector<16xf32>
        %scatter3A_915 = arith.constant 1 : i32
        %scatter3A_916 = arith.constant 0 : i32
        %scatter3A_917 = arith.constant 0 : i32
        %scatter3A_918 = arith.constant 0 : i32
        %scatter3A_919 = tpu.memref_slice %arg9[%scatter3A_915, %scatter3A_916, %scatter3A_917, %scatter3A_918] : memref<2x8x8x129xf32, #tpu.memory_space<vmem>> -> memref<1x8x8x129xf32, #tpu.memory_space<vmem>>
        %scatter3A_920 = tpu.memref_squeeze %scatter3A_919 : memref<1x8x8x129xf32, #tpu.memory_space<vmem>> -> memref<8x8x129xf32, #tpu.memory_space<vmem>>
        tpu.vector_store_idx %scatter3A_920[%shift_right_arithmetic3A_52, %and3A_79, %broadcast_in_dim3A_906], %add3A_914 : memref<8x8x129xf32, #tpu.memory_space<vmem>>[vector<16xi32>, vector<16xi32>, vector<16xi32>], vector<16xf32>,
        %add3A_921 = arith.constant 128 : i32
        %add3A_922 = arith.addi %add3A_921, %scan3A_905 : i32
        %get3A_923 = arith.constant 2 : i32
        %get3A_924 = arith.index_cast %get3A_923 : i32 to index
        %get3A_925 = arith.index_cast %add3A_922 : i32 to index
        %get3A_926 = arith.constant 16 : index
        %get3A_927 = tpu.vector_load %arg8[%get3A_924, %get3A_925, %get3A_926] {strides = array<i32>} : memref<4x256x64xf32, #tpu.memory_space<vmem>>, vector<16xf32>,
        %add3A_928 = arith.addf %get3A_927, %gather3A_538 : vector<16xf32>
        %scatter3A_929 = arith.constant 1 : i32
        %scatter3A_930 = arith.constant 0 : i32
        %scatter3A_931 = arith.constant 0 : i32
        %scatter3A_932 = arith.constant 0 : i32
        %scatter3A_933 = tpu.memref_slice %arg9[%scatter3A_929, %scatter3A_930, %scatter3A_931, %scatter3A_932] : memref<2x8x8x129xf32, #tpu.memory_space<vmem>> -> memref<1x8x8x129xf32, #tpu.memory_space<vmem>>
        %scatter3A_934 = tpu.memref_squeeze %scatter3A_933 : memref<1x8x8x129xf32, #tpu.memory_space<vmem>> -> memref<8x8x129xf32, #tpu.memory_space<vmem>>
        tpu.vector_store_idx %scatter3A_934[%shift_right_arithmetic3A_59, %and3A_86, %broadcast_in_dim3A_906], %add3A_928 : memref<8x8x129xf32, #tpu.memory_space<vmem>>[vector<16xi32>, vector<16xi32>, vector<16xi32>], vector<16xf32>,
        %add3A_935 = arith.constant 128 : i32
        %add3A_936 = arith.addi %add3A_935, %scan3A_905 : i32
        %get3A_937 = arith.constant 2 : i32
        %get3A_938 = arith.index_cast %get3A_937 : i32 to index
        %get3A_939 = arith.index_cast %add3A_936 : i32 to index
        %get3A_940 = arith.constant 32 : index
        %get3A_941 = tpu.vector_load %arg8[%get3A_938, %get3A_939, %get3A_940] {strides = array<i32>} : memref<4x256x64xf32, #tpu.memory_space<vmem>>, vector<16xf32>,
        %add3A_942 = arith.addf %get3A_941, %gather3A_539 : vector<16xf32>
        %scatter3A_943 = arith.constant 1 : i32
        %scatter3A_944 = arith.constant 0 : i32
        %scatter3A_945 = arith.constant 0 : i32
        %scatter3A_946 = arith.constant 0 : i32
        %scatter3A_947 = tpu.memref_slice %arg9[%scatter3A_943, %scatter3A_944, %scatter3A_945, %scatter3A_946] : memref<2x8x8x129xf32, #tpu.memory_space<vmem>> -> memref<1x8x8x129xf32, #tpu.memory_space<vmem>>
        %scatter3A_948 = tpu.memref_squeeze %scatter3A_947 : memref<1x8x8x129xf32, #tpu.memory_space<vmem>> -> memref<8x8x129xf32, #tpu.memory_space<vmem>>
        tpu.vector_store_idx %scatter3A_948[%shift_right_arithmetic3A_66, %and3A_93, %broadcast_in_dim3A_906], %add3A_942 : memref<8x8x129xf32, #tpu.memory_space<vmem>>[vector<16xi32>, vector<16xi32>, vector<16xi32>], vector<16xf32>,
        %add3A_949 = arith.constant 128 : i32
        %add3A_950 = arith.addi %add3A_949, %scan3A_905 : i32
        %get3A_951 = arith.constant 2 : i32
        %get3A_952 = arith.index_cast %get3A_951 : i32 to index
        %get3A_953 = arith.index_cast %add3A_950 : i32 to index
        %get3A_954 = arith.constant 48 : index
        %get3A_955 = tpu.vector_load %arg8[%get3A_952, %get3A_953, %get3A_954] {strides = array<i32>} : memref<4x256x64xf32, #tpu.memory_space<vmem>>, vector<16xf32>,
        %add3A_956 = arith.addf %get3A_955, %gather3A_540 : vector<16xf32>
        %scatter3A_957 = arith.constant 1 : i32
        %scatter3A_958 = arith.constant 0 : i32
        %scatter3A_959 = arith.constant 0 : i32
        %scatter3A_960 = arith.constant 0 : i32
        %scatter3A_961 = tpu.memref_slice %arg9[%scatter3A_957, %scatter3A_958, %scatter3A_959, %scatter3A_960] : memref<2x8x8x129xf32, #tpu.memory_space<vmem>> -> memref<1x8x8x129xf32, #tpu.memory_space<vmem>>
        %scatter3A_962 = tpu.memref_squeeze %scatter3A_961 : memref<1x8x8x129xf32, #tpu.memory_space<vmem>> -> memref<8x8x129xf32, #tpu.memory_space<vmem>>
        tpu.vector_store_idx %scatter3A_962[%shift_right_arithmetic3A_73, %and3A_100, %broadcast_in_dim3A_906], %add3A_956 : memref<8x8x129xf32, #tpu.memory_space<vmem>>[vector<16xi32>, vector<16xi32>, vector<16xi32>], vector<16xf32>,
      }
      %scan3A_546 = arith.constant 128 : i32
      %dma_start3A_547 = arith.constant 1 : i32
      %dma_start3A_548 = arith.constant 0 : i32
      %dma_start3A_549 = arith.constant 0 : i32
      %dma_start3A_550 = arith.constant 0 : i32
      %dma_start3A_551 = tpu.memref_slice %arg9[%dma_start3A_547, %dma_start3A_548, %dma_start3A_549, %dma_start3A_550] : memref<2x8x8x129xf32, #tpu.memory_space<vmem>> -> memref<1x8x8x128xf32, #tpu.memory_space<vmem>>
      %dma_start3A_552 = tpu.memref_squeeze %dma_start3A_551 : memref<1x8x8x128xf32, #tpu.memory_space<vmem>> -> memref<8x8x128xf32, #tpu.memory_space<vmem>>
      %dma_start3A_553 = arith.constant 0 : i32
      %dma_start3A_554 = arith.constant 0 : i32
      %dma_start3A_555 = arith.constant 0 : i32
      %dma_start3A_556 = tpu.memref_slice %arg5[%add3A_512, %dma_start3A_553, %add3A, %dma_start3A_554, %dma_start3A_555] : memref<200x8x32x8x128xf32, #tpu.memory_space<hbm>> -> memref<1x8x1x8x128xf32, #tpu.memory_space<hbm>>
      %dma_start3A_557 = tpu.memref_squeeze %dma_start3A_556 : memref<1x8x1x8x128xf32, #tpu.memory_space<hbm>> -> memref<8x8x128xf32, #tpu.memory_space<hbm>>
      %dma_start3A_558 = arith.constant 0 : i32
      %dma_start3A_559 = arith.constant 0 : i32
      %dma_start3A_560 = arith.constant 0 : i32
      %dma_start3A_561 = tpu.memref_slice %arg5[%add3A_512, %dma_start3A_558, %add3A, %dma_start3A_559, %dma_start3A_560] : memref<200x8x32x8x128xf32, #tpu.memory_space<hbm>> -> memref<1x8x1x8x128xf32, #tpu.memory_space<hbm>>
      %dma_start3A_562 = tpu.memref_squeeze %dma_start3A_561 : memref<1x8x1x8x128xf32, #tpu.memory_space<hbm>> -> memref<8x8x128xf32, #tpu.memory_space<hbm>>
      %dma_start3A_563 = arith.constant 0 : i32
      %dma_start3A_564 = arith.constant 0 : i32
      %dma_start3A_565 = arith.constant 0 : i32
      %dma_start3A_566 = tpu.memref_slice %arg9[%dma_start3A_547, %dma_start3A_563, %dma_start3A_564, %dma_start3A_565] : memref<2x8x8x129xf32, #tpu.memory_space<vmem>> -> memref<1x8x8x128xf32, #tpu.memory_space<vmem>>
      %dma_start3A_567 = tpu.memref_squeeze %dma_start3A_566 : memref<1x8x8x128xf32, #tpu.memory_space<vmem>> -> memref<8x8x128xf32, #tpu.memory_space<vmem>>
      tpu.enqueue_dma source(%dma_start3A_567 : memref<8x8x128xf32, #tpu.memory_space<vmem>>) target(%dma_start3A_562 : memref<8x8x128xf32, #tpu.memory_space<hbm>>) target_semaphore(%arg15 : memref<!tpu.dma_semaphore, #tpu.memory_space<semaphore_mem>>)
      %mul3A_568 = arith.constant 4 : i32
      %mul3A_569 = arith.muli %scan3A_167, %mul3A_568 : i32
      %add3A_570 = arith.constant 2 : i32
      %add3A_571 = arith.addi %mul3A_569, %add3A_570 : i32
      %add3A_572 = arith.constant 4 : i32
      %add3A_573 = arith.addi %add3A_571, %add3A_572 : i32
      %lt3A_574 = arith.constant 100 : i32
      %lt3A_575 = arith.cmpi slt, %add3A_573, %lt3A_574 : i32
      %convert_element_type3A_576 = arith.extui %lt3A_575 : i1 to i32
      %cond3A_577 = arith.constant 0 : i32
      %cond3A_578 = arith.cmpi ne, %convert_element_type3A_576, %cond3A_577 : i32
      scf.if %cond3A_578 {
        %add3A_730 = arith.constant 4 : i32
        %add3A_731 = arith.addi %add3A_431, %add3A_730 : i32
        %shift_right_arithmetic3A_732 = arith.constant 2 : i32
        %shift_right_arithmetic3A_733 = arith.shrsi %add3A_731, %shift_right_arithmetic3A_732 : i32
        %and3A_734 = arith.constant 3 : i32
        %and3A_735 = arith.andi %add3A_731, %and3A_734 : i32
        %mul3A_736 = arith.constant 2 : i32
        %mul3A_737 = arith.muli %and3A_735, %mul3A_736 : i32
        %mul3A_738 = arith.constant 128 : i32
        %mul3A_739 = arith.muli %mul3A_737, %mul3A_738 : i32
        %dma_start3A_740 = arith.constant 2 : i32
        %dma_start3A_741 = arith.constant 0 : i32
        %dma_start3A_742 = arith.constant 0 : i32
        %dma_start3A_743 = tpu.memref_slice %arg8[%dma_start3A_740, %dma_start3A_741, %dma_start3A_742] : memref<4x256x64xf32, #tpu.memory_space<vmem>> -> memref<1x256x64xf32, #tpu.memory_space<vmem>>
        %dma_start3A_744 = tpu.memref_squeeze %dma_start3A_743 : memref<1x256x64xf32, #tpu.memory_space<vmem>> -> memref<256x64xf32, #tpu.memory_space<vmem>>
        %dma_start3A_745 = tpu.memref_slice %arg7[%shift_right_arithmetic3A_733, %mul3A_739] : memref<25x1024xi32, #tpu.memory_space<vmem>> -> memref<1x256xi32, #tpu.memory_space<vmem>>
        %dma_start3A_746 = tpu.memref_squeeze %dma_start3A_745 : memref<1x256xi32, #tpu.memory_space<vmem>> -> memref<256xi32, #tpu.memory_space<vmem>>
        %dma_start3A_747 = arith.constant 0 : i32
        %dma_start3A_748 = arith.constant 0 : i32
        %dma_start3A_749 = tpu.memref_slice %arg3[%dma_start3A_747, %dma_start3A_748] : memref<1000000x64xf32, #tpu.memory_space<hbm>> -> memref<1000000x64xf32, #tpu.memory_space<hbm>>
        tpu.enqueue_indirect_dma source(%dma_start3A_749 : memref<1000000x64xf32, #tpu.memory_space<hbm>>) target(%dma_start3A_744 : memref<256x64xf32, #tpu.memory_space<vmem>>) offsets(%dma_start3A_746 : memref<256xi32, #tpu.memory_space<vmem>>) semaphore(%arg12 : memref<!tpu.dma_semaphore, #tpu.memory_space<semaphore_mem>>)
      } else {
      }
      %mul3A_579 = arith.constant 4 : i32
      %mul3A_580 = arith.muli %scan3A_167, %mul3A_579 : i32
      %add3A_581 = arith.constant 3 : i32
      %add3A_582 = arith.addi %mul3A_580, %add3A_581 : i32
      %shift_right_arithmetic3A_583 = arith.constant 2 : i32
      %shift_right_arithmetic3A_584 = arith.shrsi %add3A_582, %shift_right_arithmetic3A_583 : i32
      %and3A_585 = arith.constant 3 : i32
      %and3A_586 = arith.andi %add3A_582, %and3A_585 : i32
      %mul3A_587 = arith.constant 2 : i32
      %mul3A_588 = arith.muli %and3A_586, %mul3A_587 : i32
      %mul3A_589 = arith.constant 128 : i32
      %mul3A_590 = arith.muli %mul3A_588, %mul3A_589 : i32
      %dma_wait3A_591 = arith.constant 3 : i32
      %dma_wait3A_592 = arith.constant 0 : i32
      %dma_wait3A_593 = arith.constant 0 : i32
      %dma_wait3A_594 = tpu.memref_slice %arg8[%dma_wait3A_591, %dma_wait3A_592, %dma_wait3A_593] : memref<4x256x64xf32, #tpu.memory_space<vmem>> -> memref<1x256x64xf32, #tpu.memory_space<vmem>>
      %dma_wait3A_595 = tpu.memref_squeeze %dma_wait3A_594 : memref<1x256x64xf32, #tpu.memory_space<vmem>> -> memref<256x64xf32, #tpu.memory_space<vmem>>
      %dma_wait3A_596 = tpu.memref_slice %arg7[%shift_right_arithmetic3A_584, %mul3A_590] : memref<25x1024xi32, #tpu.memory_space<vmem>> -> memref<1x256xi32, #tpu.memory_space<vmem>>
      %dma_wait3A_597 = tpu.memref_squeeze %dma_wait3A_596 : memref<1x256xi32, #tpu.memory_space<vmem>> -> memref<256xi32, #tpu.memory_space<vmem>>
      %dma_wait3A_598 = arith.constant 0 : i32
      %dma_wait3A_599 = arith.constant 0 : i32
      %dma_wait3A_600 = tpu.memref_slice %arg3[%dma_wait3A_598, %dma_wait3A_599] : memref<1000000x64xf32, #tpu.memory_space<hbm>> -> memref<1000000x64xf32, #tpu.memory_space<hbm>>
      tpu.wait_indirect_dma semaphore(%arg13 : memref<!tpu.dma_semaphore, #tpu.memory_space<semaphore_mem>>) src(%dma_wait3A_600 : memref<1000000x64xf32, #tpu.memory_space<hbm>>) dst(%dma_wait3A_595 : memref<256x64xf32, #tpu.memory_space<vmem>>)
      %mul3A_601 = arith.constant 2 : i32
      %mul3A_602 = arith.muli %mul3A_601, %add3A_582 : i32
      %add3A_603 = arith.constant 0 : i32
      %add3A_604 = arith.addi %mul3A_602, %add3A_603 : i32
      %dma_wait3A_605 = arith.constant 0 : i32
      %dma_wait3A_606 = arith.constant 0 : i32
      %dma_wait3A_607 = arith.constant 0 : i32
      %dma_wait3A_608 = arith.constant 0 : i32
      %dma_wait3A_609 = arith.constant 0 : i32
      %dma_wait3A_610 = arith.constant 0 : i32
      %dma_wait3A_611 = tpu.memref_slice %arg9[%dma_wait3A_605, %dma_wait3A_608, %dma_wait3A_609, %dma_wait3A_610] : memref<2x8x8x129xf32, #tpu.memory_space<vmem>> -> memref<1x8x8x128xf32, #tpu.memory_space<vmem>>
      %dma_wait3A_612 = tpu.memref_squeeze %dma_wait3A_611 : memref<1x8x8x128xf32, #tpu.memory_space<vmem>> -> memref<8x8x128xf32, #tpu.memory_space<vmem>>
      %dma_wait3A_613 = arith.constant 0 : i32
      %dma_wait3A_614 = arith.constant 0 : i32
      %dma_wait3A_615 = arith.constant 0 : i32
      %dma_wait3A_616 = tpu.memref_slice %arg5[%dma_wait3A_606, %dma_wait3A_613, %dma_wait3A_607, %dma_wait3A_614, %dma_wait3A_615] : memref<200x8x32x8x128xf32, #tpu.memory_space<hbm>> -> memref<1x8x1x8x128xf32, #tpu.memory_space<hbm>>
      %dma_wait3A_617 = tpu.memref_squeeze %dma_wait3A_616 : memref<1x8x1x8x128xf32, #tpu.memory_space<hbm>> -> memref<8x8x128xf32, #tpu.memory_space<hbm>>
      %dma_wait3A_618 = arith.constant 0 : i32
      %dma_wait3A_619 = arith.constant 0 : i32
      %dma_wait3A_620 = arith.constant 0 : i32
      %dma_wait3A_621 = tpu.memref_slice %arg5[%dma_wait3A_606, %dma_wait3A_618, %dma_wait3A_607, %dma_wait3A_619, %dma_wait3A_620] : memref<200x8x32x8x128xf32, #tpu.memory_space<hbm>> -> memref<1x8x1x8x128xf32, #tpu.memory_space<hbm>>
      %dma_wait3A_622 = tpu.memref_squeeze %dma_wait3A_621 : memref<1x8x1x8x128xf32, #tpu.memory_space<hbm>> -> memref<8x8x128xf32, #tpu.memory_space<hbm>>
      %dma_wait3A_623 = arith.constant 0 : i32
      %dma_wait3A_624 = arith.constant 0 : i32
      %dma_wait3A_625 = arith.constant 0 : i32
      %dma_wait3A_626 = tpu.memref_slice %arg9[%dma_wait3A_605, %dma_wait3A_623, %dma_wait3A_624, %dma_wait3A_625] : memref<2x8x8x129xf32, #tpu.memory_space<vmem>> -> memref<1x8x8x128xf32, #tpu.memory_space<vmem>>
      %dma_wait3A_627 = tpu.memref_squeeze %dma_wait3A_626 : memref<1x8x8x128xf32, #tpu.memory_space<vmem>> -> memref<8x8x128xf32, #tpu.memory_space<vmem>>
      tpu.wait_dma2 semaphore(%arg14 : memref<!tpu.dma_semaphore, #tpu.memory_space<semaphore_mem>>) src(%dma_wait3A_627 : memref<8x8x128xf32, #tpu.memory_space<vmem>>) dst(%dma_wait3A_622 : memref<8x8x128xf32, #tpu.memory_space<hbm>>)
      %broadcast_in_dim3A_628 = vector.broadcast %add3A_604 : i32 to vector<16xi32>
      %gather3A_629 = tpu.vector_load_idx %arg6[%add3A_104, %broadcast_in_dim3A_628] : memref<64x200xf32, #tpu.memory_space<vmem>>[vector<16xi32>, vector<16xi32>], vector<16xf32>,
      %gather3A_630 = tpu.vector_load_idx %arg6[%add3A_108, %broadcast_in_dim3A_628] : memref<64x200xf32, #tpu.memory_space<vmem>>[vector<16xi32>, vector<16xi32>], vector<16xf32>,
      %gather3A_631 = tpu.vector_load_idx %arg6[%add3A_112, %broadcast_in_dim3A_628] : memref<64x200xf32, #tpu.memory_space<vmem>>[vector<16xi32>, vector<16xi32>], vector<16xf32>,
      %gather3A_632 = tpu.vector_load_idx %arg6[%add3A_116, %broadcast_in_dim3A_628] : memref<64x200xf32, #tpu.memory_space<vmem>>[vector<16xi32>, vector<16xi32>], vector<16xf32>,
      %scan3A_633 = arith.constant 0 : i32
      %scan3A_634 = arith.constant 0 : i32
      %scan3A_635 = arith.constant 128 : i32
      %scan3A_636 = arith.addi %scan3A_634, %scan3A_635 : i32
      %scan3A_637 = arith.constant 4 : i32
      scf.for %scan3A_730 = %scan3A_634 to %scan3A_636 step %scan3A_637  : i32 {
        %broadcast_in_dim3A_731 = vector.broadcast %scan3A_730 : i32 to vector<16xi32>
        %add3A_732 = arith.constant 0 : i32
        %add3A_733 = arith.addi %add3A_732, %scan3A_730 : i32
        %get3A = arith.constant 3 : i32
        %get3A_734 = arith.index_cast %get3A : i32 to index
        %get3A_735 = arith.index_cast %add3A_733 : i32 to index
        %get3A_736 = arith.constant 0 : index
        %get3A_737 = tpu.vector_load %arg8[%get3A_734, %get3A_735, %get3A_736] {strides = array<i32>} : memref<4x256x64xf32, #tpu.memory_space<vmem>>, vector<16xf32>,
        %add3A_738 = arith.addf %get3A_737, %gather3A_629 : vector<16xf32>
        %scatter3A = arith.constant 0 : i32
        %scatter3A_739 = arith.constant 0 : i32
        %scatter3A_740 = arith.constant 0 : i32
        %scatter3A_741 = arith.constant 0 : i32
        %scatter3A_742 = tpu.memref_slice %arg9[%scatter3A, %scatter3A_739, %scatter3A_740, %scatter3A_741] : memref<2x8x8x129xf32, #tpu.memory_space<vmem>> -> memref<1x8x8x129xf32, #tpu.memory_space<vmem>>
        %scatter3A_743 = tpu.memref_squeeze %scatter3A_742 : memref<1x8x8x129xf32, #tpu.memory_space<vmem>> -> memref<8x8x129xf32, #tpu.memory_space<vmem>>
        tpu.vector_store_idx %scatter3A_743[%shift_right_arithmetic3A_52, %and3A_79, %broadcast_in_dim3A_731], %add3A_738 : memref<8x8x129xf32, #tpu.memory_space<vmem>>[vector<16xi32>, vector<16xi32>, vector<16xi32>], vector<16xf32>,
        %add3A_744 = arith.constant 0 : i32
        %add3A_745 = arith.addi %add3A_744, %scan3A_730 : i32
        %get3A_746 = arith.constant 3 : i32
        %get3A_747 = arith.index_cast %get3A_746 : i32 to index
        %get3A_748 = arith.index_cast %add3A_745 : i32 to index
        %get3A_749 = arith.constant 16 : index
        %get3A_750 = tpu.vector_load %arg8[%get3A_747, %get3A_748, %get3A_749] {strides = array<i32>} : memref<4x256x64xf32, #tpu.memory_space<vmem>>, vector<16xf32>,
        %add3A_751 = arith.addf %get3A_750, %gather3A_630 : vector<16xf32>
        %scatter3A_752 = arith.constant 0 : i32
        %scatter3A_753 = arith.constant 0 : i32
        %scatter3A_754 = arith.constant 0 : i32
        %scatter3A_755 = arith.constant 0 : i32
        %scatter3A_756 = tpu.memref_slice %arg9[%scatter3A_752, %scatter3A_753, %scatter3A_754, %scatter3A_755] : memref<2x8x8x129xf32, #tpu.memory_space<vmem>> -> memref<1x8x8x129xf32, #tpu.memory_space<vmem>>
        %scatter3A_757 = tpu.memref_squeeze %scatter3A_756 : memref<1x8x8x129xf32, #tpu.memory_space<vmem>> -> memref<8x8x129xf32, #tpu.memory_space<vmem>>
        tpu.vector_store_idx %scatter3A_757[%shift_right_arithmetic3A_59, %and3A_86, %broadcast_in_dim3A_731], %add3A_751 : memref<8x8x129xf32, #tpu.memory_space<vmem>>[vector<16xi32>, vector<16xi32>, vector<16xi32>], vector<16xf32>,
        %add3A_758 = arith.constant 0 : i32
        %add3A_759 = arith.addi %add3A_758, %scan3A_730 : i32
        %get3A_760 = arith.constant 3 : i32
        %get3A_761 = arith.index_cast %get3A_760 : i32 to index
        %get3A_762 = arith.index_cast %add3A_759 : i32 to index
        %get3A_763 = arith.constant 32 : index
        %get3A_764 = tpu.vector_load %arg8[%get3A_761, %get3A_762, %get3A_763] {strides = array<i32>} : memref<4x256x64xf32, #tpu.memory_space<vmem>>, vector<16xf32>,
        %add3A_765 = arith.addf %get3A_764, %gather3A_631 : vector<16xf32>
        %scatter3A_766 = arith.constant 0 : i32
        %scatter3A_767 = arith.constant 0 : i32
        %scatter3A_768 = arith.constant 0 : i32
        %scatter3A_769 = arith.constant 0 : i32
        %scatter3A_770 = tpu.memref_slice %arg9[%scatter3A_766, %scatter3A_767, %scatter3A_768, %scatter3A_769] : memref<2x8x8x129xf32, #tpu.memory_space<vmem>> -> memref<1x8x8x129xf32, #tpu.memory_space<vmem>>
        %scatter3A_771 = tpu.memref_squeeze %scatter3A_770 : memref<1x8x8x129xf32, #tpu.memory_space<vmem>> -> memref<8x8x129xf32, #tpu.memory_space<vmem>>
        tpu.vector_store_idx %scatter3A_771[%shift_right_arithmetic3A_66, %and3A_93, %broadcast_in_dim3A_731], %add3A_765 : memref<8x8x129xf32, #tpu.memory_space<vmem>>[vector<16xi32>, vector<16xi32>, vector<16xi32>], vector<16xf32>,
        %add3A_772 = arith.constant 0 : i32
        %add3A_773 = arith.addi %add3A_772, %scan3A_730 : i32
        %get3A_774 = arith.constant 3 : i32
        %get3A_775 = arith.index_cast %get3A_774 : i32 to index
        %get3A_776 = arith.index_cast %add3A_773 : i32 to index
        %get3A_777 = arith.constant 48 : index
        %get3A_778 = tpu.vector_load %arg8[%get3A_775, %get3A_776, %get3A_777] {strides = array<i32>} : memref<4x256x64xf32, #tpu.memory_space<vmem>>, vector<16xf32>,
        %add3A_779 = arith.addf %get3A_778, %gather3A_632 : vector<16xf32>
        %scatter3A_780 = arith.constant 0 : i32
        %scatter3A_781 = arith.constant 0 : i32
        %scatter3A_782 = arith.constant 0 : i32
        %scatter3A_783 = arith.constant 0 : i32
        %scatter3A_784 = tpu.memref_slice %arg9[%scatter3A_780, %scatter3A_781, %scatter3A_782, %scatter3A_783] : memref<2x8x8x129xf32, #tpu.memory_space<vmem>> -> memref<1x8x8x129xf32, #tpu.memory_space<vmem>>
        %scatter3A_785 = tpu.memref_squeeze %scatter3A_784 : memref<1x8x8x129xf32, #tpu.memory_space<vmem>> -> memref<8x8x129xf32, #tpu.memory_space<vmem>>
        tpu.vector_store_idx %scatter3A_785[%shift_right_arithmetic3A_73, %and3A_100, %broadcast_in_dim3A_731], %add3A_779 : memref<8x8x129xf32, #tpu.memory_space<vmem>>[vector<16xi32>, vector<16xi32>, vector<16xi32>], vector<16xf32>,
        %scan3A_786 = arith.constant 1 : i32
        %scan3A_787 = arith.addi %scan3A_730, %scan3A_786 : i32
        %broadcast_in_dim3A_788 = vector.broadcast %scan3A_787 : i32 to vector<16xi32>
        %add3A_789 = arith.constant 0 : i32
        %add3A_790 = arith.addi %add3A_789, %scan3A_787 : i32
        %get3A_791 = arith.constant 3 : i32
        %get3A_792 = arith.index_cast %get3A_791 : i32 to index
        %get3A_793 = arith.index_cast %add3A_790 : i32 to index
        %get3A_794 = arith.constant 0 : index
        %get3A_795 = tpu.vector_load %arg8[%get3A_792, %get3A_793, %get3A_794] {strides = array<i32>} : memref<4x256x64xf32, #tpu.memory_space<vmem>>, vector<16xf32>,
        %add3A_796 = arith.addf %get3A_795, %gather3A_629 : vector<16xf32>
        %scatter3A_797 = arith.constant 0 : i32
        %scatter3A_798 = arith.constant 0 : i32
        %scatter3A_799 = arith.constant 0 : i32
        %scatter3A_800 = arith.constant 0 : i32
        %scatter3A_801 = tpu.memref_slice %arg9[%scatter3A_797, %scatter3A_798, %scatter3A_799, %scatter3A_800] : memref<2x8x8x129xf32, #tpu.memory_space<vmem>> -> memref<1x8x8x129xf32, #tpu.memory_space<vmem>>
        %scatter3A_802 = tpu.memref_squeeze %scatter3A_801 : memref<1x8x8x129xf32, #tpu.memory_space<vmem>> -> memref<8x8x129xf32, #tpu.memory_space<vmem>>
        tpu.vector_store_idx %scatter3A_802[%shift_right_arithmetic3A_52, %and3A_79, %broadcast_in_dim3A_788], %add3A_796 : memref<8x8x129xf32, #tpu.memory_space<vmem>>[vector<16xi32>, vector<16xi32>, vector<16xi32>], vector<16xf32>,
        %add3A_803 = arith.constant 0 : i32
        %add3A_804 = arith.addi %add3A_803, %scan3A_787 : i32
        %get3A_805 = arith.constant 3 : i32
        %get3A_806 = arith.index_cast %get3A_805 : i32 to index
        %get3A_807 = arith.index_cast %add3A_804 : i32 to index
        %get3A_808 = arith.constant 16 : index
        %get3A_809 = tpu.vector_load %arg8[%get3A_806, %get3A_807, %get3A_808] {strides = array<i32>} : memref<4x256x64xf32, #tpu.memory_space<vmem>>, vector<16xf32>,
        %add3A_810 = arith.addf %get3A_809, %gather3A_630 : vector<16xf32>
        %scatter3A_811 = arith.constant 0 : i32
        %scatter3A_812 = arith.constant 0 : i32
        %scatter3A_813 = arith.constant 0 : i32
        %scatter3A_814 = arith.constant 0 : i32
        %scatter3A_815 = tpu.memref_slice %arg9[%scatter3A_811, %scatter3A_812, %scatter3A_813, %scatter3A_814] : memref<2x8x8x129xf32, #tpu.memory_space<vmem>> -> memref<1x8x8x129xf32, #tpu.memory_space<vmem>>
        %scatter3A_816 = tpu.memref_squeeze %scatter3A_815 : memref<1x8x8x129xf32, #tpu.memory_space<vmem>> -> memref<8x8x129xf32, #tpu.memory_space<vmem>>
        tpu.vector_store_idx %scatter3A_816[%shift_right_arithmetic3A_59, %and3A_86, %broadcast_in_dim3A_788], %add3A_810 : memref<8x8x129xf32, #tpu.memory_space<vmem>>[vector<16xi32>, vector<16xi32>, vector<16xi32>], vector<16xf32>,
        %add3A_817 = arith.constant 0 : i32
        %add3A_818 = arith.addi %add3A_817, %scan3A_787 : i32
        %get3A_819 = arith.constant 3 : i32
        %get3A_820 = arith.index_cast %get3A_819 : i32 to index
        %get3A_821 = arith.index_cast %add3A_818 : i32 to index
        %get3A_822 = arith.constant 32 : index
        %get3A_823 = tpu.vector_load %arg8[%get3A_820, %get3A_821, %get3A_822] {strides = array<i32>} : memref<4x256x64xf32, #tpu.memory_space<vmem>>, vector<16xf32>,
        %add3A_824 = arith.addf %get3A_823, %gather3A_631 : vector<16xf32>
        %scatter3A_825 = arith.constant 0 : i32
        %scatter3A_826 = arith.constant 0 : i32
        %scatter3A_827 = arith.constant 0 : i32
        %scatter3A_828 = arith.constant 0 : i32
        %scatter3A_829 = tpu.memref_slice %arg9[%scatter3A_825, %scatter3A_826, %scatter3A_827, %scatter3A_828] : memref<2x8x8x129xf32, #tpu.memory_space<vmem>> -> memref<1x8x8x129xf32, #tpu.memory_space<vmem>>
        %scatter3A_830 = tpu.memref_squeeze %scatter3A_829 : memref<1x8x8x129xf32, #tpu.memory_space<vmem>> -> memref<8x8x129xf32, #tpu.memory_space<vmem>>
        tpu.vector_store_idx %scatter3A_830[%shift_right_arithmetic3A_66, %and3A_93, %broadcast_in_dim3A_788], %add3A_824 : memref<8x8x129xf32, #tpu.memory_space<vmem>>[vector<16xi32>, vector<16xi32>, vector<16xi32>], vector<16xf32>,
        %add3A_831 = arith.constant 0 : i32
        %add3A_832 = arith.addi %add3A_831, %scan3A_787 : i32
        %get3A_833 = arith.constant 3 : i32
        %get3A_834 = arith.index_cast %get3A_833 : i32 to index
        %get3A_835 = arith.index_cast %add3A_832 : i32 to index
        %get3A_836 = arith.constant 48 : index
        %get3A_837 = tpu.vector_load %arg8[%get3A_834, %get3A_835, %get3A_836] {strides = array<i32>} : memref<4x256x64xf32, #tpu.memory_space<vmem>>, vector<16xf32>,
        %add3A_838 = arith.addf %get3A_837, %gather3A_632 : vector<16xf32>
        %scatter3A_839 = arith.constant 0 : i32
        %scatter3A_840 = arith.constant 0 : i32
        %scatter3A_841 = arith.constant 0 : i32
        %scatter3A_842 = arith.constant 0 : i32
        %scatter3A_843 = tpu.memref_slice %arg9[%scatter3A_839, %scatter3A_840, %scatter3A_841, %scatter3A_842] : memref<2x8x8x129xf32, #tpu.memory_space<vmem>> -> memref<1x8x8x129xf32, #tpu.memory_space<vmem>>
        %scatter3A_844 = tpu.memref_squeeze %scatter3A_843 : memref<1x8x8x129xf32, #tpu.memory_space<vmem>> -> memref<8x8x129xf32, #tpu.memory_space<vmem>>
        tpu.vector_store_idx %scatter3A_844[%shift_right_arithmetic3A_73, %and3A_100, %broadcast_in_dim3A_788], %add3A_838 : memref<8x8x129xf32, #tpu.memory_space<vmem>>[vector<16xi32>, vector<16xi32>, vector<16xi32>], vector<16xf32>,
        %scan3A_845 = arith.constant 2 : i32
        %scan3A_846 = arith.addi %scan3A_730, %scan3A_845 : i32
        %broadcast_in_dim3A_847 = vector.broadcast %scan3A_846 : i32 to vector<16xi32>
        %add3A_848 = arith.constant 0 : i32
        %add3A_849 = arith.addi %add3A_848, %scan3A_846 : i32
        %get3A_850 = arith.constant 3 : i32
        %get3A_851 = arith.index_cast %get3A_850 : i32 to index
        %get3A_852 = arith.index_cast %add3A_849 : i32 to index
        %get3A_853 = arith.constant 0 : index
        %get3A_854 = tpu.vector_load %arg8[%get3A_851, %get3A_852, %get3A_853] {strides = array<i32>} : memref<4x256x64xf32, #tpu.memory_space<vmem>>, vector<16xf32>,
        %add3A_855 = arith.addf %get3A_854, %gather3A_629 : vector<16xf32>
        %scatter3A_856 = arith.constant 0 : i32
        %scatter3A_857 = arith.constant 0 : i32
        %scatter3A_858 = arith.constant 0 : i32
        %scatter3A_859 = arith.constant 0 : i32
        %scatter3A_860 = tpu.memref_slice %arg9[%scatter3A_856, %scatter3A_857, %scatter3A_858, %scatter3A_859] : memref<2x8x8x129xf32, #tpu.memory_space<vmem>> -> memref<1x8x8x129xf32, #tpu.memory_space<vmem>>
        %scatter3A_861 = tpu.memref_squeeze %scatter3A_860 : memref<1x8x8x129xf32, #tpu.memory_space<vmem>> -> memref<8x8x129xf32, #tpu.memory_space<vmem>>
        tpu.vector_store_idx %scatter3A_861[%shift_right_arithmetic3A_52, %and3A_79, %broadcast_in_dim3A_847], %add3A_855 : memref<8x8x129xf32, #tpu.memory_space<vmem>>[vector<16xi32>, vector<16xi32>, vector<16xi32>], vector<16xf32>,
        %add3A_862 = arith.constant 0 : i32
        %add3A_863 = arith.addi %add3A_862, %scan3A_846 : i32
        %get3A_864 = arith.constant 3 : i32
        %get3A_865 = arith.index_cast %get3A_864 : i32 to index
        %get3A_866 = arith.index_cast %add3A_863 : i32 to index
        %get3A_867 = arith.constant 16 : index
        %get3A_868 = tpu.vector_load %arg8[%get3A_865, %get3A_866, %get3A_867] {strides = array<i32>} : memref<4x256x64xf32, #tpu.memory_space<vmem>>, vector<16xf32>,
        %add3A_869 = arith.addf %get3A_868, %gather3A_630 : vector<16xf32>
        %scatter3A_870 = arith.constant 0 : i32
        %scatter3A_871 = arith.constant 0 : i32
        %scatter3A_872 = arith.constant 0 : i32
        %scatter3A_873 = arith.constant 0 : i32
        %scatter3A_874 = tpu.memref_slice %arg9[%scatter3A_870, %scatter3A_871, %scatter3A_872, %scatter3A_873] : memref<2x8x8x129xf32, #tpu.memory_space<vmem>> -> memref<1x8x8x129xf32, #tpu.memory_space<vmem>>
        %scatter3A_875 = tpu.memref_squeeze %scatter3A_874 : memref<1x8x8x129xf32, #tpu.memory_space<vmem>> -> memref<8x8x129xf32, #tpu.memory_space<vmem>>
        tpu.vector_store_idx %scatter3A_875[%shift_right_arithmetic3A_59, %and3A_86, %broadcast_in_dim3A_847], %add3A_869 : memref<8x8x129xf32, #tpu.memory_space<vmem>>[vector<16xi32>, vector<16xi32>, vector<16xi32>], vector<16xf32>,
        %add3A_876 = arith.constant 0 : i32
        %add3A_877 = arith.addi %add3A_876, %scan3A_846 : i32
        %get3A_878 = arith.constant 3 : i32
        %get3A_879 = arith.index_cast %get3A_878 : i32 to index
        %get3A_880 = arith.index_cast %add3A_877 : i32 to index
        %get3A_881 = arith.constant 32 : index
        %get3A_882 = tpu.vector_load %arg8[%get3A_879, %get3A_880, %get3A_881] {strides = array<i32>} : memref<4x256x64xf32, #tpu.memory_space<vmem>>, vector<16xf32>,
        %add3A_883 = arith.addf %get3A_882, %gather3A_631 : vector<16xf32>
        %scatter3A_884 = arith.constant 0 : i32
        %scatter3A_885 = arith.constant 0 : i32
        %scatter3A_886 = arith.constant 0 : i32
        %scatter3A_887 = arith.constant 0 : i32
        %scatter3A_888 = tpu.memref_slice %arg9[%scatter3A_884, %scatter3A_885, %scatter3A_886, %scatter3A_887] : memref<2x8x8x129xf32, #tpu.memory_space<vmem>> -> memref<1x8x8x129xf32, #tpu.memory_space<vmem>>
        %scatter3A_889 = tpu.memref_squeeze %scatter3A_888 : memref<1x8x8x129xf32, #tpu.memory_space<vmem>> -> memref<8x8x129xf32, #tpu.memory_space<vmem>>
        tpu.vector_store_idx %scatter3A_889[%shift_right_arithmetic3A_66, %and3A_93, %broadcast_in_dim3A_847], %add3A_883 : memref<8x8x129xf32, #tpu.memory_space<vmem>>[vector<16xi32>, vector<16xi32>, vector<16xi32>], vector<16xf32>,
        %add3A_890 = arith.constant 0 : i32
        %add3A_891 = arith.addi %add3A_890, %scan3A_846 : i32
        %get3A_892 = arith.constant 3 : i32
        %get3A_893 = arith.index_cast %get3A_892 : i32 to index
        %get3A_894 = arith.index_cast %add3A_891 : i32 to index
        %get3A_895 = arith.constant 48 : index
        %get3A_896 = tpu.vector_load %arg8[%get3A_893, %get3A_894, %get3A_895] {strides = array<i32>} : memref<4x256x64xf32, #tpu.memory_space<vmem>>, vector<16xf32>,
        %add3A_897 = arith.addf %get3A_896, %gather3A_632 : vector<16xf32>
        %scatter3A_898 = arith.constant 0 : i32
        %scatter3A_899 = arith.constant 0 : i32
        %scatter3A_900 = arith.constant 0 : i32
        %scatter3A_901 = arith.constant 0 : i32
        %scatter3A_902 = tpu.memref_slice %arg9[%scatter3A_898, %scatter3A_899, %scatter3A_900, %scatter3A_901] : memref<2x8x8x129xf32, #tpu.memory_space<vmem>> -> memref<1x8x8x129xf32, #tpu.memory_space<vmem>>
        %scatter3A_903 = tpu.memref_squeeze %scatter3A_902 : memref<1x8x8x129xf32, #tpu.memory_space<vmem>> -> memref<8x8x129xf32, #tpu.memory_space<vmem>>
        tpu.vector_store_idx %scatter3A_903[%shift_right_arithmetic3A_73, %and3A_100, %broadcast_in_dim3A_847], %add3A_897 : memref<8x8x129xf32, #tpu.memory_space<vmem>>[vector<16xi32>, vector<16xi32>, vector<16xi32>], vector<16xf32>,
        %scan3A_904 = arith.constant 3 : i32
        %scan3A_905 = arith.addi %scan3A_730, %scan3A_904 : i32
        %broadcast_in_dim3A_906 = vector.broadcast %scan3A_905 : i32 to vector<16xi32>
        %add3A_907 = arith.constant 0 : i32
        %add3A_908 = arith.addi %add3A_907, %scan3A_905 : i32
        %get3A_909 = arith.constant 3 : i32
        %get3A_910 = arith.index_cast %get3A_909 : i32 to index
        %get3A_911 = arith.index_cast %add3A_908 : i32 to index
        %get3A_912 = arith.constant 0 : index
        %get3A_913 = tpu.vector_load %arg8[%get3A_910, %get3A_911, %get3A_912] {strides = array<i32>} : memref<4x256x64xf32, #tpu.memory_space<vmem>>, vector<16xf32>,
        %add3A_914 = arith.addf %get3A_913, %gather3A_629 : vector<16xf32>
        %scatter3A_915 = arith.constant 0 : i32
        %scatter3A_916 = arith.constant 0 : i32
        %scatter3A_917 = arith.constant 0 : i32
        %scatter3A_918 = arith.constant 0 : i32
        %scatter3A_919 = tpu.memref_slice %arg9[%scatter3A_915, %scatter3A_916, %scatter3A_917, %scatter3A_918] : memref<2x8x8x129xf32, #tpu.memory_space<vmem>> -> memref<1x8x8x129xf32, #tpu.memory_space<vmem>>
        %scatter3A_920 = tpu.memref_squeeze %scatter3A_919 : memref<1x8x8x129xf32, #tpu.memory_space<vmem>> -> memref<8x8x129xf32, #tpu.memory_space<vmem>>
        tpu.vector_store_idx %scatter3A_920[%shift_right_arithmetic3A_52, %and3A_79, %broadcast_in_dim3A_906], %add3A_914 : memref<8x8x129xf32, #tpu.memory_space<vmem>>[vector<16xi32>, vector<16xi32>, vector<16xi32>], vector<16xf32>,
        %add3A_921 = arith.constant 0 : i32
        %add3A_922 = arith.addi %add3A_921, %scan3A_905 : i32
        %get3A_923 = arith.constant 3 : i32
        %get3A_924 = arith.index_cast %get3A_923 : i32 to index
        %get3A_925 = arith.index_cast %add3A_922 : i32 to index
        %get3A_926 = arith.constant 16 : index
        %get3A_927 = tpu.vector_load %arg8[%get3A_924, %get3A_925, %get3A_926] {strides = array<i32>} : memref<4x256x64xf32, #tpu.memory_space<vmem>>, vector<16xf32>,
        %add3A_928 = arith.addf %get3A_927, %gather3A_630 : vector<16xf32>
        %scatter3A_929 = arith.constant 0 : i32
        %scatter3A_930 = arith.constant 0 : i32
        %scatter3A_931 = arith.constant 0 : i32
        %scatter3A_932 = arith.constant 0 : i32
        %scatter3A_933 = tpu.memref_slice %arg9[%scatter3A_929, %scatter3A_930, %scatter3A_931, %scatter3A_932] : memref<2x8x8x129xf32, #tpu.memory_space<vmem>> -> memref<1x8x8x129xf32, #tpu.memory_space<vmem>>
        %scatter3A_934 = tpu.memref_squeeze %scatter3A_933 : memref<1x8x8x129xf32, #tpu.memory_space<vmem>> -> memref<8x8x129xf32, #tpu.memory_space<vmem>>
        tpu.vector_store_idx %scatter3A_934[%shift_right_arithmetic3A_59, %and3A_86, %broadcast_in_dim3A_906], %add3A_928 : memref<8x8x129xf32, #tpu.memory_space<vmem>>[vector<16xi32>, vector<16xi32>, vector<16xi32>], vector<16xf32>,
        %add3A_935 = arith.constant 0 : i32
        %add3A_936 = arith.addi %add3A_935, %scan3A_905 : i32
        %get3A_937 = arith.constant 3 : i32
        %get3A_938 = arith.index_cast %get3A_937 : i32 to index
        %get3A_939 = arith.index_cast %add3A_936 : i32 to index
        %get3A_940 = arith.constant 32 : index
        %get3A_941 = tpu.vector_load %arg8[%get3A_938, %get3A_939, %get3A_940] {strides = array<i32>} : memref<4x256x64xf32, #tpu.memory_space<vmem>>, vector<16xf32>,
        %add3A_942 = arith.addf %get3A_941, %gather3A_631 : vector<16xf32>
        %scatter3A_943 = arith.constant 0 : i32
        %scatter3A_944 = arith.constant 0 : i32
        %scatter3A_945 = arith.constant 0 : i32
        %scatter3A_946 = arith.constant 0 : i32
        %scatter3A_947 = tpu.memref_slice %arg9[%scatter3A_943, %scatter3A_944, %scatter3A_945, %scatter3A_946] : memref<2x8x8x129xf32, #tpu.memory_space<vmem>> -> memref<1x8x8x129xf32, #tpu.memory_space<vmem>>
        %scatter3A_948 = tpu.memref_squeeze %scatter3A_947 : memref<1x8x8x129xf32, #tpu.memory_space<vmem>> -> memref<8x8x129xf32, #tpu.memory_space<vmem>>
        tpu.vector_store_idx %scatter3A_948[%shift_right_arithmetic3A_66, %and3A_93, %broadcast_in_dim3A_906], %add3A_942 : memref<8x8x129xf32, #tpu.memory_space<vmem>>[vector<16xi32>, vector<16xi32>, vector<16xi32>], vector<16xf32>,
        %add3A_949 = arith.constant 0 : i32
        %add3A_950 = arith.addi %add3A_949, %scan3A_905 : i32
        %get3A_951 = arith.constant 3 : i32
        %get3A_952 = arith.index_cast %get3A_951 : i32 to index
        %get3A_953 = arith.index_cast %add3A_950 : i32 to index
        %get3A_954 = arith.constant 48 : index
        %get3A_955 = tpu.vector_load %arg8[%get3A_952, %get3A_953, %get3A_954] {strides = array<i32>} : memref<4x256x64xf32, #tpu.memory_space<vmem>>, vector<16xf32>,
        %add3A_956 = arith.addf %get3A_955, %gather3A_632 : vector<16xf32>
        %scatter3A_957 = arith.constant 0 : i32
        %scatter3A_958 = arith.constant 0 : i32
        %scatter3A_959 = arith.constant 0 : i32
        %scatter3A_960 = arith.constant 0 : i32
        %scatter3A_961 = tpu.memref_slice %arg9[%scatter3A_957, %scatter3A_958, %scatter3A_959, %scatter3A_960] : memref<2x8x8x129xf32, #tpu.memory_space<vmem>> -> memref<1x8x8x129xf32, #tpu.memory_space<vmem>>
        %scatter3A_962 = tpu.memref_squeeze %scatter3A_961 : memref<1x8x8x129xf32, #tpu.memory_space<vmem>> -> memref<8x8x129xf32, #tpu.memory_space<vmem>>
        tpu.vector_store_idx %scatter3A_962[%shift_right_arithmetic3A_73, %and3A_100, %broadcast_in_dim3A_906], %add3A_956 : memref<8x8x129xf32, #tpu.memory_space<vmem>>[vector<16xi32>, vector<16xi32>, vector<16xi32>], vector<16xf32>,
      }
      %scan3A_638 = arith.constant 128 : i32
      %dma_start3A_639 = arith.constant 0 : i32
      %dma_start3A_640 = arith.constant 0 : i32
      %dma_start3A_641 = arith.constant 0 : i32
      %dma_start3A_642 = arith.constant 0 : i32
      %dma_start3A_643 = tpu.memref_slice %arg9[%dma_start3A_639, %dma_start3A_640, %dma_start3A_641, %dma_start3A_642] : memref<2x8x8x129xf32, #tpu.memory_space<vmem>> -> memref<1x8x8x128xf32, #tpu.memory_space<vmem>>
      %dma_start3A_644 = tpu.memref_squeeze %dma_start3A_643 : memref<1x8x8x128xf32, #tpu.memory_space<vmem>> -> memref<8x8x128xf32, #tpu.memory_space<vmem>>
      %dma_start3A_645 = arith.constant 0 : i32
      %dma_start3A_646 = arith.constant 0 : i32
      %dma_start3A_647 = arith.constant 0 : i32
      %dma_start3A_648 = tpu.memref_slice %arg5[%add3A_604, %dma_start3A_645, %add3A, %dma_start3A_646, %dma_start3A_647] : memref<200x8x32x8x128xf32, #tpu.memory_space<hbm>> -> memref<1x8x1x8x128xf32, #tpu.memory_space<hbm>>
      %dma_start3A_649 = tpu.memref_squeeze %dma_start3A_648 : memref<1x8x1x8x128xf32, #tpu.memory_space<hbm>> -> memref<8x8x128xf32, #tpu.memory_space<hbm>>
      %dma_start3A_650 = arith.constant 0 : i32
      %dma_start3A_651 = arith.constant 0 : i32
      %dma_start3A_652 = arith.constant 0 : i32
      %dma_start3A_653 = tpu.memref_slice %arg5[%add3A_604, %dma_start3A_650, %add3A, %dma_start3A_651, %dma_start3A_652] : memref<200x8x32x8x128xf32, #tpu.memory_space<hbm>> -> memref<1x8x1x8x128xf32, #tpu.memory_space<hbm>>
      %dma_start3A_654 = tpu.memref_squeeze %dma_start3A_653 : memref<1x8x1x8x128xf32, #tpu.memory_space<hbm>> -> memref<8x8x128xf32, #tpu.memory_space<hbm>>
      %dma_start3A_655 = arith.constant 0 : i32
      %dma_start3A_656 = arith.constant 0 : i32
      %dma_start3A_657 = arith.constant 0 : i32
      %dma_start3A_658 = tpu.memref_slice %arg9[%dma_start3A_639, %dma_start3A_655, %dma_start3A_656, %dma_start3A_657] : memref<2x8x8x129xf32, #tpu.memory_space<vmem>> -> memref<1x8x8x128xf32, #tpu.memory_space<vmem>>
      %dma_start3A_659 = tpu.memref_squeeze %dma_start3A_658 : memref<1x8x8x128xf32, #tpu.memory_space<vmem>> -> memref<8x8x128xf32, #tpu.memory_space<vmem>>
      tpu.enqueue_dma source(%dma_start3A_659 : memref<8x8x128xf32, #tpu.memory_space<vmem>>) target(%dma_start3A_654 : memref<8x8x128xf32, #tpu.memory_space<hbm>>) target_semaphore(%arg14 : memref<!tpu.dma_semaphore, #tpu.memory_space<semaphore_mem>>)
      %mul3A_660 = arith.constant 2 : i32
      %mul3A_661 = arith.muli %mul3A_660, %add3A_582 : i32
      %add3A_662 = arith.constant 1 : i32
      %add3A_663 = arith.addi %mul3A_661, %add3A_662 : i32
      %dma_wait3A_664 = arith.constant 1 : i32
      %dma_wait3A_665 = arith.constant 0 : i32
      %dma_wait3A_666 = arith.constant 0 : i32
      %dma_wait3A_667 = arith.constant 0 : i32
      %dma_wait3A_668 = arith.constant 0 : i32
      %dma_wait3A_669 = arith.constant 0 : i32
      %dma_wait3A_670 = tpu.memref_slice %arg9[%dma_wait3A_664, %dma_wait3A_667, %dma_wait3A_668, %dma_wait3A_669] : memref<2x8x8x129xf32, #tpu.memory_space<vmem>> -> memref<1x8x8x128xf32, #tpu.memory_space<vmem>>
      %dma_wait3A_671 = tpu.memref_squeeze %dma_wait3A_670 : memref<1x8x8x128xf32, #tpu.memory_space<vmem>> -> memref<8x8x128xf32, #tpu.memory_space<vmem>>
      %dma_wait3A_672 = arith.constant 0 : i32
      %dma_wait3A_673 = arith.constant 0 : i32
      %dma_wait3A_674 = arith.constant 0 : i32
      %dma_wait3A_675 = tpu.memref_slice %arg5[%dma_wait3A_665, %dma_wait3A_672, %dma_wait3A_666, %dma_wait3A_673, %dma_wait3A_674] : memref<200x8x32x8x128xf32, #tpu.memory_space<hbm>> -> memref<1x8x1x8x128xf32, #tpu.memory_space<hbm>>
      %dma_wait3A_676 = tpu.memref_squeeze %dma_wait3A_675 : memref<1x8x1x8x128xf32, #tpu.memory_space<hbm>> -> memref<8x8x128xf32, #tpu.memory_space<hbm>>
      %dma_wait3A_677 = arith.constant 0 : i32
      %dma_wait3A_678 = arith.constant 0 : i32
      %dma_wait3A_679 = arith.constant 0 : i32
      %dma_wait3A_680 = tpu.memref_slice %arg5[%dma_wait3A_665, %dma_wait3A_677, %dma_wait3A_666, %dma_wait3A_678, %dma_wait3A_679] : memref<200x8x32x8x128xf32, #tpu.memory_space<hbm>> -> memref<1x8x1x8x128xf32, #tpu.memory_space<hbm>>
      %dma_wait3A_681 = tpu.memref_squeeze %dma_wait3A_680 : memref<1x8x1x8x128xf32, #tpu.memory_space<hbm>> -> memref<8x8x128xf32, #tpu.memory_space<hbm>>
      %dma_wait3A_682 = arith.constant 0 : i32
      %dma_wait3A_683 = arith.constant 0 : i32
      %dma_wait3A_684 = arith.constant 0 : i32
      %dma_wait3A_685 = tpu.memref_slice %arg9[%dma_wait3A_664, %dma_wait3A_682, %dma_wait3A_683, %dma_wait3A_684] : memref<2x8x8x129xf32, #tpu.memory_space<vmem>> -> memref<1x8x8x128xf32, #tpu.memory_space<vmem>>
      %dma_wait3A_686 = tpu.memref_squeeze %dma_wait3A_685 : memref<1x8x8x128xf32, #tpu.memory_space<vmem>> -> memref<8x8x128xf32, #tpu.memory_space<vmem>>
      tpu.wait_dma2 semaphore(%arg15 : memref<!tpu.dma_semaphore, #tpu.memory_space<semaphore_mem>>) src(%dma_wait3A_686 : memref<8x8x128xf32, #tpu.memory_space<vmem>>) dst(%dma_wait3A_681 : memref<8x8x128xf32, #tpu.memory_space<hbm>>)
      %broadcast_in_dim3A_687 = vector.broadcast %add3A_663 : i32 to vector<16xi32>
      %gather3A_688 = tpu.vector_load_idx %arg6[%add3A_104, %broadcast_in_dim3A_687] : memref<64x200xf32, #tpu.memory_space<vmem>>[vector<16xi32>, vector<16xi32>], vector<16xf32>,
      %gather3A_689 = tpu.vector_load_idx %arg6[%add3A_108, %broadcast_in_dim3A_687] : memref<64x200xf32, #tpu.memory_space<vmem>>[vector<16xi32>, vector<16xi32>], vector<16xf32>,
      %gather3A_690 = tpu.vector_load_idx %arg6[%add3A_112, %broadcast_in_dim3A_687] : memref<64x200xf32, #tpu.memory_space<vmem>>[vector<16xi32>, vector<16xi32>], vector<16xf32>,
      %gather3A_691 = tpu.vector_load_idx %arg6[%add3A_116, %broadcast_in_dim3A_687] : memref<64x200xf32, #tpu.memory_space<vmem>>[vector<16xi32>, vector<16xi32>], vector<16xf32>,
      %scan3A_692 = arith.constant 0 : i32
      %scan3A_693 = arith.constant 0 : i32
      %scan3A_694 = arith.constant 128 : i32
      %scan3A_695 = arith.addi %scan3A_693, %scan3A_694 : i32
      %scan3A_696 = arith.constant 4 : i32
      scf.for %scan3A_730 = %scan3A_693 to %scan3A_695 step %scan3A_696  : i32 {
        %broadcast_in_dim3A_731 = vector.broadcast %scan3A_730 : i32 to vector<16xi32>
        %add3A_732 = arith.constant 128 : i32
        %add3A_733 = arith.addi %add3A_732, %scan3A_730 : i32
        %get3A = arith.constant 3 : i32
        %get3A_734 = arith.index_cast %get3A : i32 to index
        %get3A_735 = arith.index_cast %add3A_733 : i32 to index
        %get3A_736 = arith.constant 0 : index
        %get3A_737 = tpu.vector_load %arg8[%get3A_734, %get3A_735, %get3A_736] {strides = array<i32>} : memref<4x256x64xf32, #tpu.memory_space<vmem>>, vector<16xf32>,
        %add3A_738 = arith.addf %get3A_737, %gather3A_688 : vector<16xf32>
        %scatter3A = arith.constant 1 : i32
        %scatter3A_739 = arith.constant 0 : i32
        %scatter3A_740 = arith.constant 0 : i32
        %scatter3A_741 = arith.constant 0 : i32
        %scatter3A_742 = tpu.memref_slice %arg9[%scatter3A, %scatter3A_739, %scatter3A_740, %scatter3A_741] : memref<2x8x8x129xf32, #tpu.memory_space<vmem>> -> memref<1x8x8x129xf32, #tpu.memory_space<vmem>>
        %scatter3A_743 = tpu.memref_squeeze %scatter3A_742 : memref<1x8x8x129xf32, #tpu.memory_space<vmem>> -> memref<8x8x129xf32, #tpu.memory_space<vmem>>
        tpu.vector_store_idx %scatter3A_743[%shift_right_arithmetic3A_52, %and3A_79, %broadcast_in_dim3A_731], %add3A_738 : memref<8x8x129xf32, #tpu.memory_space<vmem>>[vector<16xi32>, vector<16xi32>, vector<16xi32>], vector<16xf32>,
        %add3A_744 = arith.constant 128 : i32
        %add3A_745 = arith.addi %add3A_744, %scan3A_730 : i32
        %get3A_746 = arith.constant 3 : i32
        %get3A_747 = arith.index_cast %get3A_746 : i32 to index
        %get3A_748 = arith.index_cast %add3A_745 : i32 to index
        %get3A_749 = arith.constant 16 : index
        %get3A_750 = tpu.vector_load %arg8[%get3A_747, %get3A_748, %get3A_749] {strides = array<i32>} : memref<4x256x64xf32, #tpu.memory_space<vmem>>, vector<16xf32>,
        %add3A_751 = arith.addf %get3A_750, %gather3A_689 : vector<16xf32>
        %scatter3A_752 = arith.constant 1 : i32
        %scatter3A_753 = arith.constant 0 : i32
        %scatter3A_754 = arith.constant 0 : i32
        %scatter3A_755 = arith.constant 0 : i32
        %scatter3A_756 = tpu.memref_slice %arg9[%scatter3A_752, %scatter3A_753, %scatter3A_754, %scatter3A_755] : memref<2x8x8x129xf32, #tpu.memory_space<vmem>> -> memref<1x8x8x129xf32, #tpu.memory_space<vmem>>
        %scatter3A_757 = tpu.memref_squeeze %scatter3A_756 : memref<1x8x8x129xf32, #tpu.memory_space<vmem>> -> memref<8x8x129xf32, #tpu.memory_space<vmem>>
        tpu.vector_store_idx %scatter3A_757[%shift_right_arithmetic3A_59, %and3A_86, %broadcast_in_dim3A_731], %add3A_751 : memref<8x8x129xf32, #tpu.memory_space<vmem>>[vector<16xi32>, vector<16xi32>, vector<16xi32>], vector<16xf32>,
        %add3A_758 = arith.constant 128 : i32
        %add3A_759 = arith.addi %add3A_758, %scan3A_730 : i32
        %get3A_760 = arith.constant 3 : i32
        %get3A_761 = arith.index_cast %get3A_760 : i32 to index
        %get3A_762 = arith.index_cast %add3A_759 : i32 to index
        %get3A_763 = arith.constant 32 : index
        %get3A_764 = tpu.vector_load %arg8[%get3A_761, %get3A_762, %get3A_763] {strides = array<i32>} : memref<4x256x64xf32, #tpu.memory_space<vmem>>, vector<16xf32>,
        %add3A_765 = arith.addf %get3A_764, %gather3A_690 : vector<16xf32>
        %scatter3A_766 = arith.constant 1 : i32
        %scatter3A_767 = arith.constant 0 : i32
        %scatter3A_768 = arith.constant 0 : i32
        %scatter3A_769 = arith.constant 0 : i32
        %scatter3A_770 = tpu.memref_slice %arg9[%scatter3A_766, %scatter3A_767, %scatter3A_768, %scatter3A_769] : memref<2x8x8x129xf32, #tpu.memory_space<vmem>> -> memref<1x8x8x129xf32, #tpu.memory_space<vmem>>
        %scatter3A_771 = tpu.memref_squeeze %scatter3A_770 : memref<1x8x8x129xf32, #tpu.memory_space<vmem>> -> memref<8x8x129xf32, #tpu.memory_space<vmem>>
        tpu.vector_store_idx %scatter3A_771[%shift_right_arithmetic3A_66, %and3A_93, %broadcast_in_dim3A_731], %add3A_765 : memref<8x8x129xf32, #tpu.memory_space<vmem>>[vector<16xi32>, vector<16xi32>, vector<16xi32>], vector<16xf32>,
        %add3A_772 = arith.constant 128 : i32
        %add3A_773 = arith.addi %add3A_772, %scan3A_730 : i32
        %get3A_774 = arith.constant 3 : i32
        %get3A_775 = arith.index_cast %get3A_774 : i32 to index
        %get3A_776 = arith.index_cast %add3A_773 : i32 to index
        %get3A_777 = arith.constant 48 : index
        %get3A_778 = tpu.vector_load %arg8[%get3A_775, %get3A_776, %get3A_777] {strides = array<i32>} : memref<4x256x64xf32, #tpu.memory_space<vmem>>, vector<16xf32>,
        %add3A_779 = arith.addf %get3A_778, %gather3A_691 : vector<16xf32>
        %scatter3A_780 = arith.constant 1 : i32
        %scatter3A_781 = arith.constant 0 : i32
        %scatter3A_782 = arith.constant 0 : i32
        %scatter3A_783 = arith.constant 0 : i32
        %scatter3A_784 = tpu.memref_slice %arg9[%scatter3A_780, %scatter3A_781, %scatter3A_782, %scatter3A_783] : memref<2x8x8x129xf32, #tpu.memory_space<vmem>> -> memref<1x8x8x129xf32, #tpu.memory_space<vmem>>
        %scatter3A_785 = tpu.memref_squeeze %scatter3A_784 : memref<1x8x8x129xf32, #tpu.memory_space<vmem>> -> memref<8x8x129xf32, #tpu.memory_space<vmem>>
        tpu.vector_store_idx %scatter3A_785[%shift_right_arithmetic3A_73, %and3A_100, %broadcast_in_dim3A_731], %add3A_779 : memref<8x8x129xf32, #tpu.memory_space<vmem>>[vector<16xi32>, vector<16xi32>, vector<16xi32>], vector<16xf32>,
        %scan3A_786 = arith.constant 1 : i32
        %scan3A_787 = arith.addi %scan3A_730, %scan3A_786 : i32
        %broadcast_in_dim3A_788 = vector.broadcast %scan3A_787 : i32 to vector<16xi32>
        %add3A_789 = arith.constant 128 : i32
        %add3A_790 = arith.addi %add3A_789, %scan3A_787 : i32
        %get3A_791 = arith.constant 3 : i32
        %get3A_792 = arith.index_cast %get3A_791 : i32 to index
        %get3A_793 = arith.index_cast %add3A_790 : i32 to index
        %get3A_794 = arith.constant 0 : index
        %get3A_795 = tpu.vector_load %arg8[%get3A_792, %get3A_793, %get3A_794] {strides = array<i32>} : memref<4x256x64xf32, #tpu.memory_space<vmem>>, vector<16xf32>,
        %add3A_796 = arith.addf %get3A_795, %gather3A_688 : vector<16xf32>
        %scatter3A_797 = arith.constant 1 : i32
        %scatter3A_798 = arith.constant 0 : i32
        %scatter3A_799 = arith.constant 0 : i32
        %scatter3A_800 = arith.constant 0 : i32
        %scatter3A_801 = tpu.memref_slice %arg9[%scatter3A_797, %scatter3A_798, %scatter3A_799, %scatter3A_800] : memref<2x8x8x129xf32, #tpu.memory_space<vmem>> -> memref<1x8x8x129xf32, #tpu.memory_space<vmem>>
        %scatter3A_802 = tpu.memref_squeeze %scatter3A_801 : memref<1x8x8x129xf32, #tpu.memory_space<vmem>> -> memref<8x8x129xf32, #tpu.memory_space<vmem>>
        tpu.vector_store_idx %scatter3A_802[%shift_right_arithmetic3A_52, %and3A_79, %broadcast_in_dim3A_788], %add3A_796 : memref<8x8x129xf32, #tpu.memory_space<vmem>>[vector<16xi32>, vector<16xi32>, vector<16xi32>], vector<16xf32>,
        %add3A_803 = arith.constant 128 : i32
        %add3A_804 = arith.addi %add3A_803, %scan3A_787 : i32
        %get3A_805 = arith.constant 3 : i32
        %get3A_806 = arith.index_cast %get3A_805 : i32 to index
        %get3A_807 = arith.index_cast %add3A_804 : i32 to index
        %get3A_808 = arith.constant 16 : index
        %get3A_809 = tpu.vector_load %arg8[%get3A_806, %get3A_807, %get3A_808] {strides = array<i32>} : memref<4x256x64xf32, #tpu.memory_space<vmem>>, vector<16xf32>,
        %add3A_810 = arith.addf %get3A_809, %gather3A_689 : vector<16xf32>
        %scatter3A_811 = arith.constant 1 : i32
        %scatter3A_812 = arith.constant 0 : i32
        %scatter3A_813 = arith.constant 0 : i32
        %scatter3A_814 = arith.constant 0 : i32
        %scatter3A_815 = tpu.memref_slice %arg9[%scatter3A_811, %scatter3A_812, %scatter3A_813, %scatter3A_814] : memref<2x8x8x129xf32, #tpu.memory_space<vmem>> -> memref<1x8x8x129xf32, #tpu.memory_space<vmem>>
        %scatter3A_816 = tpu.memref_squeeze %scatter3A_815 : memref<1x8x8x129xf32, #tpu.memory_space<vmem>> -> memref<8x8x129xf32, #tpu.memory_space<vmem>>
        tpu.vector_store_idx %scatter3A_816[%shift_right_arithmetic3A_59, %and3A_86, %broadcast_in_dim3A_788], %add3A_810 : memref<8x8x129xf32, #tpu.memory_space<vmem>>[vector<16xi32>, vector<16xi32>, vector<16xi32>], vector<16xf32>,
        %add3A_817 = arith.constant 128 : i32
        %add3A_818 = arith.addi %add3A_817, %scan3A_787 : i32
        %get3A_819 = arith.constant 3 : i32
        %get3A_820 = arith.index_cast %get3A_819 : i32 to index
        %get3A_821 = arith.index_cast %add3A_818 : i32 to index
        %get3A_822 = arith.constant 32 : index
        %get3A_823 = tpu.vector_load %arg8[%get3A_820, %get3A_821, %get3A_822] {strides = array<i32>} : memref<4x256x64xf32, #tpu.memory_space<vmem>>, vector<16xf32>,
        %add3A_824 = arith.addf %get3A_823, %gather3A_690 : vector<16xf32>
        %scatter3A_825 = arith.constant 1 : i32
        %scatter3A_826 = arith.constant 0 : i32
        %scatter3A_827 = arith.constant 0 : i32
        %scatter3A_828 = arith.constant 0 : i32
        %scatter3A_829 = tpu.memref_slice %arg9[%scatter3A_825, %scatter3A_826, %scatter3A_827, %scatter3A_828] : memref<2x8x8x129xf32, #tpu.memory_space<vmem>> -> memref<1x8x8x129xf32, #tpu.memory_space<vmem>>
        %scatter3A_830 = tpu.memref_squeeze %scatter3A_829 : memref<1x8x8x129xf32, #tpu.memory_space<vmem>> -> memref<8x8x129xf32, #tpu.memory_space<vmem>>
        tpu.vector_store_idx %scatter3A_830[%shift_right_arithmetic3A_66, %and3A_93, %broadcast_in_dim3A_788], %add3A_824 : memref<8x8x129xf32, #tpu.memory_space<vmem>>[vector<16xi32>, vector<16xi32>, vector<16xi32>], vector<16xf32>,
        %add3A_831 = arith.constant 128 : i32
        %add3A_832 = arith.addi %add3A_831, %scan3A_787 : i32
        %get3A_833 = arith.constant 3 : i32
        %get3A_834 = arith.index_cast %get3A_833 : i32 to index
        %get3A_835 = arith.index_cast %add3A_832 : i32 to index
        %get3A_836 = arith.constant 48 : index
        %get3A_837 = tpu.vector_load %arg8[%get3A_834, %get3A_835, %get3A_836] {strides = array<i32>} : memref<4x256x64xf32, #tpu.memory_space<vmem>>, vector<16xf32>,
        %add3A_838 = arith.addf %get3A_837, %gather3A_691 : vector<16xf32>
        %scatter3A_839 = arith.constant 1 : i32
        %scatter3A_840 = arith.constant 0 : i32
        %scatter3A_841 = arith.constant 0 : i32
        %scatter3A_842 = arith.constant 0 : i32
        %scatter3A_843 = tpu.memref_slice %arg9[%scatter3A_839, %scatter3A_840, %scatter3A_841, %scatter3A_842] : memref<2x8x8x129xf32, #tpu.memory_space<vmem>> -> memref<1x8x8x129xf32, #tpu.memory_space<vmem>>
        %scatter3A_844 = tpu.memref_squeeze %scatter3A_843 : memref<1x8x8x129xf32, #tpu.memory_space<vmem>> -> memref<8x8x129xf32, #tpu.memory_space<vmem>>
        tpu.vector_store_idx %scatter3A_844[%shift_right_arithmetic3A_73, %and3A_100, %broadcast_in_dim3A_788], %add3A_838 : memref<8x8x129xf32, #tpu.memory_space<vmem>>[vector<16xi32>, vector<16xi32>, vector<16xi32>], vector<16xf32>,
        %scan3A_845 = arith.constant 2 : i32
        %scan3A_846 = arith.addi %scan3A_730, %scan3A_845 : i32
        %broadcast_in_dim3A_847 = vector.broadcast %scan3A_846 : i32 to vector<16xi32>
        %add3A_848 = arith.constant 128 : i32
        %add3A_849 = arith.addi %add3A_848, %scan3A_846 : i32
        %get3A_850 = arith.constant 3 : i32
        %get3A_851 = arith.index_cast %get3A_850 : i32 to index
        %get3A_852 = arith.index_cast %add3A_849 : i32 to index
        %get3A_853 = arith.constant 0 : index
        %get3A_854 = tpu.vector_load %arg8[%get3A_851, %get3A_852, %get3A_853] {strides = array<i32>} : memref<4x256x64xf32, #tpu.memory_space<vmem>>, vector<16xf32>,
        %add3A_855 = arith.addf %get3A_854, %gather3A_688 : vector<16xf32>
        %scatter3A_856 = arith.constant 1 : i32
        %scatter3A_857 = arith.constant 0 : i32
        %scatter3A_858 = arith.constant 0 : i32
        %scatter3A_859 = arith.constant 0 : i32
        %scatter3A_860 = tpu.memref_slice %arg9[%scatter3A_856, %scatter3A_857, %scatter3A_858, %scatter3A_859] : memref<2x8x8x129xf32, #tpu.memory_space<vmem>> -> memref<1x8x8x129xf32, #tpu.memory_space<vmem>>
        %scatter3A_861 = tpu.memref_squeeze %scatter3A_860 : memref<1x8x8x129xf32, #tpu.memory_space<vmem>> -> memref<8x8x129xf32, #tpu.memory_space<vmem>>
        tpu.vector_store_idx %scatter3A_861[%shift_right_arithmetic3A_52, %and3A_79, %broadcast_in_dim3A_847], %add3A_855 : memref<8x8x129xf32, #tpu.memory_space<vmem>>[vector<16xi32>, vector<16xi32>, vector<16xi32>], vector<16xf32>,
        %add3A_862 = arith.constant 128 : i32
        %add3A_863 = arith.addi %add3A_862, %scan3A_846 : i32
        %get3A_864 = arith.constant 3 : i32
        %get3A_865 = arith.index_cast %get3A_864 : i32 to index
        %get3A_866 = arith.index_cast %add3A_863 : i32 to index
        %get3A_867 = arith.constant 16 : index
        %get3A_868 = tpu.vector_load %arg8[%get3A_865, %get3A_866, %get3A_867] {strides = array<i32>} : memref<4x256x64xf32, #tpu.memory_space<vmem>>, vector<16xf32>,
        %add3A_869 = arith.addf %get3A_868, %gather3A_689 : vector<16xf32>
        %scatter3A_870 = arith.constant 1 : i32
        %scatter3A_871 = arith.constant 0 : i32
        %scatter3A_872 = arith.constant 0 : i32
        %scatter3A_873 = arith.constant 0 : i32
        %scatter3A_874 = tpu.memref_slice %arg9[%scatter3A_870, %scatter3A_871, %scatter3A_872, %scatter3A_873] : memref<2x8x8x129xf32, #tpu.memory_space<vmem>> -> memref<1x8x8x129xf32, #tpu.memory_space<vmem>>
        %scatter3A_875 = tpu.memref_squeeze %scatter3A_874 : memref<1x8x8x129xf32, #tpu.memory_space<vmem>> -> memref<8x8x129xf32, #tpu.memory_space<vmem>>
        tpu.vector_store_idx %scatter3A_875[%shift_right_arithmetic3A_59, %and3A_86, %broadcast_in_dim3A_847], %add3A_869 : memref<8x8x129xf32, #tpu.memory_space<vmem>>[vector<16xi32>, vector<16xi32>, vector<16xi32>], vector<16xf32>,
        %add3A_876 = arith.constant 128 : i32
        %add3A_877 = arith.addi %add3A_876, %scan3A_846 : i32
        %get3A_878 = arith.constant 3 : i32
        %get3A_879 = arith.index_cast %get3A_878 : i32 to index
        %get3A_880 = arith.index_cast %add3A_877 : i32 to index
        %get3A_881 = arith.constant 32 : index
        %get3A_882 = tpu.vector_load %arg8[%get3A_879, %get3A_880, %get3A_881] {strides = array<i32>} : memref<4x256x64xf32, #tpu.memory_space<vmem>>, vector<16xf32>,
        %add3A_883 = arith.addf %get3A_882, %gather3A_690 : vector<16xf32>
        %scatter3A_884 = arith.constant 1 : i32
        %scatter3A_885 = arith.constant 0 : i32
        %scatter3A_886 = arith.constant 0 : i32
        %scatter3A_887 = arith.constant 0 : i32
        %scatter3A_888 = tpu.memref_slice %arg9[%scatter3A_884, %scatter3A_885, %scatter3A_886, %scatter3A_887] : memref<2x8x8x129xf32, #tpu.memory_space<vmem>> -> memref<1x8x8x129xf32, #tpu.memory_space<vmem>>
        %scatter3A_889 = tpu.memref_squeeze %scatter3A_888 : memref<1x8x8x129xf32, #tpu.memory_space<vmem>> -> memref<8x8x129xf32, #tpu.memory_space<vmem>>
        tpu.vector_store_idx %scatter3A_889[%shift_right_arithmetic3A_66, %and3A_93, %broadcast_in_dim3A_847], %add3A_883 : memref<8x8x129xf32, #tpu.memory_space<vmem>>[vector<16xi32>, vector<16xi32>, vector<16xi32>], vector<16xf32>,
        %add3A_890 = arith.constant 128 : i32
        %add3A_891 = arith.addi %add3A_890, %scan3A_846 : i32
        %get3A_892 = arith.constant 3 : i32
        %get3A_893 = arith.index_cast %get3A_892 : i32 to index
        %get3A_894 = arith.index_cast %add3A_891 : i32 to index
        %get3A_895 = arith.constant 48 : index
        %get3A_896 = tpu.vector_load %arg8[%get3A_893, %get3A_894, %get3A_895] {strides = array<i32>} : memref<4x256x64xf32, #tpu.memory_space<vmem>>, vector<16xf32>,
        %add3A_897 = arith.addf %get3A_896, %gather3A_691 : vector<16xf32>
        %scatter3A_898 = arith.constant 1 : i32
        %scatter3A_899 = arith.constant 0 : i32
        %scatter3A_900 = arith.constant 0 : i32
        %scatter3A_901 = arith.constant 0 : i32
        %scatter3A_902 = tpu.memref_slice %arg9[%scatter3A_898, %scatter3A_899, %scatter3A_900, %scatter3A_901] : memref<2x8x8x129xf32, #tpu.memory_space<vmem>> -> memref<1x8x8x129xf32, #tpu.memory_space<vmem>>
        %scatter3A_903 = tpu.memref_squeeze %scatter3A_902 : memref<1x8x8x129xf32, #tpu.memory_space<vmem>> -> memref<8x8x129xf32, #tpu.memory_space<vmem>>
        tpu.vector_store_idx %scatter3A_903[%shift_right_arithmetic3A_73, %and3A_100, %broadcast_in_dim3A_847], %add3A_897 : memref<8x8x129xf32, #tpu.memory_space<vmem>>[vector<16xi32>, vector<16xi32>, vector<16xi32>], vector<16xf32>,
        %scan3A_904 = arith.constant 3 : i32
        %scan3A_905 = arith.addi %scan3A_730, %scan3A_904 : i32
        %broadcast_in_dim3A_906 = vector.broadcast %scan3A_905 : i32 to vector<16xi32>
        %add3A_907 = arith.constant 128 : i32
        %add3A_908 = arith.addi %add3A_907, %scan3A_905 : i32
        %get3A_909 = arith.constant 3 : i32
        %get3A_910 = arith.index_cast %get3A_909 : i32 to index
        %get3A_911 = arith.index_cast %add3A_908 : i32 to index
        %get3A_912 = arith.constant 0 : index
        %get3A_913 = tpu.vector_load %arg8[%get3A_910, %get3A_911, %get3A_912] {strides = array<i32>} : memref<4x256x64xf32, #tpu.memory_space<vmem>>, vector<16xf32>,
        %add3A_914 = arith.addf %get3A_913, %gather3A_688 : vector<16xf32>
        %scatter3A_915 = arith.constant 1 : i32
        %scatter3A_916 = arith.constant 0 : i32
        %scatter3A_917 = arith.constant 0 : i32
        %scatter3A_918 = arith.constant 0 : i32
        %scatter3A_919 = tpu.memref_slice %arg9[%scatter3A_915, %scatter3A_916, %scatter3A_917, %scatter3A_918] : memref<2x8x8x129xf32, #tpu.memory_space<vmem>> -> memref<1x8x8x129xf32, #tpu.memory_space<vmem>>
        %scatter3A_920 = tpu.memref_squeeze %scatter3A_919 : memref<1x8x8x129xf32, #tpu.memory_space<vmem>> -> memref<8x8x129xf32, #tpu.memory_space<vmem>>
        tpu.vector_store_idx %scatter3A_920[%shift_right_arithmetic3A_52, %and3A_79, %broadcast_in_dim3A_906], %add3A_914 : memref<8x8x129xf32, #tpu.memory_space<vmem>>[vector<16xi32>, vector<16xi32>, vector<16xi32>], vector<16xf32>,
        %add3A_921 = arith.constant 128 : i32
        %add3A_922 = arith.addi %add3A_921, %scan3A_905 : i32
        %get3A_923 = arith.constant 3 : i32
        %get3A_924 = arith.index_cast %get3A_923 : i32 to index
        %get3A_925 = arith.index_cast %add3A_922 : i32 to index
        %get3A_926 = arith.constant 16 : index
        %get3A_927 = tpu.vector_load %arg8[%get3A_924, %get3A_925, %get3A_926] {strides = array<i32>} : memref<4x256x64xf32, #tpu.memory_space<vmem>>, vector<16xf32>,
        %add3A_928 = arith.addf %get3A_927, %gather3A_689 : vector<16xf32>
        %scatter3A_929 = arith.constant 1 : i32
        %scatter3A_930 = arith.constant 0 : i32
        %scatter3A_931 = arith.constant 0 : i32
        %scatter3A_932 = arith.constant 0 : i32
        %scatter3A_933 = tpu.memref_slice %arg9[%scatter3A_929, %scatter3A_930, %scatter3A_931, %scatter3A_932] : memref<2x8x8x129xf32, #tpu.memory_space<vmem>> -> memref<1x8x8x129xf32, #tpu.memory_space<vmem>>
        %scatter3A_934 = tpu.memref_squeeze %scatter3A_933 : memref<1x8x8x129xf32, #tpu.memory_space<vmem>> -> memref<8x8x129xf32, #tpu.memory_space<vmem>>
        tpu.vector_store_idx %scatter3A_934[%shift_right_arithmetic3A_59, %and3A_86, %broadcast_in_dim3A_906], %add3A_928 : memref<8x8x129xf32, #tpu.memory_space<vmem>>[vector<16xi32>, vector<16xi32>, vector<16xi32>], vector<16xf32>,
        %add3A_935 = arith.constant 128 : i32
        %add3A_936 = arith.addi %add3A_935, %scan3A_905 : i32
        %get3A_937 = arith.constant 3 : i32
        %get3A_938 = arith.index_cast %get3A_937 : i32 to index
        %get3A_939 = arith.index_cast %add3A_936 : i32 to index
        %get3A_940 = arith.constant 32 : index
        %get3A_941 = tpu.vector_load %arg8[%get3A_938, %get3A_939, %get3A_940] {strides = array<i32>} : memref<4x256x64xf32, #tpu.memory_space<vmem>>, vector<16xf32>,
        %add3A_942 = arith.addf %get3A_941, %gather3A_690 : vector<16xf32>
        %scatter3A_943 = arith.constant 1 : i32
        %scatter3A_944 = arith.constant 0 : i32
        %scatter3A_945 = arith.constant 0 : i32
        %scatter3A_946 = arith.constant 0 : i32
        %scatter3A_947 = tpu.memref_slice %arg9[%scatter3A_943, %scatter3A_944, %scatter3A_945, %scatter3A_946] : memref<2x8x8x129xf32, #tpu.memory_space<vmem>> -> memref<1x8x8x129xf32, #tpu.memory_space<vmem>>
        %scatter3A_948 = tpu.memref_squeeze %scatter3A_947 : memref<1x8x8x129xf32, #tpu.memory_space<vmem>> -> memref<8x8x129xf32, #tpu.memory_space<vmem>>
        tpu.vector_store_idx %scatter3A_948[%shift_right_arithmetic3A_66, %and3A_93, %broadcast_in_dim3A_906], %add3A_942 : memref<8x8x129xf32, #tpu.memory_space<vmem>>[vector<16xi32>, vector<16xi32>, vector<16xi32>], vector<16xf32>,
        %add3A_949 = arith.constant 128 : i32
        %add3A_950 = arith.addi %add3A_949, %scan3A_905 : i32
        %get3A_951 = arith.constant 3 : i32
        %get3A_952 = arith.index_cast %get3A_951 : i32 to index
        %get3A_953 = arith.index_cast %add3A_950 : i32 to index
        %get3A_954 = arith.constant 48 : index
        %get3A_955 = tpu.vector_load %arg8[%get3A_952, %get3A_953, %get3A_954] {strides = array<i32>} : memref<4x256x64xf32, #tpu.memory_space<vmem>>, vector<16xf32>,
        %add3A_956 = arith.addf %get3A_955, %gather3A_691 : vector<16xf32>
        %scatter3A_957 = arith.constant 1 : i32
        %scatter3A_958 = arith.constant 0 : i32
        %scatter3A_959 = arith.constant 0 : i32
        %scatter3A_960 = arith.constant 0 : i32
        %scatter3A_961 = tpu.memref_slice %arg9[%scatter3A_957, %scatter3A_958, %scatter3A_959, %scatter3A_960] : memref<2x8x8x129xf32, #tpu.memory_space<vmem>> -> memref<1x8x8x129xf32, #tpu.memory_space<vmem>>
        %scatter3A_962 = tpu.memref_squeeze %scatter3A_961 : memref<1x8x8x129xf32, #tpu.memory_space<vmem>> -> memref<8x8x129xf32, #tpu.memory_space<vmem>>
        tpu.vector_store_idx %scatter3A_962[%shift_right_arithmetic3A_73, %and3A_100, %broadcast_in_dim3A_906], %add3A_956 : memref<8x8x129xf32, #tpu.memory_space<vmem>>[vector<16xi32>, vector<16xi32>, vector<16xi32>], vector<16xf32>,
      }
      %scan3A_697 = arith.constant 128 : i32
      %dma_start3A_698 = arith.constant 1 : i32
      %dma_start3A_699 = arith.constant 0 : i32
      %dma_start3A_700 = arith.constant 0 : i32
      %dma_start3A_701 = arith.constant 0 : i32
      %dma_start3A_702 = tpu.memref_slice %arg9[%dma_start3A_698, %dma_start3A_699, %dma_start3A_700, %dma_start3A_701] : memref<2x8x8x129xf32, #tpu.memory_space<vmem>> -> memref<1x8x8x128xf32, #tpu.memory_space<vmem>>
      %dma_start3A_703 = tpu.memref_squeeze %dma_start3A_702 : memref<1x8x8x128xf32, #tpu.memory_space<vmem>> -> memref<8x8x128xf32, #tpu.memory_space<vmem>>
      %dma_start3A_704 = arith.constant 0 : i32
      %dma_start3A_705 = arith.constant 0 : i32
      %dma_start3A_706 = arith.constant 0 : i32
      %dma_start3A_707 = tpu.memref_slice %arg5[%add3A_663, %dma_start3A_704, %add3A, %dma_start3A_705, %dma_start3A_706] : memref<200x8x32x8x128xf32, #tpu.memory_space<hbm>> -> memref<1x8x1x8x128xf32, #tpu.memory_space<hbm>>
      %dma_start3A_708 = tpu.memref_squeeze %dma_start3A_707 : memref<1x8x1x8x128xf32, #tpu.memory_space<hbm>> -> memref<8x8x128xf32, #tpu.memory_space<hbm>>
      %dma_start3A_709 = arith.constant 0 : i32
      %dma_start3A_710 = arith.constant 0 : i32
      %dma_start3A_711 = arith.constant 0 : i32
      %dma_start3A_712 = tpu.memref_slice %arg5[%add3A_663, %dma_start3A_709, %add3A, %dma_start3A_710, %dma_start3A_711] : memref<200x8x32x8x128xf32, #tpu.memory_space<hbm>> -> memref<1x8x1x8x128xf32, #tpu.memory_space<hbm>>
      %dma_start3A_713 = tpu.memref_squeeze %dma_start3A_712 : memref<1x8x1x8x128xf32, #tpu.memory_space<hbm>> -> memref<8x8x128xf32, #tpu.memory_space<hbm>>
      %dma_start3A_714 = arith.constant 0 : i32
      %dma_start3A_715 = arith.constant 0 : i32
      %dma_start3A_716 = arith.constant 0 : i32
      %dma_start3A_717 = tpu.memref_slice %arg9[%dma_start3A_698, %dma_start3A_714, %dma_start3A_715, %dma_start3A_716] : memref<2x8x8x129xf32, #tpu.memory_space<vmem>> -> memref<1x8x8x128xf32, #tpu.memory_space<vmem>>
      %dma_start3A_718 = tpu.memref_squeeze %dma_start3A_717 : memref<1x8x8x128xf32, #tpu.memory_space<vmem>> -> memref<8x8x128xf32, #tpu.memory_space<vmem>>
      tpu.enqueue_dma source(%dma_start3A_718 : memref<8x8x128xf32, #tpu.memory_space<vmem>>) target(%dma_start3A_713 : memref<8x8x128xf32, #tpu.memory_space<hbm>>) target_semaphore(%arg15 : memref<!tpu.dma_semaphore, #tpu.memory_space<semaphore_mem>>)
      %mul3A_719 = arith.constant 4 : i32
      %mul3A_720 = arith.muli %scan3A_167, %mul3A_719 : i32
      %add3A_721 = arith.constant 3 : i32
      %add3A_722 = arith.addi %mul3A_720, %add3A_721 : i32
      %add3A_723 = arith.constant 4 : i32
      %add3A_724 = arith.addi %add3A_722, %add3A_723 : i32
      %lt3A_725 = arith.constant 100 : i32
      %lt3A_726 = arith.cmpi slt, %add3A_724, %lt3A_725 : i32
      %convert_element_type3A_727 = arith.extui %lt3A_726 : i1 to i32
      %cond3A_728 = arith.constant 0 : i32
      %cond3A_729 = arith.cmpi ne, %convert_element_type3A_727, %cond3A_728 : i32
      scf.if %cond3A_729 {
        %add3A_730 = arith.constant 4 : i32
        %add3A_731 = arith.addi %add3A_582, %add3A_730 : i32
        %shift_right_arithmetic3A_732 = arith.constant 2 : i32
        %shift_right_arithmetic3A_733 = arith.shrsi %add3A_731, %shift_right_arithmetic3A_732 : i32
        %and3A_734 = arith.constant 3 : i32
        %and3A_735 = arith.andi %add3A_731, %and3A_734 : i32
        %mul3A_736 = arith.constant 2 : i32
        %mul3A_737 = arith.muli %and3A_735, %mul3A_736 : i32
        %mul3A_738 = arith.constant 128 : i32
        %mul3A_739 = arith.muli %mul3A_737, %mul3A_738 : i32
        %dma_start3A_740 = arith.constant 3 : i32
        %dma_start3A_741 = arith.constant 0 : i32
        %dma_start3A_742 = arith.constant 0 : i32
        %dma_start3A_743 = tpu.memref_slice %arg8[%dma_start3A_740, %dma_start3A_741, %dma_start3A_742] : memref<4x256x64xf32, #tpu.memory_space<vmem>> -> memref<1x256x64xf32, #tpu.memory_space<vmem>>
        %dma_start3A_744 = tpu.memref_squeeze %dma_start3A_743 : memref<1x256x64xf32, #tpu.memory_space<vmem>> -> memref<256x64xf32, #tpu.memory_space<vmem>>
        %dma_start3A_745 = tpu.memref_slice %arg7[%shift_right_arithmetic3A_733, %mul3A_739] : memref<25x1024xi32, #tpu.memory_space<vmem>> -> memref<1x256xi32, #tpu.memory_space<vmem>>
        %dma_start3A_746 = tpu.memref_squeeze %dma_start3A_745 : memref<1x256xi32, #tpu.memory_space<vmem>> -> memref<256xi32, #tpu.memory_space<vmem>>
        %dma_start3A_747 = arith.constant 0 : i32
        %dma_start3A_748 = arith.constant 0 : i32
        %dma_start3A_749 = tpu.memref_slice %arg3[%dma_start3A_747, %dma_start3A_748] : memref<1000000x64xf32, #tpu.memory_space<hbm>> -> memref<1000000x64xf32, #tpu.memory_space<hbm>>
        tpu.enqueue_indirect_dma source(%dma_start3A_749 : memref<1000000x64xf32, #tpu.memory_space<hbm>>) target(%dma_start3A_744 : memref<256x64xf32, #tpu.memory_space<vmem>>) offsets(%dma_start3A_746 : memref<256xi32, #tpu.memory_space<vmem>>) semaphore(%arg13 : memref<!tpu.dma_semaphore, #tpu.memory_space<semaphore_mem>>)
      } else {
      }
    }
    %scan3A_121 = arith.constant 25 : i32
    %dma_wait3A = arith.constant 0 : i32
    %dma_wait3A_122 = arith.constant 0 : i32
    %dma_wait3A_123 = arith.constant 0 : i32
    %dma_wait3A_124 = arith.constant 0 : i32
    %dma_wait3A_125 = arith.constant 0 : i32
    %dma_wait3A_126 = arith.constant 0 : i32
    %dma_wait3A_127 = tpu.memref_slice %arg9[%dma_wait3A, %dma_wait3A_124, %dma_wait3A_125, %dma_wait3A_126] : memref<2x8x8x129xf32, #tpu.memory_space<vmem>> -> memref<1x8x8x128xf32, #tpu.memory_space<vmem>>
    %dma_wait3A_128 = tpu.memref_squeeze %dma_wait3A_127 : memref<1x8x8x128xf32, #tpu.memory_space<vmem>> -> memref<8x8x128xf32, #tpu.memory_space<vmem>>
    %dma_wait3A_129 = arith.constant 0 : i32
    %dma_wait3A_130 = arith.constant 0 : i32
    %dma_wait3A_131 = arith.constant 0 : i32
    %dma_wait3A_132 = tpu.memref_slice %arg5[%dma_wait3A_122, %dma_wait3A_129, %dma_wait3A_123, %dma_wait3A_130, %dma_wait3A_131] : memref<200x8x32x8x128xf32, #tpu.memory_space<hbm>> -> memref<1x8x1x8x128xf32, #tpu.memory_space<hbm>>
    %dma_wait3A_133 = tpu.memref_squeeze %dma_wait3A_132 : memref<1x8x1x8x128xf32, #tpu.memory_space<hbm>> -> memref<8x8x128xf32, #tpu.memory_space<hbm>>
    %dma_wait3A_134 = arith.constant 0 : i32
    %dma_wait3A_135 = arith.constant 0 : i32
    %dma_wait3A_136 = arith.constant 0 : i32
    %dma_wait3A_137 = tpu.memref_slice %arg5[%dma_wait3A_122, %dma_wait3A_134, %dma_wait3A_123, %dma_wait3A_135, %dma_wait3A_136] : memref<200x8x32x8x128xf32, #tpu.memory_space<hbm>> -> memref<1x8x1x8x128xf32, #tpu.memory_space<hbm>>
    %dma_wait3A_138 = tpu.memref_squeeze %dma_wait3A_137 : memref<1x8x1x8x128xf32, #tpu.memory_space<hbm>> -> memref<8x8x128xf32, #tpu.memory_space<hbm>>
    %dma_wait3A_139 = arith.constant 0 : i32
    %dma_wait3A_140 = arith.constant 0 : i32
    %dma_wait3A_141 = arith.constant 0 : i32
    %dma_wait3A_142 = tpu.memref_slice %arg9[%dma_wait3A, %dma_wait3A_139, %dma_wait3A_140, %dma_wait3A_141] : memref<2x8x8x129xf32, #tpu.memory_space<vmem>> -> memref<1x8x8x128xf32, #tpu.memory_space<vmem>>
    %dma_wait3A_143 = tpu.memref_squeeze %dma_wait3A_142 : memref<1x8x8x128xf32, #tpu.memory_space<vmem>> -> memref<8x8x128xf32, #tpu.memory_space<vmem>>
    tpu.wait_dma2 semaphore(%arg14 : memref<!tpu.dma_semaphore, #tpu.memory_space<semaphore_mem>>) src(%dma_wait3A_143 : memref<8x8x128xf32, #tpu.memory_space<vmem>>) dst(%dma_wait3A_138 : memref<8x8x128xf32, #tpu.memory_space<hbm>>)
    %dma_wait3A_144 = arith.constant 1 : i32
    %dma_wait3A_145 = arith.constant 0 : i32
    %dma_wait3A_146 = arith.constant 0 : i32
    %dma_wait3A_147 = arith.constant 0 : i32
    %dma_wait3A_148 = arith.constant 0 : i32
    %dma_wait3A_149 = arith.constant 0 : i32
    %dma_wait3A_150 = tpu.memref_slice %arg9[%dma_wait3A_144, %dma_wait3A_147, %dma_wait3A_148, %dma_wait3A_149] : memref<2x8x8x129xf32, #tpu.memory_space<vmem>> -> memref<1x8x8x128xf32, #tpu.memory_space<vmem>>
    %dma_wait3A_151 = tpu.memref_squeeze %dma_wait3A_150 : memref<1x8x8x128xf32, #tpu.memory_space<vmem>> -> memref<8x8x128xf32, #tpu.memory_space<vmem>>
    %dma_wait3A_152 = arith.constant 0 : i32
    %dma_wait3A_153 = arith.constant 0 : i32
    %dma_wait3A_154 = arith.constant 0 : i32
    %dma_wait3A_155 = tpu.memref_slice %arg5[%dma_wait3A_145, %dma_wait3A_152, %dma_wait3A_146, %dma_wait3A_153, %dma_wait3A_154] : memref<200x8x32x8x128xf32, #tpu.memory_space<hbm>> -> memref<1x8x1x8x128xf32, #tpu.memory_space<hbm>>
    %dma_wait3A_156 = tpu.memref_squeeze %dma_wait3A_155 : memref<1x8x1x8x128xf32, #tpu.memory_space<hbm>> -> memref<8x8x128xf32, #tpu.memory_space<hbm>>
    %dma_wait3A_157 = arith.constant 0 : i32
    %dma_wait3A_158 = arith.constant 0 : i32
    %dma_wait3A_159 = arith.constant 0 : i32
    %dma_wait3A_160 = tpu.memref_slice %arg5[%dma_wait3A_145, %dma_wait3A_157, %dma_wait3A_146, %dma_wait3A_158, %dma_wait3A_159] : memref<200x8x32x8x128xf32, #tpu.memory_space<hbm>> -> memref<1x8x1x8x128xf32, #tpu.memory_space<hbm>>
    %dma_wait3A_161 = tpu.memref_squeeze %dma_wait3A_160 : memref<1x8x1x8x128xf32, #tpu.memory_space<hbm>> -> memref<8x8x128xf32, #tpu.memory_space<hbm>>
    %dma_wait3A_162 = arith.constant 0 : i32
    %dma_wait3A_163 = arith.constant 0 : i32
    %dma_wait3A_164 = arith.constant 0 : i32
    %dma_wait3A_165 = tpu.memref_slice %arg9[%dma_wait3A_144, %dma_wait3A_162, %dma_wait3A_163, %dma_wait3A_164] : memref<2x8x8x129xf32, #tpu.memory_space<vmem>> -> memref<1x8x8x128xf32, #tpu.memory_space<vmem>>
    %dma_wait3A_166 = tpu.memref_squeeze %dma_wait3A_165 : memref<1x8x8x128xf32, #tpu.memory_space<vmem>> -> memref<8x8x128xf32, #tpu.memory_space<vmem>>
    tpu.wait_dma2 semaphore(%arg15 : memref<!tpu.dma_semaphore, #tpu.memory_space<semaphore_mem>>) src(%dma_wait3A_166 : memref<8x8x128xf32, #tpu.memory_space<vmem>>) dst(%dma_wait3A_161 : memref<8x8x128xf32, #tpu.memory_space<hbm>>)
    return
  }
}

</mosaic_0001>

<sc_bundles>
// kernel: tok_pos_embed.3.cloned.1.call-start
scs
__scs_entry_jumppad:
0x0: {  	(pc) =	sbr.rel $0x88, $3  }
0x1: {  	(tag) =	ssettag $0x0;
	lr =	simm.s32 $0x1  }
0x2: {  	[smem:$0x3F9E] =	sst lr;
	_ =	strace $0xD0000000  }
0x3: {  	_ = 	snop  }
0x4: {  	_ = 	snop  }
0x5: {  	_ = 	snop  }
0x6: {  	_ = 	snop  }
0x7: {  	_ = 	snop  }
__scs_overlays_trampoline_lowered:
0x8: {  	[smem:$0x3FAD] =	sst s0  }
0x9: {  	[smem:$0x3FAE] =	sst s1  }
0xa: {  	[smem:$0x3FAF] =	sst s2  }
0xb: {  	[smem:$0x3FB0] =	sst s3  }
0xc: {  	[smem:$0x3FB1] =	sst s4  }
0xd: {  	[smem:$0x3FB2] =	sst s5  }
0xe: {  	[smem:$0x3FB3] =	sst s6  }
0xf: {  	[smem:$0x3FB4] =	sst s7  }
0x10: {  	[smem:$0x3FB5] =	sst s8  }
0x11: {  	[smem:$0x3FB6] =	sst s9;
	s0 =	simm.s32 @!p0 $0x0  }
0x12: {  	s1 =	sld [smem:$0x3F9C];
	s0 =	simm.s32 @p0 $0x1  }
0x13: {  	[smem:$0x3FB7] =	sst s0;
	s0 =	simm.s32 @!p1 $0x0  }
0x14: {  	s2 =	sld [smem:$0x3F9B];
	s0 =	simm.s32 @p1 $0x1  }
0x15: {  	[smem:$0x3FB8] =	sst s0;
	s0 =	simm.s32 @!p2 $0x0  }
0x16: {  	s3 =	sld [smem:$0x3FDB];
	s0 =	simm.s32 @p2 $0x1  }
0x17: {  	s4 =	simm.s32 $0x1BF5;
	[smem:$0x3FBA] =	sst s0  }
0x18: {  	s0 =	sld [smem:$0x3F9D];
	_ =	swait.ge [sflag:s4], $0x0  }
0x19: {  	s7 =	sld [smem:$0x3F9E]  }
0x1a: {  	s8 =	sadd.s32 $0xFFFFE003, lr  }
0x1b: {  	s9 =	sadd.s32 $0xFFFFFEF7, lr;
	s5 =	simm.s32 $0xFFFFFFFF;
	p2 =	slt.u32 s8, $0xFFFFF086  }
0x1c: {  	p1 =	slt.u32 s9, $0xF7A;
	s5 =	simm.s32 @!p2 $0x0  }
0x1d: {  	s5 =	simm.s32 @p1 $0x1;
	p0 =	seq.s32 s7, s2  }
0x1e: {  	s7 =	smul.u32 @!p0 $0xF7A, s2;
	p2 =	seq.s32 @!p0 s5, $0x0  }
0x1f: {  	s9 =	smul.u32 $0xF7A, s1;
	s8 =	simm.s32 @!p0 $0x1BF5;
	p2 =	por !p2, p0  }
0x20: {  	[sflag:s8] =	ssyncset.s32 @!p0 $0xFFFFF086;
	s6 =	sadd.s32 @!p0 s3, s7;
	s7 =	simm.s32 @!p0 $0x108  }
0x21: {  	s3 =	sadd.s32 s3, s9;
	s6 =	sadd.s32 @!p0 $0x88, s6;
	s7 =	simm.s32 @p2 $0x1082  }
0x22: {  	[simem:s7], [sflag:s8] =	dma.local @!p0 [hbm:s6], $0xF7A  }
0x23: {  	s9 =	sor.u32 $0xD0000000, s2;
	s6 =	simm.s32 $0x108;
	_ =	swait.ge @!p0 [sflag:s8], $0x0  }
0x24: {  	s3 =	sadd.s32 $0x88, s3;
	s6 =	simm.s32 @!p1 $0x1082;
	[sflag:s4] =	ssyncset.s32 $0xFFFFF086  }
0x25: {  	[simem:s6], [sflag:s4] =	dma.local [hbm:s3], $0xF7A  }
0x26: {  	[smem:$0x3F9E] =	sst s1;
	(tag) =	ssettag s2;
	_ =	strace s9  }
0x27: {  	s1 =	sld [smem:$0x3FAE]  }
0x28: {  	s2 =	sld [smem:$0x3FAF]  }
0x29: {  	s4 =	sld [smem:$0x3FB1]  }
0x2a: {  	p0 =	seq.s32 s5, $0x0;
	s5 =	sld [smem:$0x3FB2]  }
0x2b: {  	s6 =	sld [smem:$0x3FB3]  }
0x2c: {  	s7 =	sld [smem:$0x3FB4]  }
0x2d: {  	s3 =	simm.s32 $0x108;
	s8 =	sld [smem:$0x3FB5]  }
0x2e: {  	s3 =	simm.s32 @!p0 $0x1082;
	s9 =	sld [smem:$0x3FB6]  }
0x2f: {  	lr =	sadd.s32 s0, s3;
	s0 =	sld [smem:$0x3FAD]  }
0x30: {  	s3 =	sld [smem:$0x3FB0]  }
0x31: {  	[smem:$0x3FB9] =	sst s10  }
0x32: {  	s10 =	sld [smem:$0x3FB7];
	_ =	sdelay $0x3  }
0x33: {  	p0 =	seq.s32 s10, $0x1;
	s10 =	sld [smem:$0x3FB9];
	_ =	sdelay $0x3  }
0x34: {  	[smem:$0x3FB9] =	sst s10  }
0x35: {  	s10 =	sld [smem:$0x3FB8];
	_ =	sdelay $0x3  }
0x36: {  	p1 =	seq.s32 s10, $0x1;
	s10 =	sld [smem:$0x3FB9];
	_ =	sdelay $0x3  }
0x37: {  	[smem:$0x3FB9] =	sst s10  }
0x38: {  	s10 =	sld [smem:$0x3FBA]  }
0x39: {  	_ = 	snop;
	(pc) =	sbr.ind lr, $3  }
0x3a: {  	_ = 	snop  }
0x3b: {  	_ = 	snop  }
0x3c: {  	p2 =	seq.s32 s10, $0x1;
	s10 =	sld [smem:$0x3FB9]  }
0x3d: {  	_ =	shalt  }
0x3e: {  	_ =	shalt  }
0x3f: {  	_ =	shalt  }
0x40: {  	_ =	shalt  }
0x41: {  	_ =	shalt  }
0x42: {  	_ =	shalt  }
0x43: {  	_ =	shalt  }
0x44: {  	_ =	shalt  }
0x45: {  	_ =	shalt  }
0x46: {  	_ =	shalt  }
0x47: {  	_ =	shalt  }
0x48: {  	_ =	shalt  }
0x49: {  	_ =	shalt  }
0x4a: {  	_ =	shalt  }
0x4b: {  	_ =	shalt  }
0x4c: {  	_ =	shalt  }
0x4d: {  	_ =	shalt  }
0x4e: {  	_ =	shalt  }
0x4f: {  	_ =	shalt  }
0x50: {  	_ =	shalt  }
0x51: {  	_ =	shalt  }
0x52: {  	_ =	shalt  }
0x53: {  	_ =	shalt  }
0x54: {  	_ =	shalt  }
0x55: {  	_ =	shalt  }
0x56: {  	_ =	shalt  }
0x57: {  	_ =	shalt  }
0x58: {  	_ =	shalt  }
0x59: {  	_ =	shalt  }
0x5a: {  	_ =	shalt  }
0x5b: {  	_ =	shalt  }
0x5c: {  	_ =	shalt  }
0x5d: {  	_ =	shalt  }
0x5e: {  	_ =	shalt  }
0x5f: {  	_ =	shalt  }
0x60: {  	_ =	shalt  }
0x61: {  	_ =	shalt  }
0x62: {  	_ =	shalt  }
0x63: {  	_ =	shalt  }
0x64: {  	_ =	shalt  }
0x65: {  	_ =	shalt  }
0x66: {  	_ =	shalt  }
0x67: {  	_ =	shalt  }
0x68: {  	_ =	shalt  }
0x69: {  	_ =	shalt  }
0x6a: {  	_ =	shalt  }
0x6b: {  	_ =	shalt  }
0x6c: {  	_ =	shalt  }
0x6d: {  	_ =	shalt  }
0x6e: {  	_ =	shalt  }
0x6f: {  	_ =	shalt  }
0x70: {  	_ =	shalt  }
0x71: {  	_ =	shalt  }
0x72: {  	_ =	shalt  }
0x73: {  	_ =	shalt  }
0x74: {  	_ =	shalt  }
0x75: {  	_ =	shalt  }
0x76: {  	_ =	shalt  }
0x77: {  	_ =	shalt  }
0x78: {  	_ =	shalt  }
0x79: {  	_ =	shalt  }
0x7a: {  	_ =	shalt  }
0x7b: {  	_ =	shalt  }
0x7c: {  	_ =	shalt  }
0x7d: {  	_ =	shalt  }
0x7e: {  	_ =	shalt  }
0x7f: {  	_ =	shalt  }
0x80: {  	_ =	shalt  }
0x81: {  	_ =	shalt  }
0x82: {  	_ =	shalt  }
0x83: {  	_ =	shalt  }
0x84: {  	_ =	shalt  }
0x85: {  	_ =	shalt  }
0x86: {  	_ =	shalt  }
0x87: {  	_ =	shalt  }
.Lfunc_end0:
.L_simem_size_0:
called_computation_lowered:
.L_overlay_start_0:
0x88: {  	s2 =	sld [smem:$0x3FD9]  }
0x89: {  	s3 =	sld [smem:$0x3FFE];
	_ =	sdelay $0x1  }
0x8a: {  	s1 =	srdreg.scid  }
0x8b: {  	s0 =	sand.u32 $0x1, s1  }
0x8c: {  	s17 =	sshll.u32 s0, $0xA;
	s2 =	sadd.s32 s3, s2  }
0x8d: {  	s2 =	sadd.s32 s2, s17  }
0x8e: {  	[smem:$0x3FC5] =	sst s2  }
0x8f: {  	_ = 	snop  }
0x90: {  	s2 =	sld [smem:$0x3FC9]  }
0x91: {  	s18 =	sld [smem:$0x3FD0];
	(tm) =	ssettm $0x1  }
0x92: {  	s4 =	sld [smem:$0x3FFB];
	_ =	sdelay $0x3  }
0x93: {  	_ =	strace s4  }
0x94: {  	s4 =	sld [smem:$0x3FFC];
	_ =	sdelay $0x3  }
0x95: {  	_ =	strace s4  }
0x96: {  	s4 =	sld [smem:$0x3FFD];
	_ =	sdelay $0x3  }
0x97: {  	_ =	strace s4  }
0x98: {  	_ =	strace $0x8FFFFFFF  }
0x99: {  	s19 =	sld [smem:$0x3FDB];
	_ =	sdelay $0x1  }
0x9a: {  	s5 =	simm.s32 $_scs_section_size  }
0x9b: {  	s6 =	simm.s32 $_size__tile_overlayer_lowered;
	s7 =	simm.s32 $_tile_overlayer_lowered  }
0x9c: {  	s22 =	simm.s32 $0x1BFF;
	s21 =	sshll.u32 s7, $0x1;
	s4 =	sadd.s32 s5, s19  }
0x9d: {  	s8 =	simm.s32 $0x0;
	s20 =	sshll.u32 s6, $0x1;
	s6 =	sadd.s32 s21, s4  }
0x9e: {  	[timem:s8], [sflag:s22] =	dma.local [hbm:s6], s20  }
0x9f: {  	_ =	swait.ge [sflag:s22], s20  }
0xa0: {  	s5 =	ssub.s32 $0x0, s20;
	[sflag:s22] =	ssyncset.done $0x0  }
0xa1: {  	[sflag:s22] =	ssyncadd.s32 s5;
	_ =	sdelay $0x1  }
0xa2: {  	s23 =	simm.s32 $0x1B8B  }
0xa3: {  	_ =	swait.ge [sflag:s23], $0x1  }
0xa4: {  	[sflag:s23] =	ssyncset.done $0x0  }
0xa5: {  	s25 =	simm.s32 $0x1B8E;
	s24 =	sld [smem:$0x3FFE];
	[sflag:s23] =	ssyncadd.s32 $0xFFFFFFFF  }
0xa6: {  	s26 =	simm.s32 $execute0_lowered;
	[smem:$0x3FD2] =	sst s25  }
0xa7: {  	s6 =	sshll.u32 s26, $0x1;
	_ =	strace $0x80000046;
	[dreg:$0x1] =	wrdreg $0xFFFFFFFF  }
0xa8: {  	s28 =	simm.s32 $_size_execute0_lowered;
	s4 =	sadd.s32 s4, s6;
	[dreg:$0x0] =	wrdreg $0x0  }
0xa9: {  	s6 =	sshll.u32 s28, $0x1;
	[dreg:$0x2] =	wrdreg s4  }
0xaa: {  	[dreg:$0x3] =	wrdreg s6  }
0xab: {  	[dreg:$0x4] =	wrdreg $0xC0  }
0xac: {  	_ =	task [dreg:s8], $0x5FFFF  }
0xad: {  	[dreg:$0x1] =	wrdreg $0xFFFFFFFF  }
0xae: {  	[dreg:$0x0] =	wrdreg $0x60  }
0xaf: {  	[dreg:$0x2] =	wrdreg s2  }
0xb0: {  	[dreg:$0x3] =	wrdreg s24  }
0xb1: {  	[dreg:$0x4] =	wrdreg s18  }
0xb2: {  	[dreg:$0x5] =	wrdreg $0x9  }
0xb3: {  	_ =	task.clear_ibuf [dreg:s8], $0x6FFFF;
	_ =	strace $0x90000046  }
0xb4: {  	s29 =	simm.s32 $0x9;
	_ =	strace $0x80000048  }
0xb5: {  	_ =	swait.ge [sflag:s29], $0x1  }
0xb6: {  	[sflag:s29] =	ssyncadd.s32 $0xFFFFFFFF  }
0xb7: {  	_ =	strace $0x90000048  }
0xb8: {  	_ =	sfence  }
0xb9: {  	s30 =	sld [smem:$0x0];
	_ =	sdelay $0x2  }
0xba: {  	s31 =	sshll.u32 s1, $0xD;
	s1 =	sshrl.u32 s1, $0x2  }
0xbb: {  	s3 =	sand.u32 $0x4000, s31;
	s1 =	sadd.s32 s1, s30  }
0xbc: {  	s0 =	sor.u32 s3, s0;
	s1 =	sshll.u32 s1, $0x11  }
0xbd: {  	s0 =	sor.u32 s1, s0  }
0xbe: {  	s0 =	sadd.s32 $0x8F2B, s0  }
0xbf: {  	[sflag:s0] =	ssyncadd.remote.s32 $0x1  }
0xc0: {  	_ =	sfence.sel $0xFFFF  }
0xc1: {  	[dreg:$0x0] =	wrdreg $0xFFFFFFFF;
	(pc) =	sbr.abs _section_cstart, $3  }
0xc2: {  	[dreg:$0x1] =	wrdreg $0xFFFFFFFF  }
0xc3: {  	_ =	task.clear_ibuf [dreg:s8], $0x2FFFF;
	_ =	strace $0x9FFFFFFF  }
0xc4: {  	(tm) =	ssettm $0x7FFFFFFF  }
0xc5: {  	_ =	shalt  }
tec
execute0_lowered:
.L_overlay_start_1:
0x0: {  	(tag) =	ssettag $0x1  }
0x1: {  	s0 =	rddreg [dreg:$0x0];
	v1 =	vlaneseq.u32  }
0x2: {  	s2 =	rddreg [dreg:$0x1];
	v0 =	vmul.u32 $0xC8, v1  }
0x3: {  	s1 =	rddreg [dreg:$0x2];
	s3 =	simm.s32 $0x0;
	s4 =	srdreg.scid;
	v1 =	vmul.u32 $0x88, v1  }
0x4: {  	s5 =	stileid.u32;
	s9 =	simm.s32 $0x7;
	s12 =	simm.s32 $0x3200;
	v2 =	vadd.s32 $0xC80, v0;
	v3 =	vadd.s32 $0x1900, v0;
	v4 =	vadd.s32 $0x2580, v0  }
0x5: {  	s13 =	simm.s32 $0x100;
	s19 =	simm.s32 $0x3500;
	s20 =	simm.s32 $0x15600;
	v5 =	vadd.s32 $0x880, v1;
	v6 =	vadd.s32 $0x1100, v1;
	v7 =	vadd.s32 $0x1980, v1  }
0x6: {  	s21 =	simm.s32 $0x1;
	s22 =	simm.s32 $0x19600;
	s23 =	simm.s32 $0x1B800;
	v8 =	vor.u32 $0x1, v0;
	v9 =	vadd.s32 $0xC81, v0;
	v10 =	vadd.s32 $0x1901, v0  }
0x7: {  	s24 =	simm.s32 $0x2;
	s25 =	simm.s32 $0x5;
	s26 =	simm.s32 $0x6;
	v11 =	vadd.s32 $0x2581, v0;
	v12 =	vor.u32 $0x2, v0;
	v13 =	vadd.s32 $0xC82, v0  }
0x8: {  	s28 =	simm.s32 $0x3;
	s29 =	simm.s32 $0x4;
	s30 =	simm.s32 $0x0;
	v14 =	vadd.s32 $0x1902, v0;
	v15 =	vadd.s32 $0x2582, v0;
	v16 =	vor.u32 $0x3, v0  }
.Ltmp0:
0x9: {  	[smem:$0x7FF] =	sst s3;
	s4 =	sand.u32 $0x1, s4;
	v17 =	vadd.s32 $0xC83, v0;
	v18 =	vadd.s32 $0x1903, v0;
	v19 =	vadd.s32 $0x2583, v0;
	(pc) =	sbr.rel .LBB2_1-.Ltmp0, $4  }
0xa: {  	s5 =	sshll.u32 s5, $0xB;
	s6 =	ssub.s32 $0x2, s4;
	s4 =	sshll.u32 s4, $0xA;
	v20 =	vor.u32 $0x4, v0;
	v21 =	vadd.s32 $0xC84, v0;
	v22 =	vadd.s32 $0x1904, v0  }
0xb: {  	_ =	strace $0x80000047;
	s7 =	sshrl.u32 s6, $0x1;
	s4 =	sor.u32 s4, s5;
	v23 =	vadd.s32 $0x2584, v0;
	v24 =	vor.u32 $0x5, v0;
	v25 =	vadd.s32 $0xC85, v0  }
0xc: {  	s5 =	sadd.s32 $0xF42A00, s2;
	v26 =	vadd.s32 $0x1905, v0;
	v27 =	vadd.s32 $0x2585, v0;
	v28 =	vor.u32 $0x6, v0;
	s8 =	ssub.s32 s6, s7;
	s31 =	sshrl.u32 s4, $0x3  }
0xd: {  	v29 =	vadd.s32 $0xC86, v0;
	v30 =	vadd.s32 $0x1906, v0;
	v31 =	vadd.s32 $0x2586, v0;
	s6 =	sadd.s32 $0x600, s2;
	s7 =	sadd.s32 s0, s31;
	s8 =	smax.u32 s8, $0x1  }
.LBB2_36:
0xe: {  	s30 =	sadd.s32 $0x1, s30  }
0xf: {  	_ =	swait.ge [sflag:s25], $0x2000;
	p0 =	sne.s32 s30, s8  }
.Ltmp1:
0x10: {  	[sflag:s25] =	ssyncset.done $0x0;
	(pc) =	sbr.rel @!p0 .LBB2_37-.Ltmp1, $4  }
0x11: {  	[sflag:s25] =	ssyncadd.s32 $0xFFFFE000  }
0x12: {  	_ =	swait.ge [sflag:s26], $0x2000  }
0x13: {  	[sflag:s26] =	ssyncset.done $0x0  }
0x14: {  	[sflag:s26] =	ssyncadd.s32 $0xFFFFE000  }
.LBB2_1:
0x15: {  	[tilespmem:s3], [sflag:$0x7] =	stream.linear.gather [hbm4b:s6+s3], $0x3200, $0x38;
	[tilespmem:$0x1DA00] =	vst v63  }
0x16: {  	_ =	swait.ge [sflag:s9], $0x3200  }
0x17: {  	[sflag:s9] =	ssyncset.done $0x0  }
0x18: {  	s0 =	simm.s32 $0x400;
	s2 =	simm.s32 $0x8000;
	[sflag:s9] =	ssyncadd.s32 $0xFFFFCE00  }
0x19: {  	[tilespmem:s12], [sflag:$0x7] =	stream.strided.gather [hbm4b:s7+s0], $0x6400, s2, s0, $0x38;
	[tilespmem:$0x1DA00] =	vst v63  }
0x1a: {  	_ =	swait.ge [sflag:s9], $0x6400  }
0x1b: {  	[sflag:s9] =	ssyncset.done $0x0  }
0x1c: {  	s14 =	simm.s32 $0x9600;
	[sflag:s9] =	ssyncadd.s32 $0xFFFF9C00  }
0x1d: {  	[tilespmem:s14], [sflag:$0x1] =	stream.indirect.gather [hbm4b:s5+s13], $0x40, s12, s13, $0xb8;
	[tilespmem:$0x1DA00] =	vst v63  }
0x1e: {  	s15 =	simm.s32 $0x3300;
	s16 =	simm.s32 $0xD600  }
0x1f: {  	[tilespmem:s16], [sflag:$0x2] =	stream.indirect.gather [hbm4b:s5+s13], $0x40, s15, s13, $0xb8;
	[tilespmem:$0x1DA00] =	vst v63  }
0x20: {  	s17 =	simm.s32 $0x3400;
	s18 =	simm.s32 $0x11600  }
0x21: {  	[tilespmem:s18], [sflag:$0x3] =	stream.indirect.gather [hbm4b:s5+s13], $0x40, s17, s13, $0xb8;
	[tilespmem:$0x1DA00] =	vst v63  }
0x22: {  	s31 =	simm.s32 $0x0  }
0x23: {  	[tilespmem:s20], [sflag:$0x4] =	stream.indirect.gather [hbm4b:s5+s13], $0x40, s19, s13, $0xb8;
	[tilespmem:$0x1DA00] =	vst v63  }
.LBB2_2:
0x24: {  	s2 =	sshll.u32 s31, $0x3  }
0x25: {  	v32 =	vmov s2  }
0x26: {  	v32 =	vshrl.u32 v32, $0x3  }
0x27: {  	v32 =	vshll.u32 v32, $0x3  }
0x28: {  	_ =	swait.ge [sflag:s21], $0x4000;
	v33 =	vbroadcast v32, $0x0  }
0x29: {  	p0 =	seq.s32 s31, $0x0;
	[sflag:s21] =	ssyncset.done $0x0  }
0x2a: {  	s0 =	simm.s32 @!p0 $0x5;
	[sflag:s21] =	ssyncadd.s32 $0xFFFFC000;
	v32 =	vadd.s32 v0, v33  }
0x2b: {  	_ =	swait.ge @!p0 [sflag:s0], $0x2000  }
0x2c: {  	[sflag:s0] =	ssyncset.done @!p0 $0x0  }
0x2d: {  	s10 =	simm.s32 $0x9680;
	[sflag:s0] =	ssyncadd.s32 @!p0 $0xFFFFE000  }
0x2e: {  	s15 =	simm.s32 $0x0;
	v37 =	vld [tilespmem:s10+$0xFFFFFF80]  }
0x2f: {  	v36 =	vmov s15;
	v34 =	vadd.s32 v2, v33;
	v32 =	vld.idx.msk [tilespmem:v32+s15+$0x0], $0xffff  }
0x30: {  	v36 =	vand.u32 $0x7C, v36;
	v35 =	vadd.s32 v3, v33  }
0x31: {  	v39 =	vadd.s32 v1, v36;
	v38 =	vadd.s32 v4, v33;
	_ =	sdelay $0x2  }
0x32: {  	v33 =	vld.idx.msk [tilespmem:v34+s15+$0x0], $0xffff;
	v37 =	vadd.f32 v37, v32  }
0x33: {  	v34 =	vld.idx.msk [tilespmem:v35+s15+$0x0], $0xffff  }
0x34: {  	v35 =	vld.idx.msk [tilespmem:v38+s15+$0x0], $0xffff;
	[tilespmem:v39+s22+$0x0] =	vst.idx.msk $0xffff, v37  }
0x35: {  	v37 =	vld [tilespmem:s10+$0xFFFFFF90];
	_ =	sdelay $0x1  }
0x36: {  	v50 =	vadd.s32 v5, v36;
	_ =	sdelay $0x2  }
0x37: {  	v37 =	vadd.f32 v37, v33;
	_ =	sdelay $0x1  }
0x38: {  	[tilespmem:v50+s22+$0x0] =	vst.idx.msk $0xffff, v37  }
0x39: {  	v37 =	vld [tilespmem:s10+$0xFFFFFFA0];
	_ =	sdelay $0x1  }
0x3a: {  	v51 =	vadd.s32 v6, v36;
	_ =	sdelay $0x2  }
0x3b: {  	v37 =	vadd.f32 v37, v34;
	_ =	sdelay $0x1  }
0x3c: {  	[tilespmem:v51+s22+$0x0] =	vst.idx.msk $0xffff, v37  }
0x3d: {  	v37 =	vld [tilespmem:s10+$0xFFFFFFB0];
	_ =	sdelay $0x1  }
0x3e: {  	v36 =	vadd.s32 v7, v36;
	_ =	sdelay $0x2  }
0x3f: {  	v37 =	vadd.f32 v37, v35;
	_ =	sdelay $0x1  }
0x40: {  	s16 =	simm.s32 $0x1;
	[tilespmem:v36+s22+$0x0] =	vst.idx.msk $0xffff, v37  }
0x41: {  	v52 =	vmov s16;
	v37 =	vld [tilespmem:s10+$0xFFFFFFC0]  }
0x42: {  	v36 =	vand.u32 $0x7D, v52  }
0x43: {  	v53 =	vadd.s32 v1, v36;
	_ =	sdelay $0x2  }
0x44: {  	v37 =	vadd.f32 v37, v32;
	_ =	sdelay $0x1  }
0x45: {  	[tilespmem:v53+s22+$0x0] =	vst.idx.msk $0xffff, v37  }
0x46: {  	v37 =	vld [tilespmem:s10+$0xFFFFFFD0];
	_ =	sdelay $0x1  }
0x47: {  	v54 =	vadd.s32 v5, v36;
	_ =	sdelay $0x2  }
0x48: {  	v37 =	vadd.f32 v37, v33;
	_ =	sdelay $0x1  }
0x49: {  	[tilespmem:v54+s22+$0x0] =	vst.idx.msk $0xffff, v37  }
0x4a: {  	v37 =	vld [tilespmem:s10+$0xFFFFFFE0];
	_ =	sdelay $0x1  }
0x4b: {  	v55 =	vadd.s32 v6, v36;
	_ =	sdelay $0x2  }
0x4c: {  	v37 =	vadd.f32 v37, v34;
	_ =	sdelay $0x1  }
0x4d: {  	[tilespmem:v55+s22+$0x0] =	vst.idx.msk $0xffff, v37  }
0x4e: {  	v37 =	vld [tilespmem:s10+$0xFFFFFFF0];
	_ =	sdelay $0x1  }
0x4f: {  	v36 =	vadd.s32 v7, v36;
	_ =	sdelay $0x2  }
0x50: {  	v37 =	vadd.f32 v37, v35;
	_ =	sdelay $0x1  }
0x51: {  	s17 =	simm.s32 $0x2;
	[tilespmem:v36+s22+$0x0] =	vst.idx.msk $0xffff, v37  }
0x52: {  	v56 =	vmov s17;
	v37 =	vld [tilespmem:s10+$0x0]  }
0x53: {  	v36 =	vand.u32 $0x7E, v56  }
0x54: {  	v57 =	vadd.s32 v1, v36;
	_ =	sdelay $0x2  }
0x55: {  	v37 =	vadd.f32 v37, v32;
	_ =	sdelay $0x1  }
0x56: {  	[tilespmem:v57+s22+$0x0] =	vst.idx.msk $0xffff, v37  }
0x57: {  	v37 =	vld [tilespmem:s10+$0x10];
	_ =	sdelay $0x1  }
0x58: {  	v58 =	vadd.s32 v5, v36;
	_ =	sdelay $0x2  }
0x59: {  	v37 =	vadd.f32 v37, v33;
	_ =	sdelay $0x1  }
0x5a: {  	[tilespmem:v58+s22+$0x0] =	vst.idx.msk $0xffff, v37  }
0x5b: {  	v37 =	vld [tilespmem:s10+$0x20];
	_ =	sdelay $0x1  }
0x5c: {  	v59 =	vadd.s32 v6, v36;
	_ =	sdelay $0x2  }
0x5d: {  	v37 =	vadd.f32 v37, v34;
	_ =	sdelay $0x1  }
0x5e: {  	[tilespmem:v59+s22+$0x0] =	vst.idx.msk $0xffff, v37  }
0x5f: {  	v37 =	vld [tilespmem:s10+$0x30];
	_ =	sdelay $0x1  }
0x60: {  	v36 =	vadd.s32 v7, v36;
	_ =	sdelay $0x2  }
0x61: {  	v37 =	vadd.f32 v37, v35;
	_ =	sdelay $0x1  }
0x62: {  	s18 =	simm.s32 $0x3;
	[tilespmem:v36+s22+$0x0] =	vst.idx.msk $0xffff, v37  }
0x63: {  	v60 =	vmov s18;
	v37 =	vld [tilespmem:s10+$0x40]  }
0x64: {  	v36 =	vand.u32 $0x7F, v60  }
0x65: {  	v61 =	vadd.s32 v1, v36;
	_ =	sdelay $0x2  }
0x66: {  	v37 =	vadd.f32 v37, v32;
	_ =	sdelay $0x1  }
0x67: {  	[tilespmem:v61+s22+$0x0] =	vst.idx.msk $0xffff, v37  }
0x68: {  	v37 =	vld [tilespmem:s10+$0x50];
	_ =	sdelay $0x1  }
0x69: {  	v62 =	vadd.s32 v5, v36;
	_ =	sdelay $0x2  }
0x6a: {  	v37 =	vadd.f32 v37, v33;
	_ =	sdelay $0x1  }
0x6b: {  	[tilespmem:v62+s22+$0x0] =	vst.idx.msk $0xffff, v37  }
0x6c: {  	v37 =	vld [tilespmem:s10+$0x60];
	_ =	sdelay $0x1  }
0x6d: {  	v63 =	vadd.s32 v6, v36;
	_ =	sdelay $0x2  }
0x6e: {  	v37 =	vadd.f32 v37, v34;
	_ =	sdelay $0x1  }
0x6f: {  	[tilespmem:v63+s22+$0x0] =	vst.idx.msk $0xffff, v37  }
0x70: {  	v37 =	vld [tilespmem:s10+$0x70];
	_ =	sdelay $0x1  }
0x71: {  	v36 =	vadd.s32 v7, v36;
	_ =	sdelay $0x2  }
0x72: {  	s11 =	simm.s32 $0x4;
	s0 =	sshll.u32 s31, $0xC;
	v37 =	vadd.f32 v37, v35  }
.LBB2_3:
0x73: {  	p1 =	slt.u32 s11, $0x7C  }
0x74: {  	s10 =	sadd.s32 $0x100, s10;
	s14 =	smov.u32 s11;
	s11 =	sadd.s32 $0x4, s11;
	[tilespmem:v36+s22+$0x0] =	vst.idx.msk $0xffff, v37  }
0x75: {  	v36 =	vmov s14;
	v37 =	vld [tilespmem:s10+$0xFFFFFF80]  }
0x76: {  	v36 =	vand.u32 $0x7C, v36  }
0x77: {  	v38 =	vadd.s32 v1, v36;
	_ =	sdelay $0x2  }
0x78: {  	v37 =	vadd.f32 v37, v32;
	_ =	sdelay $0x1  }
0x79: {  	[tilespmem:v38+s22+$0x0] =	vst.idx.msk $0xffff, v37  }
0x7a: {  	v37 =	vld [tilespmem:s10+$0xFFFFFF90];
	_ =	sdelay $0x1  }
0x7b: {  	v38 =	vadd.s32 v5, v36;
	_ =	sdelay $0x2  }
0x7c: {  	v37 =	vadd.f32 v37, v33;
	_ =	sdelay $0x1  }
0x7d: {  	[tilespmem:v38+s22+$0x0] =	vst.idx.msk $0xffff, v37  }
0x7e: {  	v37 =	vld [tilespmem:s10+$0xFFFFFFA0];
	_ =	sdelay $0x1  }
0x7f: {  	v38 =	vadd.s32 v6, v36;
	_ =	sdelay $0x2  }
0x80: {  	v37 =	vadd.f32 v37, v34;
	_ =	sdelay $0x1  }
0x81: {  	[tilespmem:v38+s22+$0x0] =	vst.idx.msk $0xffff, v37  }
0x82: {  	v37 =	vld [tilespmem:s10+$0xFFFFFFB0];
	_ =	sdelay $0x1  }
0x83: {  	v36 =	vadd.s32 v7, v36;
	_ =	sdelay $0x2  }
0x84: {  	v37 =	vadd.f32 v37, v35;
	_ =	sdelay $0x1  }
0x85: {  	s15 =	sadd.s32 $0x1, s14;
	[tilespmem:v36+s22+$0x0] =	vst.idx.msk $0xffff, v37  }
0x86: {  	v36 =	vmov s15;
	v37 =	vld [tilespmem:s10+$0xFFFFFFC0]  }
0x87: {  	v36 =	vand.u32 $0x7D, v36  }
0x88: {  	v38 =	vadd.s32 v1, v36;
	_ =	sdelay $0x2  }
0x89: {  	v37 =	vadd.f32 v37, v32;
	_ =	sdelay $0x1  }
0x8a: {  	[tilespmem:v38+s22+$0x0] =	vst.idx.msk $0xffff, v37  }
0x8b: {  	v37 =	vld [tilespmem:s10+$0xFFFFFFD0];
	_ =	sdelay $0x1  }
0x8c: {  	v38 =	vadd.s32 v5, v36;
	_ =	sdelay $0x2  }
0x8d: {  	v37 =	vadd.f32 v37, v33;
	_ =	sdelay $0x1  }
0x8e: {  	[tilespmem:v38+s22+$0x0] =	vst.idx.msk $0xffff, v37  }
0x8f: {  	v37 =	vld [tilespmem:s10+$0xFFFFFFE0];
	_ =	sdelay $0x1  }
0x90: {  	v38 =	vadd.s32 v6, v36;
	_ =	sdelay $0x2  }
0x91: {  	v37 =	vadd.f32 v37, v34;
	_ =	sdelay $0x1  }
0x92: {  	[tilespmem:v38+s22+$0x0] =	vst.idx.msk $0xffff, v37  }
0x93: {  	v37 =	vld [tilespmem:s10+$0xFFFFFFF0];
	_ =	sdelay $0x1  }
0x94: {  	v36 =	vadd.s32 v7, v36;
	_ =	sdelay $0x2  }
0x95: {  	v37 =	vadd.f32 v37, v35;
	_ =	sdelay $0x1  }
0x96: {  	s15 =	sadd.s32 $0x2, s14;
	[tilespmem:v36+s22+$0x0] =	vst.idx.msk $0xffff, v37  }
0x97: {  	v36 =	vmov s15;
	v37 =	vld [tilespmem:s10+$0x0]  }
0x98: {  	v36 =	vand.u32 $0x7E, v36  }
0x99: {  	v38 =	vadd.s32 v1, v36;
	_ =	sdelay $0x2  }
0x9a: {  	v37 =	vadd.f32 v37, v32;
	_ =	sdelay $0x1  }
0x9b: {  	[tilespmem:v38+s22+$0x0] =	vst.idx.msk $0xffff, v37  }
0x9c: {  	v37 =	vld [tilespmem:s10+$0x10];
	_ =	sdelay $0x1  }
0x9d: {  	v38 =	vadd.s32 v5, v36;
	_ =	sdelay $0x2  }
0x9e: {  	v37 =	vadd.f32 v37, v33;
	_ =	sdelay $0x1  }
0x9f: {  	[tilespmem:v38+s22+$0x0] =	vst.idx.msk $0xffff, v37  }
0xa0: {  	v37 =	vld [tilespmem:s10+$0x20];
	_ =	sdelay $0x1  }
0xa1: {  	v38 =	vadd.s32 v6, v36;
	_ =	sdelay $0x2  }
0xa2: {  	v37 =	vadd.f32 v37, v34;
	_ =	sdelay $0x1  }
0xa3: {  	[tilespmem:v38+s22+$0x0] =	vst.idx.msk $0xffff, v37  }
0xa4: {  	v37 =	vld [tilespmem:s10+$0x30];
	_ =	sdelay $0x1  }
0xa5: {  	v36 =	vadd.s32 v7, v36;
	_ =	sdelay $0x2  }
0xa6: {  	v37 =	vadd.f32 v37, v35;
	_ =	sdelay $0x1  }
0xa7: {  	s14 =	sadd.s32 $0x3, s14;
	[tilespmem:v36+s22+$0x0] =	vst.idx.msk $0xffff, v37  }
0xa8: {  	v36 =	vmov s14;
	v37 =	vld [tilespmem:s10+$0x40]  }
0xa9: {  	v36 =	vand.u32 $0x7F, v36  }
0xaa: {  	v38 =	vadd.s32 v1, v36;
	_ =	sdelay $0x2  }
0xab: {  	v37 =	vadd.f32 v37, v32;
	_ =	sdelay $0x1  }
0xac: {  	[tilespmem:v38+s22+$0x0] =	vst.idx.msk $0xffff, v37  }
0xad: {  	v37 =	vld [tilespmem:s10+$0x50];
	_ =	sdelay $0x1  }
0xae: {  	v38 =	vadd.s32 v5, v36;
	_ =	sdelay $0x2  }
0xaf: {  	v37 =	vadd.f32 v37, v33;
	_ =	sdelay $0x1  }
0xb0: {  	[tilespmem:v38+s22+$0x0] =	vst.idx.msk $0xffff, v37  }
0xb1: {  	v37 =	vld [tilespmem:s10+$0x60];
	_ =	sdelay $0x1  }
0xb2: {  	v38 =	vadd.s32 v6, v36;
	_ =	sdelay $0x2  }
0xb3: {  	v37 =	vadd.f32 v37, v34;
	_ =	sdelay $0x1  }
0xb4: {  	[tilespmem:v38+s22+$0x0] =	vst.idx.msk $0xffff, v37  }
0xb5: {  	v37 =	vld [tilespmem:s10+$0x70]  }
.Ltmp2:
0xb6: {  	(pc) =	sbr.rel @p1 .LBB2_3-.Ltmp2, $2  }
0xb7: {  	v36 =	vadd.s32 v7, v36;
	_ =	sdelay $0x2  }
0xb8: {  	v37 =	vadd.f32 v37, v35  }
0xb9: {  	_ = 	snop  }
0xba: {  	s10 =	sshll.u32 s31, $0x15  }
0xbb: {  	s10 =	sor.u32 s4, s10  }
0xbc: {  	s10 =	sshrl.u32 s10, $0x3  }
0xbd: {  	s15 =	simm.s32 $0x19600;
	[tilespmem:v36+s22+$0x0] =	vst.idx.msk $0xffff, v37;
	s14 =	sadd.s32 s1, s10  }
0xbe: {  	[hbm4b:s14+s3] =	stream.linear.scatter [tilespmem:s15], [sflag:$0x5], $0x80, $0x38;
	[tilespmem:$0x1DA00] =	vst v63  }
0xbf: {  	s16 =	simm.s32 $0x19688;
	s11 =	sadd.s32 $0x10, s14  }
0xc0: {  	[hbm4b:s11+s3] =	stream.linear.scatter [tilespmem:s16], [sflag:$0x5], $0x80, $0x38;
	[tilespmem:$0x1DA00] =	vst v63  }
0xc1: {  	s17 =	simm.s32 $0x19710;
	s10 =	simm.s32 $0x2200;
	s18 =	sadd.s32 $0x20, s14  }
0xc2: {  	[hbm4b:s18+s3] =	stream.linear.scatter [tilespmem:s17], [sflag:$0x5], $0x80, $0x38;
	[tilespmem:$0x1DA00] =	vst v63  }
0xc3: {  	s15 =	simm.s32 $0x19798;
	s16 =	sadd.s32 $0x30, s14;
	s11 =	simm.s32 $0x440  }
0xc4: {  	[hbm4b:s16+s3] =	stream.linear.scatter [tilespmem:s15], [sflag:$0x5], $0x80, $0x38;
	[tilespmem:$0x1DA00] =	vst v63  }
0xc5: {  	s17 =	simm.s32 $0x19820;
	s18 =	sadd.s32 $0x40, s14;
	s15 =	simm.s32 $0x198A8  }
0xc6: {  	[hbm4b:s18+s3] =	stream.linear.scatter [tilespmem:s17], [sflag:$0x5], $0x80, $0x38;
	[tilespmem:$0x1DA00] =	vst v63  }
0xc7: {  	s16 =	sadd.s32 $0x50, s14;
	s17 =	simm.s32 $0x19930;
	s18 =	sadd.s32 $0x60, s14  }
0xc8: {  	[hbm4b:s16+s3] =	stream.linear.scatter [tilespmem:s15], [sflag:$0x5], $0x80, $0x38;
	[tilespmem:$0x1DA00] =	vst v63  }
0xc9: {  	s15 =	simm.s32 $0x199B8;
	s16 =	sadd.s32 $0x70, s14;
	s14 =	sadd.s32 $0x1000, s14  }
0xca: {  	[hbm4b:s18+s3] =	stream.linear.scatter [tilespmem:s17], [sflag:$0x5], $0x80, $0x38;
	[tilespmem:$0x1DA00] =	vst v63  }
.LBB2_5:
0xcb: {  	[hbm4b:s16+s3] =	stream.linear.scatter [tilespmem:s15], [sflag:$0x5], $0x80, $0x38;
	[tilespmem:$0x1DA00] =	vst v63  }
0xcc: {  	s15 =	smov.u32 s11;
	s11 =	smov.u32 s10  }
0xcd: {  	s17 =	sadd.s32 $0x1100, s10;
	s11 =	sshra.s32 s11, $0x2;
	s16 =	sadd.s32 $0x19600, s15  }
0xce: {  	[hbm4b:s14+s3] =	stream.linear.scatter [tilespmem:s16], [sflag:$0x5], $0x80, $0x38;
	[tilespmem:$0x1DA00] =	vst v63  }
0xcf: {  	p1 =	sne.s32 s10, $0x7700;
	s10 =	sadd.s32 $0x19688, s15;
	s16 =	sadd.s32 $0x10, s14  }
0xd0: {  	[hbm4b:s16+s3] =	stream.linear.scatter [tilespmem:s10], [sflag:$0x5], $0x80, $0x38;
	[tilespmem:$0x1DA00] =	vst v63  }
0xd1: {  	s10 =	sadd.s32 $0x19710, s15;
	s16 =	sadd.s32 $0x20, s14  }
0xd2: {  	[hbm4b:s16+s3] =	stream.linear.scatter [tilespmem:s10], [sflag:$0x5], $0x80, $0x38;
	[tilespmem:$0x1DA00] =	vst v63  }
0xd3: {  	s10 =	sadd.s32 $0x19798, s15;
	s16 =	sadd.s32 $0x30, s14  }
0xd4: {  	[hbm4b:s16+s3] =	stream.linear.scatter [tilespmem:s10], [sflag:$0x5], $0x80, $0x38;
	[tilespmem:$0x1DA00] =	vst v63  }
0xd5: {  	s10 =	sadd.s32 $0x19820, s15;
	s16 =	sadd.s32 $0x40, s14  }
0xd6: {  	[hbm4b:s16+s3] =	stream.linear.scatter [tilespmem:s10], [sflag:$0x5], $0x80, $0x38;
	[tilespmem:$0x1DA00] =	vst v63  }
.Ltmp3:
0xd7: {  	s10 =	sadd.s32 $0x198A8, s15;
	s16 =	sadd.s32 $0x50, s14;
	(pc) =	sbr.rel @p1 .LBB2_5-.Ltmp3, $4  }
0xd8: {  	[hbm4b:s16+s3] =	stream.linear.scatter [tilespmem:s10], [sflag:$0x5], $0x80, $0x38;
	[tilespmem:$0x1DA00] =	vst v63  }
0xd9: {  	s10 =	sadd.s32 $0x19930, s15;
	s16 =	sadd.s32 $0x60, s14;
	s15 =	sadd.s32 $0x199B8, s15  }
0xda: {  	[hbm4b:s16+s3] =	stream.linear.scatter [tilespmem:s10], [sflag:$0x5], $0x80, $0x38;
	[tilespmem:$0x1DA00] =	vst v63  }
0xdb: {  	s16 =	sadd.s32 $0x70, s14;
	s14 =	sadd.s32 $0x1000, s14;
	s10 =	smov.u32 s17  }
0xdc: {  	[hbm4b:s16+s3] =	stream.linear.scatter [tilespmem:s15], [sflag:$0x5], $0x80, $0x38;
	[tilespmem:$0x1DA00] =	vst v63  }
0xdd: {  	s10 =	sadd.s32 $0x19600, s11  }
0xde: {  	[hbm4b:s14+s3] =	stream.linear.scatter [tilespmem:s10], [sflag:$0x5], $0x80, $0x38;
	[tilespmem:$0x1DA00] =	vst v63  }
0xdf: {  	s17 =	sadd.s32 $0x19688, s11;
	s18 =	sadd.s32 $0x10, s14  }
0xe0: {  	[hbm4b:s18+s3] =	stream.linear.scatter [tilespmem:s17], [sflag:$0x5], $0x80, $0x38;
	[tilespmem:$0x1DA00] =	vst v63  }
0xe1: {  	s15 =	sadd.s32 $0x19710, s11;
	s16 =	sadd.s32 $0x20, s14  }
0xe2: {  	[hbm4b:s16+s3] =	stream.linear.scatter [tilespmem:s15], [sflag:$0x5], $0x80, $0x38;
	[tilespmem:$0x1DA00] =	vst v63  }
0xe3: {  	s17 =	sadd.s32 $0x19798, s11;
	s18 =	sadd.s32 $0x30, s14  }
0xe4: {  	[hbm4b:s18+s3] =	stream.linear.scatter [tilespmem:s17], [sflag:$0x5], $0x80, $0x38;
	[tilespmem:$0x1DA00] =	vst v63  }
0xe5: {  	s10 =	sor.u32 $0x1, s2;
	s15 =	sadd.s32 $0x19820, s11;
	s16 =	sadd.s32 $0x40, s14  }
0xe6: {  	v32 =	vmov s10;
	[hbm4b:s16+s3] =	stream.linear.scatter [tilespmem:s15], [sflag:$0x5], $0x80, $0x38;
	[tilespmem:$0x1DA00] =	vst v63  }
0xe7: {  	v32 =	vshrl.u32 v32, $0x3;
	s17 =	sadd.s32 $0x198A8, s11;
	s18 =	sadd.s32 $0x50, s14  }
0xe8: {  	v32 =	vshll.u32 v32, $0x3;
	[hbm4b:s18+s3] =	stream.linear.scatter [tilespmem:s17], [sflag:$0x5], $0x80, $0x38;
	[tilespmem:$0x1DA00] =	vst v63  }
0xe9: {  	v33 =	vbroadcast v32, $0x0;
	s17 =	sadd.s32 $0x19930, s11;
	s18 =	sadd.s32 $0x60, s14  }
0xea: {  	[hbm4b:s18+s3] =	stream.linear.scatter [tilespmem:s17], [sflag:$0x5], $0x80, $0x38;
	[tilespmem:$0x1DA00] =	vst v63  }
0xeb: {  	v32 =	vadd.s32 v8, v33;
	s17 =	sadd.s32 $0x199B8, s11;
	s18 =	sadd.s32 $0x70, s14;
	s11 =	simm.s32 @!p0 $0x6  }
0xec: {  	[hbm4b:s18+s3] =	stream.linear.scatter [tilespmem:s17], [sflag:$0x5], $0x80, $0x38;
	[tilespmem:$0x1DA00] =	vst v63  }
0xed: {  	_ =	swait.ge @!p0 [sflag:s11], $0x2000  }
0xee: {  	[sflag:s11] =	ssyncset.done @!p0 $0x0  }
0xef: {  	s15 =	simm.s32 $0x0;
	[sflag:s11] =	ssyncadd.s32 @!p0 $0xFFFFE000  }
0xf0: {  	s11 =	simm.s32 $0xB6F0;
	v32 =	vld.idx.msk [tilespmem:v32+s15+$0x0], $0xffff  }
0xf1: {  	v34 =	vadd.s32 v9, v33;
	v36 =	vmov s15;
	v37 =	vld [tilespmem:s11+$0xFFFFFF10]  }
0xf2: {  	v35 =	vadd.s32 v10, v33;
	v36 =	vand.u32 $0x7C, v36  }
0xf3: {  	v38 =	vadd.s32 v11, v33;
	v39 =	vadd.s32 v1, v36;
	_ =	sdelay $0x2  }
0xf4: {  	v33 =	vld.idx.msk [tilespmem:v34+s15+$0x0], $0xffff;
	v37 =	vadd.f32 v37, v32  }
0xf5: {  	v34 =	vld.idx.msk [tilespmem:v35+s15+$0x0], $0xffff  }
0xf6: {  	v35 =	vld.idx.msk [tilespmem:v38+s15+$0x0], $0xffff;
	[tilespmem:v39+s23+$0x0] =	vst.idx.msk $0xffff, v37  }
0xf7: {  	v37 =	vld [tilespmem:s11+$0xFFFFFF20];
	_ =	sdelay $0x1  }
0xf8: {  	v50 =	vadd.s32 v5, v36;
	_ =	sdelay $0x2  }
0xf9: {  	v37 =	vadd.f32 v37, v33;
	_ =	sdelay $0x1  }
0xfa: {  	[tilespmem:v50+s23+$0x0] =	vst.idx.msk $0xffff, v37  }
0xfb: {  	v37 =	vld [tilespmem:s11+$0xFFFFFF30];
	_ =	sdelay $0x1  }
0xfc: {  	v51 =	vadd.s32 v6, v36;
	_ =	sdelay $0x2  }
0xfd: {  	v37 =	vadd.f32 v37, v34;
	_ =	sdelay $0x1  }
0xfe: {  	[tilespmem:v51+s23+$0x0] =	vst.idx.msk $0xffff, v37  }
0xff: {  	v37 =	vld [tilespmem:s11+$0xFFFFFF40];
	_ =	sdelay $0x1  }
0x100: {  	v36 =	vadd.s32 v7, v36;
	_ =	sdelay $0x2  }
0x101: {  	v37 =	vadd.f32 v37, v35;
	_ =	sdelay $0x1  }
0x102: {  	s16 =	simm.s32 $0x1;
	[tilespmem:v36+s23+$0x0] =	vst.idx.msk $0xffff, v37  }
0x103: {  	v52 =	vmov s16;
	v37 =	vld [tilespmem:s11+$0xFFFFFF50]  }
0x104: {  	v36 =	vand.u32 $0x7D, v52  }
0x105: {  	v53 =	vadd.s32 v1, v36;
	_ =	sdelay $0x2  }
0x106: {  	v37 =	vadd.f32 v37, v32;
	_ =	sdelay $0x1  }
0x107: {  	[tilespmem:v53+s23+$0x0] =	vst.idx.msk $0xffff, v37  }
0x108: {  	v37 =	vld [tilespmem:s11+$0xFFFFFF60];
	_ =	sdelay $0x1  }
0x109: {  	v54 =	vadd.s32 v5, v36;
	_ =	sdelay $0x2  }
0x10a: {  	v37 =	vadd.f32 v37, v33;
	_ =	sdelay $0x1  }
0x10b: {  	[tilespmem:v54+s23+$0x0] =	vst.idx.msk $0xffff, v37  }
0x10c: {  	v37 =	vld [tilespmem:s11+$0xFFFFFF70];
	_ =	sdelay $0x1  }
0x10d: {  	v55 =	vadd.s32 v6, v36;
	_ =	sdelay $0x2  }
0x10e: {  	v37 =	vadd.f32 v37, v34;
	_ =	sdelay $0x1  }
0x10f: {  	[tilespmem:v55+s23+$0x0] =	vst.idx.msk $0xffff, v37  }
0x110: {  	v37 =	vld [tilespmem:s11+$0xFFFFFF80];
	_ =	sdelay $0x1  }
0x111: {  	v36 =	vadd.s32 v7, v36;
	_ =	sdelay $0x2  }
0x112: {  	v37 =	vadd.f32 v37, v35;
	_ =	sdelay $0x1  }
0x113: {  	s17 =	simm.s32 $0x2;
	[tilespmem:v36+s23+$0x0] =	vst.idx.msk $0xffff, v37  }
0x114: {  	v56 =	vmov s17;
	v37 =	vld [tilespmem:s11+$0xFFFFFF90]  }
0x115: {  	v36 =	vand.u32 $0x7E, v56  }
0x116: {  	v57 =	vadd.s32 v1, v36;
	_ =	sdelay $0x2  }
0x117: {  	v37 =	vadd.f32 v37, v32;
	_ =	sdelay $0x1  }
0x118: {  	[tilespmem:v57+s23+$0x0] =	vst.idx.msk $0xffff, v37  }
0x119: {  	v37 =	vld [tilespmem:s11+$0xFFFFFFA0];
	_ =	sdelay $0x1  }
0x11a: {  	v58 =	vadd.s32 v5, v36;
	_ =	sdelay $0x2  }
0x11b: {  	v37 =	vadd.f32 v37, v33;
	_ =	sdelay $0x1  }
0x11c: {  	[tilespmem:v58+s23+$0x0] =	vst.idx.msk $0xffff, v37  }
0x11d: {  	v37 =	vld [tilespmem:s11+$0xFFFFFFB0];
	_ =	sdelay $0x1  }
0x11e: {  	v59 =	vadd.s32 v6, v36;
	_ =	sdelay $0x2  }
0x11f: {  	v37 =	vadd.f32 v37, v34;
	_ =	sdelay $0x1  }
0x120: {  	[tilespmem:v59+s23+$0x0] =	vst.idx.msk $0xffff, v37  }
0x121: {  	v37 =	vld [tilespmem:s11+$0xFFFFFFC0];
	_ =	sdelay $0x1  }
0x122: {  	v36 =	vadd.s32 v7, v36;
	_ =	sdelay $0x2  }
0x123: {  	v37 =	vadd.f32 v37, v35;
	_ =	sdelay $0x1  }
0x124: {  	s18 =	simm.s32 $0x3;
	[tilespmem:v36+s23+$0x0] =	vst.idx.msk $0xffff, v37  }
0x125: {  	v60 =	vmov s18;
	v37 =	vld [tilespmem:s11+$0xFFFFFFD0]  }
0x126: {  	v36 =	vand.u32 $0x7F, v60  }
0x127: {  	v61 =	vadd.s32 v1, v36;
	_ =	sdelay $0x2  }
0x128: {  	v37 =	vadd.f32 v37, v32;
	_ =	sdelay $0x1  }
0x129: {  	[tilespmem:v61+s23+$0x0] =	vst.idx.msk $0xffff, v37  }
0x12a: {  	v37 =	vld [tilespmem:s11+$0xFFFFFFE0];
	_ =	sdelay $0x1  }
0x12b: {  	v62 =	vadd.s32 v5, v36;
	_ =	sdelay $0x2  }
0x12c: {  	v37 =	vadd.f32 v37, v33;
	_ =	sdelay $0x1  }
0x12d: {  	[tilespmem:v62+s23+$0x0] =	vst.idx.msk $0xffff, v37  }
0x12e: {  	v37 =	vld [tilespmem:s11+$0xFFFFFFF0];
	_ =	sdelay $0x1  }
0x12f: {  	v63 =	vadd.s32 v6, v36;
	_ =	sdelay $0x2  }
0x130: {  	v37 =	vadd.f32 v37, v34;
	_ =	sdelay $0x1  }
0x131: {  	[tilespmem:v63+s23+$0x0] =	vst.idx.msk $0xffff, v37  }
0x132: {  	v37 =	vld [tilespmem:s11+$0x0];
	_ =	sdelay $0x1  }
0x133: {  	v36 =	vadd.s32 v7, v36;
	_ =	sdelay $0x2  }
0x134: {  	s14 =	simm.s32 $0x4;
	v37 =	vadd.f32 v37, v35  }
.LBB2_7:
0x135: {  	p0 =	slt.u32 s14, $0x7C  }
0x136: {  	s11 =	sadd.s32 $0x100, s11;
	s15 =	smov.u32 s14;
	s14 =	sadd.s32 $0x4, s14;
	[tilespmem:v36+s23+$0x0] =	vst.idx.msk $0xffff, v37  }
0x137: {  	v36 =	vmov s15;
	v37 =	vld [tilespmem:s11+$0xFFFFFF10]  }
0x138: {  	v36 =	vand.u32 $0x7C, v36  }
0x139: {  	v38 =	vadd.s32 v1, v36;
	_ =	sdelay $0x2  }
0x13a: {  	v37 =	vadd.f32 v37, v32;
	_ =	sdelay $0x1  }
0x13b: {  	[tilespmem:v38+s23+$0x0] =	vst.idx.msk $0xffff, v37  }
0x13c: {  	v37 =	vld [tilespmem:s11+$0xFFFFFF20];
	_ =	sdelay $0x1  }
0x13d: {  	v38 =	vadd.s32 v5, v36;
	_ =	sdelay $0x2  }
0x13e: {  	v37 =	vadd.f32 v37, v33;
	_ =	sdelay $0x1  }
0x13f: {  	[tilespmem:v38+s23+$0x0] =	vst.idx.msk $0xffff, v37  }
0x140: {  	v37 =	vld [tilespmem:s11+$0xFFFFFF30];
	_ =	sdelay $0x1  }
0x141: {  	v38 =	vadd.s32 v6, v36;
	_ =	sdelay $0x2  }
0x142: {  	v37 =	vadd.f32 v37, v34;
	_ =	sdelay $0x1  }
0x143: {  	[tilespmem:v38+s23+$0x0] =	vst.idx.msk $0xffff, v37  }
0x144: {  	v37 =	vld [tilespmem:s11+$0xFFFFFF40];
	_ =	sdelay $0x1  }
0x145: {  	v36 =	vadd.s32 v7, v36;
	_ =	sdelay $0x2  }
0x146: {  	v37 =	vadd.f32 v37, v35;
	_ =	sdelay $0x1  }
0x147: {  	s16 =	sadd.s32 $0x1, s15;
	[tilespmem:v36+s23+$0x0] =	vst.idx.msk $0xffff, v37  }
0x148: {  	v36 =	vmov s16;
	v37 =	vld [tilespmem:s11+$0xFFFFFF50]  }
0x149: {  	v36 =	vand.u32 $0x7D, v36  }
0x14a: {  	v38 =	vadd.s32 v1, v36;
	_ =	sdelay $0x2  }
0x14b: {  	v37 =	vadd.f32 v37, v32;
	_ =	sdelay $0x1  }
0x14c: {  	[tilespmem:v38+s23+$0x0] =	vst.idx.msk $0xffff, v37  }
0x14d: {  	v37 =	vld [tilespmem:s11+$0xFFFFFF60];
	_ =	sdelay $0x1  }
0x14e: {  	v38 =	vadd.s32 v5, v36;
	_ =	sdelay $0x2  }
0x14f: {  	v37 =	vadd.f32 v37, v33;
	_ =	sdelay $0x1  }
0x150: {  	[tilespmem:v38+s23+$0x0] =	vst.idx.msk $0xffff, v37  }
0x151: {  	v37 =	vld [tilespmem:s11+$0xFFFFFF70];
	_ =	sdelay $0x1  }
0x152: {  	v38 =	vadd.s32 v6, v36;
	_ =	sdelay $0x2  }
0x153: {  	v37 =	vadd.f32 v37, v34;
	_ =	sdelay $0x1  }
0x154: {  	[tilespmem:v38+s23+$0x0] =	vst.idx.msk $0xffff, v37  }
0x155: {  	v37 =	vld [tilespmem:s11+$0xFFFFFF80];
	_ =	sdelay $0x1  }
0x156: {  	v36 =	vadd.s32 v7, v36;
	_ =	sdelay $0x2  }
0x157: {  	v37 =	vadd.f32 v37, v35;
	_ =	sdelay $0x1  }
0x158: {  	s16 =	sadd.s32 $0x2, s15;
	[tilespmem:v36+s23+$0x0] =	vst.idx.msk $0xffff, v37  }
0x159: {  	v36 =	vmov s16;
	v37 =	vld [tilespmem:s11+$0xFFFFFF90]  }
0x15a: {  	v36 =	vand.u32 $0x7E, v36  }
0x15b: {  	v38 =	vadd.s32 v1, v36;
	_ =	sdelay $0x2  }
0x15c: {  	v37 =	vadd.f32 v37, v32;
	_ =	sdelay $0x1  }
0x15d: {  	[tilespmem:v38+s23+$0x0] =	vst.idx.msk $0xffff, v37  }
0x15e: {  	v37 =	vld [tilespmem:s11+$0xFFFFFFA0];
	_ =	sdelay $0x1  }
0x15f: {  	v38 =	vadd.s32 v5, v36;
	_ =	sdelay $0x2  }
0x160: {  	v37 =	vadd.f32 v37, v33;
	_ =	sdelay $0x1  }
0x161: {  	[tilespmem:v38+s23+$0x0] =	vst.idx.msk $0xffff, v37  }
0x162: {  	v37 =	vld [tilespmem:s11+$0xFFFFFFB0];
	_ =	sdelay $0x1  }
0x163: {  	v38 =	vadd.s32 v6, v36;
	_ =	sdelay $0x2  }
0x164: {  	v37 =	vadd.f32 v37, v34;
	_ =	sdelay $0x1  }
0x165: {  	[tilespmem:v38+s23+$0x0] =	vst.idx.msk $0xffff, v37  }
0x166: {  	v37 =	vld [tilespmem:s11+$0xFFFFFFC0];
	_ =	sdelay $0x1  }
0x167: {  	v36 =	vadd.s32 v7, v36;
	_ =	sdelay $0x2  }
0x168: {  	v37 =	vadd.f32 v37, v35;
	_ =	sdelay $0x1  }
0x169: {  	s15 =	sadd.s32 $0x3, s15;
	[tilespmem:v36+s23+$0x0] =	vst.idx.msk $0xffff, v37  }
0x16a: {  	v36 =	vmov s15;
	v37 =	vld [tilespmem:s11+$0xFFFFFFD0]  }
0x16b: {  	v36 =	vand.u32 $0x7F, v36  }
0x16c: {  	v38 =	vadd.s32 v1, v36;
	_ =	sdelay $0x2  }
0x16d: {  	v37 =	vadd.f32 v37, v32;
	_ =	sdelay $0x1  }
0x16e: {  	[tilespmem:v38+s23+$0x0] =	vst.idx.msk $0xffff, v37  }
0x16f: {  	v37 =	vld [tilespmem:s11+$0xFFFFFFE0];
	_ =	sdelay $0x1  }
0x170: {  	v38 =	vadd.s32 v5, v36;
	_ =	sdelay $0x2  }
0x171: {  	v37 =	vadd.f32 v37, v33;
	_ =	sdelay $0x1  }
0x172: {  	[tilespmem:v38+s23+$0x0] =	vst.idx.msk $0xffff, v37  }
0x173: {  	v37 =	vld [tilespmem:s11+$0xFFFFFFF0];
	_ =	sdelay $0x1  }
0x174: {  	v38 =	vadd.s32 v6, v36;
	_ =	sdelay $0x2  }
0x175: {  	v37 =	vadd.f32 v37, v34;
	_ =	sdelay $0x1  }
0x176: {  	[tilespmem:v38+s23+$0x0] =	vst.idx.msk $0xffff, v37  }
0x177: {  	v37 =	vld [tilespmem:s11+$0x0]  }
.Ltmp4:
0x178: {  	(pc) =	sbr.rel @p0 .LBB2_7-.Ltmp4, $2  }
0x179: {  	v36 =	vadd.s32 v7, v36;
	_ =	sdelay $0x2  }
0x17a: {  	v37 =	vadd.f32 v37, v35  }
0x17b: {  	_ = 	snop  }
0x17c: {  	s10 =	sshll.u32 s10, $0x12  }
0x17d: {  	s10 =	sor.u32 s4, s10  }
0x17e: {  	s10 =	sshrl.u32 s10, $0x3  }
0x17f: {  	s15 =	simm.s32 $0x1B800;
	[tilespmem:v36+s23+$0x0] =	vst.idx.msk $0xffff, v37;
	s11 =	sadd.s32 s1, s10  }
0x180: {  	[hbm4b:s11+s3] =	stream.linear.scatter [tilespmem:s15], [sflag:$0x6], $0x80, $0x38;
	[tilespmem:$0x1DA00] =	vst v63  }
0x181: {  	s16 =	simm.s32 $0x1B888;
	s14 =	sadd.s32 $0x10, s11  }
0x182: {  	[hbm4b:s14+s3] =	stream.linear.scatter [tilespmem:s16], [sflag:$0x6], $0x80, $0x38;
	[tilespmem:$0x1DA00] =	vst v63  }
0x183: {  	s17 =	simm.s32 $0x1B910;
	s10 =	simm.s32 $0x440;
	s18 =	sadd.s32 $0x20, s11  }
0x184: {  	[hbm4b:s18+s3] =	stream.linear.scatter [tilespmem:s17], [sflag:$0x6], $0x80, $0x38;
	[tilespmem:$0x1DA00] =	vst v63  }
0x185: {  	s15 =	simm.s32 $0x1B998;
	s16 =	sadd.s32 $0x30, s11;
	s14 =	simm.s32 $0x2200  }
0x186: {  	[hbm4b:s16+s3] =	stream.linear.scatter [tilespmem:s15], [sflag:$0x6], $0x80, $0x38;
	[tilespmem:$0x1DA00] =	vst v63  }
0x187: {  	s17 =	simm.s32 $0x1BA20;
	s18 =	sadd.s32 $0x40, s11;
	s15 =	simm.s32 $0x1BAA8  }
0x188: {  	[hbm4b:s18+s3] =	stream.linear.scatter [tilespmem:s17], [sflag:$0x6], $0x80, $0x38;
	[tilespmem:$0x1DA00] =	vst v63  }
0x189: {  	s16 =	sadd.s32 $0x50, s11;
	s17 =	simm.s32 $0x1BB30;
	s18 =	sadd.s32 $0x60, s11  }
0x18a: {  	[hbm4b:s16+s3] =	stream.linear.scatter [tilespmem:s15], [sflag:$0x6], $0x80, $0x38;
	[tilespmem:$0x1DA00] =	vst v63  }
0x18b: {  	s15 =	simm.s32 $0x1BBB8;
	s16 =	sadd.s32 $0x70, s11;
	s11 =	sadd.s32 $0x1000, s11  }
0x18c: {  	[hbm4b:s18+s3] =	stream.linear.scatter [tilespmem:s17], [sflag:$0x6], $0x80, $0x38;
	[tilespmem:$0x1DA00] =	vst v63  }
.LBB2_9:
0x18d: {  	[hbm4b:s16+s3] =	stream.linear.scatter [tilespmem:s15], [sflag:$0x6], $0x80, $0x38;
	[tilespmem:$0x1DA00] =	vst v63  }
0x18e: {  	s15 =	smov.u32 s10;
	s10 =	smov.u32 s14  }
0x18f: {  	s17 =	sadd.s32 $0x1100, s14;
	s10 =	sshra.s32 s10, $0x2;
	s16 =	sadd.s32 $0x1B800, s15  }
0x190: {  	[hbm4b:s11+s3] =	stream.linear.scatter [tilespmem:s16], [sflag:$0x6], $0x80, $0x38;
	[tilespmem:$0x1DA00] =	vst v63  }
0x191: {  	p0 =	sne.s32 s14, $0x7700;
	s14 =	sadd.s32 $0x1B888, s15;
	s16 =	sadd.s32 $0x10, s11  }
0x192: {  	[hbm4b:s16+s3] =	stream.linear.scatter [tilespmem:s14], [sflag:$0x6], $0x80, $0x38;
	[tilespmem:$0x1DA00] =	vst v63  }
0x193: {  	s14 =	sadd.s32 $0x1B910, s15;
	s16 =	sadd.s32 $0x20, s11  }
0x194: {  	[hbm4b:s16+s3] =	stream.linear.scatter [tilespmem:s14], [sflag:$0x6], $0x80, $0x38;
	[tilespmem:$0x1DA00] =	vst v63  }
0x195: {  	s14 =	sadd.s32 $0x1B998, s15;
	s16 =	sadd.s32 $0x30, s11  }
0x196: {  	[hbm4b:s16+s3] =	stream.linear.scatter [tilespmem:s14], [sflag:$0x6], $0x80, $0x38;
	[tilespmem:$0x1DA00] =	vst v63  }
0x197: {  	s14 =	sadd.s32 $0x1BA20, s15;
	s16 =	sadd.s32 $0x40, s11  }
0x198: {  	[hbm4b:s16+s3] =	stream.linear.scatter [tilespmem:s14], [sflag:$0x6], $0x80, $0x38;
	[tilespmem:$0x1DA00] =	vst v63  }
.Ltmp5:
0x199: {  	s14 =	sadd.s32 $0x1BAA8, s15;
	s16 =	sadd.s32 $0x50, s11;
	(pc) =	sbr.rel @p0 .LBB2_9-.Ltmp5, $4  }
0x19a: {  	[hbm4b:s16+s3] =	stream.linear.scatter [tilespmem:s14], [sflag:$0x6], $0x80, $0x38;
	[tilespmem:$0x1DA00] =	vst v63  }
0x19b: {  	s14 =	sadd.s32 $0x1BB30, s15;
	s16 =	sadd.s32 $0x60, s11;
	s15 =	sadd.s32 $0x1BBB8, s15  }
0x19c: {  	[hbm4b:s16+s3] =	stream.linear.scatter [tilespmem:s14], [sflag:$0x6], $0x80, $0x38;
	[tilespmem:$0x1DA00] =	vst v63  }
0x19d: {  	s16 =	sadd.s32 $0x70, s11;
	s11 =	sadd.s32 $0x1000, s11;
	s14 =	smov.u32 s17  }
0x19e: {  	[hbm4b:s16+s3] =	stream.linear.scatter [tilespmem:s15], [sflag:$0x6], $0x80, $0x38;
	[tilespmem:$0x1DA00] =	vst v63  }
0x19f: {  	s14 =	sadd.s32 $0x1B800, s10  }
0x1a0: {  	[hbm4b:s11+s3] =	stream.linear.scatter [tilespmem:s14], [sflag:$0x6], $0x80, $0x38;
	[tilespmem:$0x1DA00] =	vst v63  }
0x1a1: {  	s15 =	sadd.s32 $0x1B888, s10;
	s16 =	sadd.s32 $0x10, s11  }
0x1a2: {  	[hbm4b:s16+s3] =	stream.linear.scatter [tilespmem:s15], [sflag:$0x6], $0x80, $0x38;
	[tilespmem:$0x1DA00] =	vst v63  }
0x1a3: {  	s17 =	sadd.s32 $0x1B910, s10;
	s18 =	sadd.s32 $0x20, s11  }
0x1a4: {  	[hbm4b:s18+s3] =	stream.linear.scatter [tilespmem:s17], [sflag:$0x6], $0x80, $0x38;
	[tilespmem:$0x1DA00] =	vst v63  }
0x1a5: {  	s15 =	sadd.s32 $0x1B998, s10;
	s16 =	sadd.s32 $0x30, s11  }
0x1a6: {  	[hbm4b:s16+s3] =	stream.linear.scatter [tilespmem:s15], [sflag:$0x6], $0x80, $0x38;
	[tilespmem:$0x1DA00] =	vst v63  }
0x1a7: {  	s17 =	sadd.s32 $0x1BA20, s10;
	s18 =	sadd.s32 $0x40, s11  }
0x1a8: {  	[hbm4b:s18+s3] =	stream.linear.scatter [tilespmem:s17], [sflag:$0x6], $0x80, $0x38;
	[tilespmem:$0x1DA00] =	vst v63  }
0x1a9: {  	s15 =	sadd.s32 $0x1BAA8, s10;
	s16 =	sadd.s32 $0x50, s11  }
0x1aa: {  	[hbm4b:s16+s3] =	stream.linear.scatter [tilespmem:s15], [sflag:$0x6], $0x80, $0x38;
	[tilespmem:$0x1DA00] =	vst v63  }
0x1ab: {  	s17 =	sadd.s32 $0x1BB30, s10;
	s18 =	sadd.s32 $0x60, s11  }
0x1ac: {  	[hbm4b:s18+s3] =	stream.linear.scatter [tilespmem:s17], [sflag:$0x6], $0x80, $0x38;
	[tilespmem:$0x1DA00] =	vst v63  }
0x1ad: {  	p0 =	seq.s32 s31, $0x18;
	s17 =	sadd.s32 $0x70, s11;
	s11 =	sor.u32 $0x2, s2  }
0x1ae: {  	s16 =	sadd.s32 $0x1BBB8, s10;
	s10 =	sshrl.u32 @!p0 s0, $0x2;
	v32 =	vmov s11  }
0x1af: {  	[hbm4b:s17+s3] =	stream.linear.scatter [tilespmem:s16], [sflag:$0x6], $0x80, $0x38;
	v32 =	vshrl.u32 v32, $0x3;
	[tilespmem:$0x1DA00] =	vst v63  }
0x1b0: {  	s15 =	simm.s32 @!p0 $0x100;
	s14 =	sadd.s32 @!p0 $0x3600, s10;
	s16 =	simm.s32 @!p0 $0x9600;
	v32 =	vshll.u32 v32, $0x3  }
0x1b1: {  	[tilespmem:s16], [sflag:$0x1] =	stream.indirect.gather @!p0 [hbm4b:s5+s15], $0x40, s14, s15, $0xb8;
	v33 =	vbroadcast v32, $0x0;
	[tilespmem:$0x1DA00] =	vst v63  }
0x1b2: {  	_ =	swait.ge [sflag:s24], $0x4000  }
0x1b3: {  	[sflag:s24] =	ssyncset.done $0x0;
	v32 =	vadd.s32 v12, v33  }
0x1b4: {  	[sflag:s24] =	ssyncadd.s32 $0xFFFFC000  }
0x1b5: {  	_ =	swait.ge [sflag:s25], $0x2000  }
0x1b6: {  	[sflag:s25] =	ssyncset.done $0x0  }
0x1b7: {  	s18 =	simm.s32 $0x0;
	[sflag:s25] =	ssyncadd.s32 $0xFFFFE000  }
0x1b8: {  	s14 =	simm.s32 $0xD6F0;
	v32 =	vld.idx.msk [tilespmem:v32+s18+$0x0], $0xffff  }
0x1b9: {  	v36 =	vmov s18;
	v34 =	vadd.s32 v13, v33;
	v37 =	vld [tilespmem:s14+$0xFFFFFF10]  }
0x1ba: {  	v36 =	vand.u32 $0x7C, v36;
	v35 =	vadd.s32 v14, v33  }
0x1bb: {  	v39 =	vadd.s32 v1, v36;
	v38 =	vadd.s32 v15, v33;
	_ =	sdelay $0x2  }
0x1bc: {  	v33 =	vld.idx.msk [tilespmem:v34+s18+$0x0], $0xffff;
	v37 =	vadd.f32 v37, v32  }
0x1bd: {  	v34 =	vld.idx.msk [tilespmem:v35+s18+$0x0], $0xffff  }
0x1be: {  	v35 =	vld.idx.msk [tilespmem:v38+s18+$0x0], $0xffff;
	[tilespmem:v39+s22+$0x0] =	vst.idx.msk $0xffff, v37  }
0x1bf: {  	v37 =	vld [tilespmem:s14+$0xFFFFFF20];
	_ =	sdelay $0x1  }
0x1c0: {  	v50 =	vadd.s32 v5, v36;
	_ =	sdelay $0x2  }
0x1c1: {  	v37 =	vadd.f32 v37, v33;
	_ =	sdelay $0x1  }
0x1c2: {  	[tilespmem:v50+s22+$0x0] =	vst.idx.msk $0xffff, v37  }
0x1c3: {  	v37 =	vld [tilespmem:s14+$0xFFFFFF30];
	_ =	sdelay $0x1  }
0x1c4: {  	v51 =	vadd.s32 v6, v36;
	_ =	sdelay $0x2  }
0x1c5: {  	v37 =	vadd.f32 v37, v34;
	_ =	sdelay $0x1  }
0x1c6: {  	[tilespmem:v51+s22+$0x0] =	vst.idx.msk $0xffff, v37  }
0x1c7: {  	v37 =	vld [tilespmem:s14+$0xFFFFFF40];
	_ =	sdelay $0x1  }
0x1c8: {  	v36 =	vadd.s32 v7, v36;
	_ =	sdelay $0x2  }
0x1c9: {  	v37 =	vadd.f32 v37, v35;
	_ =	sdelay $0x1  }
0x1ca: {  	s16 =	simm.s32 $0x1;
	[tilespmem:v36+s22+$0x0] =	vst.idx.msk $0xffff, v37  }
0x1cb: {  	v52 =	vmov s16;
	v37 =	vld [tilespmem:s14+$0xFFFFFF50]  }
0x1cc: {  	v36 =	vand.u32 $0x7D, v52  }
0x1cd: {  	v53 =	vadd.s32 v1, v36;
	_ =	sdelay $0x2  }
0x1ce: {  	v37 =	vadd.f32 v37, v32;
	_ =	sdelay $0x1  }
0x1cf: {  	[tilespmem:v53+s22+$0x0] =	vst.idx.msk $0xffff, v37  }
0x1d0: {  	v37 =	vld [tilespmem:s14+$0xFFFFFF60];
	_ =	sdelay $0x1  }
0x1d1: {  	v54 =	vadd.s32 v5, v36;
	_ =	sdelay $0x2  }
0x1d2: {  	v37 =	vadd.f32 v37, v33;
	_ =	sdelay $0x1  }
0x1d3: {  	[tilespmem:v54+s22+$0x0] =	vst.idx.msk $0xffff, v37  }
0x1d4: {  	v37 =	vld [tilespmem:s14+$0xFFFFFF70];
	_ =	sdelay $0x1  }
0x1d5: {  	v55 =	vadd.s32 v6, v36;
	_ =	sdelay $0x2  }
0x1d6: {  	v37 =	vadd.f32 v37, v34;
	_ =	sdelay $0x1  }
0x1d7: {  	[tilespmem:v55+s22+$0x0] =	vst.idx.msk $0xffff, v37  }
0x1d8: {  	v37 =	vld [tilespmem:s14+$0xFFFFFF80];
	_ =	sdelay $0x1  }
0x1d9: {  	v36 =	vadd.s32 v7, v36;
	_ =	sdelay $0x2  }
0x1da: {  	v37 =	vadd.f32 v37, v35;
	_ =	sdelay $0x1  }
0x1db: {  	s17 =	simm.s32 $0x2;
	[tilespmem:v36+s22+$0x0] =	vst.idx.msk $0xffff, v37  }
0x1dc: {  	v56 =	vmov s17;
	v37 =	vld [tilespmem:s14+$0xFFFFFF90]  }
0x1dd: {  	v36 =	vand.u32 $0x7E, v56  }
0x1de: {  	v57 =	vadd.s32 v1, v36;
	_ =	sdelay $0x2  }
0x1df: {  	v37 =	vadd.f32 v37, v32;
	_ =	sdelay $0x1  }
0x1e0: {  	[tilespmem:v57+s22+$0x0] =	vst.idx.msk $0xffff, v37  }
0x1e1: {  	v37 =	vld [tilespmem:s14+$0xFFFFFFA0];
	_ =	sdelay $0x1  }
0x1e2: {  	v58 =	vadd.s32 v5, v36;
	_ =	sdelay $0x2  }
0x1e3: {  	v37 =	vadd.f32 v37, v33;
	_ =	sdelay $0x1  }
0x1e4: {  	[tilespmem:v58+s22+$0x0] =	vst.idx.msk $0xffff, v37  }
0x1e5: {  	v37 =	vld [tilespmem:s14+$0xFFFFFFB0];
	_ =	sdelay $0x1  }
0x1e6: {  	v59 =	vadd.s32 v6, v36;
	_ =	sdelay $0x2  }
0x1e7: {  	v37 =	vadd.f32 v37, v34;
	_ =	sdelay $0x1  }
0x1e8: {  	[tilespmem:v59+s22+$0x0] =	vst.idx.msk $0xffff, v37  }
0x1e9: {  	v37 =	vld [tilespmem:s14+$0xFFFFFFC0];
	_ =	sdelay $0x1  }
0x1ea: {  	v36 =	vadd.s32 v7, v36;
	_ =	sdelay $0x2  }
0x1eb: {  	v37 =	vadd.f32 v37, v35;
	_ =	sdelay $0x1  }
0x1ec: {  	s18 =	simm.s32 $0x3;
	[tilespmem:v36+s22+$0x0] =	vst.idx.msk $0xffff, v37  }
0x1ed: {  	v60 =	vmov s18;
	v37 =	vld [tilespmem:s14+$0xFFFFFFD0]  }
0x1ee: {  	v36 =	vand.u32 $0x7F, v60  }
0x1ef: {  	v61 =	vadd.s32 v1, v36;
	_ =	sdelay $0x2  }
0x1f0: {  	v37 =	vadd.f32 v37, v32;
	_ =	sdelay $0x1  }
0x1f1: {  	[tilespmem:v61+s22+$0x0] =	vst.idx.msk $0xffff, v37  }
0x1f2: {  	v37 =	vld [tilespmem:s14+$0xFFFFFFE0];
	_ =	sdelay $0x1  }
0x1f3: {  	v62 =	vadd.s32 v5, v36;
	_ =	sdelay $0x2  }
0x1f4: {  	v37 =	vadd.f32 v37, v33;
	_ =	sdelay $0x1  }
0x1f5: {  	[tilespmem:v62+s22+$0x0] =	vst.idx.msk $0xffff, v37  }
0x1f6: {  	v37 =	vld [tilespmem:s14+$0xFFFFFFF0];
	_ =	sdelay $0x1  }
0x1f7: {  	v63 =	vadd.s32 v6, v36;
	_ =	sdelay $0x2  }
0x1f8: {  	v37 =	vadd.f32 v37, v34;
	_ =	sdelay $0x1  }
0x1f9: {  	[tilespmem:v63+s22+$0x0] =	vst.idx.msk $0xffff, v37  }
0x1fa: {  	v37 =	vld [tilespmem:s14+$0x0];
	_ =	sdelay $0x1  }
0x1fb: {  	v36 =	vadd.s32 v7, v36;
	_ =	sdelay $0x2  }
0x1fc: {  	s15 =	simm.s32 $0x4;
	v37 =	vadd.f32 v37, v35  }
.LBB2_11:
0x1fd: {  	p1 =	slt.u32 s15, $0x7C  }
0x1fe: {  	s14 =	sadd.s32 $0x100, s14;
	s16 =	smov.u32 s15;
	s15 =	sadd.s32 $0x4, s15;
	[tilespmem:v36+s22+$0x0] =	vst.idx.msk $0xffff, v37  }
0x1ff: {  	v36 =	vmov s16;
	v37 =	vld [tilespmem:s14+$0xFFFFFF10]  }
0x200: {  	v36 =	vand.u32 $0x7C, v36  }
0x201: {  	v38 =	vadd.s32 v1, v36;
	_ =	sdelay $0x2  }
0x202: {  	v37 =	vadd.f32 v37, v32;
	_ =	sdelay $0x1  }
0x203: {  	[tilespmem:v38+s22+$0x0] =	vst.idx.msk $0xffff, v37  }
0x204: {  	v37 =	vld [tilespmem:s14+$0xFFFFFF20];
	_ =	sdelay $0x1  }
0x205: {  	v38 =	vadd.s32 v5, v36;
	_ =	sdelay $0x2  }
0x206: {  	v37 =	vadd.f32 v37, v33;
	_ =	sdelay $0x1  }
0x207: {  	[tilespmem:v38+s22+$0x0] =	vst.idx.msk $0xffff, v37  }
0x208: {  	v37 =	vld [tilespmem:s14+$0xFFFFFF30];
	_ =	sdelay $0x1  }
0x209: {  	v38 =	vadd.s32 v6, v36;
	_ =	sdelay $0x2  }
0x20a: {  	v37 =	vadd.f32 v37, v34;
	_ =	sdelay $0x1  }
0x20b: {  	[tilespmem:v38+s22+$0x0] =	vst.idx.msk $0xffff, v37  }
0x20c: {  	v37 =	vld [tilespmem:s14+$0xFFFFFF40];
	_ =	sdelay $0x1  }
0x20d: {  	v36 =	vadd.s32 v7, v36;
	_ =	sdelay $0x2  }
0x20e: {  	v37 =	vadd.f32 v37, v35;
	_ =	sdelay $0x1  }
0x20f: {  	s17 =	sadd.s32 $0x1, s16;
	[tilespmem:v36+s22+$0x0] =	vst.idx.msk $0xffff, v37  }
0x210: {  	v36 =	vmov s17;
	v37 =	vld [tilespmem:s14+$0xFFFFFF50]  }
0x211: {  	v36 =	vand.u32 $0x7D, v36  }
0x212: {  	v38 =	vadd.s32 v1, v36;
	_ =	sdelay $0x2  }
0x213: {  	v37 =	vadd.f32 v37, v32;
	_ =	sdelay $0x1  }
0x214: {  	[tilespmem:v38+s22+$0x0] =	vst.idx.msk $0xffff, v37  }
0x215: {  	v37 =	vld [tilespmem:s14+$0xFFFFFF60];
	_ =	sdelay $0x1  }
0x216: {  	v38 =	vadd.s32 v5, v36;
	_ =	sdelay $0x2  }
0x217: {  	v37 =	vadd.f32 v37, v33;
	_ =	sdelay $0x1  }
0x218: {  	[tilespmem:v38+s22+$0x0] =	vst.idx.msk $0xffff, v37  }
0x219: {  	v37 =	vld [tilespmem:s14+$0xFFFFFF70];
	_ =	sdelay $0x1  }
0x21a: {  	v38 =	vadd.s32 v6, v36;
	_ =	sdelay $0x2  }
0x21b: {  	v37 =	vadd.f32 v37, v34;
	_ =	sdelay $0x1  }
0x21c: {  	[tilespmem:v38+s22+$0x0] =	vst.idx.msk $0xffff, v37  }
0x21d: {  	v37 =	vld [tilespmem:s14+$0xFFFFFF80];
	_ =	sdelay $0x1  }
0x21e: {  	v36 =	vadd.s32 v7, v36;
	_ =	sdelay $0x2  }
0x21f: {  	v37 =	vadd.f32 v37, v35;
	_ =	sdelay $0x1  }
0x220: {  	s17 =	sadd.s32 $0x2, s16;
	[tilespmem:v36+s22+$0x0] =	vst.idx.msk $0xffff, v37  }
0x221: {  	v36 =	vmov s17;
	v37 =	vld [tilespmem:s14+$0xFFFFFF90]  }
0x222: {  	v36 =	vand.u32 $0x7E, v36  }
0x223: {  	v38 =	vadd.s32 v1, v36;
	_ =	sdelay $0x2  }
0x224: {  	v37 =	vadd.f32 v37, v32;
	_ =	sdelay $0x1  }
0x225: {  	[tilespmem:v38+s22+$0x0] =	vst.idx.msk $0xffff, v37  }
0x226: {  	v37 =	vld [tilespmem:s14+$0xFFFFFFA0];
	_ =	sdelay $0x1  }
0x227: {  	v38 =	vadd.s32 v5, v36;
	_ =	sdelay $0x2  }
0x228: {  	v37 =	vadd.f32 v37, v33;
	_ =	sdelay $0x1  }
0x229: {  	[tilespmem:v38+s22+$0x0] =	vst.idx.msk $0xffff, v37  }
0x22a: {  	v37 =	vld [tilespmem:s14+$0xFFFFFFB0];
	_ =	sdelay $0x1  }
0x22b: {  	v38 =	vadd.s32 v6, v36;
	_ =	sdelay $0x2  }
0x22c: {  	v37 =	vadd.f32 v37, v34;
	_ =	sdelay $0x1  }
0x22d: {  	[tilespmem:v38+s22+$0x0] =	vst.idx.msk $0xffff, v37  }
0x22e: {  	v37 =	vld [tilespmem:s14+$0xFFFFFFC0];
	_ =	sdelay $0x1  }
0x22f: {  	v36 =	vadd.s32 v7, v36;
	_ =	sdelay $0x2  }
0x230: {  	v37 =	vadd.f32 v37, v35;
	_ =	sdelay $0x1  }
0x231: {  	s16 =	sadd.s32 $0x3, s16;
	[tilespmem:v36+s22+$0x0] =	vst.idx.msk $0xffff, v37  }
0x232: {  	v36 =	vmov s16;
	v37 =	vld [tilespmem:s14+$0xFFFFFFD0]  }
0x233: {  	v36 =	vand.u32 $0x7F, v36  }
0x234: {  	v38 =	vadd.s32 v1, v36;
	_ =	sdelay $0x2  }
0x235: {  	v37 =	vadd.f32 v37, v32;
	_ =	sdelay $0x1  }
0x236: {  	[tilespmem:v38+s22+$0x0] =	vst.idx.msk $0xffff, v37  }
0x237: {  	v37 =	vld [tilespmem:s14+$0xFFFFFFE0];
	_ =	sdelay $0x1  }
0x238: {  	v38 =	vadd.s32 v5, v36;
	_ =	sdelay $0x2  }
0x239: {  	v37 =	vadd.f32 v37, v33;
	_ =	sdelay $0x1  }
0x23a: {  	[tilespmem:v38+s22+$0x0] =	vst.idx.msk $0xffff, v37  }
0x23b: {  	v37 =	vld [tilespmem:s14+$0xFFFFFFF0];
	_ =	sdelay $0x1  }
0x23c: {  	v38 =	vadd.s32 v6, v36;
	_ =	sdelay $0x2  }
0x23d: {  	v37 =	vadd.f32 v37, v34;
	_ =	sdelay $0x1  }
0x23e: {  	[tilespmem:v38+s22+$0x0] =	vst.idx.msk $0xffff, v37  }
0x23f: {  	v37 =	vld [tilespmem:s14+$0x0]  }
.Ltmp6:
0x240: {  	(pc) =	sbr.rel @p1 .LBB2_11-.Ltmp6, $2  }
0x241: {  	v36 =	vadd.s32 v7, v36;
	_ =	sdelay $0x2  }
0x242: {  	v37 =	vadd.f32 v37, v35  }
0x243: {  	_ = 	snop  }
0x244: {  	s11 =	sshll.u32 s11, $0x12  }
0x245: {  	s11 =	sor.u32 s4, s11  }
0x246: {  	s11 =	sshrl.u32 s11, $0x3  }
0x247: {  	s14 =	simm.s32 $0x19600;
	[tilespmem:v36+s22+$0x0] =	vst.idx.msk $0xffff, v37;
	s15 =	sadd.s32 s1, s11  }
0x248: {  	[hbm4b:s15+s3] =	stream.linear.scatter [tilespmem:s14], [sflag:$0x5], $0x80, $0x38;
	[tilespmem:$0x1DA00] =	vst v63  }
0x249: {  	s16 =	simm.s32 $0x19688;
	s14 =	sadd.s32 $0x10, s15  }
0x24a: {  	[hbm4b:s14+s3] =	stream.linear.scatter [tilespmem:s16], [sflag:$0x5], $0x80, $0x38;
	[tilespmem:$0x1DA00] =	vst v63  }
0x24b: {  	s17 =	simm.s32 $0x19710;
	s18 =	sadd.s32 $0x20, s15  }
0x24c: {  	[hbm4b:s18+s3] =	stream.linear.scatter [tilespmem:s17], [sflag:$0x5], $0x80, $0x38;
	[tilespmem:$0x1DA00] =	vst v63  }
0x24d: {  	s14 =	simm.s32 $0x19798;
	s16 =	sadd.s32 $0x30, s15  }
0x24e: {  	[hbm4b:s16+s3] =	stream.linear.scatter [tilespmem:s14], [sflag:$0x5], $0x80, $0x38;
	[tilespmem:$0x1DA00] =	vst v63  }
0x24f: {  	s17 =	simm.s32 $0x19820;
	s18 =	sadd.s32 $0x40, s15  }
0x250: {  	[hbm4b:s18+s3] =	stream.linear.scatter [tilespmem:s17], [sflag:$0x5], $0x80, $0x38;
	[tilespmem:$0x1DA00] =	vst v63  }
0x251: {  	s11 =	simm.s32 $0x2200;
	s14 =	simm.s32 $0x198A8;
	s16 =	sadd.s32 $0x50, s15  }
0x252: {  	[hbm4b:s16+s3] =	stream.linear.scatter [tilespmem:s14], [sflag:$0x5], $0x80, $0x38;
	[tilespmem:$0x1DA00] =	vst v63  }
0x253: {  	s17 =	simm.s32 $0x19930;
	s18 =	sadd.s32 $0x60, s15;
	s14 =	simm.s32 $0x440  }
0x254: {  	[hbm4b:s18+s3] =	stream.linear.scatter [tilespmem:s17], [sflag:$0x5], $0x80, $0x38;
	[tilespmem:$0x1DA00] =	vst v63  }
0x255: {  	s16 =	simm.s32 $0x199B8;
	s17 =	sadd.s32 $0x70, s15;
	s15 =	sadd.s32 $0x1000, s15  }
.LBB2_13:
0x256: {  	[hbm4b:s17+s3] =	stream.linear.scatter [tilespmem:s16], [sflag:$0x5], $0x80, $0x38;
	[tilespmem:$0x1DA00] =	vst v63  }
0x257: {  	s16 =	smov.u32 s14;
	s14 =	smov.u32 s11  }
0x258: {  	s18 =	sadd.s32 $0x1100, s11;
	s14 =	sshra.s32 s14, $0x2;
	s17 =	sadd.s32 $0x19600, s16  }
0x259: {  	[hbm4b:s15+s3] =	stream.linear.scatter [tilespmem:s17], [sflag:$0x5], $0x80, $0x38;
	[tilespmem:$0x1DA00] =	vst v63  }
0x25a: {  	p1 =	sne.s32 s11, $0x7700;
	s11 =	sadd.s32 $0x19688, s16;
	s17 =	sadd.s32 $0x10, s15  }
0x25b: {  	[hbm4b:s17+s3] =	stream.linear.scatter [tilespmem:s11], [sflag:$0x5], $0x80, $0x38;
	[tilespmem:$0x1DA00] =	vst v63  }
0x25c: {  	s11 =	sadd.s32 $0x19710, s16;
	s17 =	sadd.s32 $0x20, s15  }
0x25d: {  	[hbm4b:s17+s3] =	stream.linear.scatter [tilespmem:s11], [sflag:$0x5], $0x80, $0x38;
	[tilespmem:$0x1DA00] =	vst v63  }
0x25e: {  	s11 =	sadd.s32 $0x19798, s16;
	s17 =	sadd.s32 $0x30, s15  }
0x25f: {  	[hbm4b:s17+s3] =	stream.linear.scatter [tilespmem:s11], [sflag:$0x5], $0x80, $0x38;
	[tilespmem:$0x1DA00] =	vst v63  }
0x260: {  	s11 =	sadd.s32 $0x19820, s16;
	s17 =	sadd.s32 $0x40, s15  }
0x261: {  	[hbm4b:s17+s3] =	stream.linear.scatter [tilespmem:s11], [sflag:$0x5], $0x80, $0x38;
	[tilespmem:$0x1DA00] =	vst v63  }
.Ltmp7:
0x262: {  	s11 =	sadd.s32 $0x198A8, s16;
	s17 =	sadd.s32 $0x50, s15;
	(pc) =	sbr.rel @p1 .LBB2_13-.Ltmp7, $4  }
0x263: {  	[hbm4b:s17+s3] =	stream.linear.scatter [tilespmem:s11], [sflag:$0x5], $0x80, $0x38;
	[tilespmem:$0x1DA00] =	vst v63  }
0x264: {  	s11 =	sadd.s32 $0x19930, s16;
	s17 =	sadd.s32 $0x60, s15;
	s16 =	sadd.s32 $0x199B8, s16  }
0x265: {  	[hbm4b:s17+s3] =	stream.linear.scatter [tilespmem:s11], [sflag:$0x5], $0x80, $0x38;
	[tilespmem:$0x1DA00] =	vst v63  }
0x266: {  	s17 =	sadd.s32 $0x70, s15;
	s15 =	sadd.s32 $0x1000, s15;
	s11 =	smov.u32 s18  }
0x267: {  	[hbm4b:s17+s3] =	stream.linear.scatter [tilespmem:s16], [sflag:$0x5], $0x80, $0x38;
	[tilespmem:$0x1DA00] =	vst v63  }
0x268: {  	s11 =	sadd.s32 $0x19600, s14  }
0x269: {  	[hbm4b:s15+s3] =	stream.linear.scatter [tilespmem:s11], [sflag:$0x5], $0x80, $0x38;
	[tilespmem:$0x1DA00] =	vst v63  }
0x26a: {  	s17 =	sadd.s32 $0x19688, s14;
	s18 =	sadd.s32 $0x10, s15  }
0x26b: {  	[hbm4b:s18+s3] =	stream.linear.scatter [tilespmem:s17], [sflag:$0x5], $0x80, $0x38;
	[tilespmem:$0x1DA00] =	vst v63  }
0x26c: {  	s17 =	sadd.s32 $0x19710, s14;
	s18 =	sadd.s32 $0x20, s15  }
0x26d: {  	[hbm4b:s18+s3] =	stream.linear.scatter [tilespmem:s17], [sflag:$0x5], $0x80, $0x38;
	[tilespmem:$0x1DA00] =	vst v63  }
0x26e: {  	s17 =	sadd.s32 $0x19798, s14;
	s18 =	sadd.s32 $0x30, s15  }
0x26f: {  	[hbm4b:s18+s3] =	stream.linear.scatter [tilespmem:s17], [sflag:$0x5], $0x80, $0x38;
	[tilespmem:$0x1DA00] =	vst v63  }
0x270: {  	s11 =	sor.u32 $0x3, s2;
	s17 =	sadd.s32 $0x19820, s14;
	s18 =	sadd.s32 $0x40, s15  }
0x271: {  	v32 =	vmov s11;
	[hbm4b:s18+s3] =	stream.linear.scatter [tilespmem:s17], [sflag:$0x5], $0x80, $0x38;
	[tilespmem:$0x1DA00] =	vst v63  }
0x272: {  	v32 =	vshrl.u32 v32, $0x3;
	s17 =	sadd.s32 $0x198A8, s14;
	s18 =	sadd.s32 $0x50, s15  }
0x273: {  	v32 =	vshll.u32 v32, $0x3;
	[hbm4b:s18+s3] =	stream.linear.scatter [tilespmem:s17], [sflag:$0x5], $0x80, $0x38;
	[tilespmem:$0x1DA00] =	vst v63  }
0x274: {  	v33 =	vbroadcast v32, $0x0;
	s17 =	sadd.s32 $0x19930, s14;
	s18 =	sadd.s32 $0x60, s15  }
0x275: {  	[hbm4b:s18+s3] =	stream.linear.scatter [tilespmem:s17], [sflag:$0x5], $0x80, $0x38;
	[tilespmem:$0x1DA00] =	vst v63  }
0x276: {  	s16 =	sadd.s32 $0x199B8, s14;
	v32 =	vadd.s32 v16, v33;
	s17 =	sadd.s32 $0x70, s15  }
0x277: {  	[hbm4b:s17+s3] =	stream.linear.scatter [tilespmem:s16], [sflag:$0x5], $0x80, $0x38;
	[tilespmem:$0x1DA00] =	vst v63  }
0x278: {  	_ =	swait.ge [sflag:s26], $0x2000  }
0x279: {  	[sflag:s26] =	ssyncset.done $0x0  }
0x27a: {  	s18 =	simm.s32 $0x0;
	[sflag:s26] =	ssyncadd.s32 $0xFFFFE000  }
0x27b: {  	s14 =	simm.s32 $0xF600;
	v32 =	vld.idx.msk [tilespmem:v32+s18+$0x0], $0xffff  }
0x27c: {  	v34 =	vadd.s32 v17, v33;
	v36 =	vmov s18;
	v37 =	vld [tilespmem:s14+$0x0]  }
0x27d: {  	v35 =	vadd.s32 v18, v33;
	v36 =	vand.u32 $0x7C, v36  }
0x27e: {  	v38 =	vadd.s32 v19, v33;
	v39 =	vadd.s32 v1, v36;
	_ =	sdelay $0x2  }
0x27f: {  	v33 =	vld.idx.msk [tilespmem:v34+s18+$0x0], $0xffff;
	v37 =	vadd.f32 v37, v32  }
0x280: {  	v34 =	vld.idx.msk [tilespmem:v35+s18+$0x0], $0xffff  }
0x281: {  	v35 =	vld.idx.msk [tilespmem:v38+s18+$0x0], $0xffff;
	[tilespmem:v39+s23+$0x0] =	vst.idx.msk $0xffff, v37  }
0x282: {  	v37 =	vld [tilespmem:s14+$0x10];
	_ =	sdelay $0x1  }
0x283: {  	v50 =	vadd.s32 v5, v36;
	_ =	sdelay $0x2  }
0x284: {  	v37 =	vadd.f32 v37, v33;
	_ =	sdelay $0x1  }
0x285: {  	[tilespmem:v50+s23+$0x0] =	vst.idx.msk $0xffff, v37  }
0x286: {  	v37 =	vld [tilespmem:s14+$0x20];
	_ =	sdelay $0x1  }
0x287: {  	v51 =	vadd.s32 v6, v36;
	_ =	sdelay $0x2  }
0x288: {  	v37 =	vadd.f32 v37, v34;
	_ =	sdelay $0x1  }
0x289: {  	[tilespmem:v51+s23+$0x0] =	vst.idx.msk $0xffff, v37  }
0x28a: {  	v37 =	vld [tilespmem:s14+$0x30];
	_ =	sdelay $0x1  }
0x28b: {  	v36 =	vadd.s32 v7, v36;
	_ =	sdelay $0x2  }
0x28c: {  	v37 =	vadd.f32 v37, v35;
	_ =	sdelay $0x1  }
0x28d: {  	s16 =	simm.s32 $0x1;
	[tilespmem:v36+s23+$0x0] =	vst.idx.msk $0xffff, v37  }
0x28e: {  	v52 =	vmov s16;
	v37 =	vld [tilespmem:s14+$0x40]  }
0x28f: {  	v36 =	vand.u32 $0x7D, v52  }
0x290: {  	v53 =	vadd.s32 v1, v36;
	_ =	sdelay $0x2  }
0x291: {  	v37 =	vadd.f32 v37, v32;
	_ =	sdelay $0x1  }
0x292: {  	[tilespmem:v53+s23+$0x0] =	vst.idx.msk $0xffff, v37  }
0x293: {  	v37 =	vld [tilespmem:s14+$0x50];
	_ =	sdelay $0x1  }
0x294: {  	v54 =	vadd.s32 v5, v36;
	_ =	sdelay $0x2  }
0x295: {  	v37 =	vadd.f32 v37, v33;
	_ =	sdelay $0x1  }
0x296: {  	[tilespmem:v54+s23+$0x0] =	vst.idx.msk $0xffff, v37  }
0x297: {  	v37 =	vld [tilespmem:s14+$0x60];
	_ =	sdelay $0x1  }
0x298: {  	v55 =	vadd.s32 v6, v36;
	_ =	sdelay $0x2  }
0x299: {  	v37 =	vadd.f32 v37, v34;
	_ =	sdelay $0x1  }
0x29a: {  	[tilespmem:v55+s23+$0x0] =	vst.idx.msk $0xffff, v37  }
0x29b: {  	v37 =	vld [tilespmem:s14+$0x70];
	_ =	sdelay $0x1  }
0x29c: {  	v36 =	vadd.s32 v7, v36;
	_ =	sdelay $0x2  }
0x29d: {  	v37 =	vadd.f32 v37, v35;
	_ =	sdelay $0x1  }
0x29e: {  	s17 =	simm.s32 $0x2;
	[tilespmem:v36+s23+$0x0] =	vst.idx.msk $0xffff, v37  }
0x29f: {  	v56 =	vmov s17;
	v37 =	vld [tilespmem:s14+$0x80]  }
0x2a0: {  	v36 =	vand.u32 $0x7E, v56  }
0x2a1: {  	v57 =	vadd.s32 v1, v36;
	_ =	sdelay $0x2  }
0x2a2: {  	v37 =	vadd.f32 v37, v32;
	_ =	sdelay $0x1  }
0x2a3: {  	[tilespmem:v57+s23+$0x0] =	vst.idx.msk $0xffff, v37  }
0x2a4: {  	v37 =	vld [tilespmem:s14+$0x90];
	_ =	sdelay $0x1  }
0x2a5: {  	v58 =	vadd.s32 v5, v36;
	_ =	sdelay $0x2  }
0x2a6: {  	v37 =	vadd.f32 v37, v33;
	_ =	sdelay $0x1  }
0x2a7: {  	[tilespmem:v58+s23+$0x0] =	vst.idx.msk $0xffff, v37  }
0x2a8: {  	v37 =	vld [tilespmem:s14+$0xA0];
	_ =	sdelay $0x1  }
0x2a9: {  	v59 =	vadd.s32 v6, v36;
	_ =	sdelay $0x2  }
0x2aa: {  	v37 =	vadd.f32 v37, v34;
	_ =	sdelay $0x1  }
0x2ab: {  	[tilespmem:v59+s23+$0x0] =	vst.idx.msk $0xffff, v37  }
0x2ac: {  	v37 =	vld [tilespmem:s14+$0xB0];
	_ =	sdelay $0x1  }
0x2ad: {  	v36 =	vadd.s32 v7, v36;
	_ =	sdelay $0x2  }
0x2ae: {  	v37 =	vadd.f32 v37, v35;
	_ =	sdelay $0x1  }
0x2af: {  	s18 =	simm.s32 $0x3;
	[tilespmem:v36+s23+$0x0] =	vst.idx.msk $0xffff, v37  }
0x2b0: {  	v60 =	vmov s18;
	v37 =	vld [tilespmem:s14+$0xC0]  }
0x2b1: {  	v36 =	vand.u32 $0x7F, v60  }
0x2b2: {  	v61 =	vadd.s32 v1, v36;
	_ =	sdelay $0x2  }
0x2b3: {  	v37 =	vadd.f32 v37, v32;
	_ =	sdelay $0x1  }
0x2b4: {  	[tilespmem:v61+s23+$0x0] =	vst.idx.msk $0xffff, v37  }
0x2b5: {  	v37 =	vld [tilespmem:s14+$0xD0];
	_ =	sdelay $0x1  }
0x2b6: {  	v62 =	vadd.s32 v5, v36;
	_ =	sdelay $0x2  }
0x2b7: {  	v37 =	vadd.f32 v37, v33;
	_ =	sdelay $0x1  }
0x2b8: {  	[tilespmem:v62+s23+$0x0] =	vst.idx.msk $0xffff, v37  }
0x2b9: {  	v37 =	vld [tilespmem:s14+$0xE0];
	_ =	sdelay $0x1  }
0x2ba: {  	v63 =	vadd.s32 v6, v36;
	_ =	sdelay $0x2  }
0x2bb: {  	v37 =	vadd.f32 v37, v34;
	_ =	sdelay $0x1  }
0x2bc: {  	[tilespmem:v63+s23+$0x0] =	vst.idx.msk $0xffff, v37  }
0x2bd: {  	v37 =	vld [tilespmem:s14+$0xF0];
	_ =	sdelay $0x1  }
0x2be: {  	v36 =	vadd.s32 v7, v36;
	_ =	sdelay $0x2  }
0x2bf: {  	s15 =	simm.s32 $0x4;
	v37 =	vadd.f32 v37, v35  }
.LBB2_15:
0x2c0: {  	p1 =	slt.u32 s15, $0x7C  }
0x2c1: {  	s14 =	sadd.s32 $0x100, s14;
	s16 =	smov.u32 s15;
	s15 =	sadd.s32 $0x4, s15;
	[tilespmem:v36+s23+$0x0] =	vst.idx.msk $0xffff, v37  }
0x2c2: {  	v36 =	vmov s16;
	v37 =	vld [tilespmem:s14+$0x0]  }
0x2c3: {  	v36 =	vand.u32 $0x7C, v36  }
0x2c4: {  	v38 =	vadd.s32 v1, v36;
	_ =	sdelay $0x2  }
0x2c5: {  	v37 =	vadd.f32 v37, v32;
	_ =	sdelay $0x1  }
0x2c6: {  	[tilespmem:v38+s23+$0x0] =	vst.idx.msk $0xffff, v37  }
0x2c7: {  	v37 =	vld [tilespmem:s14+$0x10];
	_ =	sdelay $0x1  }
0x2c8: {  	v38 =	vadd.s32 v5, v36;
	_ =	sdelay $0x2  }
0x2c9: {  	v37 =	vadd.f32 v37, v33;
	_ =	sdelay $0x1  }
0x2ca: {  	[tilespmem:v38+s23+$0x0] =	vst.idx.msk $0xffff, v37  }
0x2cb: {  	v37 =	vld [tilespmem:s14+$0x20];
	_ =	sdelay $0x1  }
0x2cc: {  	v38 =	vadd.s32 v6, v36;
	_ =	sdelay $0x2  }
0x2cd: {  	v37 =	vadd.f32 v37, v34;
	_ =	sdelay $0x1  }
0x2ce: {  	[tilespmem:v38+s23+$0x0] =	vst.idx.msk $0xffff, v37  }
0x2cf: {  	v37 =	vld [tilespmem:s14+$0x30];
	_ =	sdelay $0x1  }
0x2d0: {  	v36 =	vadd.s32 v7, v36;
	_ =	sdelay $0x2  }
0x2d1: {  	v37 =	vadd.f32 v37, v35;
	_ =	sdelay $0x1  }
0x2d2: {  	s17 =	sadd.s32 $0x1, s16;
	[tilespmem:v36+s23+$0x0] =	vst.idx.msk $0xffff, v37  }
0x2d3: {  	v36 =	vmov s17;
	v37 =	vld [tilespmem:s14+$0x40]  }
0x2d4: {  	v36 =	vand.u32 $0x7D, v36  }
0x2d5: {  	v38 =	vadd.s32 v1, v36;
	_ =	sdelay $0x2  }
0x2d6: {  	v37 =	vadd.f32 v37, v32;
	_ =	sdelay $0x1  }
0x2d7: {  	[tilespmem:v38+s23+$0x0] =	vst.idx.msk $0xffff, v37  }
0x2d8: {  	v37 =	vld [tilespmem:s14+$0x50];
	_ =	sdelay $0x1  }
0x2d9: {  	v38 =	vadd.s32 v5, v36;
	_ =	sdelay $0x2  }
0x2da: {  	v37 =	vadd.f32 v37, v33;
	_ =	sdelay $0x1  }
0x2db: {  	[tilespmem:v38+s23+$0x0] =	vst.idx.msk $0xffff, v37  }
0x2dc: {  	v37 =	vld [tilespmem:s14+$0x60];
	_ =	sdelay $0x1  }
0x2dd: {  	v38 =	vadd.s32 v6, v36;
	_ =	sdelay $0x2  }
0x2de: {  	v37 =	vadd.f32 v37, v34;
	_ =	sdelay $0x1  }
0x2df: {  	[tilespmem:v38+s23+$0x0] =	vst.idx.msk $0xffff, v37  }
0x2e0: {  	v37 =	vld [tilespmem:s14+$0x70];
	_ =	sdelay $0x1  }
0x2e1: {  	v36 =	vadd.s32 v7, v36;
	_ =	sdelay $0x2  }
0x2e2: {  	v37 =	vadd.f32 v37, v35;
	_ =	sdelay $0x1  }
0x2e3: {  	s17 =	sadd.s32 $0x2, s16;
	[tilespmem:v36+s23+$0x0] =	vst.idx.msk $0xffff, v37  }
0x2e4: {  	v36 =	vmov s17;
	v37 =	vld [tilespmem:s14+$0x80]  }
0x2e5: {  	v36 =	vand.u32 $0x7E, v36  }
0x2e6: {  	v38 =	vadd.s32 v1, v36;
	_ =	sdelay $0x2  }
0x2e7: {  	v37 =	vadd.f32 v37, v32;
	_ =	sdelay $0x1  }
0x2e8: {  	[tilespmem:v38+s23+$0x0] =	vst.idx.msk $0xffff, v37  }
0x2e9: {  	v37 =	vld [tilespmem:s14+$0x90];
	_ =	sdelay $0x1  }
0x2ea: {  	v38 =	vadd.s32 v5, v36;
	_ =	sdelay $0x2  }
0x2eb: {  	v37 =	vadd.f32 v37, v33;
	_ =	sdelay $0x1  }
0x2ec: {  	[tilespmem:v38+s23+$0x0] =	vst.idx.msk $0xffff, v37  }
0x2ed: {  	v37 =	vld [tilespmem:s14+$0xA0];
	_ =	sdelay $0x1  }
0x2ee: {  	v38 =	vadd.s32 v6, v36;
	_ =	sdelay $0x2  }
0x2ef: {  	v37 =	vadd.f32 v37, v34;
	_ =	sdelay $0x1  }
0x2f0: {  	[tilespmem:v38+s23+$0x0] =	vst.idx.msk $0xffff, v37  }
0x2f1: {  	v37 =	vld [tilespmem:s14+$0xB0];
	_ =	sdelay $0x1  }
0x2f2: {  	v36 =	vadd.s32 v7, v36;
	_ =	sdelay $0x2  }
0x2f3: {  	v37 =	vadd.f32 v37, v35;
	_ =	sdelay $0x1  }
0x2f4: {  	s16 =	sadd.s32 $0x3, s16;
	[tilespmem:v36+s23+$0x0] =	vst.idx.msk $0xffff, v37  }
0x2f5: {  	v36 =	vmov s16;
	v37 =	vld [tilespmem:s14+$0xC0]  }
0x2f6: {  	v36 =	vand.u32 $0x7F, v36  }
0x2f7: {  	v38 =	vadd.s32 v1, v36;
	_ =	sdelay $0x2  }
0x2f8: {  	v37 =	vadd.f32 v37, v32;
	_ =	sdelay $0x1  }
0x2f9: {  	[tilespmem:v38+s23+$0x0] =	vst.idx.msk $0xffff, v37  }
0x2fa: {  	v37 =	vld [tilespmem:s14+$0xD0];
	_ =	sdelay $0x1  }
0x2fb: {  	v38 =	vadd.s32 v5, v36;
	_ =	sdelay $0x2  }
0x2fc: {  	v37 =	vadd.f32 v37, v33;
	_ =	sdelay $0x1  }
0x2fd: {  	[tilespmem:v38+s23+$0x0] =	vst.idx.msk $0xffff, v37  }
0x2fe: {  	v37 =	vld [tilespmem:s14+$0xE0];
	_ =	sdelay $0x1  }
0x2ff: {  	v38 =	vadd.s32 v6, v36;
	_ =	sdelay $0x2  }
0x300: {  	v37 =	vadd.f32 v37, v34;
	_ =	sdelay $0x1  }
0x301: {  	[tilespmem:v38+s23+$0x0] =	vst.idx.msk $0xffff, v37  }
0x302: {  	v37 =	vld [tilespmem:s14+$0xF0]  }
.Ltmp8:
0x303: {  	(pc) =	sbr.rel @p1 .LBB2_15-.Ltmp8, $2  }
0x304: {  	v36 =	vadd.s32 v7, v36;
	_ =	sdelay $0x2  }
0x305: {  	v37 =	vadd.f32 v37, v35  }
0x306: {  	_ = 	snop  }
0x307: {  	s11 =	sshll.u32 s11, $0x12  }
0x308: {  	s11 =	sor.u32 s4, s11  }
0x309: {  	s11 =	sshrl.u32 s11, $0x3  }
0x30a: {  	s14 =	simm.s32 $0x1B800;
	[tilespmem:v36+s23+$0x0] =	vst.idx.msk $0xffff, v37;
	s15 =	sadd.s32 s1, s11  }
0x30b: {  	[hbm4b:s15+s3] =	stream.linear.scatter [tilespmem:s14], [sflag:$0x6], $0x80, $0x38;
	[tilespmem:$0x1DA00] =	vst v63  }
0x30c: {  	s16 =	simm.s32 $0x1B888;
	s14 =	sadd.s32 $0x10, s15  }
0x30d: {  	[hbm4b:s14+s3] =	stream.linear.scatter [tilespmem:s16], [sflag:$0x6], $0x80, $0x38;
	[tilespmem:$0x1DA00] =	vst v63  }
0x30e: {  	s17 =	simm.s32 $0x1B910;
	s18 =	sadd.s32 $0x20, s15  }
0x30f: {  	[hbm4b:s18+s3] =	stream.linear.scatter [tilespmem:s17], [sflag:$0x6], $0x80, $0x38;
	[tilespmem:$0x1DA00] =	vst v63  }
0x310: {  	s14 =	simm.s32 $0x1B998;
	s16 =	sadd.s32 $0x30, s15  }
0x311: {  	[hbm4b:s16+s3] =	stream.linear.scatter [tilespmem:s14], [sflag:$0x6], $0x80, $0x38;
	[tilespmem:$0x1DA00] =	vst v63  }
0x312: {  	s17 =	simm.s32 $0x1BA20;
	s18 =	sadd.s32 $0x40, s15  }
0x313: {  	[hbm4b:s18+s3] =	stream.linear.scatter [tilespmem:s17], [sflag:$0x6], $0x80, $0x38;
	[tilespmem:$0x1DA00] =	vst v63  }
0x314: {  	s11 =	simm.s32 $0x2200;
	s14 =	simm.s32 $0x1BAA8;
	s16 =	sadd.s32 $0x50, s15  }
0x315: {  	[hbm4b:s16+s3] =	stream.linear.scatter [tilespmem:s14], [sflag:$0x6], $0x80, $0x38;
	[tilespmem:$0x1DA00] =	vst v63  }
0x316: {  	s17 =	simm.s32 $0x1BB30;
	s18 =	sadd.s32 $0x60, s15;
	s14 =	simm.s32 $0x440  }
0x317: {  	[hbm4b:s18+s3] =	stream.linear.scatter [tilespmem:s17], [sflag:$0x6], $0x80, $0x38;
	[tilespmem:$0x1DA00] =	vst v63  }
0x318: {  	s16 =	simm.s32 $0x1BBB8;
	s17 =	sadd.s32 $0x70, s15;
	s15 =	sadd.s32 $0x1000, s15  }
.LBB2_17:
0x319: {  	[hbm4b:s17+s3] =	stream.linear.scatter [tilespmem:s16], [sflag:$0x6], $0x80, $0x38;
	[tilespmem:$0x1DA00] =	vst v63  }
0x31a: {  	s16 =	smov.u32 s14;
	s14 =	smov.u32 s11  }
0x31b: {  	s18 =	sadd.s32 $0x1100, s11;
	s14 =	sshra.s32 s14, $0x2;
	s17 =	sadd.s32 $0x1B800, s16  }
0x31c: {  	[hbm4b:s15+s3] =	stream.linear.scatter [tilespmem:s17], [sflag:$0x6], $0x80, $0x38;
	[tilespmem:$0x1DA00] =	vst v63  }
0x31d: {  	p1 =	sne.s32 s11, $0x7700;
	s11 =	sadd.s32 $0x1B888, s16;
	s17 =	sadd.s32 $0x10, s15  }
0x31e: {  	[hbm4b:s17+s3] =	stream.linear.scatter [tilespmem:s11], [sflag:$0x6], $0x80, $0x38;
	[tilespmem:$0x1DA00] =	vst v63  }
0x31f: {  	s11 =	sadd.s32 $0x1B910, s16;
	s17 =	sadd.s32 $0x20, s15  }
0x320: {  	[hbm4b:s17+s3] =	stream.linear.scatter [tilespmem:s11], [sflag:$0x6], $0x80, $0x38;
	[tilespmem:$0x1DA00] =	vst v63  }
0x321: {  	s11 =	sadd.s32 $0x1B998, s16;
	s17 =	sadd.s32 $0x30, s15  }
0x322: {  	[hbm4b:s17+s3] =	stream.linear.scatter [tilespmem:s11], [sflag:$0x6], $0x80, $0x38;
	[tilespmem:$0x1DA00] =	vst v63  }
0x323: {  	s11 =	sadd.s32 $0x1BA20, s16;
	s17 =	sadd.s32 $0x40, s15  }
0x324: {  	[hbm4b:s17+s3] =	stream.linear.scatter [tilespmem:s11], [sflag:$0x6], $0x80, $0x38;
	[tilespmem:$0x1DA00] =	vst v63  }
.Ltmp9:
0x325: {  	s11 =	sadd.s32 $0x1BAA8, s16;
	s17 =	sadd.s32 $0x50, s15;
	(pc) =	sbr.rel @p1 .LBB2_17-.Ltmp9, $4  }
0x326: {  	[hbm4b:s17+s3] =	stream.linear.scatter [tilespmem:s11], [sflag:$0x6], $0x80, $0x38;
	[tilespmem:$0x1DA00] =	vst v63  }
0x327: {  	s11 =	sadd.s32 $0x1BB30, s16;
	s17 =	sadd.s32 $0x60, s15;
	s16 =	sadd.s32 $0x1BBB8, s16  }
0x328: {  	[hbm4b:s17+s3] =	stream.linear.scatter [tilespmem:s11], [sflag:$0x6], $0x80, $0x38;
	[tilespmem:$0x1DA00] =	vst v63  }
0x329: {  	s17 =	sadd.s32 $0x70, s15;
	s15 =	sadd.s32 $0x1000, s15;
	s11 =	smov.u32 s18  }
0x32a: {  	[hbm4b:s17+s3] =	stream.linear.scatter [tilespmem:s16], [sflag:$0x6], $0x80, $0x38;
	[tilespmem:$0x1DA00] =	vst v63  }
0x32b: {  	s11 =	sadd.s32 $0x1B800, s14  }
0x32c: {  	[hbm4b:s15+s3] =	stream.linear.scatter [tilespmem:s11], [sflag:$0x6], $0x80, $0x38;
	[tilespmem:$0x1DA00] =	vst v63  }
0x32d: {  	s17 =	sadd.s32 $0x1B888, s14;
	s18 =	sadd.s32 $0x10, s15  }
0x32e: {  	[hbm4b:s18+s3] =	stream.linear.scatter [tilespmem:s17], [sflag:$0x6], $0x80, $0x38;
	[tilespmem:$0x1DA00] =	vst v63  }
0x32f: {  	s17 =	sadd.s32 $0x1B910, s14;
	s18 =	sadd.s32 $0x20, s15  }
0x330: {  	[hbm4b:s18+s3] =	stream.linear.scatter [tilespmem:s17], [sflag:$0x6], $0x80, $0x38;
	[tilespmem:$0x1DA00] =	vst v63  }
0x331: {  	s17 =	sadd.s32 $0x1B998, s14;
	s18 =	sadd.s32 $0x30, s15  }
0x332: {  	[hbm4b:s18+s3] =	stream.linear.scatter [tilespmem:s17], [sflag:$0x6], $0x80, $0x38;
	[tilespmem:$0x1DA00] =	vst v63  }
0x333: {  	s17 =	sadd.s32 $0x1BA20, s14;
	s18 =	sadd.s32 $0x40, s15  }
0x334: {  	[hbm4b:s18+s3] =	stream.linear.scatter [tilespmem:s17], [sflag:$0x6], $0x80, $0x38;
	[tilespmem:$0x1DA00] =	vst v63  }
0x335: {  	s17 =	sadd.s32 $0x1BAA8, s14;
	s18 =	sadd.s32 $0x50, s15  }
0x336: {  	[hbm4b:s18+s3] =	stream.linear.scatter [tilespmem:s17], [sflag:$0x6], $0x80, $0x38;
	[tilespmem:$0x1DA00] =	vst v63  }
0x337: {  	s11 =	sor.u32 $0x4, s2;
	s17 =	sadd.s32 $0x1BB30, s14;
	s18 =	sadd.s32 $0x60, s15  }
0x338: {  	[hbm4b:s18+s3] =	stream.linear.scatter [tilespmem:s17], [sflag:$0x6], $0x80, $0x38;
	[tilespmem:$0x1DA00] =	vst v63  }
0x339: {  	s16 =	sadd.s32 $0x1BBB8, s14;
	v32 =	vmov s11;
	s17 =	sadd.s32 $0x70, s15  }
0x33a: {  	v32 =	vshrl.u32 v32, $0x3;
	[hbm4b:s17+s3] =	stream.linear.scatter [tilespmem:s16], [sflag:$0x6], $0x80, $0x38;
	[tilespmem:$0x1DA00] =	vst v63  }
0x33b: {  	v32 =	vshll.u32 v32, $0x3;
	s14 =	sadd.s32 @!p0 $0x3700, s10;
	s15 =	simm.s32 @!p0 $0x100;
	s16 =	simm.s32 @!p0 $0xD600  }
0x33c: {  	v33 =	vbroadcast v32, $0x0;
	[tilespmem:s16], [sflag:$0x2] =	stream.indirect.gather @!p0 [hbm4b:s5+s15], $0x40, s14, s15, $0xb8;
	[tilespmem:$0x1DA00] =	vst v63  }
0x33d: {  	_ =	swait.ge [sflag:s28], $0x4000  }
0x33e: {  	v32 =	vadd.s32 v20, v33;
	[sflag:s28] =	ssyncset.done $0x0  }
0x33f: {  	[sflag:s28] =	ssyncadd.s32 $0xFFFFC000  }
0x340: {  	_ =	swait.ge [sflag:s25], $0x2000  }
0x341: {  	[sflag:s25] =	ssyncset.done $0x0  }
0x342: {  	s18 =	simm.s32 $0x0;
	[sflag:s25] =	ssyncadd.s32 $0xFFFFE000  }
0x343: {  	s14 =	simm.s32 $0x116F0;
	v32 =	vld.idx.msk [tilespmem:v32+s18+$0x0], $0xffff  }
0x344: {  	v34 =	vadd.s32 v21, v33;
	v36 =	vmov s18;
	v37 =	vld [tilespmem:s14+$0xFFFFFF10]  }
0x345: {  	v35 =	vadd.s32 v22, v33;
	v36 =	vand.u32 $0x7C, v36  }
0x346: {  	v38 =	vadd.s32 v23, v33;
	v39 =	vadd.s32 v1, v36;
	_ =	sdelay $0x2  }
0x347: {  	v33 =	vld.idx.msk [tilespmem:v34+s18+$0x0], $0xffff;
	v37 =	vadd.f32 v37, v32  }
0x348: {  	v34 =	vld.idx.msk [tilespmem:v35+s18+$0x0], $0xffff  }
0x349: {  	v35 =	vld.idx.msk [tilespmem:v38+s18+$0x0], $0xffff;
	[tilespmem:v39+s22+$0x0] =	vst.idx.msk $0xffff, v37  }
0x34a: {  	v37 =	vld [tilespmem:s14+$0xFFFFFF20];
	_ =	sdelay $0x1  }
0x34b: {  	v50 =	vadd.s32 v5, v36;
	_ =	sdelay $0x2  }
0x34c: {  	v37 =	vadd.f32 v37, v33;
	_ =	sdelay $0x1  }
0x34d: {  	[tilespmem:v50+s22+$0x0] =	vst.idx.msk $0xffff, v37  }
0x34e: {  	v37 =	vld [tilespmem:s14+$0xFFFFFF30];
	_ =	sdelay $0x1  }
0x34f: {  	v51 =	vadd.s32 v6, v36;
	_ =	sdelay $0x2  }
0x350: {  	v37 =	vadd.f32 v37, v34;
	_ =	sdelay $0x1  }
0x351: {  	[tilespmem:v51+s22+$0x0] =	vst.idx.msk $0xffff, v37  }
0x352: {  	v37 =	vld [tilespmem:s14+$0xFFFFFF40];
	_ =	sdelay $0x1  }
0x353: {  	v36 =	vadd.s32 v7, v36;
	_ =	sdelay $0x2  }
0x354: {  	v37 =	vadd.f32 v37, v35;
	_ =	sdelay $0x1  }
0x355: {  	s16 =	simm.s32 $0x1;
	[tilespmem:v36+s22+$0x0] =	vst.idx.msk $0xffff, v37  }
0x356: {  	v52 =	vmov s16;
	v37 =	vld [tilespmem:s14+$0xFFFFFF50]  }
0x357: {  	v36 =	vand.u32 $0x7D, v52  }
0x358: {  	v53 =	vadd.s32 v1, v36;
	_ =	sdelay $0x2  }
0x359: {  	v37 =	vadd.f32 v37, v32;
	_ =	sdelay $0x1  }
0x35a: {  	[tilespmem:v53+s22+$0x0] =	vst.idx.msk $0xffff, v37  }
0x35b: {  	v37 =	vld [tilespmem:s14+$0xFFFFFF60];
	_ =	sdelay $0x1  }
0x35c: {  	v54 =	vadd.s32 v5, v36;
	_ =	sdelay $0x2  }
0x35d: {  	v37 =	vadd.f32 v37, v33;
	_ =	sdelay $0x1  }
0x35e: {  	[tilespmem:v54+s22+$0x0] =	vst.idx.msk $0xffff, v37  }
0x35f: {  	v37 =	vld [tilespmem:s14+$0xFFFFFF70];
	_ =	sdelay $0x1  }
0x360: {  	v55 =	vadd.s32 v6, v36;
	_ =	sdelay $0x2  }
0x361: {  	v37 =	vadd.f32 v37, v34;
	_ =	sdelay $0x1  }
0x362: {  	[tilespmem:v55+s22+$0x0] =	vst.idx.msk $0xffff, v37  }
0x363: {  	v37 =	vld [tilespmem:s14+$0xFFFFFF80];
	_ =	sdelay $0x1  }
0x364: {  	v36 =	vadd.s32 v7, v36;
	_ =	sdelay $0x2  }
0x365: {  	v37 =	vadd.f32 v37, v35;
	_ =	sdelay $0x1  }
0x366: {  	s17 =	simm.s32 $0x2;
	[tilespmem:v36+s22+$0x0] =	vst.idx.msk $0xffff, v37  }
0x367: {  	v56 =	vmov s17;
	v37 =	vld [tilespmem:s14+$0xFFFFFF90]  }
0x368: {  	v36 =	vand.u32 $0x7E, v56  }
0x369: {  	v57 =	vadd.s32 v1, v36;
	_ =	sdelay $0x2  }
0x36a: {  	v37 =	vadd.f32 v37, v32;
	_ =	sdelay $0x1  }
0x36b: {  	[tilespmem:v57+s22+$0x0] =	vst.idx.msk $0xffff, v37  }
0x36c: {  	v37 =	vld [tilespmem:s14+$0xFFFFFFA0];
	_ =	sdelay $0x1  }
0x36d: {  	v58 =	vadd.s32 v5, v36;
	_ =	sdelay $0x2  }
0x36e: {  	v37 =	vadd.f32 v37, v33;
	_ =	sdelay $0x1  }
0x36f: {  	[tilespmem:v58+s22+$0x0] =	vst.idx.msk $0xffff, v37  }
0x370: {  	v37 =	vld [tilespmem:s14+$0xFFFFFFB0];
	_ =	sdelay $0x1  }
0x371: {  	v59 =	vadd.s32 v6, v36;
	_ =	sdelay $0x2  }
0x372: {  	v37 =	vadd.f32 v37, v34;
	_ =	sdelay $0x1  }
0x373: {  	[tilespmem:v59+s22+$0x0] =	vst.idx.msk $0xffff, v37  }
0x374: {  	v37 =	vld [tilespmem:s14+$0xFFFFFFC0];
	_ =	sdelay $0x1  }
0x375: {  	v36 =	vadd.s32 v7, v36;
	_ =	sdelay $0x2  }
0x376: {  	v37 =	vadd.f32 v37, v35;
	_ =	sdelay $0x1  }
0x377: {  	s18 =	simm.s32 $0x3;
	[tilespmem:v36+s22+$0x0] =	vst.idx.msk $0xffff, v37  }
0x378: {  	v60 =	vmov s18;
	v37 =	vld [tilespmem:s14+$0xFFFFFFD0]  }
0x379: {  	v36 =	vand.u32 $0x7F, v60  }
0x37a: {  	v61 =	vadd.s32 v1, v36;
	_ =	sdelay $0x2  }
0x37b: {  	v37 =	vadd.f32 v37, v32;
	_ =	sdelay $0x1  }
0x37c: {  	[tilespmem:v61+s22+$0x0] =	vst.idx.msk $0xffff, v37  }
0x37d: {  	v37 =	vld [tilespmem:s14+$0xFFFFFFE0];
	_ =	sdelay $0x1  }
0x37e: {  	v62 =	vadd.s32 v5, v36;
	_ =	sdelay $0x2  }
0x37f: {  	v37 =	vadd.f32 v37, v33;
	_ =	sdelay $0x1  }
0x380: {  	[tilespmem:v62+s22+$0x0] =	vst.idx.msk $0xffff, v37  }
0x381: {  	v37 =	vld [tilespmem:s14+$0xFFFFFFF0];
	_ =	sdelay $0x1  }
0x382: {  	v63 =	vadd.s32 v6, v36;
	_ =	sdelay $0x2  }
0x383: {  	v37 =	vadd.f32 v37, v34;
	_ =	sdelay $0x1  }
0x384: {  	[tilespmem:v63+s22+$0x0] =	vst.idx.msk $0xffff, v37  }
0x385: {  	v37 =	vld [tilespmem:s14+$0x0];
	_ =	sdelay $0x1  }
0x386: {  	v36 =	vadd.s32 v7, v36;
	_ =	sdelay $0x2  }
0x387: {  	s15 =	simm.s32 $0x4;
	v37 =	vadd.f32 v37, v35  }
.LBB2_19:
0x388: {  	p1 =	slt.u32 s15, $0x7C  }
0x389: {  	s14 =	sadd.s32 $0x100, s14;
	s16 =	smov.u32 s15;
	s15 =	sadd.s32 $0x4, s15;
	[tilespmem:v36+s22+$0x0] =	vst.idx.msk $0xffff, v37  }
0x38a: {  	v36 =	vmov s16;
	v37 =	vld [tilespmem:s14+$0xFFFFFF10]  }
0x38b: {  	v36 =	vand.u32 $0x7C, v36  }
0x38c: {  	v38 =	vadd.s32 v1, v36;
	_ =	sdelay $0x2  }
0x38d: {  	v37 =	vadd.f32 v37, v32;
	_ =	sdelay $0x1  }
0x38e: {  	[tilespmem:v38+s22+$0x0] =	vst.idx.msk $0xffff, v37  }
0x38f: {  	v37 =	vld [tilespmem:s14+$0xFFFFFF20];
	_ =	sdelay $0x1  }
0x390: {  	v38 =	vadd.s32 v5, v36;
	_ =	sdelay $0x2  }
0x391: {  	v37 =	vadd.f32 v37, v33;
	_ =	sdelay $0x1  }
0x392: {  	[tilespmem:v38+s22+$0x0] =	vst.idx.msk $0xffff, v37  }
0x393: {  	v37 =	vld [tilespmem:s14+$0xFFFFFF30];
	_ =	sdelay $0x1  }
0x394: {  	v38 =	vadd.s32 v6, v36;
	_ =	sdelay $0x2  }
0x395: {  	v37 =	vadd.f32 v37, v34;
	_ =	sdelay $0x1  }
0x396: {  	[tilespmem:v38+s22+$0x0] =	vst.idx.msk $0xffff, v37  }
0x397: {  	v37 =	vld [tilespmem:s14+$0xFFFFFF40];
	_ =	sdelay $0x1  }
0x398: {  	v36 =	vadd.s32 v7, v36;
	_ =	sdelay $0x2  }
0x399: {  	v37 =	vadd.f32 v37, v35;
	_ =	sdelay $0x1  }
0x39a: {  	s17 =	sadd.s32 $0x1, s16;
	[tilespmem:v36+s22+$0x0] =	vst.idx.msk $0xffff, v37  }
0x39b: {  	v36 =	vmov s17;
	v37 =	vld [tilespmem:s14+$0xFFFFFF50]  }
0x39c: {  	v36 =	vand.u32 $0x7D, v36  }
0x39d: {  	v38 =	vadd.s32 v1, v36;
	_ =	sdelay $0x2  }
0x39e: {  	v37 =	vadd.f32 v37, v32;
	_ =	sdelay $0x1  }
0x39f: {  	[tilespmem:v38+s22+$0x0] =	vst.idx.msk $0xffff, v37  }
0x3a0: {  	v37 =	vld [tilespmem:s14+$0xFFFFFF60];
	_ =	sdelay $0x1  }
0x3a1: {  	v38 =	vadd.s32 v5, v36;
	_ =	sdelay $0x2  }
0x3a2: {  	v37 =	vadd.f32 v37, v33;
	_ =	sdelay $0x1  }
0x3a3: {  	[tilespmem:v38+s22+$0x0] =	vst.idx.msk $0xffff, v37  }
0x3a4: {  	v37 =	vld [tilespmem:s14+$0xFFFFFF70];
	_ =	sdelay $0x1  }
0x3a5: {  	v38 =	vadd.s32 v6, v36;
	_ =	sdelay $0x2  }
0x3a6: {  	v37 =	vadd.f32 v37, v34;
	_ =	sdelay $0x1  }
0x3a7: {  	[tilespmem:v38+s22+$0x0] =	vst.idx.msk $0xffff, v37  }
0x3a8: {  	v37 =	vld [tilespmem:s14+$0xFFFFFF80];
	_ =	sdelay $0x1  }
0x3a9: {  	v36 =	vadd.s32 v7, v36;
	_ =	sdelay $0x2  }
0x3aa: {  	v37 =	vadd.f32 v37, v35;
	_ =	sdelay $0x1  }
0x3ab: {  	s17 =	sadd.s32 $0x2, s16;
	[tilespmem:v36+s22+$0x0] =	vst.idx.msk $0xffff, v37  }
0x3ac: {  	v36 =	vmov s17;
	v37 =	vld [tilespmem:s14+$0xFFFFFF90]  }
0x3ad: {  	v36 =	vand.u32 $0x7E, v36  }
0x3ae: {  	v38 =	vadd.s32 v1, v36;
	_ =	sdelay $0x2  }
0x3af: {  	v37 =	vadd.f32 v37, v32;
	_ =	sdelay $0x1  }
0x3b0: {  	[tilespmem:v38+s22+$0x0] =	vst.idx.msk $0xffff, v37  }
0x3b1: {  	v37 =	vld [tilespmem:s14+$0xFFFFFFA0];
	_ =	sdelay $0x1  }
0x3b2: {  	v38 =	vadd.s32 v5, v36;
	_ =	sdelay $0x2  }
0x3b3: {  	v37 =	vadd.f32 v37, v33;
	_ =	sdelay $0x1  }
0x3b4: {  	[tilespmem:v38+s22+$0x0] =	vst.idx.msk $0xffff, v37  }
0x3b5: {  	v37 =	vld [tilespmem:s14+$0xFFFFFFB0];
	_ =	sdelay $0x1  }
0x3b6: {  	v38 =	vadd.s32 v6, v36;
	_ =	sdelay $0x2  }
0x3b7: {  	v37 =	vadd.f32 v37, v34;
	_ =	sdelay $0x1  }
0x3b8: {  	[tilespmem:v38+s22+$0x0] =	vst.idx.msk $0xffff, v37  }
0x3b9: {  	v37 =	vld [tilespmem:s14+$0xFFFFFFC0];
	_ =	sdelay $0x1  }
0x3ba: {  	v36 =	vadd.s32 v7, v36;
	_ =	sdelay $0x2  }
0x3bb: {  	v37 =	vadd.f32 v37, v35;
	_ =	sdelay $0x1  }
0x3bc: {  	s16 =	sadd.s32 $0x3, s16;
	[tilespmem:v36+s22+$0x0] =	vst.idx.msk $0xffff, v37  }
0x3bd: {  	v36 =	vmov s16;
	v37 =	vld [tilespmem:s14+$0xFFFFFFD0]  }
0x3be: {  	v36 =	vand.u32 $0x7F, v36  }
0x3bf: {  	v38 =	vadd.s32 v1, v36;
	_ =	sdelay $0x2  }
0x3c0: {  	v37 =	vadd.f32 v37, v32;
	_ =	sdelay $0x1  }
0x3c1: {  	[tilespmem:v38+s22+$0x0] =	vst.idx.msk $0xffff, v37  }
0x3c2: {  	v37 =	vld [tilespmem:s14+$0xFFFFFFE0];
	_ =	sdelay $0x1  }
0x3c3: {  	v38 =	vadd.s32 v5, v36;
	_ =	sdelay $0x2  }
0x3c4: {  	v37 =	vadd.f32 v37, v33;
	_ =	sdelay $0x1  }
0x3c5: {  	[tilespmem:v38+s22+$0x0] =	vst.idx.msk $0xffff, v37  }
0x3c6: {  	v37 =	vld [tilespmem:s14+$0xFFFFFFF0];
	_ =	sdelay $0x1  }
0x3c7: {  	v38 =	vadd.s32 v6, v36;
	_ =	sdelay $0x2  }
0x3c8: {  	v37 =	vadd.f32 v37, v34;
	_ =	sdelay $0x1  }
0x3c9: {  	[tilespmem:v38+s22+$0x0] =	vst.idx.msk $0xffff, v37  }
0x3ca: {  	v37 =	vld [tilespmem:s14+$0x0]  }
.Ltmp10:
0x3cb: {  	(pc) =	sbr.rel @p1 .LBB2_19-.Ltmp10, $2  }
0x3cc: {  	v36 =	vadd.s32 v7, v36;
	_ =	sdelay $0x2  }
0x3cd: {  	v37 =	vadd.f32 v37, v35  }
0x3ce: {  	_ = 	snop  }
0x3cf: {  	s11 =	sshll.u32 s11, $0x12  }
0x3d0: {  	s11 =	sor.u32 s4, s11  }
0x3d1: {  	s11 =	sshrl.u32 s11, $0x3  }
0x3d2: {  	s14 =	simm.s32 $0x19600;
	[tilespmem:v36+s22+$0x0] =	vst.idx.msk $0xffff, v37;
	s15 =	sadd.s32 s1, s11  }
0x3d3: {  	[hbm4b:s15+s3] =	stream.linear.scatter [tilespmem:s14], [sflag:$0x5], $0x80, $0x38;
	[tilespmem:$0x1DA00] =	vst v63  }
0x3d4: {  	s16 =	simm.s32 $0x19688;
	s14 =	sadd.s32 $0x10, s15  }
0x3d5: {  	[hbm4b:s14+s3] =	stream.linear.scatter [tilespmem:s16], [sflag:$0x5], $0x80, $0x38;
	[tilespmem:$0x1DA00] =	vst v63  }
0x3d6: {  	s17 =	simm.s32 $0x19710;
	s18 =	sadd.s32 $0x20, s15  }
0x3d7: {  	[hbm4b:s18+s3] =	stream.linear.scatter [tilespmem:s17], [sflag:$0x5], $0x80, $0x38;
	[tilespmem:$0x1DA00] =	vst v63  }
0x3d8: {  	s14 =	simm.s32 $0x19798;
	s16 =	sadd.s32 $0x30, s15  }
0x3d9: {  	[hbm4b:s16+s3] =	stream.linear.scatter [tilespmem:s14], [sflag:$0x5], $0x80, $0x38;
	[tilespmem:$0x1DA00] =	vst v63  }
0x3da: {  	s17 =	simm.s32 $0x19820;
	s18 =	sadd.s32 $0x40, s15  }
0x3db: {  	[hbm4b:s18+s3] =	stream.linear.scatter [tilespmem:s17], [sflag:$0x5], $0x80, $0x38;
	[tilespmem:$0x1DA00] =	vst v63  }
0x3dc: {  	s11 =	simm.s32 $0x2200;
	s14 =	simm.s32 $0x198A8;
	s16 =	sadd.s32 $0x50, s15  }
0x3dd: {  	[hbm4b:s16+s3] =	stream.linear.scatter [tilespmem:s14], [sflag:$0x5], $0x80, $0x38;
	[tilespmem:$0x1DA00] =	vst v63  }
0x3de: {  	s17 =	simm.s32 $0x19930;
	s18 =	sadd.s32 $0x60, s15;
	s14 =	simm.s32 $0x440  }
0x3df: {  	[hbm4b:s18+s3] =	stream.linear.scatter [tilespmem:s17], [sflag:$0x5], $0x80, $0x38;
	[tilespmem:$0x1DA00] =	vst v63  }
0x3e0: {  	s16 =	simm.s32 $0x199B8;
	s17 =	sadd.s32 $0x70, s15;
	s15 =	sadd.s32 $0x1000, s15  }
.LBB2_21:
0x3e1: {  	[hbm4b:s17+s3] =	stream.linear.scatter [tilespmem:s16], [sflag:$0x5], $0x80, $0x38;
	[tilespmem:$0x1DA00] =	vst v63  }
0x3e2: {  	s16 =	smov.u32 s14;
	s14 =	smov.u32 s11  }
0x3e3: {  	s18 =	sadd.s32 $0x1100, s11;
	s14 =	sshra.s32 s14, $0x2;
	s17 =	sadd.s32 $0x19600, s16  }
0x3e4: {  	[hbm4b:s15+s3] =	stream.linear.scatter [tilespmem:s17], [sflag:$0x5], $0x80, $0x38;
	[tilespmem:$0x1DA00] =	vst v63  }
0x3e5: {  	p1 =	sne.s32 s11, $0x7700;
	s11 =	sadd.s32 $0x19688, s16;
	s17 =	sadd.s32 $0x10, s15  }
0x3e6: {  	[hbm4b:s17+s3] =	stream.linear.scatter [tilespmem:s11], [sflag:$0x5], $0x80, $0x38;
	[tilespmem:$0x1DA00] =	vst v63  }
0x3e7: {  	s11 =	sadd.s32 $0x19710, s16;
	s17 =	sadd.s32 $0x20, s15  }
0x3e8: {  	[hbm4b:s17+s3] =	stream.linear.scatter [tilespmem:s11], [sflag:$0x5], $0x80, $0x38;
	[tilespmem:$0x1DA00] =	vst v63  }
0x3e9: {  	s11 =	sadd.s32 $0x19798, s16;
	s17 =	sadd.s32 $0x30, s15  }
0x3ea: {  	[hbm4b:s17+s3] =	stream.linear.scatter [tilespmem:s11], [sflag:$0x5], $0x80, $0x38;
	[tilespmem:$0x1DA00] =	vst v63  }
0x3eb: {  	s11 =	sadd.s32 $0x19820, s16;
	s17 =	sadd.s32 $0x40, s15  }
0x3ec: {  	[hbm4b:s17+s3] =	stream.linear.scatter [tilespmem:s11], [sflag:$0x5], $0x80, $0x38;
	[tilespmem:$0x1DA00] =	vst v63  }
.Ltmp11:
0x3ed: {  	s11 =	sadd.s32 $0x198A8, s16;
	s17 =	sadd.s32 $0x50, s15;
	(pc) =	sbr.rel @p1 .LBB2_21-.Ltmp11, $4  }
0x3ee: {  	[hbm4b:s17+s3] =	stream.linear.scatter [tilespmem:s11], [sflag:$0x5], $0x80, $0x38;
	[tilespmem:$0x1DA00] =	vst v63  }
0x3ef: {  	s11 =	sadd.s32 $0x19930, s16;
	s17 =	sadd.s32 $0x60, s15;
	s16 =	sadd.s32 $0x199B8, s16  }
0x3f0: {  	[hbm4b:s17+s3] =	stream.linear.scatter [tilespmem:s11], [sflag:$0x5], $0x80, $0x38;
	[tilespmem:$0x1DA00] =	vst v63  }
0x3f1: {  	s17 =	sadd.s32 $0x70, s15;
	s15 =	sadd.s32 $0x1000, s15;
	s11 =	smov.u32 s18  }
0x3f2: {  	[hbm4b:s17+s3] =	stream.linear.scatter [tilespmem:s16], [sflag:$0x5], $0x80, $0x38;
	[tilespmem:$0x1DA00] =	vst v63  }
0x3f3: {  	s11 =	sadd.s32 $0x19600, s14  }
0x3f4: {  	[hbm4b:s15+s3] =	stream.linear.scatter [tilespmem:s11], [sflag:$0x5], $0x80, $0x38;
	[tilespmem:$0x1DA00] =	vst v63  }
0x3f5: {  	s17 =	sadd.s32 $0x19688, s14;
	s18 =	sadd.s32 $0x10, s15  }
0x3f6: {  	[hbm4b:s18+s3] =	stream.linear.scatter [tilespmem:s17], [sflag:$0x5], $0x80, $0x38;
	[tilespmem:$0x1DA00] =	vst v63  }
0x3f7: {  	s17 =	sadd.s32 $0x19710, s14;
	s18 =	sadd.s32 $0x20, s15  }
0x3f8: {  	[hbm4b:s18+s3] =	stream.linear.scatter [tilespmem:s17], [sflag:$0x5], $0x80, $0x38;
	[tilespmem:$0x1DA00] =	vst v63  }
0x3f9: {  	s17 =	sadd.s32 $0x19798, s14;
	s18 =	sadd.s32 $0x30, s15  }
0x3fa: {  	[hbm4b:s18+s3] =	stream.linear.scatter [tilespmem:s17], [sflag:$0x5], $0x80, $0x38;
	[tilespmem:$0x1DA00] =	vst v63  }
0x3fb: {  	s11 =	sor.u32 $0x5, s2;
	s17 =	sadd.s32 $0x19820, s14;
	s18 =	sadd.s32 $0x40, s15  }
0x3fc: {  	v32 =	vmov s11;
	[hbm4b:s18+s3] =	stream.linear.scatter [tilespmem:s17], [sflag:$0x5], $0x80, $0x38;
	[tilespmem:$0x1DA00] =	vst v63  }
0x3fd: {  	v32 =	vshrl.u32 v32, $0x3;
	s17 =	sadd.s32 $0x198A8, s14;
	s18 =	sadd.s32 $0x50, s15  }
0x3fe: {  	v32 =	vshll.u32 v32, $0x3;
	[hbm4b:s18+s3] =	stream.linear.scatter [tilespmem:s17], [sflag:$0x5], $0x80, $0x38;
	[tilespmem:$0x1DA00] =	vst v63  }
0x3ff: {  	v33 =	vbroadcast v32, $0x0;
	s17 =	sadd.s32 $0x19930, s14;
	s18 =	sadd.s32 $0x60, s15  }
0x400: {  	[hbm4b:s18+s3] =	stream.linear.scatter [tilespmem:s17], [sflag:$0x5], $0x80, $0x38;
	[tilespmem:$0x1DA00] =	vst v63  }
0x401: {  	s16 =	sadd.s32 $0x199B8, s14;
	v32 =	vadd.s32 v24, v33;
	s17 =	sadd.s32 $0x70, s15  }
0x402: {  	[hbm4b:s17+s3] =	stream.linear.scatter [tilespmem:s16], [sflag:$0x5], $0x80, $0x38;
	[tilespmem:$0x1DA00] =	vst v63  }
0x403: {  	_ =	swait.ge [sflag:s26], $0x2000  }
0x404: {  	[sflag:s26] =	ssyncset.done $0x0  }
0x405: {  	s18 =	simm.s32 $0x0;
	[sflag:s26] =	ssyncadd.s32 $0xFFFFE000  }
0x406: {  	s14 =	simm.s32 $0x13600;
	v32 =	vld.idx.msk [tilespmem:v32+s18+$0x0], $0xffff  }
0x407: {  	v34 =	vadd.s32 v25, v33;
	v36 =	vmov s18;
	v37 =	vld [tilespmem:s14+$0x0]  }
0x408: {  	v35 =	vadd.s32 v26, v33;
	v36 =	vand.u32 $0x7C, v36  }
0x409: {  	v38 =	vadd.s32 v27, v33;
	v39 =	vadd.s32 v1, v36;
	_ =	sdelay $0x2  }
0x40a: {  	v33 =	vld.idx.msk [tilespmem:v34+s18+$0x0], $0xffff;
	v37 =	vadd.f32 v37, v32  }
0x40b: {  	v34 =	vld.idx.msk [tilespmem:v35+s18+$0x0], $0xffff  }
0x40c: {  	v35 =	vld.idx.msk [tilespmem:v38+s18+$0x0], $0xffff;
	[tilespmem:v39+s23+$0x0] =	vst.idx.msk $0xffff, v37  }
0x40d: {  	v37 =	vld [tilespmem:s14+$0x10];
	_ =	sdelay $0x1  }
0x40e: {  	v50 =	vadd.s32 v5, v36;
	_ =	sdelay $0x2  }
0x40f: {  	v37 =	vadd.f32 v37, v33;
	_ =	sdelay $0x1  }
0x410: {  	[tilespmem:v50+s23+$0x0] =	vst.idx.msk $0xffff, v37  }
0x411: {  	v37 =	vld [tilespmem:s14+$0x20];
	_ =	sdelay $0x1  }
0x412: {  	v51 =	vadd.s32 v6, v36;
	_ =	sdelay $0x2  }
0x413: {  	v37 =	vadd.f32 v37, v34;
	_ =	sdelay $0x1  }
0x414: {  	[tilespmem:v51+s23+$0x0] =	vst.idx.msk $0xffff, v37  }
0x415: {  	v37 =	vld [tilespmem:s14+$0x30];
	_ =	sdelay $0x1  }
0x416: {  	v36 =	vadd.s32 v7, v36;
	_ =	sdelay $0x2  }
0x417: {  	v37 =	vadd.f32 v37, v35;
	_ =	sdelay $0x1  }
0x418: {  	s16 =	simm.s32 $0x1;
	[tilespmem:v36+s23+$0x0] =	vst.idx.msk $0xffff, v37  }
0x419: {  	v52 =	vmov s16;
	v37 =	vld [tilespmem:s14+$0x40]  }
0x41a: {  	v36 =	vand.u32 $0x7D, v52  }
0x41b: {  	v53 =	vadd.s32 v1, v36;
	_ =	sdelay $0x2  }
0x41c: {  	v37 =	vadd.f32 v37, v32;
	_ =	sdelay $0x1  }
0x41d: {  	[tilespmem:v53+s23+$0x0] =	vst.idx.msk $0xffff, v37  }
0x41e: {  	v37 =	vld [tilespmem:s14+$0x50];
	_ =	sdelay $0x1  }
0x41f: {  	v54 =	vadd.s32 v5, v36;
	_ =	sdelay $0x2  }
0x420: {  	v37 =	vadd.f32 v37, v33;
	_ =	sdelay $0x1  }
0x421: {  	[tilespmem:v54+s23+$0x0] =	vst.idx.msk $0xffff, v37  }
0x422: {  	v37 =	vld [tilespmem:s14+$0x60];
	_ =	sdelay $0x1  }
0x423: {  	v55 =	vadd.s32 v6, v36;
	_ =	sdelay $0x2  }
0x424: {  	v37 =	vadd.f32 v37, v34;
	_ =	sdelay $0x1  }
0x425: {  	[tilespmem:v55+s23+$0x0] =	vst.idx.msk $0xffff, v37  }
0x426: {  	v37 =	vld [tilespmem:s14+$0x70];
	_ =	sdelay $0x1  }
0x427: {  	v36 =	vadd.s32 v7, v36;
	_ =	sdelay $0x2  }
0x428: {  	v37 =	vadd.f32 v37, v35;
	_ =	sdelay $0x1  }
0x429: {  	s17 =	simm.s32 $0x2;
	[tilespmem:v36+s23+$0x0] =	vst.idx.msk $0xffff, v37  }
0x42a: {  	v56 =	vmov s17;
	v37 =	vld [tilespmem:s14+$0x80]  }
0x42b: {  	v36 =	vand.u32 $0x7E, v56  }
0x42c: {  	v57 =	vadd.s32 v1, v36;
	_ =	sdelay $0x2  }
0x42d: {  	v37 =	vadd.f32 v37, v32;
	_ =	sdelay $0x1  }
0x42e: {  	[tilespmem:v57+s23+$0x0] =	vst.idx.msk $0xffff, v37  }
0x42f: {  	v37 =	vld [tilespmem:s14+$0x90];
	_ =	sdelay $0x1  }
0x430: {  	v58 =	vadd.s32 v5, v36;
	_ =	sdelay $0x2  }
0x431: {  	v37 =	vadd.f32 v37, v33;
	_ =	sdelay $0x1  }
0x432: {  	[tilespmem:v58+s23+$0x0] =	vst.idx.msk $0xffff, v37  }
0x433: {  	v37 =	vld [tilespmem:s14+$0xA0];
	_ =	sdelay $0x1  }
0x434: {  	v59 =	vadd.s32 v6, v36;
	_ =	sdelay $0x2  }
0x435: {  	v37 =	vadd.f32 v37, v34;
	_ =	sdelay $0x1  }
0x436: {  	[tilespmem:v59+s23+$0x0] =	vst.idx.msk $0xffff, v37  }
0x437: {  	v37 =	vld [tilespmem:s14+$0xB0];
	_ =	sdelay $0x1  }
0x438: {  	v36 =	vadd.s32 v7, v36;
	_ =	sdelay $0x2  }
0x439: {  	v37 =	vadd.f32 v37, v35;
	_ =	sdelay $0x1  }
0x43a: {  	s18 =	simm.s32 $0x3;
	[tilespmem:v36+s23+$0x0] =	vst.idx.msk $0xffff, v37  }
0x43b: {  	v60 =	vmov s18;
	v37 =	vld [tilespmem:s14+$0xC0]  }
0x43c: {  	v36 =	vand.u32 $0x7F, v60  }
0x43d: {  	v61 =	vadd.s32 v1, v36;
	_ =	sdelay $0x2  }
0x43e: {  	v37 =	vadd.f32 v37, v32;
	_ =	sdelay $0x1  }
0x43f: {  	[tilespmem:v61+s23+$0x0] =	vst.idx.msk $0xffff, v37  }
0x440: {  	v37 =	vld [tilespmem:s14+$0xD0];
	_ =	sdelay $0x1  }
0x441: {  	v62 =	vadd.s32 v5, v36;
	_ =	sdelay $0x2  }
0x442: {  	v37 =	vadd.f32 v37, v33;
	_ =	sdelay $0x1  }
0x443: {  	[tilespmem:v62+s23+$0x0] =	vst.idx.msk $0xffff, v37  }
0x444: {  	v37 =	vld [tilespmem:s14+$0xE0];
	_ =	sdelay $0x1  }
0x445: {  	v63 =	vadd.s32 v6, v36;
	_ =	sdelay $0x2  }
0x446: {  	v37 =	vadd.f32 v37, v34;
	_ =	sdelay $0x1  }
0x447: {  	[tilespmem:v63+s23+$0x0] =	vst.idx.msk $0xffff, v37  }
0x448: {  	v37 =	vld [tilespmem:s14+$0xF0];
	_ =	sdelay $0x1  }
0x449: {  	v36 =	vadd.s32 v7, v36;
	_ =	sdelay $0x2  }
0x44a: {  	s15 =	simm.s32 $0x4;
	v37 =	vadd.f32 v37, v35  }
.LBB2_23:
0x44b: {  	p1 =	slt.u32 s15, $0x7C  }
0x44c: {  	s14 =	sadd.s32 $0x100, s14;
	s16 =	smov.u32 s15;
	s15 =	sadd.s32 $0x4, s15;
	[tilespmem:v36+s23+$0x0] =	vst.idx.msk $0xffff, v37  }
0x44d: {  	v36 =	vmov s16;
	v37 =	vld [tilespmem:s14+$0x0]  }
0x44e: {  	v36 =	vand.u32 $0x7C, v36  }
0x44f: {  	v38 =	vadd.s32 v1, v36;
	_ =	sdelay $0x2  }
0x450: {  	v37 =	vadd.f32 v37, v32;
	_ =	sdelay $0x1  }
0x451: {  	[tilespmem:v38+s23+$0x0] =	vst.idx.msk $0xffff, v37  }
0x452: {  	v37 =	vld [tilespmem:s14+$0x10];
	_ =	sdelay $0x1  }
0x453: {  	v38 =	vadd.s32 v5, v36;
	_ =	sdelay $0x2  }
0x454: {  	v37 =	vadd.f32 v37, v33;
	_ =	sdelay $0x1  }
0x455: {  	[tilespmem:v38+s23+$0x0] =	vst.idx.msk $0xffff, v37  }
0x456: {  	v37 =	vld [tilespmem:s14+$0x20];
	_ =	sdelay $0x1  }
0x457: {  	v38 =	vadd.s32 v6, v36;
	_ =	sdelay $0x2  }
0x458: {  	v37 =	vadd.f32 v37, v34;
	_ =	sdelay $0x1  }
0x459: {  	[tilespmem:v38+s23+$0x0] =	vst.idx.msk $0xffff, v37  }
0x45a: {  	v37 =	vld [tilespmem:s14+$0x30];
	_ =	sdelay $0x1  }
0x45b: {  	v36 =	vadd.s32 v7, v36;
	_ =	sdelay $0x2  }
0x45c: {  	v37 =	vadd.f32 v37, v35;
	_ =	sdelay $0x1  }
0x45d: {  	s17 =	sadd.s32 $0x1, s16;
	[tilespmem:v36+s23+$0x0] =	vst.idx.msk $0xffff, v37  }
0x45e: {  	v36 =	vmov s17;
	v37 =	vld [tilespmem:s14+$0x40]  }
0x45f: {  	v36 =	vand.u32 $0x7D, v36  }
0x460: {  	v38 =	vadd.s32 v1, v36;
	_ =	sdelay $0x2  }
0x461: {  	v37 =	vadd.f32 v37, v32;
	_ =	sdelay $0x1  }
0x462: {  	[tilespmem:v38+s23+$0x0] =	vst.idx.msk $0xffff, v37  }
0x463: {  	v37 =	vld [tilespmem:s14+$0x50];
	_ =	sdelay $0x1  }
0x464: {  	v38 =	vadd.s32 v5, v36;
	_ =	sdelay $0x2  }
0x465: {  	v37 =	vadd.f32 v37, v33;
	_ =	sdelay $0x1  }
0x466: {  	[tilespmem:v38+s23+$0x0] =	vst.idx.msk $0xffff, v37  }
0x467: {  	v37 =	vld [tilespmem:s14+$0x60];
	_ =	sdelay $0x1  }
0x468: {  	v38 =	vadd.s32 v6, v36;
	_ =	sdelay $0x2  }
0x469: {  	v37 =	vadd.f32 v37, v34;
	_ =	sdelay $0x1  }
0x46a: {  	[tilespmem:v38+s23+$0x0] =	vst.idx.msk $0xffff, v37  }
0x46b: {  	v37 =	vld [tilespmem:s14+$0x70];
	_ =	sdelay $0x1  }
0x46c: {  	v36 =	vadd.s32 v7, v36;
	_ =	sdelay $0x2  }
0x46d: {  	v37 =	vadd.f32 v37, v35;
	_ =	sdelay $0x1  }
0x46e: {  	s17 =	sadd.s32 $0x2, s16;
	[tilespmem:v36+s23+$0x0] =	vst.idx.msk $0xffff, v37  }
0x46f: {  	v36 =	vmov s17;
	v37 =	vld [tilespmem:s14+$0x80]  }
0x470: {  	v36 =	vand.u32 $0x7E, v36  }
0x471: {  	v38 =	vadd.s32 v1, v36;
	_ =	sdelay $0x2  }
0x472: {  	v37 =	vadd.f32 v37, v32;
	_ =	sdelay $0x1  }
0x473: {  	[tilespmem:v38+s23+$0x0] =	vst.idx.msk $0xffff, v37  }
0x474: {  	v37 =	vld [tilespmem:s14+$0x90];
	_ =	sdelay $0x1  }
0x475: {  	v38 =	vadd.s32 v5, v36;
	_ =	sdelay $0x2  }
0x476: {  	v37 =	vadd.f32 v37, v33;
	_ =	sdelay $0x1  }
0x477: {  	[tilespmem:v38+s23+$0x0] =	vst.idx.msk $0xffff, v37  }
0x478: {  	v37 =	vld [tilespmem:s14+$0xA0];
	_ =	sdelay $0x1  }
0x479: {  	v38 =	vadd.s32 v6, v36;
	_ =	sdelay $0x2  }
0x47a: {  	v37 =	vadd.f32 v37, v34;
	_ =	sdelay $0x1  }
0x47b: {  	[tilespmem:v38+s23+$0x0] =	vst.idx.msk $0xffff, v37  }
0x47c: {  	v37 =	vld [tilespmem:s14+$0xB0];
	_ =	sdelay $0x1  }
0x47d: {  	v36 =	vadd.s32 v7, v36;
	_ =	sdelay $0x2  }
0x47e: {  	v37 =	vadd.f32 v37, v35;
	_ =	sdelay $0x1  }
0x47f: {  	s16 =	sadd.s32 $0x3, s16;
	[tilespmem:v36+s23+$0x0] =	vst.idx.msk $0xffff, v37  }
0x480: {  	v36 =	vmov s16;
	v37 =	vld [tilespmem:s14+$0xC0]  }
0x481: {  	v36 =	vand.u32 $0x7F, v36  }
0x482: {  	v38 =	vadd.s32 v1, v36;
	_ =	sdelay $0x2  }
0x483: {  	v37 =	vadd.f32 v37, v32;
	_ =	sdelay $0x1  }
0x484: {  	[tilespmem:v38+s23+$0x0] =	vst.idx.msk $0xffff, v37  }
0x485: {  	v37 =	vld [tilespmem:s14+$0xD0];
	_ =	sdelay $0x1  }
0x486: {  	v38 =	vadd.s32 v5, v36;
	_ =	sdelay $0x2  }
0x487: {  	v37 =	vadd.f32 v37, v33;
	_ =	sdelay $0x1  }
0x488: {  	[tilespmem:v38+s23+$0x0] =	vst.idx.msk $0xffff, v37  }
0x489: {  	v37 =	vld [tilespmem:s14+$0xE0];
	_ =	sdelay $0x1  }
0x48a: {  	v38 =	vadd.s32 v6, v36;
	_ =	sdelay $0x2  }
0x48b: {  	v37 =	vadd.f32 v37, v34;
	_ =	sdelay $0x1  }
0x48c: {  	[tilespmem:v38+s23+$0x0] =	vst.idx.msk $0xffff, v37  }
0x48d: {  	v37 =	vld [tilespmem:s14+$0xF0]  }
.Ltmp12:
0x48e: {  	(pc) =	sbr.rel @p1 .LBB2_23-.Ltmp12, $2  }
0x48f: {  	v36 =	vadd.s32 v7, v36;
	_ =	sdelay $0x2  }
0x490: {  	v37 =	vadd.f32 v37, v35  }
0x491: {  	_ = 	snop  }
0x492: {  	s11 =	sshll.u32 s11, $0x12  }
0x493: {  	s11 =	sor.u32 s4, s11  }
0x494: {  	s11 =	sshrl.u32 s11, $0x3  }
0x495: {  	s14 =	simm.s32 $0x1B800;
	[tilespmem:v36+s23+$0x0] =	vst.idx.msk $0xffff, v37;
	s15 =	sadd.s32 s1, s11  }
0x496: {  	[hbm4b:s15+s3] =	stream.linear.scatter [tilespmem:s14], [sflag:$0x6], $0x80, $0x38;
	[tilespmem:$0x1DA00] =	vst v63  }
0x497: {  	s16 =	simm.s32 $0x1B888;
	s14 =	sadd.s32 $0x10, s15  }
0x498: {  	[hbm4b:s14+s3] =	stream.linear.scatter [tilespmem:s16], [sflag:$0x6], $0x80, $0x38;
	[tilespmem:$0x1DA00] =	vst v63  }
0x499: {  	s17 =	simm.s32 $0x1B910;
	s18 =	sadd.s32 $0x20, s15  }
0x49a: {  	[hbm4b:s18+s3] =	stream.linear.scatter [tilespmem:s17], [sflag:$0x6], $0x80, $0x38;
	[tilespmem:$0x1DA00] =	vst v63  }
0x49b: {  	s14 =	simm.s32 $0x1B998;
	s16 =	sadd.s32 $0x30, s15  }
0x49c: {  	[hbm4b:s16+s3] =	stream.linear.scatter [tilespmem:s14], [sflag:$0x6], $0x80, $0x38;
	[tilespmem:$0x1DA00] =	vst v63  }
0x49d: {  	s17 =	simm.s32 $0x1BA20;
	s18 =	sadd.s32 $0x40, s15  }
0x49e: {  	[hbm4b:s18+s3] =	stream.linear.scatter [tilespmem:s17], [sflag:$0x6], $0x80, $0x38;
	[tilespmem:$0x1DA00] =	vst v63  }
0x49f: {  	s11 =	simm.s32 $0x2200;
	s14 =	simm.s32 $0x1BAA8;
	s16 =	sadd.s32 $0x50, s15  }
0x4a0: {  	[hbm4b:s16+s3] =	stream.linear.scatter [tilespmem:s14], [sflag:$0x6], $0x80, $0x38;
	[tilespmem:$0x1DA00] =	vst v63  }
0x4a1: {  	s17 =	simm.s32 $0x1BB30;
	s18 =	sadd.s32 $0x60, s15;
	s14 =	simm.s32 $0x440  }
0x4a2: {  	[hbm4b:s18+s3] =	stream.linear.scatter [tilespmem:s17], [sflag:$0x6], $0x80, $0x38;
	[tilespmem:$0x1DA00] =	vst v63  }
0x4a3: {  	s16 =	simm.s32 $0x1BBB8;
	s17 =	sadd.s32 $0x70, s15;
	s15 =	sadd.s32 $0x1000, s15  }
.LBB2_25:
0x4a4: {  	[hbm4b:s17+s3] =	stream.linear.scatter [tilespmem:s16], [sflag:$0x6], $0x80, $0x38;
	[tilespmem:$0x1DA00] =	vst v63  }
0x4a5: {  	s16 =	smov.u32 s14;
	s14 =	smov.u32 s11  }
0x4a6: {  	s18 =	sadd.s32 $0x1100, s11;
	s14 =	sshra.s32 s14, $0x2;
	s17 =	sadd.s32 $0x1B800, s16  }
0x4a7: {  	[hbm4b:s15+s3] =	stream.linear.scatter [tilespmem:s17], [sflag:$0x6], $0x80, $0x38;
	[tilespmem:$0x1DA00] =	vst v63  }
0x4a8: {  	p1 =	sne.s32 s11, $0x7700;
	s11 =	sadd.s32 $0x1B888, s16;
	s17 =	sadd.s32 $0x10, s15  }
0x4a9: {  	[hbm4b:s17+s3] =	stream.linear.scatter [tilespmem:s11], [sflag:$0x6], $0x80, $0x38;
	[tilespmem:$0x1DA00] =	vst v63  }
0x4aa: {  	s11 =	sadd.s32 $0x1B910, s16;
	s17 =	sadd.s32 $0x20, s15  }
0x4ab: {  	[hbm4b:s17+s3] =	stream.linear.scatter [tilespmem:s11], [sflag:$0x6], $0x80, $0x38;
	[tilespmem:$0x1DA00] =	vst v63  }
0x4ac: {  	s11 =	sadd.s32 $0x1B998, s16;
	s17 =	sadd.s32 $0x30, s15  }
0x4ad: {  	[hbm4b:s17+s3] =	stream.linear.scatter [tilespmem:s11], [sflag:$0x6], $0x80, $0x38;
	[tilespmem:$0x1DA00] =	vst v63  }
0x4ae: {  	s11 =	sadd.s32 $0x1BA20, s16;
	s17 =	sadd.s32 $0x40, s15  }
0x4af: {  	[hbm4b:s17+s3] =	stream.linear.scatter [tilespmem:s11], [sflag:$0x6], $0x80, $0x38;
	[tilespmem:$0x1DA00] =	vst v63  }
.Ltmp13:
0x4b0: {  	s11 =	sadd.s32 $0x1BAA8, s16;
	s17 =	sadd.s32 $0x50, s15;
	(pc) =	sbr.rel @p1 .LBB2_25-.Ltmp13, $4  }
0x4b1: {  	[hbm4b:s17+s3] =	stream.linear.scatter [tilespmem:s11], [sflag:$0x6], $0x80, $0x38;
	[tilespmem:$0x1DA00] =	vst v63  }
0x4b2: {  	s11 =	sadd.s32 $0x1BB30, s16;
	s17 =	sadd.s32 $0x60, s15;
	s16 =	sadd.s32 $0x1BBB8, s16  }
0x4b3: {  	[hbm4b:s17+s3] =	stream.linear.scatter [tilespmem:s11], [sflag:$0x6], $0x80, $0x38;
	[tilespmem:$0x1DA00] =	vst v63  }
0x4b4: {  	s17 =	sadd.s32 $0x70, s15;
	s15 =	sadd.s32 $0x1000, s15;
	s11 =	smov.u32 s18  }
0x4b5: {  	[hbm4b:s17+s3] =	stream.linear.scatter [tilespmem:s16], [sflag:$0x6], $0x80, $0x38;
	[tilespmem:$0x1DA00] =	vst v63  }
0x4b6: {  	s11 =	sadd.s32 $0x1B800, s14  }
0x4b7: {  	[hbm4b:s15+s3] =	stream.linear.scatter [tilespmem:s11], [sflag:$0x6], $0x80, $0x38;
	[tilespmem:$0x1DA00] =	vst v63  }
0x4b8: {  	s17 =	sadd.s32 $0x1B888, s14;
	s18 =	sadd.s32 $0x10, s15  }
0x4b9: {  	[hbm4b:s18+s3] =	stream.linear.scatter [tilespmem:s17], [sflag:$0x6], $0x80, $0x38;
	[tilespmem:$0x1DA00] =	vst v63  }
0x4ba: {  	s17 =	sadd.s32 $0x1B910, s14;
	s18 =	sadd.s32 $0x20, s15  }
0x4bb: {  	[hbm4b:s18+s3] =	stream.linear.scatter [tilespmem:s17], [sflag:$0x6], $0x80, $0x38;
	[tilespmem:$0x1DA00] =	vst v63  }
0x4bc: {  	s17 =	sadd.s32 $0x1B998, s14;
	s18 =	sadd.s32 $0x30, s15  }
0x4bd: {  	[hbm4b:s18+s3] =	stream.linear.scatter [tilespmem:s17], [sflag:$0x6], $0x80, $0x38;
	[tilespmem:$0x1DA00] =	vst v63  }
0x4be: {  	s17 =	sadd.s32 $0x1BA20, s14;
	s18 =	sadd.s32 $0x40, s15  }
0x4bf: {  	[hbm4b:s18+s3] =	stream.linear.scatter [tilespmem:s17], [sflag:$0x6], $0x80, $0x38;
	[tilespmem:$0x1DA00] =	vst v63  }
0x4c0: {  	s17 =	sadd.s32 $0x1BAA8, s14;
	s18 =	sadd.s32 $0x50, s15  }
0x4c1: {  	[hbm4b:s18+s3] =	stream.linear.scatter [tilespmem:s17], [sflag:$0x6], $0x80, $0x38;
	[tilespmem:$0x1DA00] =	vst v63  }
0x4c2: {  	s11 =	sor.u32 $0x6, s2;
	s17 =	sadd.s32 $0x1BB30, s14;
	s18 =	sadd.s32 $0x60, s15  }
0x4c3: {  	[hbm4b:s18+s3] =	stream.linear.scatter [tilespmem:s17], [sflag:$0x6], $0x80, $0x38;
	[tilespmem:$0x1DA00] =	vst v63  }
0x4c4: {  	v32 =	vmov s11;
	s17 =	sadd.s32 $0x1BBB8, s14;
	s18 =	sadd.s32 $0x70, s15  }
0x4c5: {  	v32 =	vshrl.u32 v32, $0x3;
	[hbm4b:s18+s3] =	stream.linear.scatter [tilespmem:s17], [sflag:$0x6], $0x80, $0x38;
	[tilespmem:$0x1DA00] =	vst v63  }
0x4c6: {  	s10 =	sadd.s32 @!p0 $0x3800, s10;
	v32 =	vshll.u32 v32, $0x3;
	s14 =	simm.s32 @!p0 $0x100;
	s15 =	simm.s32 @!p0 $0x11600  }
0x4c7: {  	v33 =	vbroadcast v32, $0x0;
	[tilespmem:s15], [sflag:$0x3] =	stream.indirect.gather @!p0 [hbm4b:s5+s14], $0x40, s10, s14, $0xb8;
	[tilespmem:$0x1DA00] =	vst v63  }
0x4c8: {  	_ =	swait.ge [sflag:s29], $0x4000  }
0x4c9: {  	v32 =	vadd.s32 v28, v33;
	[sflag:s29] =	ssyncset.done $0x0  }
0x4ca: {  	[sflag:s29] =	ssyncadd.s32 $0xFFFFC000  }
0x4cb: {  	_ =	swait.ge [sflag:s25], $0x2000  }
0x4cc: {  	[sflag:s25] =	ssyncset.done $0x0  }
0x4cd: {  	s15 =	simm.s32 $0x0;
	[sflag:s25] =	ssyncadd.s32 $0xFFFFE000  }
0x4ce: {  	s10 =	simm.s32 $0x156F0;
	v32 =	vld.idx.msk [tilespmem:v32+s15+$0x0], $0xffff  }
0x4cf: {  	v34 =	vadd.s32 v29, v33;
	v36 =	vmov s15;
	v37 =	vld [tilespmem:s10+$0xFFFFFF10]  }
0x4d0: {  	v35 =	vadd.s32 v30, v33;
	v36 =	vand.u32 $0x7C, v36  }
0x4d1: {  	v38 =	vadd.s32 v31, v33;
	v39 =	vadd.s32 v1, v36;
	_ =	sdelay $0x2  }
0x4d2: {  	v33 =	vld.idx.msk [tilespmem:v34+s15+$0x0], $0xffff;
	v37 =	vadd.f32 v37, v32  }
0x4d3: {  	v34 =	vld.idx.msk [tilespmem:v35+s15+$0x0], $0xffff  }
0x4d4: {  	v35 =	vld.idx.msk [tilespmem:v38+s15+$0x0], $0xffff;
	[tilespmem:v39+s22+$0x0] =	vst.idx.msk $0xffff, v37  }
0x4d5: {  	v37 =	vld [tilespmem:s10+$0xFFFFFF20];
	_ =	sdelay $0x1  }
0x4d6: {  	v50 =	vadd.s32 v5, v36;
	_ =	sdelay $0x2  }
0x4d7: {  	v37 =	vadd.f32 v37, v33;
	_ =	sdelay $0x1  }
0x4d8: {  	[tilespmem:v50+s22+$0x0] =	vst.idx.msk $0xffff, v37  }
0x4d9: {  	v37 =	vld [tilespmem:s10+$0xFFFFFF30];
	_ =	sdelay $0x1  }
0x4da: {  	v51 =	vadd.s32 v6, v36;
	_ =	sdelay $0x2  }
0x4db: {  	v37 =	vadd.f32 v37, v34;
	_ =	sdelay $0x1  }
0x4dc: {  	[tilespmem:v51+s22+$0x0] =	vst.idx.msk $0xffff, v37  }
0x4dd: {  	v37 =	vld [tilespmem:s10+$0xFFFFFF40];
	_ =	sdelay $0x1  }
0x4de: {  	v36 =	vadd.s32 v7, v36;
	_ =	sdelay $0x2  }
0x4df: {  	v37 =	vadd.f32 v37, v35;
	_ =	sdelay $0x1  }
0x4e0: {  	s16 =	simm.s32 $0x1;
	[tilespmem:v36+s22+$0x0] =	vst.idx.msk $0xffff, v37  }
0x4e1: {  	v52 =	vmov s16;
	v37 =	vld [tilespmem:s10+$0xFFFFFF50]  }
0x4e2: {  	v36 =	vand.u32 $0x7D, v52  }
0x4e3: {  	v53 =	vadd.s32 v1, v36;
	_ =	sdelay $0x2  }
0x4e4: {  	v37 =	vadd.f32 v37, v32;
	_ =	sdelay $0x1  }
0x4e5: {  	[tilespmem:v53+s22+$0x0] =	vst.idx.msk $0xffff, v37  }
0x4e6: {  	v37 =	vld [tilespmem:s10+$0xFFFFFF60];
	_ =	sdelay $0x1  }
0x4e7: {  	v54 =	vadd.s32 v5, v36;
	_ =	sdelay $0x2  }
0x4e8: {  	v37 =	vadd.f32 v37, v33;
	_ =	sdelay $0x1  }
0x4e9: {  	[tilespmem:v54+s22+$0x0] =	vst.idx.msk $0xffff, v37  }
0x4ea: {  	v37 =	vld [tilespmem:s10+$0xFFFFFF70];
	_ =	sdelay $0x1  }
0x4eb: {  	v55 =	vadd.s32 v6, v36;
	_ =	sdelay $0x2  }
0x4ec: {  	v37 =	vadd.f32 v37, v34;
	_ =	sdelay $0x1  }
0x4ed: {  	[tilespmem:v55+s22+$0x0] =	vst.idx.msk $0xffff, v37  }
0x4ee: {  	v37 =	vld [tilespmem:s10+$0xFFFFFF80];
	_ =	sdelay $0x1  }
0x4ef: {  	v36 =	vadd.s32 v7, v36;
	_ =	sdelay $0x2  }
0x4f0: {  	v37 =	vadd.f32 v37, v35;
	_ =	sdelay $0x1  }
0x4f1: {  	s17 =	simm.s32 $0x2;
	[tilespmem:v36+s22+$0x0] =	vst.idx.msk $0xffff, v37  }
0x4f2: {  	v56 =	vmov s17;
	v37 =	vld [tilespmem:s10+$0xFFFFFF90]  }
0x4f3: {  	v36 =	vand.u32 $0x7E, v56  }
0x4f4: {  	v57 =	vadd.s32 v1, v36;
	_ =	sdelay $0x2  }
0x4f5: {  	v37 =	vadd.f32 v37, v32;
	_ =	sdelay $0x1  }
0x4f6: {  	[tilespmem:v57+s22+$0x0] =	vst.idx.msk $0xffff, v37  }
0x4f7: {  	v37 =	vld [tilespmem:s10+$0xFFFFFFA0];
	_ =	sdelay $0x1  }
0x4f8: {  	v58 =	vadd.s32 v5, v36;
	_ =	sdelay $0x2  }
0x4f9: {  	v37 =	vadd.f32 v37, v33;
	_ =	sdelay $0x1  }
0x4fa: {  	[tilespmem:v58+s22+$0x0] =	vst.idx.msk $0xffff, v37  }
0x4fb: {  	v37 =	vld [tilespmem:s10+$0xFFFFFFB0];
	_ =	sdelay $0x1  }
0x4fc: {  	v59 =	vadd.s32 v6, v36;
	_ =	sdelay $0x2  }
0x4fd: {  	v37 =	vadd.f32 v37, v34;
	_ =	sdelay $0x1  }
0x4fe: {  	[tilespmem:v59+s22+$0x0] =	vst.idx.msk $0xffff, v37  }
0x4ff: {  	v37 =	vld [tilespmem:s10+$0xFFFFFFC0];
	_ =	sdelay $0x1  }
0x500: {  	v36 =	vadd.s32 v7, v36;
	_ =	sdelay $0x2  }
0x501: {  	v37 =	vadd.f32 v37, v35;
	_ =	sdelay $0x1  }
0x502: {  	s18 =	simm.s32 $0x3;
	[tilespmem:v36+s22+$0x0] =	vst.idx.msk $0xffff, v37  }
0x503: {  	v60 =	vmov s18;
	v37 =	vld [tilespmem:s10+$0xFFFFFFD0]  }
0x504: {  	v36 =	vand.u32 $0x7F, v60  }
0x505: {  	v61 =	vadd.s32 v1, v36;
	_ =	sdelay $0x2  }
0x506: {  	v37 =	vadd.f32 v37, v32;
	_ =	sdelay $0x1  }
0x507: {  	[tilespmem:v61+s22+$0x0] =	vst.idx.msk $0xffff, v37  }
0x508: {  	v37 =	vld [tilespmem:s10+$0xFFFFFFE0];
	_ =	sdelay $0x1  }
0x509: {  	v62 =	vadd.s32 v5, v36;
	_ =	sdelay $0x2  }
0x50a: {  	v37 =	vadd.f32 v37, v33;
	_ =	sdelay $0x1  }
0x50b: {  	[tilespmem:v62+s22+$0x0] =	vst.idx.msk $0xffff, v37  }
0x50c: {  	v37 =	vld [tilespmem:s10+$0xFFFFFFF0];
	_ =	sdelay $0x1  }
0x50d: {  	v63 =	vadd.s32 v6, v36;
	_ =	sdelay $0x2  }
0x50e: {  	v37 =	vadd.f32 v37, v34;
	_ =	sdelay $0x1  }
0x50f: {  	[tilespmem:v63+s22+$0x0] =	vst.idx.msk $0xffff, v37  }
0x510: {  	v37 =	vld [tilespmem:s10+$0x0];
	_ =	sdelay $0x1  }
0x511: {  	v36 =	vadd.s32 v7, v36;
	_ =	sdelay $0x2  }
0x512: {  	s14 =	simm.s32 $0x4;
	v37 =	vadd.f32 v37, v35  }
.LBB2_27:
0x513: {  	p1 =	slt.u32 s14, $0x7C  }
0x514: {  	s10 =	sadd.s32 $0x100, s10;
	s15 =	smov.u32 s14;
	s14 =	sadd.s32 $0x4, s14;
	[tilespmem:v36+s22+$0x0] =	vst.idx.msk $0xffff, v37  }
0x515: {  	v36 =	vmov s15;
	v37 =	vld [tilespmem:s10+$0xFFFFFF10]  }
0x516: {  	v36 =	vand.u32 $0x7C, v36  }
0x517: {  	v38 =	vadd.s32 v1, v36;
	_ =	sdelay $0x2  }
0x518: {  	v37 =	vadd.f32 v37, v32;
	_ =	sdelay $0x1  }
0x519: {  	[tilespmem:v38+s22+$0x0] =	vst.idx.msk $0xffff, v37  }
0x51a: {  	v37 =	vld [tilespmem:s10+$0xFFFFFF20];
	_ =	sdelay $0x1  }
0x51b: {  	v38 =	vadd.s32 v5, v36;
	_ =	sdelay $0x2  }
0x51c: {  	v37 =	vadd.f32 v37, v33;
	_ =	sdelay $0x1  }
0x51d: {  	[tilespmem:v38+s22+$0x0] =	vst.idx.msk $0xffff, v37  }
0x51e: {  	v37 =	vld [tilespmem:s10+$0xFFFFFF30];
	_ =	sdelay $0x1  }
0x51f: {  	v38 =	vadd.s32 v6, v36;
	_ =	sdelay $0x2  }
0x520: {  	v37 =	vadd.f32 v37, v34;
	_ =	sdelay $0x1  }
0x521: {  	[tilespmem:v38+s22+$0x0] =	vst.idx.msk $0xffff, v37  }
0x522: {  	v37 =	vld [tilespmem:s10+$0xFFFFFF40];
	_ =	sdelay $0x1  }
0x523: {  	v36 =	vadd.s32 v7, v36;
	_ =	sdelay $0x2  }
0x524: {  	v37 =	vadd.f32 v37, v35;
	_ =	sdelay $0x1  }
0x525: {  	s16 =	sadd.s32 $0x1, s15;
	[tilespmem:v36+s22+$0x0] =	vst.idx.msk $0xffff, v37  }
0x526: {  	v36 =	vmov s16;
	v37 =	vld [tilespmem:s10+$0xFFFFFF50]  }
0x527: {  	v36 =	vand.u32 $0x7D, v36  }
0x528: {  	v38 =	vadd.s32 v1, v36;
	_ =	sdelay $0x2  }
0x529: {  	v37 =	vadd.f32 v37, v32;
	_ =	sdelay $0x1  }
0x52a: {  	[tilespmem:v38+s22+$0x0] =	vst.idx.msk $0xffff, v37  }
0x52b: {  	v37 =	vld [tilespmem:s10+$0xFFFFFF60];
	_ =	sdelay $0x1  }
0x52c: {  	v38 =	vadd.s32 v5, v36;
	_ =	sdelay $0x2  }
0x52d: {  	v37 =	vadd.f32 v37, v33;
	_ =	sdelay $0x1  }
0x52e: {  	[tilespmem:v38+s22+$0x0] =	vst.idx.msk $0xffff, v37  }
0x52f: {  	v37 =	vld [tilespmem:s10+$0xFFFFFF70];
	_ =	sdelay $0x1  }
0x530: {  	v38 =	vadd.s32 v6, v36;
	_ =	sdelay $0x2  }
0x531: {  	v37 =	vadd.f32 v37, v34;
	_ =	sdelay $0x1  }
0x532: {  	[tilespmem:v38+s22+$0x0] =	vst.idx.msk $0xffff, v37  }
0x533: {  	v37 =	vld [tilespmem:s10+$0xFFFFFF80];
	_ =	sdelay $0x1  }
0x534: {  	v36 =	vadd.s32 v7, v36;
	_ =	sdelay $0x2  }
0x535: {  	v37 =	vadd.f32 v37, v35;
	_ =	sdelay $0x1  }
0x536: {  	s16 =	sadd.s32 $0x2, s15;
	[tilespmem:v36+s22+$0x0] =	vst.idx.msk $0xffff, v37  }
0x537: {  	v36 =	vmov s16;
	v37 =	vld [tilespmem:s10+$0xFFFFFF90]  }
0x538: {  	v36 =	vand.u32 $0x7E, v36  }
0x539: {  	v38 =	vadd.s32 v1, v36;
	_ =	sdelay $0x2  }
0x53a: {  	v37 =	vadd.f32 v37, v32;
	_ =	sdelay $0x1  }
0x53b: {  	[tilespmem:v38+s22+$0x0] =	vst.idx.msk $0xffff, v37  }
0x53c: {  	v37 =	vld [tilespmem:s10+$0xFFFFFFA0];
	_ =	sdelay $0x1  }
0x53d: {  	v38 =	vadd.s32 v5, v36;
	_ =	sdelay $0x2  }
0x53e: {  	v37 =	vadd.f32 v37, v33;
	_ =	sdelay $0x1  }
0x53f: {  	[tilespmem:v38+s22+$0x0] =	vst.idx.msk $0xffff, v37  }
0x540: {  	v37 =	vld [tilespmem:s10+$0xFFFFFFB0];
	_ =	sdelay $0x1  }
0x541: {  	v38 =	vadd.s32 v6, v36;
	_ =	sdelay $0x2  }
0x542: {  	v37 =	vadd.f32 v37, v34;
	_ =	sdelay $0x1  }
0x543: {  	[tilespmem:v38+s22+$0x0] =	vst.idx.msk $0xffff, v37  }
0x544: {  	v37 =	vld [tilespmem:s10+$0xFFFFFFC0];
	_ =	sdelay $0x1  }
0x545: {  	v36 =	vadd.s32 v7, v36;
	_ =	sdelay $0x2  }
0x546: {  	v37 =	vadd.f32 v37, v35;
	_ =	sdelay $0x1  }
0x547: {  	s15 =	sadd.s32 $0x3, s15;
	[tilespmem:v36+s22+$0x0] =	vst.idx.msk $0xffff, v37  }
0x548: {  	v36 =	vmov s15;
	v37 =	vld [tilespmem:s10+$0xFFFFFFD0]  }
0x549: {  	v36 =	vand.u32 $0x7F, v36  }
0x54a: {  	v38 =	vadd.s32 v1, v36;
	_ =	sdelay $0x2  }
0x54b: {  	v37 =	vadd.f32 v37, v32;
	_ =	sdelay $0x1  }
0x54c: {  	[tilespmem:v38+s22+$0x0] =	vst.idx.msk $0xffff, v37  }
0x54d: {  	v37 =	vld [tilespmem:s10+$0xFFFFFFE0];
	_ =	sdelay $0x1  }
0x54e: {  	v38 =	vadd.s32 v5, v36;
	_ =	sdelay $0x2  }
0x54f: {  	v37 =	vadd.f32 v37, v33;
	_ =	sdelay $0x1  }
0x550: {  	[tilespmem:v38+s22+$0x0] =	vst.idx.msk $0xffff, v37  }
0x551: {  	v37 =	vld [tilespmem:s10+$0xFFFFFFF0];
	_ =	sdelay $0x1  }
0x552: {  	v38 =	vadd.s32 v6, v36;
	_ =	sdelay $0x2  }
0x553: {  	v37 =	vadd.f32 v37, v34;
	_ =	sdelay $0x1  }
0x554: {  	[tilespmem:v38+s22+$0x0] =	vst.idx.msk $0xffff, v37  }
0x555: {  	v37 =	vld [tilespmem:s10+$0x0]  }
.Ltmp14:
0x556: {  	(pc) =	sbr.rel @p1 .LBB2_27-.Ltmp14, $2  }
0x557: {  	v36 =	vadd.s32 v7, v36;
	_ =	sdelay $0x2  }
0x558: {  	v37 =	vadd.f32 v37, v35  }
0x559: {  	_ = 	snop  }
0x55a: {  	s10 =	sshll.u32 s11, $0x12  }
0x55b: {  	s10 =	sor.u32 s4, s10  }
0x55c: {  	s10 =	sshrl.u32 s10, $0x3  }
0x55d: {  	s15 =	simm.s32 $0x19600;
	[tilespmem:v36+s22+$0x0] =	vst.idx.msk $0xffff, v37;
	s11 =	sadd.s32 s1, s10  }
0x55e: {  	[hbm4b:s11+s3] =	stream.linear.scatter [tilespmem:s15], [sflag:$0x5], $0x80, $0x38;
	[tilespmem:$0x1DA00] =	vst v63  }
0x55f: {  	s16 =	simm.s32 $0x19688;
	s14 =	sadd.s32 $0x10, s11  }
0x560: {  	[hbm4b:s14+s3] =	stream.linear.scatter [tilespmem:s16], [sflag:$0x5], $0x80, $0x38;
	[tilespmem:$0x1DA00] =	vst v63  }
0x561: {  	s17 =	simm.s32 $0x19710;
	s10 =	simm.s32 $0x440;
	s18 =	sadd.s32 $0x20, s11  }
0x562: {  	[hbm4b:s18+s3] =	stream.linear.scatter [tilespmem:s17], [sflag:$0x5], $0x80, $0x38;
	[tilespmem:$0x1DA00] =	vst v63  }
0x563: {  	s15 =	simm.s32 $0x19798;
	s16 =	sadd.s32 $0x30, s11;
	s14 =	simm.s32 $0x2200  }
0x564: {  	[hbm4b:s16+s3] =	stream.linear.scatter [tilespmem:s15], [sflag:$0x5], $0x80, $0x38;
	[tilespmem:$0x1DA00] =	vst v63  }
0x565: {  	s17 =	simm.s32 $0x19820;
	s18 =	sadd.s32 $0x40, s11;
	s15 =	simm.s32 $0x198A8  }
0x566: {  	[hbm4b:s18+s3] =	stream.linear.scatter [tilespmem:s17], [sflag:$0x5], $0x80, $0x38;
	[tilespmem:$0x1DA00] =	vst v63  }
0x567: {  	s16 =	sadd.s32 $0x50, s11;
	s17 =	simm.s32 $0x19930;
	s18 =	sadd.s32 $0x60, s11  }
0x568: {  	[hbm4b:s16+s3] =	stream.linear.scatter [tilespmem:s15], [sflag:$0x5], $0x80, $0x38;
	[tilespmem:$0x1DA00] =	vst v63  }
0x569: {  	s15 =	simm.s32 $0x199B8;
	s16 =	sadd.s32 $0x70, s11;
	s11 =	sadd.s32 $0x1000, s11  }
0x56a: {  	[hbm4b:s18+s3] =	stream.linear.scatter [tilespmem:s17], [sflag:$0x5], $0x80, $0x38;
	[tilespmem:$0x1DA00] =	vst v63  }
.LBB2_29:
0x56b: {  	[hbm4b:s16+s3] =	stream.linear.scatter [tilespmem:s15], [sflag:$0x5], $0x80, $0x38;
	[tilespmem:$0x1DA00] =	vst v63  }
0x56c: {  	s15 =	smov.u32 s10;
	s10 =	smov.u32 s14  }
0x56d: {  	s17 =	sadd.s32 $0x1100, s14;
	s10 =	sshra.s32 s10, $0x2;
	s16 =	sadd.s32 $0x19600, s15  }
0x56e: {  	[hbm4b:s11+s3] =	stream.linear.scatter [tilespmem:s16], [sflag:$0x5], $0x80, $0x38;
	[tilespmem:$0x1DA00] =	vst v63  }
0x56f: {  	p1 =	sne.s32 s14, $0x7700;
	s14 =	sadd.s32 $0x19688, s15;
	s16 =	sadd.s32 $0x10, s11  }
0x570: {  	[hbm4b:s16+s3] =	stream.linear.scatter [tilespmem:s14], [sflag:$0x5], $0x80, $0x38;
	[tilespmem:$0x1DA00] =	vst v63  }
0x571: {  	s14 =	sadd.s32 $0x19710, s15;
	s16 =	sadd.s32 $0x20, s11  }
0x572: {  	[hbm4b:s16+s3] =	stream.linear.scatter [tilespmem:s14], [sflag:$0x5], $0x80, $0x38;
	[tilespmem:$0x1DA00] =	vst v63  }
0x573: {  	s14 =	sadd.s32 $0x19798, s15;
	s16 =	sadd.s32 $0x30, s11  }
0x574: {  	[hbm4b:s16+s3] =	stream.linear.scatter [tilespmem:s14], [sflag:$0x5], $0x80, $0x38;
	[tilespmem:$0x1DA00] =	vst v63  }
0x575: {  	s14 =	sadd.s32 $0x19820, s15;
	s16 =	sadd.s32 $0x40, s11  }
0x576: {  	[hbm4b:s16+s3] =	stream.linear.scatter [tilespmem:s14], [sflag:$0x5], $0x80, $0x38;
	[tilespmem:$0x1DA00] =	vst v63  }
.Ltmp15:
0x577: {  	s14 =	sadd.s32 $0x198A8, s15;
	s16 =	sadd.s32 $0x50, s11;
	(pc) =	sbr.rel @p1 .LBB2_29-.Ltmp15, $4  }
0x578: {  	[hbm4b:s16+s3] =	stream.linear.scatter [tilespmem:s14], [sflag:$0x5], $0x80, $0x38;
	[tilespmem:$0x1DA00] =	vst v63  }
0x579: {  	s14 =	sadd.s32 $0x19930, s15;
	s16 =	sadd.s32 $0x60, s11;
	s15 =	sadd.s32 $0x199B8, s15  }
0x57a: {  	[hbm4b:s16+s3] =	stream.linear.scatter [tilespmem:s14], [sflag:$0x5], $0x80, $0x38;
	[tilespmem:$0x1DA00] =	vst v63  }
0x57b: {  	s16 =	sadd.s32 $0x70, s11;
	s11 =	sadd.s32 $0x1000, s11;
	s14 =	smov.u32 s17  }
0x57c: {  	[hbm4b:s16+s3] =	stream.linear.scatter [tilespmem:s15], [sflag:$0x5], $0x80, $0x38;
	[tilespmem:$0x1DA00] =	vst v63  }
0x57d: {  	s14 =	sadd.s32 $0x19600, s10  }
0x57e: {  	[hbm4b:s11+s3] =	stream.linear.scatter [tilespmem:s14], [sflag:$0x5], $0x80, $0x38;
	[tilespmem:$0x1DA00] =	vst v63  }
0x57f: {  	s17 =	sadd.s32 $0x19688, s10;
	s18 =	sadd.s32 $0x10, s11  }
0x580: {  	[hbm4b:s18+s3] =	stream.linear.scatter [tilespmem:s17], [sflag:$0x5], $0x80, $0x38;
	[tilespmem:$0x1DA00] =	vst v63  }
0x581: {  	s15 =	sadd.s32 $0x19710, s10;
	s16 =	sadd.s32 $0x20, s11  }
0x582: {  	[hbm4b:s16+s3] =	stream.linear.scatter [tilespmem:s15], [sflag:$0x5], $0x80, $0x38;
	[tilespmem:$0x1DA00] =	vst v63  }
0x583: {  	s17 =	sadd.s32 $0x19798, s10;
	s18 =	sadd.s32 $0x30, s11  }
0x584: {  	[hbm4b:s18+s3] =	stream.linear.scatter [tilespmem:s17], [sflag:$0x5], $0x80, $0x38;
	[tilespmem:$0x1DA00] =	vst v63  }
0x585: {  	s2 =	sor.u32 $0x7, s2;
	s15 =	sadd.s32 $0x19820, s10;
	s16 =	sadd.s32 $0x40, s11  }
0x586: {  	v32 =	vmov s2;
	[hbm4b:s16+s3] =	stream.linear.scatter [tilespmem:s15], [sflag:$0x5], $0x80, $0x38;
	[tilespmem:$0x1DA00] =	vst v63  }
0x587: {  	v32 =	vshrl.u32 v32, $0x3;
	s17 =	sadd.s32 $0x198A8, s10;
	s18 =	sadd.s32 $0x50, s11  }
0x588: {  	v32 =	vshll.u32 v32, $0x3;
	[hbm4b:s18+s3] =	stream.linear.scatter [tilespmem:s17], [sflag:$0x5], $0x80, $0x38;
	[tilespmem:$0x1DA00] =	vst v63  }
0x589: {  	v33 =	vbroadcast v32, $0x0;
	s16 =	sadd.s32 $0x19930, s10;
	s17 =	sadd.s32 $0x60, s11  }
0x58a: {  	v48 =	vor.u32 $0x7, v0;
	[hbm4b:s17+s3] =	stream.linear.scatter [tilespmem:s16], [sflag:$0x5], $0x80, $0x38;
	[tilespmem:$0x1DA00] =	vst v63  }
0x58b: {  	s14 =	sadd.s32 $0x70, s11;
	v32 =	vadd.s32 v48, v33;
	s18 =	sadd.s32 $0x199B8, s10  }
0x58c: {  	[hbm4b:s14+s3] =	stream.linear.scatter [tilespmem:s18], [sflag:$0x5], $0x80, $0x38;
	[tilespmem:$0x1DA00] =	vst v63  }
0x58d: {  	_ =	swait.ge [sflag:s26], $0x2000  }
0x58e: {  	[sflag:s26] =	ssyncset.done $0x0  }
0x58f: {  	s15 =	simm.s32 $0x0;
	[sflag:s26] =	ssyncadd.s32 $0xFFFFE000  }
0x590: {  	v34 =	vadd.s32 $0xC87, v0;
	s10 =	simm.s32 $0x17600;
	v32 =	vld.idx.msk [tilespmem:v32+s15+$0x0], $0xffff  }
0x591: {  	v35 =	vadd.s32 $0x1907, v0;
	v34 =	vadd.s32 v34, v33;
	v37 =	vmov s15;
	v38 =	vld [tilespmem:s10+$0x0]  }
0x592: {  	v36 =	vadd.s32 $0x2587, v0;
	v35 =	vadd.s32 v35, v33;
	v37 =	vand.u32 $0x7C, v37  }
0x593: {  	v36 =	vadd.s32 v36, v33;
	v39 =	vadd.s32 v1, v37;
	_ =	sdelay $0x2  }
0x594: {  	v33 =	vld.idx.msk [tilespmem:v34+s15+$0x0], $0xffff;
	v38 =	vadd.f32 v38, v32  }
0x595: {  	v34 =	vld.idx.msk [tilespmem:v35+s15+$0x0], $0xffff  }
0x596: {  	v35 =	vld.idx.msk [tilespmem:v36+s15+$0x0], $0xffff;
	[tilespmem:v39+s23+$0x0] =	vst.idx.msk $0xffff, v38  }
0x597: {  	v49 =	vld [tilespmem:s10+$0x10];
	_ =	sdelay $0x1  }
0x598: {  	v50 =	vadd.s32 v5, v37;
	_ =	sdelay $0x2  }
0x599: {  	v36 =	vadd.f32 v49, v33;
	_ =	sdelay $0x1  }
0x59a: {  	[tilespmem:v50+s23+$0x0] =	vst.idx.msk $0xffff, v36  }
0x59b: {  	v36 =	vld [tilespmem:s10+$0x20];
	_ =	sdelay $0x1  }
0x59c: {  	v51 =	vadd.s32 v6, v37;
	_ =	sdelay $0x2  }
0x59d: {  	v36 =	vadd.f32 v36, v34;
	_ =	sdelay $0x1  }
0x59e: {  	[tilespmem:v51+s23+$0x0] =	vst.idx.msk $0xffff, v36  }
0x59f: {  	v36 =	vld [tilespmem:s10+$0x30];
	_ =	sdelay $0x1  }
0x5a0: {  	v37 =	vadd.s32 v7, v37;
	_ =	sdelay $0x2  }
0x5a1: {  	v36 =	vadd.f32 v36, v35;
	_ =	sdelay $0x1  }
0x5a2: {  	s16 =	simm.s32 $0x1;
	[tilespmem:v37+s23+$0x0] =	vst.idx.msk $0xffff, v36  }
0x5a3: {  	v52 =	vmov s16;
	v37 =	vld [tilespmem:s10+$0x40]  }
0x5a4: {  	v36 =	vand.u32 $0x7D, v52  }
0x5a5: {  	v53 =	vadd.s32 v1, v36;
	_ =	sdelay $0x2  }
0x5a6: {  	v37 =	vadd.f32 v37, v32;
	_ =	sdelay $0x1  }
0x5a7: {  	[tilespmem:v53+s23+$0x0] =	vst.idx.msk $0xffff, v37  }
0x5a8: {  	v37 =	vld [tilespmem:s10+$0x50];
	_ =	sdelay $0x1  }
0x5a9: {  	v54 =	vadd.s32 v5, v36;
	_ =	sdelay $0x2  }
0x5aa: {  	v37 =	vadd.f32 v37, v33;
	_ =	sdelay $0x1  }
0x5ab: {  	[tilespmem:v54+s23+$0x0] =	vst.idx.msk $0xffff, v37  }
0x5ac: {  	v37 =	vld [tilespmem:s10+$0x60];
	_ =	sdelay $0x1  }
0x5ad: {  	v55 =	vadd.s32 v6, v36;
	_ =	sdelay $0x2  }
0x5ae: {  	v37 =	vadd.f32 v37, v34;
	_ =	sdelay $0x1  }
0x5af: {  	[tilespmem:v55+s23+$0x0] =	vst.idx.msk $0xffff, v37  }
0x5b0: {  	v37 =	vld [tilespmem:s10+$0x70];
	_ =	sdelay $0x1  }
0x5b1: {  	v36 =	vadd.s32 v7, v36;
	_ =	sdelay $0x2  }
0x5b2: {  	v37 =	vadd.f32 v37, v35;
	_ =	sdelay $0x1  }
0x5b3: {  	s17 =	simm.s32 $0x2;
	[tilespmem:v36+s23+$0x0] =	vst.idx.msk $0xffff, v37  }
0x5b4: {  	v56 =	vmov s17;
	v37 =	vld [tilespmem:s10+$0x80]  }
0x5b5: {  	v36 =	vand.u32 $0x7E, v56  }
0x5b6: {  	v57 =	vadd.s32 v1, v36;
	_ =	sdelay $0x2  }
0x5b7: {  	v37 =	vadd.f32 v37, v32;
	_ =	sdelay $0x1  }
0x5b8: {  	[tilespmem:v57+s23+$0x0] =	vst.idx.msk $0xffff, v37  }
0x5b9: {  	v37 =	vld [tilespmem:s10+$0x90];
	_ =	sdelay $0x1  }
0x5ba: {  	v58 =	vadd.s32 v5, v36;
	_ =	sdelay $0x2  }
0x5bb: {  	v37 =	vadd.f32 v37, v33;
	_ =	sdelay $0x1  }
0x5bc: {  	[tilespmem:v58+s23+$0x0] =	vst.idx.msk $0xffff, v37  }
0x5bd: {  	v37 =	vld [tilespmem:s10+$0xA0];
	_ =	sdelay $0x1  }
0x5be: {  	v59 =	vadd.s32 v6, v36;
	_ =	sdelay $0x2  }
0x5bf: {  	v37 =	vadd.f32 v37, v34;
	_ =	sdelay $0x1  }
0x5c0: {  	[tilespmem:v59+s23+$0x0] =	vst.idx.msk $0xffff, v37  }
0x5c1: {  	v37 =	vld [tilespmem:s10+$0xB0];
	_ =	sdelay $0x1  }
0x5c2: {  	v36 =	vadd.s32 v7, v36;
	_ =	sdelay $0x2  }
0x5c3: {  	v37 =	vadd.f32 v37, v35;
	_ =	sdelay $0x1  }
0x5c4: {  	s18 =	simm.s32 $0x3;
	[tilespmem:v36+s23+$0x0] =	vst.idx.msk $0xffff, v37  }
0x5c5: {  	v60 =	vmov s18;
	v37 =	vld [tilespmem:s10+$0xC0]  }
0x5c6: {  	v36 =	vand.u32 $0x7F, v60  }
0x5c7: {  	v61 =	vadd.s32 v1, v36;
	_ =	sdelay $0x2  }
0x5c8: {  	v37 =	vadd.f32 v37, v32;
	_ =	sdelay $0x1  }
0x5c9: {  	[tilespmem:v61+s23+$0x0] =	vst.idx.msk $0xffff, v37  }
0x5ca: {  	v37 =	vld [tilespmem:s10+$0xD0];
	_ =	sdelay $0x1  }
0x5cb: {  	v62 =	vadd.s32 v5, v36;
	_ =	sdelay $0x2  }
0x5cc: {  	v37 =	vadd.f32 v37, v33;
	_ =	sdelay $0x1  }
0x5cd: {  	[tilespmem:v62+s23+$0x0] =	vst.idx.msk $0xffff, v37  }
0x5ce: {  	v37 =	vld [tilespmem:s10+$0xE0];
	_ =	sdelay $0x1  }
0x5cf: {  	v63 =	vadd.s32 v6, v36;
	_ =	sdelay $0x2  }
0x5d0: {  	v37 =	vadd.f32 v37, v34;
	_ =	sdelay $0x1  }
0x5d1: {  	[tilespmem:v63+s23+$0x0] =	vst.idx.msk $0xffff, v37  }
0x5d2: {  	v37 =	vld [tilespmem:s10+$0xF0];
	_ =	sdelay $0x1  }
0x5d3: {  	v36 =	vadd.s32 v7, v36;
	_ =	sdelay $0x2  }
0x5d4: {  	s11 =	simm.s32 $0x4;
	v37 =	vadd.f32 v37, v35  }
.LBB2_31:
0x5d5: {  	p1 =	slt.u32 s11, $0x7C  }
0x5d6: {  	s10 =	sadd.s32 $0x100, s10;
	s14 =	smov.u32 s11;
	s11 =	sadd.s32 $0x4, s11;
	[tilespmem:v36+s23+$0x0] =	vst.idx.msk $0xffff, v37  }
0x5d7: {  	v36 =	vmov s14;
	v37 =	vld [tilespmem:s10+$0x0]  }
0x5d8: {  	v36 =	vand.u32 $0x7C, v36  }
0x5d9: {  	v38 =	vadd.s32 v1, v36;
	_ =	sdelay $0x2  }
0x5da: {  	v37 =	vadd.f32 v37, v32;
	_ =	sdelay $0x1  }
0x5db: {  	[tilespmem:v38+s23+$0x0] =	vst.idx.msk $0xffff, v37  }
0x5dc: {  	v37 =	vld [tilespmem:s10+$0x10];
	_ =	sdelay $0x1  }
0x5dd: {  	v38 =	vadd.s32 v5, v36;
	_ =	sdelay $0x2  }
0x5de: {  	v37 =	vadd.f32 v37, v33;
	_ =	sdelay $0x1  }
0x5df: {  	[tilespmem:v38+s23+$0x0] =	vst.idx.msk $0xffff, v37  }
0x5e0: {  	v37 =	vld [tilespmem:s10+$0x20];
	_ =	sdelay $0x1  }
0x5e1: {  	v38 =	vadd.s32 v6, v36;
	_ =	sdelay $0x2  }
0x5e2: {  	v37 =	vadd.f32 v37, v34;
	_ =	sdelay $0x1  }
0x5e3: {  	[tilespmem:v38+s23+$0x0] =	vst.idx.msk $0xffff, v37  }
0x5e4: {  	v37 =	vld [tilespmem:s10+$0x30];
	_ =	sdelay $0x1  }
0x5e5: {  	v36 =	vadd.s32 v7, v36;
	_ =	sdelay $0x2  }
0x5e6: {  	v37 =	vadd.f32 v37, v35;
	_ =	sdelay $0x1  }
0x5e7: {  	s15 =	sadd.s32 $0x1, s14;
	[tilespmem:v36+s23+$0x0] =	vst.idx.msk $0xffff, v37  }
0x5e8: {  	v36 =	vmov s15;
	v37 =	vld [tilespmem:s10+$0x40]  }
0x5e9: {  	v36 =	vand.u32 $0x7D, v36  }
0x5ea: {  	v38 =	vadd.s32 v1, v36;
	_ =	sdelay $0x2  }
0x5eb: {  	v37 =	vadd.f32 v37, v32;
	_ =	sdelay $0x1  }
0x5ec: {  	[tilespmem:v38+s23+$0x0] =	vst.idx.msk $0xffff, v37  }
0x5ed: {  	v37 =	vld [tilespmem:s10+$0x50];
	_ =	sdelay $0x1  }
0x5ee: {  	v38 =	vadd.s32 v5, v36;
	_ =	sdelay $0x2  }
0x5ef: {  	v37 =	vadd.f32 v37, v33;
	_ =	sdelay $0x1  }
0x5f0: {  	[tilespmem:v38+s23+$0x0] =	vst.idx.msk $0xffff, v37  }
0x5f1: {  	v37 =	vld [tilespmem:s10+$0x60];
	_ =	sdelay $0x1  }
0x5f2: {  	v38 =	vadd.s32 v6, v36;
	_ =	sdelay $0x2  }
0x5f3: {  	v37 =	vadd.f32 v37, v34;
	_ =	sdelay $0x1  }
0x5f4: {  	[tilespmem:v38+s23+$0x0] =	vst.idx.msk $0xffff, v37  }
0x5f5: {  	v37 =	vld [tilespmem:s10+$0x70];
	_ =	sdelay $0x1  }
0x5f6: {  	v36 =	vadd.s32 v7, v36;
	_ =	sdelay $0x2  }
0x5f7: {  	v37 =	vadd.f32 v37, v35;
	_ =	sdelay $0x1  }
0x5f8: {  	s15 =	sadd.s32 $0x2, s14;
	[tilespmem:v36+s23+$0x0] =	vst.idx.msk $0xffff, v37  }
0x5f9: {  	v36 =	vmov s15;
	v37 =	vld [tilespmem:s10+$0x80]  }
0x5fa: {  	v36 =	vand.u32 $0x7E, v36  }
0x5fb: {  	v38 =	vadd.s32 v1, v36;
	_ =	sdelay $0x2  }
0x5fc: {  	v37 =	vadd.f32 v37, v32;
	_ =	sdelay $0x1  }
0x5fd: {  	[tilespmem:v38+s23+$0x0] =	vst.idx.msk $0xffff, v37  }
0x5fe: {  	v37 =	vld [tilespmem:s10+$0x90];
	_ =	sdelay $0x1  }
0x5ff: {  	v38 =	vadd.s32 v5, v36;
	_ =	sdelay $0x2  }
0x600: {  	v37 =	vadd.f32 v37, v33;
	_ =	sdelay $0x1  }
0x601: {  	[tilespmem:v38+s23+$0x0] =	vst.idx.msk $0xffff, v37  }
0x602: {  	v37 =	vld [tilespmem:s10+$0xA0];
	_ =	sdelay $0x1  }
0x603: {  	v38 =	vadd.s32 v6, v36;
	_ =	sdelay $0x2  }
0x604: {  	v37 =	vadd.f32 v37, v34;
	_ =	sdelay $0x1  }
0x605: {  	[tilespmem:v38+s23+$0x0] =	vst.idx.msk $0xffff, v37  }
0x606: {  	v37 =	vld [tilespmem:s10+$0xB0];
	_ =	sdelay $0x1  }
0x607: {  	v36 =	vadd.s32 v7, v36;
	_ =	sdelay $0x2  }
0x608: {  	v37 =	vadd.f32 v37, v35;
	_ =	sdelay $0x1  }
0x609: {  	s14 =	sadd.s32 $0x3, s14;
	[tilespmem:v36+s23+$0x0] =	vst.idx.msk $0xffff, v37  }
0x60a: {  	v36 =	vmov s14;
	v37 =	vld [tilespmem:s10+$0xC0]  }
0x60b: {  	v36 =	vand.u32 $0x7F, v36  }
0x60c: {  	v38 =	vadd.s32 v1, v36;
	_ =	sdelay $0x2  }
0x60d: {  	v37 =	vadd.f32 v37, v32;
	_ =	sdelay $0x1  }
0x60e: {  	[tilespmem:v38+s23+$0x0] =	vst.idx.msk $0xffff, v37  }
0x60f: {  	v37 =	vld [tilespmem:s10+$0xD0];
	_ =	sdelay $0x1  }
0x610: {  	v38 =	vadd.s32 v5, v36;
	_ =	sdelay $0x2  }
0x611: {  	v37 =	vadd.f32 v37, v33;
	_ =	sdelay $0x1  }
0x612: {  	[tilespmem:v38+s23+$0x0] =	vst.idx.msk $0xffff, v37  }
0x613: {  	v37 =	vld [tilespmem:s10+$0xE0];
	_ =	sdelay $0x1  }
0x614: {  	v38 =	vadd.s32 v6, v36;
	_ =	sdelay $0x2  }
0x615: {  	v37 =	vadd.f32 v37, v34;
	_ =	sdelay $0x1  }
0x616: {  	[tilespmem:v38+s23+$0x0] =	vst.idx.msk $0xffff, v37  }
0x617: {  	v37 =	vld [tilespmem:s10+$0xF0]  }
.Ltmp16:
0x618: {  	(pc) =	sbr.rel @p1 .LBB2_31-.Ltmp16, $2  }
0x619: {  	v36 =	vadd.s32 v7, v36;
	_ =	sdelay $0x2  }
0x61a: {  	v37 =	vadd.f32 v37, v35  }
0x61b: {  	_ = 	snop  }
0x61c: {  	s2 =	sshll.u32 s2, $0x12  }
0x61d: {  	s2 =	sor.u32 s4, s2  }
0x61e: {  	s2 =	sshrl.u32 s2, $0x3  }
0x61f: {  	s11 =	simm.s32 $0x1B800;
	[tilespmem:v36+s23+$0x0] =	vst.idx.msk $0xffff, v37;
	s10 =	sadd.s32 s1, s2  }
0x620: {  	[hbm4b:s10+s3] =	stream.linear.scatter [tilespmem:s11], [sflag:$0x6], $0x80, $0x38;
	[tilespmem:$0x1DA00] =	vst v63  }
0x621: {  	s14 =	simm.s32 $0x1B888;
	s11 =	sadd.s32 $0x10, s10  }
0x622: {  	[hbm4b:s11+s3] =	stream.linear.scatter [tilespmem:s14], [sflag:$0x6], $0x80, $0x38;
	[tilespmem:$0x1DA00] =	vst v63  }
0x623: {  	s15 =	simm.s32 $0x1B910;
	s17 =	simm.s32 $0x1B998;
	s16 =	sadd.s32 $0x20, s10  }
0x624: {  	[hbm4b:s16+s3] =	stream.linear.scatter [tilespmem:s15], [sflag:$0x6], $0x80, $0x38;
	[tilespmem:$0x1DA00] =	vst v63  }
0x625: {  	s2 =	simm.s32 $0x440;
	s18 =	sadd.s32 $0x30, s10;
	s11 =	simm.s32 $0x1BA20  }
0x626: {  	[hbm4b:s18+s3] =	stream.linear.scatter [tilespmem:s17], [sflag:$0x6], $0x80, $0x38;
	[tilespmem:$0x1DA00] =	vst v63  }
0x627: {  	s14 =	sadd.s32 $0x40, s10;
	s15 =	simm.s32 $0x1BAA8;
	s16 =	sadd.s32 $0x50, s10  }
0x628: {  	[hbm4b:s14+s3] =	stream.linear.scatter [tilespmem:s11], [sflag:$0x6], $0x80, $0x38;
	[tilespmem:$0x1DA00] =	vst v63  }
0x629: {  	s17 =	simm.s32 $0x1BB30;
	s18 =	sadd.s32 $0x60, s10;
	s11 =	simm.s32 $0x2200  }
0x62a: {  	[hbm4b:s16+s3] =	stream.linear.scatter [tilespmem:s15], [sflag:$0x6], $0x80, $0x38;
	[tilespmem:$0x1DA00] =	vst v63  }
0x62b: {  	s14 =	simm.s32 $0x1BBB8;
	s15 =	sadd.s32 $0x70, s10;
	s10 =	sadd.s32 $0x1000, s10  }
0x62c: {  	[hbm4b:s18+s3] =	stream.linear.scatter [tilespmem:s17], [sflag:$0x6], $0x80, $0x38;
	[tilespmem:$0x1DA00] =	vst v63  }
.LBB2_33:
0x62d: {  	[hbm4b:s15+s3] =	stream.linear.scatter [tilespmem:s14], [sflag:$0x6], $0x80, $0x38;
	[tilespmem:$0x1DA00] =	vst v63  }
0x62e: {  	s14 =	smov.u32 s2;
	s2 =	smov.u32 s11  }
0x62f: {  	s16 =	sadd.s32 $0x1100, s11;
	s2 =	sshra.s32 s2, $0x2;
	s15 =	sadd.s32 $0x1B800, s14  }
0x630: {  	[hbm4b:s10+s3] =	stream.linear.scatter [tilespmem:s15], [sflag:$0x6], $0x80, $0x38;
	[tilespmem:$0x1DA00] =	vst v63  }
0x631: {  	p1 =	sne.s32 s11, $0x7700;
	s11 =	sadd.s32 $0x1B888, s14;
	s15 =	sadd.s32 $0x10, s10  }
0x632: {  	[hbm4b:s15+s3] =	stream.linear.scatter [tilespmem:s11], [sflag:$0x6], $0x80, $0x38;
	[tilespmem:$0x1DA00] =	vst v63  }
0x633: {  	s11 =	sadd.s32 $0x1B910, s14;
	s15 =	sadd.s32 $0x20, s10  }
0x634: {  	[hbm4b:s15+s3] =	stream.linear.scatter [tilespmem:s11], [sflag:$0x6], $0x80, $0x38;
	[tilespmem:$0x1DA00] =	vst v63  }
0x635: {  	s11 =	sadd.s32 $0x1B998, s14;
	s15 =	sadd.s32 $0x30, s10  }
0x636: {  	[hbm4b:s15+s3] =	stream.linear.scatter [tilespmem:s11], [sflag:$0x6], $0x80, $0x38;
	[tilespmem:$0x1DA00] =	vst v63  }
0x637: {  	s11 =	sadd.s32 $0x1BA20, s14;
	s15 =	sadd.s32 $0x40, s10  }
0x638: {  	[hbm4b:s15+s3] =	stream.linear.scatter [tilespmem:s11], [sflag:$0x6], $0x80, $0x38;
	[tilespmem:$0x1DA00] =	vst v63  }
.Ltmp17:
0x639: {  	s11 =	sadd.s32 $0x1BAA8, s14;
	s15 =	sadd.s32 $0x50, s10;
	(pc) =	sbr.rel @p1 .LBB2_33-.Ltmp17, $4  }
0x63a: {  	[hbm4b:s15+s3] =	stream.linear.scatter [tilespmem:s11], [sflag:$0x6], $0x80, $0x38;
	[tilespmem:$0x1DA00] =	vst v63  }
0x63b: {  	s11 =	sadd.s32 $0x1BB30, s14;
	s15 =	sadd.s32 $0x60, s10;
	s14 =	sadd.s32 $0x1BBB8, s14  }
0x63c: {  	[hbm4b:s15+s3] =	stream.linear.scatter [tilespmem:s11], [sflag:$0x6], $0x80, $0x38;
	[tilespmem:$0x1DA00] =	vst v63  }
0x63d: {  	s15 =	sadd.s32 $0x70, s10;
	s10 =	sadd.s32 $0x1000, s10;
	s11 =	smov.u32 s16  }
0x63e: {  	[hbm4b:s15+s3] =	stream.linear.scatter [tilespmem:s14], [sflag:$0x6], $0x80, $0x38;
	[tilespmem:$0x1DA00] =	vst v63  }
0x63f: {  	s11 =	sadd.s32 $0x1B800, s2  }
0x640: {  	[hbm4b:s10+s3] =	stream.linear.scatter [tilespmem:s11], [sflag:$0x6], $0x80, $0x38;
	[tilespmem:$0x1DA00] =	vst v63  }
0x641: {  	s17 =	sadd.s32 $0x1B888, s2;
	s18 =	sadd.s32 $0x10, s10  }
0x642: {  	[hbm4b:s18+s3] =	stream.linear.scatter [tilespmem:s17], [sflag:$0x6], $0x80, $0x38;
	[tilespmem:$0x1DA00] =	vst v63  }
0x643: {  	s15 =	sadd.s32 $0x1B910, s2;
	s16 =	sadd.s32 $0x20, s10  }
0x644: {  	[hbm4b:s16+s3] =	stream.linear.scatter [tilespmem:s15], [sflag:$0x6], $0x80, $0x38;
	[tilespmem:$0x1DA00] =	vst v63  }
0x645: {  	s17 =	sadd.s32 $0x1B998, s2;
	s18 =	sadd.s32 $0x30, s10  }
0x646: {  	[hbm4b:s18+s3] =	stream.linear.scatter [tilespmem:s17], [sflag:$0x6], $0x80, $0x38;
	[tilespmem:$0x1DA00] =	vst v63  }
0x647: {  	s15 =	sadd.s32 $0x1BA20, s2;
	s16 =	sadd.s32 $0x40, s10  }
0x648: {  	[hbm4b:s16+s3] =	stream.linear.scatter [tilespmem:s15], [sflag:$0x6], $0x80, $0x38;
	[tilespmem:$0x1DA00] =	vst v63  }
0x649: {  	s17 =	sadd.s32 $0x1BAA8, s2;
	s18 =	sadd.s32 $0x50, s10  }
0x64a: {  	[hbm4b:s18+s3] =	stream.linear.scatter [tilespmem:s17], [sflag:$0x6], $0x80, $0x38;
	[tilespmem:$0x1DA00] =	vst v63  }
.Ltmp18:
0x64b: {  	_ = 	snop;
	(pc) =	sbr.rel @p0 .LBB2_36-.Ltmp18, $4  }
0x64c: {  	s15 =	sadd.s32 $0x1BB30, s2;
	s16 =	sadd.s32 $0x60, s10  }
0x64d: {  	[hbm4b:s16+s3] =	stream.linear.scatter [tilespmem:s15], [sflag:$0x6], $0x80, $0x38;
	[tilespmem:$0x1DA00] =	vst v63  }
0x64e: {  	s17 =	sadd.s32 $0x1BBB8, s2;
	s18 =	sadd.s32 $0x70, s10  }
0x64f: {  	[hbm4b:s18+s3] =	stream.linear.scatter [tilespmem:s17], [sflag:$0x6], $0x80, $0x38;
	[tilespmem:$0x1DA00] =	vst v63  }
.Ltmp19:
0x650: {  	(pc) =	sbr.rel .LBB2_2-.Ltmp19, $4  }
0x651: {  	_ = 	snop  }
0x652: {  	s0 =	sshrl.u32 s0, $0x2  }
0x653: {  	s31 =	sadd.s32 $0x1, s31;
	s0 =	sadd.s32 $0x3900, s0  }
0x654: {  	[tilespmem:s20], [sflag:$0x4] =	stream.indirect.gather [hbm4b:s5+s13], $0x40, s0, s13, $0xb8;
	[tilespmem:$0x1DA00] =	vst v63  }
.LBB2_37:
0x655: {  	_ =	sfence.sel $0x180000  }
0x656: {  	[bflag:$0x0] =	sbarrier.arrive $0xFFFF  }
0x657: {  	_ =	strace $0x90000047  }
0x658: {  	s0 =	stileid.u32;
	[bflag:$0x2] =	sbarrier.arrive $0xFFFF  }
0x659: {  	p0 =	sne.s32 s0, $0x0;
	s0 =	rddreg [dreg:$0x3]  }
0x65a: {  	s0 =	sadd.s32 @!p0 $0x100000, s0  }
0x65b: {  	[sflag:s0] =	ssyncadd.tile.s32 @!p0 $0x1;
	_ =	shalt  }
.Lfunc_end2:
_tile_overlayer_lowered:
.L_overlay_start_2:
0x65c: {  	(tag) =	ssettag $0x2  }
0x65d: {  	s0 =	rddreg [dreg:$0x0];
	s2 =	stileid.u32  }
0x65e: {  	s1 =	rddreg [dreg:$0x1];
	p0 =	sne.s32 s2, $0x0  }
0x65f: {  	s3 =	rddreg [dreg:$0x2];
	[bflag:$0x3] =	sbarrier.arrive $0xFFFF;
	s2 =	simm.s32 @!p0 $0x1C07  }
0x660: {  	[timem:s3], [sflag:s2] =	dma.local @!p0 [hbm:s0], s1  }
0x661: {  	s0 =	simm.s32 @!p0 $0x7  }
0x662: {  	_ =	swait.ge @!p0 [sflag:s0], s1  }
0x663: {  	s1 =	ssub.s32 @!p0 $0x0, s1;
	[sflag:s0] =	ssyncset.done @!p0 $0x0  }
0x664: {  	[sflag:s0] =	ssyncadd.s32 @!p0 s1  }
0x665: {  	[bflag:$0x3] =	sbarrier.arrive $0xFFFF  }
0x666: {  	_ =	shalt  }

</sc_bundles>
